<compile_context>
chip_gen: v7x
topology: tpu7x:2x2x1
jax: 0.10.2.dev20260603
libtpu: 0.0.44.dev20260713+nightly
codegen_flags: <defaults>
</compile_context>

<pallas_src>
import functools

import jax
import jax.numpy as jnp
from jax import lax
from jax.experimental import pallas as pl
from jax.experimental.pallas import tpu as pltpu
from jax.experimental.pallas import tpu_sc as plsc

N = 10000
E = 320000
D = 128
C = 47

NC = 2
NS = 16
NW = NC * NS
CH = 128
J = 79
EP = NW * J * CH
NP = 10240
SLAB = NP // NS
BINS = NP // 2

J0 = 105
J1 = 53

assert J * CH * NW >= E and J % 2 == 1
assert (J0 + J1) * NS * CH == EP and J0 % 2 == 1 and J1 % 2 == 1
assert J0 * NS * CH <= E

_SC_PARAMS = None


def _sc_params():
    return pltpu.CompilerParams(needs_layout_passes=False)


@functools.lru_cache(maxsize=None)
def _make_sc_agg():
    mesh = plsc.VectorSubcoreMesh(core_axis_name="c", subcore_axis_name="s")

    def body(table, src1d, dst_a, dst_b, psums, dst_v, srcdb, rows_v,
             sem0, sem1, semi0, semi1, acc_sh):
        c = lax.axis_index("c")
        s = lax.axis_index("s")

        rows0 = rows_v.at[0]
        rows1 = rows_v.at[1]
        src0 = srcdb.at[pl.ds(0, CH)]
        src1 = srcdb.at[pl.ds(CH, CH)]

        z16 = jnp.zeros((16,), jnp.float32)

        def zrow(r, carry):
            for k2 in range(D // 16):
                rows_v[0, r, pl.ds(k2 * 16, 16)] = z16
            return carry

        lax.fori_loop(0, CH, zrow, 0)
        r0 = s * SLAB
        for zb in range(SLAB // CH):
            pltpu.sync_copy(rows0, acc_sh.at[pl.ds(r0 + zb * CH, CH)])

        def run_stream(jn, base_e):
            def idx_fetch(j, buf, sem):
                jc = jnp.minimum(j, jn - 1)
                return pltpu.make_async_copy(
                    src1d.at[pl.ds(base_e + jc * CH, CH)], buf, sem)

            def gather(buf_idx, buf, sem):
                return pltpu.make_async_copy(table.at[buf_idx], buf, sem)

            idx_fetch(0, src0, semi0).start()
            idx_fetch(0, src0, semi0).wait()
            gather(src0, rows0, sem0).start()
            idx_fetch(1, src1, semi1).start()

            def step2(i, carry):
                j0 = 2 * i
                idx_fetch(j0 + 1, src1, semi1).wait()
                gather(src1, rows1, sem1).start()
                gather(src0, rows0, sem0).wait()
                idx_fetch(j0 + 2, src0, semi0).start()
                pltpu.sync_copy(rows0, acc_sh.at[dst_v.at[j0]], add=True)
                idx_fetch(j0 + 2, src0, semi0).wait()
                gather(src0, rows0, sem0).start()
                gather(src1, rows1, sem1).wait()
                idx_fetch(j0 + 3, src1, semi1).start()
                pltpu.sync_copy(rows1, acc_sh.at[dst_v.at[j0 + 1]],
                                add=True)
                return carry

            lax.fori_loop(0, (jn - 1) // 2, step2, 0)
            gather(src0, rows0, sem0).wait()
            idx_fetch(jn - 1, src1, semi1).wait()
            pltpu.sync_copy(rows0, acc_sh.at[dst_v.at[jn - 1]], add=True)

        @pl.when(c == 0)
        def _():
            pltpu.sync_copy(dst_a.at[s], dst_v.at[pl.ds(0, J0)])

        @pl.when(c == 1)
        def _():
            pltpu.sync_copy(dst_b.at[s], dst_v.at[pl.ds(0, J1)])

        plsc.subcore_barrier()

        def run_gather_only(jn, base_e):
            def idx_fetch(j, buf, sem):
                jc = jnp.minimum(j, jn - 1)
                return pltpu.make_async_copy(
                    src1d.at[pl.ds(base_e + jc * CH, CH)], buf, sem)

            def gather(buf_idx, buf, sem):
                return pltpu.make_async_copy(table.at[buf_idx], buf, sem)

            idx_fetch(0, src0, semi0).start()
            idx_fetch(0, src0, semi0).wait()

            def step1(j, carry):
                gather(src0, rows0, sem0).start()
                gather(src0, rows0, sem0).wait()
                return carry

            lax.fori_loop(0, jn, step1, 0)

        @pl.when(c == 0)
        def _():
            run_stream(J0, s * (J0 * CH))

        @pl.when(c == 1)
        def _():
            run_gather_only(J1, NS * J0 * CH + s * (J1 * CH))

        plsc.subcore_barrier()

        @pl.when(c == 0)
        def _():
            pltpu.sync_copy(acc_sh.at[pl.ds(r0, SLAB)],
                            psums.at[c].at[pl.ds(r0, SLAB)])

    return pl.kernel(
        body,
        out_type=(jax.ShapeDtypeStruct((NC, NP, D), jnp.float32),),
        mesh=mesh,
        scratch_types=(
            pltpu.VMEM((J0, CH), jnp.int32),
            pltpu.VMEM((2 * CH,), jnp.int32),
            pltpu.VMEM((2, CH, D), jnp.float32),
            pltpu.SemaphoreType.DMA,
            pltpu.SemaphoreType.DMA,
            pltpu.SemaphoreType.DMA,
            pltpu.SemaphoreType.DMA,
            pltpu.VMEM_SHARED((NP, D), jnp.float32),
        ),
        compiler_params=_sc_params())


@functools.lru_cache(maxsize=None)
def _make_sc_cnt():
    mesh = plsc.VectorSubcoreMesh(core_axis_name="c", subcore_axis_name="s")

    def body(dst3, pcnt, dst_v, hist, cntbuf, slab_v, sem, hist_sh):
        c = lax.axis_index("c")
        s = lax.axis_index("s")
        wid = s * NC + c

        pltpu.sync_copy(dst3.at[wid], dst_v)
        lane = lax.iota(jnp.int32, 16)
        ones16 = jnp.ones((16,), jnp.float32)
        zeros16 = jnp.zeros((16,), jnp.float32)

        for p in range(NP // BINS):
            base = p * BINS

            def zero_row(i, carry):
                hist[carry, pl.ds(i * 16, 16)] = zeros16
                return carry

            for l in range(16):
                lax.fori_loop(0, BINS // 16, zero_row, l)

            def feed(j, carry):
                for k in range(CH // 16):
                    idx = dst_v[j, pl.ds(k * 16, 16)]
                    rel = idx - base
                    m = jnp.logical_and(rel >= 0, rel < BINS)
                    relc = jnp.minimum(jnp.maximum(rel, 0), BINS - 1)
                    plsc.addupdate_scatter(hist, [lane, relc], ones16,
                                           mask=m)
                return carry

            lax.fori_loop(0, J, feed, 0)

            def reduce_cols(ci, carry):
                sl = pl.ds(ci * 16, 16)
                v = hist[0, sl]
                for l in range(1, 16):
                    v = v + hist[l, sl]
                cntbuf[sl] = v
                return carry

            lax.fori_loop(0, BINS // 16, reduce_cols, 0)
            pltpu.sync_copy(cntbuf, hist_sh.at[s].at[0].at[pl.ds(base, BINS)])

        plsc.subcore_barrier()
        r0 = s * SLAB
        pltpu.sync_copy(hist_sh.at[:, 0, pl.ds(r0, SLAB)], slab_v)

        def reduce_slab(ci, carry):
            sl = pl.ds(ci * 16, 16)
            v = slab_v[0, sl]
            for l in range(1, 16):
                v = v + slab_v[l, sl]
            cntbuf[sl] = v
            return carry

        lax.fori_loop(0, SLAB // 16, reduce_slab, 0)
        pltpu.sync_copy(cntbuf.at[pl.ds(0, SLAB)],
                        pcnt.at[c].at[0].at[pl.ds(r0, SLAB)])

    return pl.kernel(
        body,
        out_type=(jax.ShapeDtypeStruct((NC, 1, NP), jnp.float32),),
        mesh=mesh,
        scratch_types=(
            pltpu.VMEM((J, CH), jnp.int32),
            pltpu.VMEM((16, BINS), jnp.float32),
            pltpu.VMEM((BINS,), jnp.float32),
            pltpu.VMEM((16, SLAB), jnp.float32),
            pltpu.SemaphoreType.DMA,
            pltpu.VMEM_SHARED((16, 1, NP), jnp.float32),
        ),
        compiler_params=_sc_params())


def _dense0_body(ps, pc, x, wl, bl, wr, g, b, o, ocnt):
    sums = ps[0, :N, :] + ps[1, :N, :]
    cnt = pc[0, :N, :] + pc[1, :N, :]
    ocnt[:] = cnt
    agg = sums * (1.0 / jnp.maximum(cnt, 1.0))
    h = jax.lax.dot(agg, wl[:], preferred_element_type=jnp.float32)
    h = h + bl[:]
    h = h + jax.lax.dot(x[:], wr[:], preferred_element_type=jnp.float32)
    norm = jnp.sqrt(jnp.sum(h * h, axis=1, keepdims=True))
    h = h / jnp.maximum(norm, 1e-12)
    mu = jnp.mean(h, axis=0, keepdims=True)
    var = jnp.mean((h - mu) * (h - mu), axis=0, keepdims=True)
    h = g[:] * (h - mu) / jnp.sqrt(var + 1e-5) + b[:]
    o[:] = jnp.maximum(h, 0.0)


def _dense1_body(ps, cnt_ref, x, wl, bl, wr, g, b, wfc, bfc, o):
    sums = ps[0, :N, :] + ps[1, :N, :]
    cnt = cnt_ref[:]
    agg = sums * (1.0 / jnp.maximum(cnt, 1.0))
    h = jax.lax.dot(agg, wl[:], preferred_element_type=jnp.float32)
    h = h + bl[:]
    h = h + jax.lax.dot(x[:], wr[:], preferred_element_type=jnp.float32)
    norm = jnp.sqrt(jnp.sum(h * h, axis=1, keepdims=True))
    h = h / jnp.maximum(norm, 1e-12)
    mu = jnp.mean(h, axis=0, keepdims=True)
    var = jnp.mean((h - mu) * (h - mu), axis=0, keepdims=True)
    h = g[:] * (h - mu) / jnp.sqrt(var + 1e-5) + b[:]
    h = jnp.maximum(h, 0.0)
    h = jax.lax.dot(h, wfc[:], preferred_element_type=jnp.float32)
    o[:] = h + bfc[:]


_dense0 = pl.pallas_call(
    _dense0_body,
    out_shape=(jax.ShapeDtypeStruct((N, D), jnp.float32),
               jax.ShapeDtypeStruct((N, 1), jnp.float32)),
)

_dense1 = pl.pallas_call(
    _dense1_body,
    out_shape=jax.ShapeDtypeStruct((N, D), jnp.float32),
)


def kernel(x, edge_index, W_l0, b_l0, W_r0, gamma0, beta0,
           W_l1, b_l1, W_r1, gamma1, beta1, W_fc, b_fc):
    dst = edge_index[0].astype(jnp.int32)
    src = edge_index[1].astype(jnp.int32)
    src1d = jnp.concatenate([src, jnp.zeros((EP - E,), jnp.int32)])
    dstp = jnp.concatenate([dst, jnp.full((EP - E,), N, jnp.int32)])
    dst3 = dstp.reshape(NW, J, CH)
    dst_a = dstp[:NS * J0 * CH].reshape(NS, J0, CH)
    dst_b = dstp[NS * J0 * CH:].reshape(NS, J1, CH)

    (ps0,) = _make_sc_agg()(x, src1d, dst_a, dst_b)
    (pc3,) = _make_sc_cnt()(dst3)
    h0, cnt_col = _dense0(ps0, pc3[:, 0, :, None], x, W_l0, b_l0.reshape(1, D),
                          W_r0, gamma0.reshape(1, D), beta0.reshape(1, D))
    (ps1,) = _make_sc_agg()(h0, src1d, dst_a, dst_b)
    wfc_p = jnp.pad(W_fc, ((0, 0), (0, D - C)))
    bfc_p = jnp.pad(b_fc, (0, D - C)).reshape(1, D)
    out_p = _dense1(ps1, cnt_col, h0, W_l1, b_l1.reshape(1, D), W_r1,
                    gamma1.reshape(1, D), beta1.reshape(1, D),
                    wfc_p, bfc_p)
    return out_p[:, :C]

# --- scband reference (transcript-rebuilt; emitter-appended) ---
"""Pipeline reference for scband-homo-gnnmodel-58342835749309 (READ-ONLY COPY).

The authoritative reference and input builder live on the scoring server;
editing this copy changes nothing except your own understanding.
"""

import jax, jax.numpy as jnp
import numpy as np

N = 10000
E = 320000
D = 128
H = 128
C = 47

def setup_inputs(seed: int = 0) -> dict:
    key = jax.random.key(seed)
    ks = jax.random.split(key, 16)
    x = jax.random.normal(ks[0], (N, D), dtype=jnp.float32)
    edge_index = jax.random.randint(ks[1], (2, E), 0, N)
    s = 0.05
    inp = {
        'x': x,
        'edge_index': edge_index,
        'W_l0': jax.random.normal(ks[2], (D, H), dtype=jnp.float32) * s,
        'b_l0': jnp.zeros((H,), dtype=jnp.float32),
        'W_r0': jax.random.normal(ks[3], (D, H), dtype=jnp.float32) * s,
        'gamma0': jnp.ones((H,), dtype=jnp.float32),
        'beta0': jnp.zeros((H,), dtype=jnp.float32),
        'W_l1': jax.random.normal(ks[4], (H, H), dtype=jnp.float32) * s,
        'b_l1': jnp.zeros((H,), dtype=jnp.float32),
        'W_r1': jax.random.normal(ks[5], (H, H), dtype=jnp.float32) * s,
        'gamma1': jnp.ones((H,), dtype=jnp.float32),
        'beta1': jnp.zeros((H,), dtype=jnp.float32),
        'W_fc': jax.random.normal(ks[6], (H, C), dtype=jnp.float32) * s,
        'b_fc': jnp.zeros((C,), dtype=jnp.float32),
    }
    return inp

def _sage_layer(x, src, dst, Wl, bl, Wr, gamma, beta):
    # SAGEConv with mean aggregation + normalize=True, followed by BatchNorm1d (batch stats) + ReLU
    msgs = x[src]
    sums = jnp.zeros((x.shape[0], x.shape[1]), dtype=x.dtype).at[dst].add(msgs)
    cnt = jnp.zeros((x.shape[0],), dtype=x.dtype).at[dst].add(1.0)
    agg = sums / jnp.clip(cnt, 1.0)[:, None]
    h = agg @ Wl + bl + x @ Wr
    norm = jnp.sqrt(jnp.sum(h * h, axis=-1, keepdims=True))
    h = h / jnp.clip(norm, 1e-12)
    mu = jnp.mean(h, axis=0)
    var = jnp.var(h, axis=0)
    h = gamma * (h - mu) / jnp.sqrt(var + 1e-5) + beta
    return jax.nn.relu(h)

def reference(x, edge_index, W_l0, b_l0, W_r0, gamma0, beta0, W_l1, b_l1, W_r1, gamma1, beta1, W_fc, b_fc):
    # original builds edge_index = [dst_unique_ids; src_lids]
    dst = edge_index[0]
    src = edge_index[1]
    h = _sage_layer(x, src, dst, W_l0, b_l0, W_r0, gamma0, beta0)
    h = _sage_layer(h, src, dst, W_l1, b_l1, W_r1, gamma1, beta1)
    out = h @ W_fc + b_fc
    return out

if __name__ == "__main__":
    import jax
    _d = setup_inputs()
    print(jax.jit(kernel)(*tuple(_d.values())))

</pallas_src>

<mosaic_0001>
#map = affine_map<(d0, d1) -> (0, 0)>
#map1 = affine_map<(d0, d1) -> (0)>
#map2 = affine_map<(d0, d1) -> (0, 0, 0)>
module attributes {stable_mosaic.version = 14 : i64} {
  func.func @body(%arg0: i32, %arg1: i32, %arg2: memref<10000x128xf32, #tpu.memory_space<hbm>>, %arg3: memref<323584xi32, #tpu.memory_space<hbm>>, %arg4: memref<16x105x128xi32, #tpu.memory_space<hbm>>, %arg5: memref<16x53x128xi32, #tpu.memory_space<hbm>>, %arg6: memref<2x10240x128xf32, #tpu.memory_space<hbm>>, %arg7: memref<105x128xi32, #tpu.memory_space<vmem>>, %arg8: memref<256xi32, #tpu.memory_space<vmem>>, %arg9: memref<2x128x128xf32, #tpu.memory_space<vmem>>, %arg10: memref<!tpu.dma_semaphore, #tpu.memory_space<semaphore_mem>>, %arg11: memref<!tpu.dma_semaphore, #tpu.memory_space<semaphore_mem>>, %arg12: memref<!tpu.dma_semaphore, #tpu.memory_space<semaphore_mem>>, %arg13: memref<!tpu.dma_semaphore, #tpu.memory_space<semaphore_mem>>, %arg14: memref<10240x128xf32, #tpu.memory_space<vmem_shared>>) attributes {dimension_semantics = [#tpu.dimension_semantics<core_parallel>, #tpu.dimension_semantics<subcore_parallel>], iteration_bounds = array<i64: 2, 16>, scalar_prefetch = 0 : i64, scratch_operands = 8 : i64, tpu.core_type = #tpu.core_type<sc_vector_subcore>, window_params = [{transform_indices = #map}, {transform_indices = #map1}, {transform_indices = #map2}, {transform_indices = #map2}, {transform_indices = #map2}]} {
    %broadcast_in_dim3A = arith.constant 0.000000e+00 : f32
    %broadcast_in_dim3A_0 = vector.broadcast %broadcast_in_dim3A : f32 to vector<16xf32>
    %scan3A = arith.constant 0 : i32
    %scan3A_1 = arith.constant 0 : i32
    %scan3A_2 = arith.constant 128 : i32
    %scan3A_3 = arith.addi %scan3A_1, %scan3A_2 : i32
    %scan3A_4 = arith.constant 1 : i32
    scf.for %scan3A_46 = %scan3A_1 to %scan3A_3 step %scan3A_4  : i32 {
      %swap3A = arith.constant 0 : i32
      %swap3A_47 = arith.index_cast %swap3A : i32 to index
      %swap3A_48 = arith.index_cast %scan3A_46 : i32 to index
      %swap3A_49 = arith.constant 0 : index
      %swap3A_50 = tpu.vector_load %arg9[%swap3A_47, %swap3A_48, %swap3A_49] {strides = array<i32>} : memref<2x128x128xf32, #tpu.memory_space<vmem>>, vector<16xf32>,
      tpu.vector_store %arg9[%swap3A_47, %swap3A_48, %swap3A_49], %broadcast_in_dim3A_0 {strides = array<i32>} : memref<2x128x128xf32, #tpu.memory_space<vmem>>, vector<16xf32>,
      %swap3A_51 = arith.constant 0 : i32
      %swap3A_52 = arith.index_cast %swap3A_51 : i32 to index
      %swap3A_53 = arith.index_cast %scan3A_46 : i32 to index
      %swap3A_54 = arith.constant 16 : index
      %swap3A_55 = tpu.vector_load %arg9[%swap3A_52, %swap3A_53, %swap3A_54] {strides = array<i32>} : memref<2x128x128xf32, #tpu.memory_space<vmem>>, vector<16xf32>,
      tpu.vector_store %arg9[%swap3A_52, %swap3A_53, %swap3A_54], %broadcast_in_dim3A_0 {strides = array<i32>} : memref<2x128x128xf32, #tpu.memory_space<vmem>>, vector<16xf32>,
      %swap3A_56 = arith.constant 0 : i32
      %swap3A_57 = arith.index_cast %swap3A_56 : i32 to index
      %swap3A_58 = arith.index_cast %scan3A_46 : i32 to index
      %swap3A_59 = arith.constant 32 : index
      %swap3A_60 = tpu.vector_load %arg9[%swap3A_57, %swap3A_58, %swap3A_59] {strides = array<i32>} : memref<2x128x128xf32, #tpu.memory_space<vmem>>, vector<16xf32>,
      tpu.vector_store %arg9[%swap3A_57, %swap3A_58, %swap3A_59], %broadcast_in_dim3A_0 {strides = array<i32>} : memref<2x128x128xf32, #tpu.memory_space<vmem>>, vector<16xf32>,
      %swap3A_61 = arith.constant 0 : i32
      %swap3A_62 = arith.index_cast %swap3A_61 : i32 to index
      %swap3A_63 = arith.index_cast %scan3A_46 : i32 to index
      %swap3A_64 = arith.constant 48 : index
      %swap3A_65 = tpu.vector_load %arg9[%swap3A_62, %swap3A_63, %swap3A_64] {strides = array<i32>} : memref<2x128x128xf32, #tpu.memory_space<vmem>>, vector<16xf32>,
      tpu.vector_store %arg9[%swap3A_62, %swap3A_63, %swap3A_64], %broadcast_in_dim3A_0 {strides = array<i32>} : memref<2x128x128xf32, #tpu.memory_space<vmem>>, vector<16xf32>,
      %swap3A_66 = arith.constant 0 : i32
      %swap3A_67 = arith.index_cast %swap3A_66 : i32 to index
      %swap3A_68 = arith.index_cast %scan3A_46 : i32 to index
      %swap3A_69 = arith.constant 64 : index
      %swap3A_70 = tpu.vector_load %arg9[%swap3A_67, %swap3A_68, %swap3A_69] {strides = array<i32>} : memref<2x128x128xf32, #tpu.memory_space<vmem>>, vector<16xf32>,
      tpu.vector_store %arg9[%swap3A_67, %swap3A_68, %swap3A_69], %broadcast_in_dim3A_0 {strides = array<i32>} : memref<2x128x128xf32, #tpu.memory_space<vmem>>, vector<16xf32>,
      %swap3A_71 = arith.constant 0 : i32
      %swap3A_72 = arith.index_cast %swap3A_71 : i32 to index
      %swap3A_73 = arith.index_cast %scan3A_46 : i32 to index
      %swap3A_74 = arith.constant 80 : index
      %swap3A_75 = tpu.vector_load %arg9[%swap3A_72, %swap3A_73, %swap3A_74] {strides = array<i32>} : memref<2x128x128xf32, #tpu.memory_space<vmem>>, vector<16xf32>,
      tpu.vector_store %arg9[%swap3A_72, %swap3A_73, %swap3A_74], %broadcast_in_dim3A_0 {strides = array<i32>} : memref<2x128x128xf32, #tpu.memory_space<vmem>>, vector<16xf32>,
      %swap3A_76 = arith.constant 0 : i32
      %swap3A_77 = arith.index_cast %swap3A_76 : i32 to index
      %swap3A_78 = arith.index_cast %scan3A_46 : i32 to index
      %swap3A_79 = arith.constant 96 : index
      %swap3A_80 = tpu.vector_load %arg9[%swap3A_77, %swap3A_78, %swap3A_79] {strides = array<i32>} : memref<2x128x128xf32, #tpu.memory_space<vmem>>, vector<16xf32>,
      tpu.vector_store %arg9[%swap3A_77, %swap3A_78, %swap3A_79], %broadcast_in_dim3A_0 {strides = array<i32>} : memref<2x128x128xf32, #tpu.memory_space<vmem>>, vector<16xf32>,
      %swap3A_81 = arith.constant 0 : i32
      %swap3A_82 = arith.index_cast %swap3A_81 : i32 to index
      %swap3A_83 = arith.index_cast %scan3A_46 : i32 to index
      %swap3A_84 = arith.constant 112 : index
      %swap3A_85 = tpu.vector_load %arg9[%swap3A_82, %swap3A_83, %swap3A_84] {strides = array<i32>} : memref<2x128x128xf32, #tpu.memory_space<vmem>>, vector<16xf32>,
      tpu.vector_store %arg9[%swap3A_82, %swap3A_83, %swap3A_84], %broadcast_in_dim3A_0 {strides = array<i32>} : memref<2x128x128xf32, #tpu.memory_space<vmem>>, vector<16xf32>,
    }
    %scan3A_5 = arith.constant 128 : i32
    %mul3A = arith.constant 640 : i32
    %mul3A_6 = arith.muli %arg1, %mul3A : i32
    %add3A = arith.constant 0 : i32
    %add3A_7 = arith.addi %mul3A_6, %add3A : i32
    %run_scoped3A = arith.constant 0 : i32
    "tpu.region"() ({
      %run_scoped3A_46 = tpu.sem_alloc : memref<!tpu.dma_semaphore, #tpu.memory_space<semaphore_mem>>
      %dma_start3A = arith.constant 0 : i32
      %dma_start3A_47 = arith.constant 0 : i32
      %dma_start3A_48 = tpu.memref_slice %arg9[%run_scoped3A, %dma_start3A, %dma_start3A_47] : memref<2x128x128xf32, #tpu.memory_space<vmem>> -> memref<1x128x128xf32, #tpu.memory_space<vmem>>
      %dma_start3A_49 = tpu.memref_squeeze %dma_start3A_48 : memref<1x128x128xf32, #tpu.memory_space<vmem>> -> memref<128x128xf32, #tpu.memory_space<vmem>>
      %dma_start3A_50 = arith.constant 0 : i32
      %dma_start3A_51 = tpu.memref_slice %arg14[%add3A_7, %dma_start3A_50] : memref<10240x128xf32, #tpu.memory_space<vmem_shared>> -> memref<128x128xf32, #tpu.memory_space<vmem_shared>>
      %dma_start3A_52 = arith.constant 0 : i32
      %dma_start3A_53 = tpu.memref_slice %arg14[%add3A_7, %dma_start3A_52] : memref<10240x128xf32, #tpu.memory_space<vmem_shared>> -> memref<128x128xf32, #tpu.memory_space<vmem_shared>>
      %dma_start3A_54 = arith.constant 0 : i32
      %dma_start3A_55 = arith.constant 0 : i32
      %dma_start3A_56 = tpu.memref_slice %arg9[%run_scoped3A, %dma_start3A_54, %dma_start3A_55] : memref<2x128x128xf32, #tpu.memory_space<vmem>> -> memref<1x128x128xf32, #tpu.memory_space<vmem>>
      %dma_start3A_57 = tpu.memref_squeeze %dma_start3A_56 : memref<1x128x128xf32, #tpu.memory_space<vmem>> -> memref<128x128xf32, #tpu.memory_space<vmem>>
      tpu.enqueue_dma source(%dma_start3A_57 : memref<128x128xf32, #tpu.memory_space<vmem>>) target(%dma_start3A_53 : memref<128x128xf32, #tpu.memory_space<vmem_shared>>) target_semaphore(%run_scoped3A_46 : memref<!tpu.dma_semaphore, #tpu.memory_space<semaphore_mem>>)
      %dma_wait3A = arith.constant 0 : i32
      %dma_wait3A_58 = arith.constant 0 : i32
      %dma_wait3A_59 = tpu.memref_slice %arg9[%run_scoped3A, %dma_wait3A, %dma_wait3A_58] : memref<2x128x128xf32, #tpu.memory_space<vmem>> -> memref<1x128x128xf32, #tpu.memory_space<vmem>>
      %dma_wait3A_60 = tpu.memref_squeeze %dma_wait3A_59 : memref<1x128x128xf32, #tpu.memory_space<vmem>> -> memref<128x128xf32, #tpu.memory_space<vmem>>
      %dma_wait3A_61 = arith.constant 0 : i32
      %dma_wait3A_62 = tpu.memref_slice %arg14[%add3A_7, %dma_wait3A_61] : memref<10240x128xf32, #tpu.memory_space<vmem_shared>> -> memref<128x128xf32, #tpu.memory_space<vmem_shared>>
      %dma_wait3A_63 = arith.constant 0 : i32
      %dma_wait3A_64 = tpu.memref_slice %arg14[%add3A_7, %dma_wait3A_63] : memref<10240x128xf32, #tpu.memory_space<vmem_shared>> -> memref<128x128xf32, #tpu.memory_space<vmem_shared>>
      %dma_wait3A_65 = arith.constant 0 : i32
      %dma_wait3A_66 = arith.constant 0 : i32
      %dma_wait3A_67 = tpu.memref_slice %arg9[%run_scoped3A, %dma_wait3A_65, %dma_wait3A_66] : memref<2x128x128xf32, #tpu.memory_space<vmem>> -> memref<1x128x128xf32, #tpu.memory_space<vmem>>
      %dma_wait3A_68 = tpu.memref_squeeze %dma_wait3A_67 : memref<1x128x128xf32, #tpu.memory_space<vmem>> -> memref<128x128xf32, #tpu.memory_space<vmem>>
      tpu.wait_dma2 semaphore(%run_scoped3A_46 : memref<!tpu.dma_semaphore, #tpu.memory_space<semaphore_mem>>) src(%dma_wait3A_68 : memref<128x128xf32, #tpu.memory_space<vmem>>) dst(%dma_wait3A_64 : memref<128x128xf32, #tpu.memory_space<vmem_shared>>)
      tpu.yield
    }) : () -> ()
    %add3A_8 = arith.constant 128 : i32
    %add3A_9 = arith.addi %mul3A_6, %add3A_8 : i32
    %run_scoped3A_10 = arith.constant 0 : i32
    "tpu.region"() ({
      %run_scoped3A_46 = tpu.sem_alloc : memref<!tpu.dma_semaphore, #tpu.memory_space<semaphore_mem>>
      %dma_start3A = arith.constant 0 : i32
      %dma_start3A_47 = arith.constant 0 : i32
      %dma_start3A_48 = tpu.memref_slice %arg9[%run_scoped3A_10, %dma_start3A, %dma_start3A_47] : memref<2x128x128xf32, #tpu.memory_space<vmem>> -> memref<1x128x128xf32, #tpu.memory_space<vmem>>
      %dma_start3A_49 = tpu.memref_squeeze %dma_start3A_48 : memref<1x128x128xf32, #tpu.memory_space<vmem>> -> memref<128x128xf32, #tpu.memory_space<vmem>>
      %dma_start3A_50 = arith.constant 0 : i32
      %dma_start3A_51 = tpu.memref_slice %arg14[%add3A_9, %dma_start3A_50] : memref<10240x128xf32, #tpu.memory_space<vmem_shared>> -> memref<128x128xf32, #tpu.memory_space<vmem_shared>>
      %dma_start3A_52 = arith.constant 0 : i32
      %dma_start3A_53 = tpu.memref_slice %arg14[%add3A_9, %dma_start3A_52] : memref<10240x128xf32, #tpu.memory_space<vmem_shared>> -> memref<128x128xf32, #tpu.memory_space<vmem_shared>>
      %dma_start3A_54 = arith.constant 0 : i32
      %dma_start3A_55 = arith.constant 0 : i32
      %dma_start3A_56 = tpu.memref_slice %arg9[%run_scoped3A_10, %dma_start3A_54, %dma_start3A_55] : memref<2x128x128xf32, #tpu.memory_space<vmem>> -> memref<1x128x128xf32, #tpu.memory_space<vmem>>
      %dma_start3A_57 = tpu.memref_squeeze %dma_start3A_56 : memref<1x128x128xf32, #tpu.memory_space<vmem>> -> memref<128x128xf32, #tpu.memory_space<vmem>>
      tpu.enqueue_dma source(%dma_start3A_57 : memref<128x128xf32, #tpu.memory_space<vmem>>) target(%dma_start3A_53 : memref<128x128xf32, #tpu.memory_space<vmem_shared>>) target_semaphore(%run_scoped3A_46 : memref<!tpu.dma_semaphore, #tpu.memory_space<semaphore_mem>>)
      %dma_wait3A = arith.constant 0 : i32
      %dma_wait3A_58 = arith.constant 0 : i32
      %dma_wait3A_59 = tpu.memref_slice %arg9[%run_scoped3A_10, %dma_wait3A, %dma_wait3A_58] : memref<2x128x128xf32, #tpu.memory_space<vmem>> -> memref<1x128x128xf32, #tpu.memory_space<vmem>>
      %dma_wait3A_60 = tpu.memref_squeeze %dma_wait3A_59 : memref<1x128x128xf32, #tpu.memory_space<vmem>> -> memref<128x128xf32, #tpu.memory_space<vmem>>
      %dma_wait3A_61 = arith.constant 0 : i32
      %dma_wait3A_62 = tpu.memref_slice %arg14[%add3A_9, %dma_wait3A_61] : memref<10240x128xf32, #tpu.memory_space<vmem_shared>> -> memref<128x128xf32, #tpu.memory_space<vmem_shared>>
      %dma_wait3A_63 = arith.constant 0 : i32
      %dma_wait3A_64 = tpu.memref_slice %arg14[%add3A_9, %dma_wait3A_63] : memref<10240x128xf32, #tpu.memory_space<vmem_shared>> -> memref<128x128xf32, #tpu.memory_space<vmem_shared>>
      %dma_wait3A_65 = arith.constant 0 : i32
      %dma_wait3A_66 = arith.constant 0 : i32
      %dma_wait3A_67 = tpu.memref_slice %arg9[%run_scoped3A_10, %dma_wait3A_65, %dma_wait3A_66] : memref<2x128x128xf32, #tpu.memory_space<vmem>> -> memref<1x128x128xf32, #tpu.memory_space<vmem>>
      %dma_wait3A_68 = tpu.memref_squeeze %dma_wait3A_67 : memref<1x128x128xf32, #tpu.memory_space<vmem>> -> memref<128x128xf32, #tpu.memory_space<vmem>>
      tpu.wait_dma2 semaphore(%run_scoped3A_46 : memref<!tpu.dma_semaphore, #tpu.memory_space<semaphore_mem>>) src(%dma_wait3A_68 : memref<128x128xf32, #tpu.memory_space<vmem>>) dst(%dma_wait3A_64 : memref<128x128xf32, #tpu.memory_space<vmem_shared>>)
      tpu.yield
    }) : () -> ()
    %add3A_11 = arith.constant 256 : i32
    %add3A_12 = arith.addi %mul3A_6, %add3A_11 : i32
    %run_scoped3A_13 = arith.constant 0 : i32
    "tpu.region"() ({
      %run_scoped3A_46 = tpu.sem_alloc : memref<!tpu.dma_semaphore, #tpu.memory_space<semaphore_mem>>
      %dma_start3A = arith.constant 0 : i32
      %dma_start3A_47 = arith.constant 0 : i32
      %dma_start3A_48 = tpu.memref_slice %arg9[%run_scoped3A_13, %dma_start3A, %dma_start3A_47] : memref<2x128x128xf32, #tpu.memory_space<vmem>> -> memref<1x128x128xf32, #tpu.memory_space<vmem>>
      %dma_start3A_49 = tpu.memref_squeeze %dma_start3A_48 : memref<1x128x128xf32, #tpu.memory_space<vmem>> -> memref<128x128xf32, #tpu.memory_space<vmem>>
      %dma_start3A_50 = arith.constant 0 : i32
      %dma_start3A_51 = tpu.memref_slice %arg14[%add3A_12, %dma_start3A_50] : memref<10240x128xf32, #tpu.memory_space<vmem_shared>> -> memref<128x128xf32, #tpu.memory_space<vmem_shared>>
      %dma_start3A_52 = arith.constant 0 : i32
      %dma_start3A_53 = tpu.memref_slice %arg14[%add3A_12, %dma_start3A_52] : memref<10240x128xf32, #tpu.memory_space<vmem_shared>> -> memref<128x128xf32, #tpu.memory_space<vmem_shared>>
      %dma_start3A_54 = arith.constant 0 : i32
      %dma_start3A_55 = arith.constant 0 : i32
      %dma_start3A_56 = tpu.memref_slice %arg9[%run_scoped3A_13, %dma_start3A_54, %dma_start3A_55] : memref<2x128x128xf32, #tpu.memory_space<vmem>> -> memref<1x128x128xf32, #tpu.memory_space<vmem>>
      %dma_start3A_57 = tpu.memref_squeeze %dma_start3A_56 : memref<1x128x128xf32, #tpu.memory_space<vmem>> -> memref<128x128xf32, #tpu.memory_space<vmem>>
      tpu.enqueue_dma source(%dma_start3A_57 : memref<128x128xf32, #tpu.memory_space<vmem>>) target(%dma_start3A_53 : memref<128x128xf32, #tpu.memory_space<vmem_shared>>) target_semaphore(%run_scoped3A_46 : memref<!tpu.dma_semaphore, #tpu.memory_space<semaphore_mem>>)
      %dma_wait3A = arith.constant 0 : i32
      %dma_wait3A_58 = arith.constant 0 : i32
      %dma_wait3A_59 = tpu.memref_slice %arg9[%run_scoped3A_13, %dma_wait3A, %dma_wait3A_58] : memref<2x128x128xf32, #tpu.memory_space<vmem>> -> memref<1x128x128xf32, #tpu.memory_space<vmem>>
      %dma_wait3A_60 = tpu.memref_squeeze %dma_wait3A_59 : memref<1x128x128xf32, #tpu.memory_space<vmem>> -> memref<128x128xf32, #tpu.memory_space<vmem>>
      %dma_wait3A_61 = arith.constant 0 : i32
      %dma_wait3A_62 = tpu.memref_slice %arg14[%add3A_12, %dma_wait3A_61] : memref<10240x128xf32, #tpu.memory_space<vmem_shared>> -> memref<128x128xf32, #tpu.memory_space<vmem_shared>>
      %dma_wait3A_63 = arith.constant 0 : i32
      %dma_wait3A_64 = tpu.memref_slice %arg14[%add3A_12, %dma_wait3A_63] : memref<10240x128xf32, #tpu.memory_space<vmem_shared>> -> memref<128x128xf32, #tpu.memory_space<vmem_shared>>
      %dma_wait3A_65 = arith.constant 0 : i32
      %dma_wait3A_66 = arith.constant 0 : i32
      %dma_wait3A_67 = tpu.memref_slice %arg9[%run_scoped3A_13, %dma_wait3A_65, %dma_wait3A_66] : memref<2x128x128xf32, #tpu.memory_space<vmem>> -> memref<1x128x128xf32, #tpu.memory_space<vmem>>
      %dma_wait3A_68 = tpu.memref_squeeze %dma_wait3A_67 : memref<1x128x128xf32, #tpu.memory_space<vmem>> -> memref<128x128xf32, #tpu.memory_space<vmem>>
      tpu.wait_dma2 semaphore(%run_scoped3A_46 : memref<!tpu.dma_semaphore, #tpu.memory_space<semaphore_mem>>) src(%dma_wait3A_68 : memref<128x128xf32, #tpu.memory_space<vmem>>) dst(%dma_wait3A_64 : memref<128x128xf32, #tpu.memory_space<vmem_shared>>)
      tpu.yield
    }) : () -> ()
    %add3A_14 = arith.constant 384 : i32
    %add3A_15 = arith.addi %mul3A_6, %add3A_14 : i32
    %run_scoped3A_16 = arith.constant 0 : i32
    "tpu.region"() ({
      %run_scoped3A_46 = tpu.sem_alloc : memref<!tpu.dma_semaphore, #tpu.memory_space<semaphore_mem>>
      %dma_start3A = arith.constant 0 : i32
      %dma_start3A_47 = arith.constant 0 : i32
      %dma_start3A_48 = tpu.memref_slice %arg9[%run_scoped3A_16, %dma_start3A, %dma_start3A_47] : memref<2x128x128xf32, #tpu.memory_space<vmem>> -> memref<1x128x128xf32, #tpu.memory_space<vmem>>
      %dma_start3A_49 = tpu.memref_squeeze %dma_start3A_48 : memref<1x128x128xf32, #tpu.memory_space<vmem>> -> memref<128x128xf32, #tpu.memory_space<vmem>>
      %dma_start3A_50 = arith.constant 0 : i32
      %dma_start3A_51 = tpu.memref_slice %arg14[%add3A_15, %dma_start3A_50] : memref<10240x128xf32, #tpu.memory_space<vmem_shared>> -> memref<128x128xf32, #tpu.memory_space<vmem_shared>>
      %dma_start3A_52 = arith.constant 0 : i32
      %dma_start3A_53 = tpu.memref_slice %arg14[%add3A_15, %dma_start3A_52] : memref<10240x128xf32, #tpu.memory_space<vmem_shared>> -> memref<128x128xf32, #tpu.memory_space<vmem_shared>>
      %dma_start3A_54 = arith.constant 0 : i32
      %dma_start3A_55 = arith.constant 0 : i32
      %dma_start3A_56 = tpu.memref_slice %arg9[%run_scoped3A_16, %dma_start3A_54, %dma_start3A_55] : memref<2x128x128xf32, #tpu.memory_space<vmem>> -> memref<1x128x128xf32, #tpu.memory_space<vmem>>
      %dma_start3A_57 = tpu.memref_squeeze %dma_start3A_56 : memref<1x128x128xf32, #tpu.memory_space<vmem>> -> memref<128x128xf32, #tpu.memory_space<vmem>>
      tpu.enqueue_dma source(%dma_start3A_57 : memref<128x128xf32, #tpu.memory_space<vmem>>) target(%dma_start3A_53 : memref<128x128xf32, #tpu.memory_space<vmem_shared>>) target_semaphore(%run_scoped3A_46 : memref<!tpu.dma_semaphore, #tpu.memory_space<semaphore_mem>>)
      %dma_wait3A = arith.constant 0 : i32
      %dma_wait3A_58 = arith.constant 0 : i32
      %dma_wait3A_59 = tpu.memref_slice %arg9[%run_scoped3A_16, %dma_wait3A, %dma_wait3A_58] : memref<2x128x128xf32, #tpu.memory_space<vmem>> -> memref<1x128x128xf32, #tpu.memory_space<vmem>>
      %dma_wait3A_60 = tpu.memref_squeeze %dma_wait3A_59 : memref<1x128x128xf32, #tpu.memory_space<vmem>> -> memref<128x128xf32, #tpu.memory_space<vmem>>
      %dma_wait3A_61 = arith.constant 0 : i32
      %dma_wait3A_62 = tpu.memref_slice %arg14[%add3A_15, %dma_wait3A_61] : memref<10240x128xf32, #tpu.memory_space<vmem_shared>> -> memref<128x128xf32, #tpu.memory_space<vmem_shared>>
      %dma_wait3A_63 = arith.constant 0 : i32
      %dma_wait3A_64 = tpu.memref_slice %arg14[%add3A_15, %dma_wait3A_63] : memref<10240x128xf32, #tpu.memory_space<vmem_shared>> -> memref<128x128xf32, #tpu.memory_space<vmem_shared>>
      %dma_wait3A_65 = arith.constant 0 : i32
      %dma_wait3A_66 = arith.constant 0 : i32
      %dma_wait3A_67 = tpu.memref_slice %arg9[%run_scoped3A_16, %dma_wait3A_65, %dma_wait3A_66] : memref<2x128x128xf32, #tpu.memory_space<vmem>> -> memref<1x128x128xf32, #tpu.memory_space<vmem>>
      %dma_wait3A_68 = tpu.memref_squeeze %dma_wait3A_67 : memref<1x128x128xf32, #tpu.memory_space<vmem>> -> memref<128x128xf32, #tpu.memory_space<vmem>>
      tpu.wait_dma2 semaphore(%run_scoped3A_46 : memref<!tpu.dma_semaphore, #tpu.memory_space<semaphore_mem>>) src(%dma_wait3A_68 : memref<128x128xf32, #tpu.memory_space<vmem>>) dst(%dma_wait3A_64 : memref<128x128xf32, #tpu.memory_space<vmem_shared>>)
      tpu.yield
    }) : () -> ()
    %add3A_17 = arith.constant 512 : i32
    %add3A_18 = arith.addi %mul3A_6, %add3A_17 : i32
    %run_scoped3A_19 = arith.constant 0 : i32
    "tpu.region"() ({
      %run_scoped3A_46 = tpu.sem_alloc : memref<!tpu.dma_semaphore, #tpu.memory_space<semaphore_mem>>
      %dma_start3A = arith.constant 0 : i32
      %dma_start3A_47 = arith.constant 0 : i32
      %dma_start3A_48 = tpu.memref_slice %arg9[%run_scoped3A_19, %dma_start3A, %dma_start3A_47] : memref<2x128x128xf32, #tpu.memory_space<vmem>> -> memref<1x128x128xf32, #tpu.memory_space<vmem>>
      %dma_start3A_49 = tpu.memref_squeeze %dma_start3A_48 : memref<1x128x128xf32, #tpu.memory_space<vmem>> -> memref<128x128xf32, #tpu.memory_space<vmem>>
      %dma_start3A_50 = arith.constant 0 : i32
      %dma_start3A_51 = tpu.memref_slice %arg14[%add3A_18, %dma_start3A_50] : memref<10240x128xf32, #tpu.memory_space<vmem_shared>> -> memref<128x128xf32, #tpu.memory_space<vmem_shared>>
      %dma_start3A_52 = arith.constant 0 : i32
      %dma_start3A_53 = tpu.memref_slice %arg14[%add3A_18, %dma_start3A_52] : memref<10240x128xf32, #tpu.memory_space<vmem_shared>> -> memref<128x128xf32, #tpu.memory_space<vmem_shared>>
      %dma_start3A_54 = arith.constant 0 : i32
      %dma_start3A_55 = arith.constant 0 : i32
      %dma_start3A_56 = tpu.memref_slice %arg9[%run_scoped3A_19, %dma_start3A_54, %dma_start3A_55] : memref<2x128x128xf32, #tpu.memory_space<vmem>> -> memref<1x128x128xf32, #tpu.memory_space<vmem>>
      %dma_start3A_57 = tpu.memref_squeeze %dma_start3A_56 : memref<1x128x128xf32, #tpu.memory_space<vmem>> -> memref<128x128xf32, #tpu.memory_space<vmem>>
      tpu.enqueue_dma source(%dma_start3A_57 : memref<128x128xf32, #tpu.memory_space<vmem>>) target(%dma_start3A_53 : memref<128x128xf32, #tpu.memory_space<vmem_shared>>) target_semaphore(%run_scoped3A_46 : memref<!tpu.dma_semaphore, #tpu.memory_space<semaphore_mem>>)
      %dma_wait3A = arith.constant 0 : i32
      %dma_wait3A_58 = arith.constant 0 : i32
      %dma_wait3A_59 = tpu.memref_slice %arg9[%run_scoped3A_19, %dma_wait3A, %dma_wait3A_58] : memref<2x128x128xf32, #tpu.memory_space<vmem>> -> memref<1x128x128xf32, #tpu.memory_space<vmem>>
      %dma_wait3A_60 = tpu.memref_squeeze %dma_wait3A_59 : memref<1x128x128xf32, #tpu.memory_space<vmem>> -> memref<128x128xf32, #tpu.memory_space<vmem>>
      %dma_wait3A_61 = arith.constant 0 : i32
      %dma_wait3A_62 = tpu.memref_slice %arg14[%add3A_18, %dma_wait3A_61] : memref<10240x128xf32, #tpu.memory_space<vmem_shared>> -> memref<128x128xf32, #tpu.memory_space<vmem_shared>>
      %dma_wait3A_63 = arith.constant 0 : i32
      %dma_wait3A_64 = tpu.memref_slice %arg14[%add3A_18, %dma_wait3A_63] : memref<10240x128xf32, #tpu.memory_space<vmem_shared>> -> memref<128x128xf32, #tpu.memory_space<vmem_shared>>
      %dma_wait3A_65 = arith.constant 0 : i32
      %dma_wait3A_66 = arith.constant 0 : i32
      %dma_wait3A_67 = tpu.memref_slice %arg9[%run_scoped3A_19, %dma_wait3A_65, %dma_wait3A_66] : memref<2x128x128xf32, #tpu.memory_space<vmem>> -> memref<1x128x128xf32, #tpu.memory_space<vmem>>
      %dma_wait3A_68 = tpu.memref_squeeze %dma_wait3A_67 : memref<1x128x128xf32, #tpu.memory_space<vmem>> -> memref<128x128xf32, #tpu.memory_space<vmem>>
      tpu.wait_dma2 semaphore(%run_scoped3A_46 : memref<!tpu.dma_semaphore, #tpu.memory_space<semaphore_mem>>) src(%dma_wait3A_68 : memref<128x128xf32, #tpu.memory_space<vmem>>) dst(%dma_wait3A_64 : memref<128x128xf32, #tpu.memory_space<vmem_shared>>)
      tpu.yield
    }) : () -> ()
    %eq3A = arith.constant 0 : i32
    %eq3A_20 = arith.cmpi eq, %arg0, %eq3A : i32
    %convert_element_type3A = arith.extui %eq3A_20 : i1 to i32
    %cond3A = arith.constant 0 : i32
    %cond3A_21 = arith.cmpi ne, %convert_element_type3A, %cond3A : i32
    scf.if %cond3A_21 {
      "tpu.region"() ({
        %run_scoped3A_46 = tpu.sem_alloc : memref<!tpu.dma_semaphore, #tpu.memory_space<semaphore_mem>>
        %dma_start3A = arith.constant 0 : i32
        %dma_start3A_47 = arith.constant 0 : i32
        %dma_start3A_48 = tpu.memref_slice %arg7[%dma_start3A, %dma_start3A_47] : memref<105x128xi32, #tpu.memory_space<vmem>> -> memref<105x128xi32, #tpu.memory_space<vmem>>
        %dma_start3A_49 = arith.constant 0 : i32
        %dma_start3A_50 = arith.constant 0 : i32
        %dma_start3A_51 = tpu.memref_slice %arg4[%arg1, %dma_start3A_49, %dma_start3A_50] : memref<16x105x128xi32, #tpu.memory_space<hbm>> -> memref<1x105x128xi32, #tpu.memory_space<hbm>>
        %dma_start3A_52 = tpu.memref_squeeze %dma_start3A_51 : memref<1x105x128xi32, #tpu.memory_space<hbm>> -> memref<105x128xi32, #tpu.memory_space<hbm>>
        %dma_start3A_53 = arith.constant 0 : i32
        %dma_start3A_54 = arith.constant 0 : i32
        %dma_start3A_55 = tpu.memref_slice %arg7[%dma_start3A_53, %dma_start3A_54] : memref<105x128xi32, #tpu.memory_space<vmem>> -> memref<105x128xi32, #tpu.memory_space<vmem>>
        %dma_start3A_56 = arith.constant 0 : i32
        %dma_start3A_57 = arith.constant 0 : i32
        %dma_start3A_58 = tpu.memref_slice %arg4[%arg1, %dma_start3A_56, %dma_start3A_57] : memref<16x105x128xi32, #tpu.memory_space<hbm>> -> memref<1x105x128xi32, #tpu.memory_space<hbm>>
        %dma_start3A_59 = tpu.memref_squeeze %dma_start3A_58 : memref<1x105x128xi32, #tpu.memory_space<hbm>> -> memref<105x128xi32, #tpu.memory_space<hbm>>
        tpu.enqueue_dma source(%dma_start3A_59 : memref<105x128xi32, #tpu.memory_space<hbm>>) target(%dma_start3A_55 : memref<105x128xi32, #tpu.memory_space<vmem>>) target_semaphore(%run_scoped3A_46 : memref<!tpu.dma_semaphore, #tpu.memory_space<semaphore_mem>>)
        %dma_wait3A = arith.constant 0 : i32
        %dma_wait3A_60 = arith.constant 0 : i32
        %dma_wait3A_61 = tpu.memref_slice %arg7[%dma_wait3A, %dma_wait3A_60] : memref<105x128xi32, #tpu.memory_space<vmem>> -> memref<105x128xi32, #tpu.memory_space<vmem>>
        %dma_wait3A_62 = arith.constant 0 : i32
        %dma_wait3A_63 = arith.constant 0 : i32
        %dma_wait3A_64 = tpu.memref_slice %arg4[%arg1, %dma_wait3A_62, %dma_wait3A_63] : memref<16x105x128xi32, #tpu.memory_space<hbm>> -> memref<1x105x128xi32, #tpu.memory_space<hbm>>
        %dma_wait3A_65 = tpu.memref_squeeze %dma_wait3A_64 : memref<1x105x128xi32, #tpu.memory_space<hbm>> -> memref<105x128xi32, #tpu.memory_space<hbm>>
        %dma_wait3A_66 = arith.constant 0 : i32
        %dma_wait3A_67 = arith.constant 0 : i32
        %dma_wait3A_68 = tpu.memref_slice %arg7[%dma_wait3A_66, %dma_wait3A_67] : memref<105x128xi32, #tpu.memory_space<vmem>> -> memref<105x128xi32, #tpu.memory_space<vmem>>
        %dma_wait3A_69 = arith.constant 0 : i32
        %dma_wait3A_70 = arith.constant 0 : i32
        %dma_wait3A_71 = tpu.memref_slice %arg4[%arg1, %dma_wait3A_69, %dma_wait3A_70] : memref<16x105x128xi32, #tpu.memory_space<hbm>> -> memref<1x105x128xi32, #tpu.memory_space<hbm>>
        %dma_wait3A_72 = tpu.memref_squeeze %dma_wait3A_71 : memref<1x105x128xi32, #tpu.memory_space<hbm>> -> memref<105x128xi32, #tpu.memory_space<hbm>>
        tpu.wait_dma2 semaphore(%run_scoped3A_46 : memref<!tpu.dma_semaphore, #tpu.memory_space<semaphore_mem>>) src(%dma_wait3A_72 : memref<105x128xi32, #tpu.memory_space<hbm>>) dst(%dma_wait3A_68 : memref<105x128xi32, #tpu.memory_space<vmem>>)
        tpu.yield
      }) : () -> ()
    } else {
    }
    %eq3A_22 = arith.constant 1 : i32
    %eq3A_23 = arith.cmpi eq, %arg0, %eq3A_22 : i32
    %convert_element_type3A_24 = arith.extui %eq3A_23 : i1 to i32
    %cond3A_25 = arith.constant 0 : i32
    %cond3A_26 = arith.cmpi ne, %convert_element_type3A_24, %cond3A_25 : i32
    scf.if %cond3A_26 {
      "tpu.region"() ({
        %run_scoped3A_46 = tpu.sem_alloc : memref<!tpu.dma_semaphore, #tpu.memory_space<semaphore_mem>>
        %dma_start3A = arith.constant 0 : i32
        %dma_start3A_47 = arith.constant 0 : i32
        %dma_start3A_48 = tpu.memref_slice %arg7[%dma_start3A, %dma_start3A_47] : memref<105x128xi32, #tpu.memory_space<vmem>> -> memref<53x128xi32, #tpu.memory_space<vmem>>
        %dma_start3A_49 = arith.constant 0 : i32
        %dma_start3A_50 = arith.constant 0 : i32
        %dma_start3A_51 = tpu.memref_slice %arg5[%arg1, %dma_start3A_49, %dma_start3A_50] : memref<16x53x128xi32, #tpu.memory_space<hbm>> -> memref<1x53x128xi32, #tpu.memory_space<hbm>>
        %dma_start3A_52 = tpu.memref_squeeze %dma_start3A_51 : memref<1x53x128xi32, #tpu.memory_space<hbm>> -> memref<53x128xi32, #tpu.memory_space<hbm>>
        %dma_start3A_53 = arith.constant 0 : i32
        %dma_start3A_54 = arith.constant 0 : i32
        %dma_start3A_55 = tpu.memref_slice %arg7[%dma_start3A_53, %dma_start3A_54] : memref<105x128xi32, #tpu.memory_space<vmem>> -> memref<53x128xi32, #tpu.memory_space<vmem>>
        %dma_start3A_56 = arith.constant 0 : i32
        %dma_start3A_57 = arith.constant 0 : i32
        %dma_start3A_58 = tpu.memref_slice %arg5[%arg1, %dma_start3A_56, %dma_start3A_57] : memref<16x53x128xi32, #tpu.memory_space<hbm>> -> memref<1x53x128xi32, #tpu.memory_space<hbm>>
        %dma_start3A_59 = tpu.memref_squeeze %dma_start3A_58 : memref<1x53x128xi32, #tpu.memory_space<hbm>> -> memref<53x128xi32, #tpu.memory_space<hbm>>
        tpu.enqueue_dma source(%dma_start3A_59 : memref<53x128xi32, #tpu.memory_space<hbm>>) target(%dma_start3A_55 : memref<53x128xi32, #tpu.memory_space<vmem>>) target_semaphore(%run_scoped3A_46 : memref<!tpu.dma_semaphore, #tpu.memory_space<semaphore_mem>>)
        %dma_wait3A = arith.constant 0 : i32
        %dma_wait3A_60 = arith.constant 0 : i32
        %dma_wait3A_61 = tpu.memref_slice %arg7[%dma_wait3A, %dma_wait3A_60] : memref<105x128xi32, #tpu.memory_space<vmem>> -> memref<53x128xi32, #tpu.memory_space<vmem>>
        %dma_wait3A_62 = arith.constant 0 : i32
        %dma_wait3A_63 = arith.constant 0 : i32
        %dma_wait3A_64 = tpu.memref_slice %arg5[%arg1, %dma_wait3A_62, %dma_wait3A_63] : memref<16x53x128xi32, #tpu.memory_space<hbm>> -> memref<1x53x128xi32, #tpu.memory_space<hbm>>
        %dma_wait3A_65 = tpu.memref_squeeze %dma_wait3A_64 : memref<1x53x128xi32, #tpu.memory_space<hbm>> -> memref<53x128xi32, #tpu.memory_space<hbm>>
        %dma_wait3A_66 = arith.constant 0 : i32
        %dma_wait3A_67 = arith.constant 0 : i32
        %dma_wait3A_68 = tpu.memref_slice %arg7[%dma_wait3A_66, %dma_wait3A_67] : memref<105x128xi32, #tpu.memory_space<vmem>> -> memref<53x128xi32, #tpu.memory_space<vmem>>
        %dma_wait3A_69 = arith.constant 0 : i32
        %dma_wait3A_70 = arith.constant 0 : i32
        %dma_wait3A_71 = tpu.memref_slice %arg5[%arg1, %dma_wait3A_69, %dma_wait3A_70] : memref<16x53x128xi32, #tpu.memory_space<hbm>> -> memref<1x53x128xi32, #tpu.memory_space<hbm>>
        %dma_wait3A_72 = tpu.memref_squeeze %dma_wait3A_71 : memref<1x53x128xi32, #tpu.memory_space<hbm>> -> memref<53x128xi32, #tpu.memory_space<hbm>>
        tpu.wait_dma2 semaphore(%run_scoped3A_46 : memref<!tpu.dma_semaphore, #tpu.memory_space<semaphore_mem>>) src(%dma_wait3A_72 : memref<53x128xi32, #tpu.memory_space<hbm>>) dst(%dma_wait3A_68 : memref<53x128xi32, #tpu.memory_space<vmem>>)
        tpu.yield
      }) : () -> ()
    } else {
    }
    %barrier3A = arith.constant 0 : index
    tpu.barrier barrier_id(%barrier3A)
    %eq3A_27 = arith.constant 0 : i32
    %eq3A_28 = arith.cmpi eq, %arg0, %eq3A_27 : i32
    %convert_element_type3A_29 = arith.extui %eq3A_28 : i1 to i32
    %cond3A_30 = arith.constant 0 : i32
    %cond3A_31 = arith.constant 1 : i32
    %cond3A_32 = arith.constant 0 : i32
    %cond3A_33 = arith.cmpi ne, %convert_element_type3A_29, %cond3A_32 : i32
    scf.if %cond3A_33 {
      %mul3A_46 = arith.constant 13440 : i32
      %mul3A_47 = arith.muli %arg1, %mul3A_46 : i32
      %min3A = arith.constant 0 : i32
      %min3A_48 = arith.constant 104 : i32
      %min3A_49 = arith.minsi %min3A, %min3A_48 : i32
      %mul3A_50 = arith.constant 128 : i32
      %mul3A_51 = arith.muli %min3A_49, %mul3A_50 : i32
      %add3A_52 = arith.addi %mul3A_47, %mul3A_51 : i32
      %dma_start3A = arith.constant 0 : i32
      %dma_start3A_53 = tpu.memref_slice %arg8[%dma_start3A] : memref<256xi32, #tpu.memory_space<vmem>> -> memref<128xi32, #tpu.memory_space<vmem>>
      %dma_start3A_54 = tpu.memref_slice %arg3[%add3A_52] : memref<323584xi32, #tpu.memory_space<hbm>> -> memref<128xi32, #tpu.memory_space<hbm>>
      %dma_start3A_55 = arith.constant 0 : i32
      %dma_start3A_56 = tpu.memref_slice %arg8[%dma_start3A_55] : memref<256xi32, #tpu.memory_space<vmem>> -> memref<128xi32, #tpu.memory_space<vmem>>
      %dma_start3A_57 = tpu.memref_slice %arg3[%add3A_52] : memref<323584xi32, #tpu.memory_space<hbm>> -> memref<128xi32, #tpu.memory_space<hbm>>
      tpu.enqueue_dma source(%dma_start3A_57 : memref<128xi32, #tpu.memory_space<hbm>>) target(%dma_start3A_56 : memref<128xi32, #tpu.memory_space<vmem>>) target_semaphore(%arg12 : memref<!tpu.dma_semaphore, #tpu.memory_space<semaphore_mem>>)
      %min3A_58 = arith.constant 0 : i32
      %min3A_59 = arith.constant 104 : i32
      %min3A_60 = arith.minsi %min3A_58, %min3A_59 : i32
      %mul3A_61 = arith.constant 128 : i32
      %mul3A_62 = arith.muli %min3A_60, %mul3A_61 : i32
      %add3A_63 = arith.addi %mul3A_47, %mul3A_62 : i32
      %dma_wait3A = arith.constant 0 : i32
      %dma_wait3A_64 = tpu.memref_slice %arg8[%dma_wait3A] : memref<256xi32, #tpu.memory_space<vmem>> -> memref<128xi32, #tpu.memory_space<vmem>>
      %dma_wait3A_65 = tpu.memref_slice %arg3[%add3A_63] : memref<323584xi32, #tpu.memory_space<hbm>> -> memref<128xi32, #tpu.memory_space<hbm>>
      %dma_wait3A_66 = arith.constant 0 : i32
      %dma_wait3A_67 = tpu.memref_slice %arg8[%dma_wait3A_66] : memref<256xi32, #tpu.memory_space<vmem>> -> memref<128xi32, #tpu.memory_space<vmem>>
      %dma_wait3A_68 = tpu.memref_slice %arg3[%add3A_63] : memref<323584xi32, #tpu.memory_space<hbm>> -> memref<128xi32, #tpu.memory_space<hbm>>
      tpu.wait_dma2 semaphore(%arg12 : memref<!tpu.dma_semaphore, #tpu.memory_space<semaphore_mem>>) src(%dma_wait3A_68 : memref<128xi32, #tpu.memory_space<hbm>>) dst(%dma_wait3A_67 : memref<128xi32, #tpu.memory_space<vmem>>)
      %dma_start3A_69 = arith.constant 0 : i32
      %dma_start3A_70 = arith.constant 0 : i32
      %dma_start3A_71 = tpu.memref_slice %arg9[%cond3A_30, %dma_start3A_69, %dma_start3A_70] : memref<2x128x128xf32, #tpu.memory_space<vmem>> -> memref<1x128x128xf32, #tpu.memory_space<vmem>>
      %dma_start3A_72 = tpu.memref_squeeze %dma_start3A_71 : memref<1x128x128xf32, #tpu.memory_space<vmem>> -> memref<128x128xf32, #tpu.memory_space<vmem>>
      %dma_start3A_73 = arith.constant 0 : i32
      %dma_start3A_74 = tpu.memref_slice %arg8[%dma_start3A_73] : memref<256xi32, #tpu.memory_space<vmem>> -> memref<128xi32, #tpu.memory_space<vmem>>
      %dma_start3A_75 = arith.constant 0 : i32
      %dma_start3A_76 = arith.constant 0 : i32
      %dma_start3A_77 = tpu.memref_slice %arg2[%dma_start3A_75, %dma_start3A_76] : memref<10000x128xf32, #tpu.memory_space<hbm>> -> memref<10000x128xf32, #tpu.memory_space<hbm>>
      tpu.enqueue_indirect_dma source(%dma_start3A_77 : memref<10000x128xf32, #tpu.memory_space<hbm>>) target(%dma_start3A_72 : memref<128x128xf32, #tpu.memory_space<vmem>>) offsets(%dma_start3A_74 : memref<128xi32, #tpu.memory_space<vmem>>) semaphore(%arg10 : memref<!tpu.dma_semaphore, #tpu.memory_space<semaphore_mem>>)
      %min3A_78 = arith.constant 1 : i32
      %min3A_79 = arith.constant 104 : i32
      %min3A_80 = arith.minsi %min3A_78, %min3A_79 : i32
      %mul3A_81 = arith.constant 128 : i32
      %mul3A_82 = arith.muli %min3A_80, %mul3A_81 : i32
      %add3A_83 = arith.addi %mul3A_47, %mul3A_82 : i32
      %dma_start3A_84 = arith.constant 128 : i32
      %dma_start3A_85 = tpu.memref_slice %arg8[%dma_start3A_84] : memref<256xi32, #tpu.memory_space<vmem>> -> memref<128xi32, #tpu.memory_space<vmem>>
      %dma_start3A_86 = tpu.memref_slice %arg3[%add3A_83] : memref<323584xi32, #tpu.memory_space<hbm>> -> memref<128xi32, #tpu.memory_space<hbm>>
      %dma_start3A_87 = arith.constant 128 : i32
      %dma_start3A_88 = tpu.memref_slice %arg8[%dma_start3A_87] : memref<256xi32, #tpu.memory_space<vmem>> -> memref<128xi32, #tpu.memory_space<vmem>>
      %dma_start3A_89 = tpu.memref_slice %arg3[%add3A_83] : memref<323584xi32, #tpu.memory_space<hbm>> -> memref<128xi32, #tpu.memory_space<hbm>>
      tpu.enqueue_dma source(%dma_start3A_89 : memref<128xi32, #tpu.memory_space<hbm>>) target(%dma_start3A_88 : memref<128xi32, #tpu.memory_space<vmem>>) target_semaphore(%arg13 : memref<!tpu.dma_semaphore, #tpu.memory_space<semaphore_mem>>)
      %scan3A_90 = arith.constant 0 : i32
      %scan3A_91 = arith.constant 0 : i32
      %scan3A_92 = arith.constant 52 : i32
      %scan3A_93 = arith.addi %scan3A_91, %scan3A_92 : i32
      %scan3A_94 = arith.constant 1 : i32
      scf.for %scan3A_118 = %scan3A_91 to %scan3A_93 step %scan3A_94  : i32 {
        %mul3A_119 = arith.constant 2 : i32
        %mul3A_120 = arith.muli %mul3A_119, %scan3A_118 : i32
        %add3A_121 = arith.constant 1 : i32
        %add3A_122 = arith.addi %mul3A_120, %add3A_121 : i32
        %min3A_123 = arith.constant 104 : i32
        %min3A_124 = arith.minsi %add3A_122, %min3A_123 : i32
        %mul3A_125 = arith.constant 128 : i32
        %mul3A_126 = arith.muli %min3A_124, %mul3A_125 : i32
        %add3A_127 = arith.addi %mul3A_47, %mul3A_126 : i32
        %dma_wait3A_128 = arith.constant 128 : i32
        %dma_wait3A_129 = tpu.memref_slice %arg8[%dma_wait3A_128] : memref<256xi32, #tpu.memory_space<vmem>> -> memref<128xi32, #tpu.memory_space<vmem>>
        %dma_wait3A_130 = tpu.memref_slice %arg3[%add3A_127] : memref<323584xi32, #tpu.memory_space<hbm>> -> memref<128xi32, #tpu.memory_space<hbm>>
        %dma_wait3A_131 = arith.constant 128 : i32
        %dma_wait3A_132 = tpu.memref_slice %arg8[%dma_wait3A_131] : memref<256xi32, #tpu.memory_space<vmem>> -> memref<128xi32, #tpu.memory_space<vmem>>
        %dma_wait3A_133 = tpu.memref_slice %arg3[%add3A_127] : memref<323584xi32, #tpu.memory_space<hbm>> -> memref<128xi32, #tpu.memory_space<hbm>>
        tpu.wait_dma2 semaphore(%arg13 : memref<!tpu.dma_semaphore, #tpu.memory_space<semaphore_mem>>) src(%dma_wait3A_133 : memref<128xi32, #tpu.memory_space<hbm>>) dst(%dma_wait3A_132 : memref<128xi32, #tpu.memory_space<vmem>>)
        %dma_start3A_134 = arith.constant 0 : i32
        %dma_start3A_135 = arith.constant 0 : i32
        %dma_start3A_136 = tpu.memref_slice %arg9[%cond3A_31, %dma_start3A_134, %dma_start3A_135] : memref<2x128x128xf32, #tpu.memory_space<vmem>> -> memref<1x128x128xf32, #tpu.memory_space<vmem>>
        %dma_start3A_137 = tpu.memref_squeeze %dma_start3A_136 : memref<1x128x128xf32, #tpu.memory_space<vmem>> -> memref<128x128xf32, #tpu.memory_space<vmem>>
        %dma_start3A_138 = arith.constant 128 : i32
        %dma_start3A_139 = tpu.memref_slice %arg8[%dma_start3A_138] : memref<256xi32, #tpu.memory_space<vmem>> -> memref<128xi32, #tpu.memory_space<vmem>>
        %dma_start3A_140 = arith.constant 0 : i32
        %dma_start3A_141 = arith.constant 0 : i32
        %dma_start3A_142 = tpu.memref_slice %arg2[%dma_start3A_140, %dma_start3A_141] : memref<10000x128xf32, #tpu.memory_space<hbm>> -> memref<10000x128xf32, #tpu.memory_space<hbm>>
        tpu.enqueue_indirect_dma source(%dma_start3A_142 : memref<10000x128xf32, #tpu.memory_space<hbm>>) target(%dma_start3A_137 : memref<128x128xf32, #tpu.memory_space<vmem>>) offsets(%dma_start3A_139 : memref<128xi32, #tpu.memory_space<vmem>>) semaphore(%arg11 : memref<!tpu.dma_semaphore, #tpu.memory_space<semaphore_mem>>)
        %dma_wait3A_143 = arith.constant 0 : i32
        %dma_wait3A_144 = arith.constant 0 : i32
        %dma_wait3A_145 = tpu.memref_slice %arg9[%cond3A_30, %dma_wait3A_143, %dma_wait3A_144] : memref<2x128x128xf32, #tpu.memory_space<vmem>> -> memref<1x128x128xf32, #tpu.memory_space<vmem>>
        %dma_wait3A_146 = tpu.memref_squeeze %dma_wait3A_145 : memref<1x128x128xf32, #tpu.memory_space<vmem>> -> memref<128x128xf32, #tpu.memory_space<vmem>>
        %dma_wait3A_147 = arith.constant 0 : i32
        %dma_wait3A_148 = tpu.memref_slice %arg8[%dma_wait3A_147] : memref<256xi32, #tpu.memory_space<vmem>> -> memref<128xi32, #tpu.memory_space<vmem>>
        %dma_wait3A_149 = arith.constant 0 : i32
        %dma_wait3A_150 = arith.constant 0 : i32
        %dma_wait3A_151 = tpu.memref_slice %arg2[%dma_wait3A_149, %dma_wait3A_150] : memref<10000x128xf32, #tpu.memory_space<hbm>> -> memref<10000x128xf32, #tpu.memory_space<hbm>>
        tpu.wait_indirect_dma semaphore(%arg10 : memref<!tpu.dma_semaphore, #tpu.memory_space<semaphore_mem>>) src(%dma_wait3A_151 : memref<10000x128xf32, #tpu.memory_space<hbm>>) dst(%dma_wait3A_146 : memref<128x128xf32, #tpu.memory_space<vmem>>)
        %add3A_152 = arith.constant 2 : i32
        %add3A_153 = arith.addi %mul3A_120, %add3A_152 : i32
        %min3A_154 = arith.constant 104 : i32
        %min3A_155 = arith.minsi %add3A_153, %min3A_154 : i32
        %mul3A_156 = arith.constant 128 : i32
        %mul3A_157 = arith.muli %min3A_155, %mul3A_156 : i32
        %add3A_158 = arith.addi %mul3A_47, %mul3A_157 : i32
        %dma_start3A_159 = arith.constant 0 : i32
        %dma_start3A_160 = tpu.memref_slice %arg8[%dma_start3A_159] : memref<256xi32, #tpu.memory_space<vmem>> -> memref<128xi32, #tpu.memory_space<vmem>>
        %dma_start3A_161 = tpu.memref_slice %arg3[%add3A_158] : memref<323584xi32, #tpu.memory_space<hbm>> -> memref<128xi32, #tpu.memory_space<hbm>>
        %dma_start3A_162 = arith.constant 0 : i32
        %dma_start3A_163 = tpu.memref_slice %arg8[%dma_start3A_162] : memref<256xi32, #tpu.memory_space<vmem>> -> memref<128xi32, #tpu.memory_space<vmem>>
        %dma_start3A_164 = tpu.memref_slice %arg3[%add3A_158] : memref<323584xi32, #tpu.memory_space<hbm>> -> memref<128xi32, #tpu.memory_space<hbm>>
        tpu.enqueue_dma source(%dma_start3A_164 : memref<128xi32, #tpu.memory_space<hbm>>) target(%dma_start3A_163 : memref<128xi32, #tpu.memory_space<vmem>>) target_semaphore(%arg12 : memref<!tpu.dma_semaphore, #tpu.memory_space<semaphore_mem>>)
        "tpu.region"() ({
          %run_scoped3A_211 = tpu.sem_alloc : memref<!tpu.dma_semaphore, #tpu.memory_space<semaphore_mem>>
          %dma_start3A_212 = arith.constant 0 : i32
          %dma_start3A_213 = arith.constant 0 : i32
          %dma_start3A_214 = tpu.memref_slice %arg9[%cond3A_30, %dma_start3A_212, %dma_start3A_213] : memref<2x128x128xf32, #tpu.memory_space<vmem>> -> memref<1x128x128xf32, #tpu.memory_space<vmem>>
          %dma_start3A_215 = tpu.memref_squeeze %dma_start3A_214 : memref<1x128x128xf32, #tpu.memory_space<vmem>> -> memref<128x128xf32, #tpu.memory_space<vmem>>
          %dma_start3A_216 = arith.constant 0 : i32
          %dma_start3A_217 = tpu.memref_slice %arg7[%mul3A_120, %dma_start3A_216] : memref<105x128xi32, #tpu.memory_space<vmem>> -> memref<1x128xi32, #tpu.memory_space<vmem>>
          %dma_start3A_218 = tpu.memref_squeeze %dma_start3A_217 : memref<1x128xi32, #tpu.memory_space<vmem>> -> memref<128xi32, #tpu.memory_space<vmem>>
          %dma_start3A_219 = arith.constant 0 : i32
          %dma_start3A_220 = arith.constant 0 : i32
          %dma_start3A_221 = tpu.memref_slice %arg14[%dma_start3A_219, %dma_start3A_220] : memref<10240x128xf32, #tpu.memory_space<vmem_shared>> -> memref<10240x128xf32, #tpu.memory_space<vmem_shared>>
          tpu.enqueue_indirect_dma source(%dma_start3A_215 : memref<128x128xf32, #tpu.memory_space<vmem>>) target(%dma_start3A_221 : memref<10240x128xf32, #tpu.memory_space<vmem_shared>>) offsets(%dma_start3A_218 : memref<128xi32, #tpu.memory_space<vmem>>) semaphore(%run_scoped3A_211 : memref<!tpu.dma_semaphore, #tpu.memory_space<semaphore_mem>>) {add = true}
          %dma_wait3A_222 = arith.constant 0 : i32
          %dma_wait3A_223 = arith.constant 0 : i32
          %dma_wait3A_224 = tpu.memref_slice %arg9[%cond3A_30, %dma_wait3A_222, %dma_wait3A_223] : memref<2x128x128xf32, #tpu.memory_space<vmem>> -> memref<1x128x128xf32, #tpu.memory_space<vmem>>
          %dma_wait3A_225 = tpu.memref_squeeze %dma_wait3A_224 : memref<1x128x128xf32, #tpu.memory_space<vmem>> -> memref<128x128xf32, #tpu.memory_space<vmem>>
          %dma_wait3A_226 = arith.constant 0 : i32
          %dma_wait3A_227 = tpu.memref_slice %arg7[%mul3A_120, %dma_wait3A_226] : memref<105x128xi32, #tpu.memory_space<vmem>> -> memref<1x128xi32, #tpu.memory_space<vmem>>
          %dma_wait3A_228 = tpu.memref_squeeze %dma_wait3A_227 : memref<1x128xi32, #tpu.memory_space<vmem>> -> memref<128xi32, #tpu.memory_space<vmem>>
          %dma_wait3A_229 = arith.constant 0 : i32
          %dma_wait3A_230 = arith.constant 0 : i32
          %dma_wait3A_231 = tpu.memref_slice %arg14[%dma_wait3A_229, %dma_wait3A_230] : memref<10240x128xf32, #tpu.memory_space<vmem_shared>> -> memref<10240x128xf32, #tpu.memory_space<vmem_shared>>
          tpu.wait_indirect_dma semaphore(%run_scoped3A_211 : memref<!tpu.dma_semaphore, #tpu.memory_space<semaphore_mem>>) src(%dma_wait3A_225 : memref<128x128xf32, #tpu.memory_space<vmem>>) dst(%dma_wait3A_231 : memref<10240x128xf32, #tpu.memory_space<vmem_shared>>)
          tpu.yield
        }) : () -> ()
        %add3A_165 = arith.constant 2 : i32
        %add3A_166 = arith.addi %mul3A_120, %add3A_165 : i32
        %min3A_167 = arith.constant 104 : i32
        %min3A_168 = arith.minsi %add3A_166, %min3A_167 : i32
        %mul3A_169 = arith.constant 128 : i32
        %mul3A_170 = arith.muli %min3A_168, %mul3A_169 : i32
        %add3A_171 = arith.addi %mul3A_47, %mul3A_170 : i32
        %dma_wait3A_172 = arith.constant 0 : i32
        %dma_wait3A_173 = tpu.memref_slice %arg8[%dma_wait3A_172] : memref<256xi32, #tpu.memory_space<vmem>> -> memref<128xi32, #tpu.memory_space<vmem>>
        %dma_wait3A_174 = tpu.memref_slice %arg3[%add3A_171] : memref<323584xi32, #tpu.memory_space<hbm>> -> memref<128xi32, #tpu.memory_space<hbm>>
        %dma_wait3A_175 = arith.constant 0 : i32
        %dma_wait3A_176 = tpu.memref_slice %arg8[%dma_wait3A_175] : memref<256xi32, #tpu.memory_space<vmem>> -> memref<128xi32, #tpu.memory_space<vmem>>
        %dma_wait3A_177 = tpu.memref_slice %arg3[%add3A_171] : memref<323584xi32, #tpu.memory_space<hbm>> -> memref<128xi32, #tpu.memory_space<hbm>>
        tpu.wait_dma2 semaphore(%arg12 : memref<!tpu.dma_semaphore, #tpu.memory_space<semaphore_mem>>) src(%dma_wait3A_177 : memref<128xi32, #tpu.memory_space<hbm>>) dst(%dma_wait3A_176 : memref<128xi32, #tpu.memory_space<vmem>>)
        %dma_start3A_178 = arith.constant 0 : i32
        %dma_start3A_179 = arith.constant 0 : i32
        %dma_start3A_180 = tpu.memref_slice %arg9[%cond3A_30, %dma_start3A_178, %dma_start3A_179] : memref<2x128x128xf32, #tpu.memory_space<vmem>> -> memref<1x128x128xf32, #tpu.memory_space<vmem>>
        %dma_start3A_181 = tpu.memref_squeeze %dma_start3A_180 : memref<1x128x128xf32, #tpu.memory_space<vmem>> -> memref<128x128xf32, #tpu.memory_space<vmem>>
        %dma_start3A_182 = arith.constant 0 : i32
        %dma_start3A_183 = tpu.memref_slice %arg8[%dma_start3A_182] : memref<256xi32, #tpu.memory_space<vmem>> -> memref<128xi32, #tpu.memory_space<vmem>>
        %dma_start3A_184 = arith.constant 0 : i32
        %dma_start3A_185 = arith.constant 0 : i32
        %dma_start3A_186 = tpu.memref_slice %arg2[%dma_start3A_184, %dma_start3A_185] : memref<10000x128xf32, #tpu.memory_space<hbm>> -> memref<10000x128xf32, #tpu.memory_space<hbm>>
        tpu.enqueue_indirect_dma source(%dma_start3A_186 : memref<10000x128xf32, #tpu.memory_space<hbm>>) target(%dma_start3A_181 : memref<128x128xf32, #tpu.memory_space<vmem>>) offsets(%dma_start3A_183 : memref<128xi32, #tpu.memory_space<vmem>>) semaphore(%arg10 : memref<!tpu.dma_semaphore, #tpu.memory_space<semaphore_mem>>)
        %dma_wait3A_187 = arith.constant 0 : i32
        %dma_wait3A_188 = arith.constant 0 : i32
        %dma_wait3A_189 = tpu.memref_slice %arg9[%cond3A_31, %dma_wait3A_187, %dma_wait3A_188] : memref<2x128x128xf32, #tpu.memory_space<vmem>> -> memref<1x128x128xf32, #tpu.memory_space<vmem>>
        %dma_wait3A_190 = tpu.memref_squeeze %dma_wait3A_189 : memref<1x128x128xf32, #tpu.memory_space<vmem>> -> memref<128x128xf32, #tpu.memory_space<vmem>>
        %dma_wait3A_191 = arith.constant 128 : i32
        %dma_wait3A_192 = tpu.memref_slice %arg8[%dma_wait3A_191] : memref<256xi32, #tpu.memory_space<vmem>> -> memref<128xi32, #tpu.memory_space<vmem>>
        %dma_wait3A_193 = arith.constant 0 : i32
        %dma_wait3A_194 = arith.constant 0 : i32
        %dma_wait3A_195 = tpu.memref_slice %arg2[%dma_wait3A_193, %dma_wait3A_194] : memref<10000x128xf32, #tpu.memory_space<hbm>> -> memref<10000x128xf32, #tpu.memory_space<hbm>>
        tpu.wait_indirect_dma semaphore(%arg11 : memref<!tpu.dma_semaphore, #tpu.memory_space<semaphore_mem>>) src(%dma_wait3A_195 : memref<10000x128xf32, #tpu.memory_space<hbm>>) dst(%dma_wait3A_190 : memref<128x128xf32, #tpu.memory_space<vmem>>)
        %add3A_196 = arith.constant 3 : i32
        %add3A_197 = arith.addi %mul3A_120, %add3A_196 : i32
        %min3A_198 = arith.constant 104 : i32
        %min3A_199 = arith.minsi %add3A_197, %min3A_198 : i32
        %mul3A_200 = arith.constant 128 : i32
        %mul3A_201 = arith.muli %min3A_199, %mul3A_200 : i32
        %add3A_202 = arith.addi %mul3A_47, %mul3A_201 : i32
        %dma_start3A_203 = arith.constant 128 : i32
        %dma_start3A_204 = tpu.memref_slice %arg8[%dma_start3A_203] : memref<256xi32, #tpu.memory_space<vmem>> -> memref<128xi32, #tpu.memory_space<vmem>>
        %dma_start3A_205 = tpu.memref_slice %arg3[%add3A_202] : memref<323584xi32, #tpu.memory_space<hbm>> -> memref<128xi32, #tpu.memory_space<hbm>>
        %dma_start3A_206 = arith.constant 128 : i32
        %dma_start3A_207 = tpu.memref_slice %arg8[%dma_start3A_206] : memref<256xi32, #tpu.memory_space<vmem>> -> memref<128xi32, #tpu.memory_space<vmem>>
        %dma_start3A_208 = tpu.memref_slice %arg3[%add3A_202] : memref<323584xi32, #tpu.memory_space<hbm>> -> memref<128xi32, #tpu.memory_space<hbm>>
        tpu.enqueue_dma source(%dma_start3A_208 : memref<128xi32, #tpu.memory_space<hbm>>) target(%dma_start3A_207 : memref<128xi32, #tpu.memory_space<vmem>>) target_semaphore(%arg13 : memref<!tpu.dma_semaphore, #tpu.memory_space<semaphore_mem>>)
        %add3A_209 = arith.constant 1 : i32
        %add3A_210 = arith.addi %mul3A_120, %add3A_209 : i32
        "tpu.region"() ({
          %run_scoped3A_211 = tpu.sem_alloc : memref<!tpu.dma_semaphore, #tpu.memory_space<semaphore_mem>>
          %dma_start3A_212 = arith.constant 0 : i32
          %dma_start3A_213 = arith.constant 0 : i32
          %dma_start3A_214 = tpu.memref_slice %arg9[%cond3A_31, %dma_start3A_212, %dma_start3A_213] : memref<2x128x128xf32, #tpu.memory_space<vmem>> -> memref<1x128x128xf32, #tpu.memory_space<vmem>>
          %dma_start3A_215 = tpu.memref_squeeze %dma_start3A_214 : memref<1x128x128xf32, #tpu.memory_space<vmem>> -> memref<128x128xf32, #tpu.memory_space<vmem>>
          %dma_start3A_216 = arith.constant 0 : i32
          %dma_start3A_217 = tpu.memref_slice %arg7[%add3A_210, %dma_start3A_216] : memref<105x128xi32, #tpu.memory_space<vmem>> -> memref<1x128xi32, #tpu.memory_space<vmem>>
          %dma_start3A_218 = tpu.memref_squeeze %dma_start3A_217 : memref<1x128xi32, #tpu.memory_space<vmem>> -> memref<128xi32, #tpu.memory_space<vmem>>
          %dma_start3A_219 = arith.constant 0 : i32
          %dma_start3A_220 = arith.constant 0 : i32
          %dma_start3A_221 = tpu.memref_slice %arg14[%dma_start3A_219, %dma_start3A_220] : memref<10240x128xf32, #tpu.memory_space<vmem_shared>> -> memref<10240x128xf32, #tpu.memory_space<vmem_shared>>
          tpu.enqueue_indirect_dma source(%dma_start3A_215 : memref<128x128xf32, #tpu.memory_space<vmem>>) target(%dma_start3A_221 : memref<10240x128xf32, #tpu.memory_space<vmem_shared>>) offsets(%dma_start3A_218 : memref<128xi32, #tpu.memory_space<vmem>>) semaphore(%run_scoped3A_211 : memref<!tpu.dma_semaphore, #tpu.memory_space<semaphore_mem>>) {add = true}
          %dma_wait3A_222 = arith.constant 0 : i32
          %dma_wait3A_223 = arith.constant 0 : i32
          %dma_wait3A_224 = tpu.memref_slice %arg9[%cond3A_31, %dma_wait3A_222, %dma_wait3A_223] : memref<2x128x128xf32, #tpu.memory_space<vmem>> -> memref<1x128x128xf32, #tpu.memory_space<vmem>>
          %dma_wait3A_225 = tpu.memref_squeeze %dma_wait3A_224 : memref<1x128x128xf32, #tpu.memory_space<vmem>> -> memref<128x128xf32, #tpu.memory_space<vmem>>
          %dma_wait3A_226 = arith.constant 0 : i32
          %dma_wait3A_227 = tpu.memref_slice %arg7[%add3A_210, %dma_wait3A_226] : memref<105x128xi32, #tpu.memory_space<vmem>> -> memref<1x128xi32, #tpu.memory_space<vmem>>
          %dma_wait3A_228 = tpu.memref_squeeze %dma_wait3A_227 : memref<1x128xi32, #tpu.memory_space<vmem>> -> memref<128xi32, #tpu.memory_space<vmem>>
          %dma_wait3A_229 = arith.constant 0 : i32
          %dma_wait3A_230 = arith.constant 0 : i32
          %dma_wait3A_231 = tpu.memref_slice %arg14[%dma_wait3A_229, %dma_wait3A_230] : memref<10240x128xf32, #tpu.memory_space<vmem_shared>> -> memref<10240x128xf32, #tpu.memory_space<vmem_shared>>
          tpu.wait_indirect_dma semaphore(%run_scoped3A_211 : memref<!tpu.dma_semaphore, #tpu.memory_space<semaphore_mem>>) src(%dma_wait3A_225 : memref<128x128xf32, #tpu.memory_space<vmem>>) dst(%dma_wait3A_231 : memref<10240x128xf32, #tpu.memory_space<vmem_shared>>)
          tpu.yield
        }) : () -> ()
      }
      %scan3A_95 = arith.constant 52 : i32
      %dma_wait3A_96 = arith.constant 0 : i32
      %dma_wait3A_97 = arith.constant 0 : i32
      %dma_wait3A_98 = tpu.memref_slice %arg9[%cond3A_30, %dma_wait3A_96, %dma_wait3A_97] : memref<2x128x128xf32, #tpu.memory_space<vmem>> -> memref<1x128x128xf32, #tpu.memory_space<vmem>>
      %dma_wait3A_99 = tpu.memref_squeeze %dma_wait3A_98 : memref<1x128x128xf32, #tpu.memory_space<vmem>> -> memref<128x128xf32, #tpu.memory_space<vmem>>
      %dma_wait3A_100 = arith.constant 0 : i32
      %dma_wait3A_101 = tpu.memref_slice %arg8[%dma_wait3A_100] : memref<256xi32, #tpu.memory_space<vmem>> -> memref<128xi32, #tpu.memory_space<vmem>>
      %dma_wait3A_102 = arith.constant 0 : i32
      %dma_wait3A_103 = arith.constant 0 : i32
      %dma_wait3A_104 = tpu.memref_slice %arg2[%dma_wait3A_102, %dma_wait3A_103] : memref<10000x128xf32, #tpu.memory_space<hbm>> -> memref<10000x128xf32, #tpu.memory_space<hbm>>
      tpu.wait_indirect_dma semaphore(%arg10 : memref<!tpu.dma_semaphore, #tpu.memory_space<semaphore_mem>>) src(%dma_wait3A_104 : memref<10000x128xf32, #tpu.memory_space<hbm>>) dst(%dma_wait3A_99 : memref<128x128xf32, #tpu.memory_space<vmem>>)
      %min3A_105 = arith.constant 104 : i32
      %min3A_106 = arith.constant 104 : i32
      %min3A_107 = arith.minsi %min3A_105, %min3A_106 : i32
      %mul3A_108 = arith.constant 128 : i32
      %mul3A_109 = arith.muli %min3A_107, %mul3A_108 : i32
      %add3A_110 = arith.addi %mul3A_47, %mul3A_109 : i32
      %dma_wait3A_111 = arith.constant 128 : i32
      %dma_wait3A_112 = tpu.memref_slice %arg8[%dma_wait3A_111] : memref<256xi32, #tpu.memory_space<vmem>> -> memref<128xi32, #tpu.memory_space<vmem>>
      %dma_wait3A_113 = tpu.memref_slice %arg3[%add3A_110] : memref<323584xi32, #tpu.memory_space<hbm>> -> memref<128xi32, #tpu.memory_space<hbm>>
      %dma_wait3A_114 = arith.constant 128 : i32
      %dma_wait3A_115 = tpu.memref_slice %arg8[%dma_wait3A_114] : memref<256xi32, #tpu.memory_space<vmem>> -> memref<128xi32, #tpu.memory_space<vmem>>
      %dma_wait3A_116 = tpu.memref_slice %arg3[%add3A_110] : memref<323584xi32, #tpu.memory_space<hbm>> -> memref<128xi32, #tpu.memory_space<hbm>>
      tpu.wait_dma2 semaphore(%arg13 : memref<!tpu.dma_semaphore, #tpu.memory_space<semaphore_mem>>) src(%dma_wait3A_116 : memref<128xi32, #tpu.memory_space<hbm>>) dst(%dma_wait3A_115 : memref<128xi32, #tpu.memory_space<vmem>>)
      %run_scoped3A_117 = arith.constant 104 : i32
      "tpu.region"() ({
        %run_scoped3A_118 = tpu.sem_alloc : memref<!tpu.dma_semaphore, #tpu.memory_space<semaphore_mem>>
        %dma_start3A_119 = arith.constant 0 : i32
        %dma_start3A_120 = arith.constant 0 : i32
        %dma_start3A_121 = tpu.memref_slice %arg9[%cond3A_30, %dma_start3A_119, %dma_start3A_120] : memref<2x128x128xf32, #tpu.memory_space<vmem>> -> memref<1x128x128xf32, #tpu.memory_space<vmem>>
        %dma_start3A_122 = tpu.memref_squeeze %dma_start3A_121 : memref<1x128x128xf32, #tpu.memory_space<vmem>> -> memref<128x128xf32, #tpu.memory_space<vmem>>
        %dma_start3A_123 = arith.constant 0 : i32
        %dma_start3A_124 = tpu.memref_slice %arg7[%run_scoped3A_117, %dma_start3A_123] : memref<105x128xi32, #tpu.memory_space<vmem>> -> memref<1x128xi32, #tpu.memory_space<vmem>>
        %dma_start3A_125 = tpu.memref_squeeze %dma_start3A_124 : memref<1x128xi32, #tpu.memory_space<vmem>> -> memref<128xi32, #tpu.memory_space<vmem>>
        %dma_start3A_126 = arith.constant 0 : i32
        %dma_start3A_127 = arith.constant 0 : i32
        %dma_start3A_128 = tpu.memref_slice %arg14[%dma_start3A_126, %dma_start3A_127] : memref<10240x128xf32, #tpu.memory_space<vmem_shared>> -> memref<10240x128xf32, #tpu.memory_space<vmem_shared>>
        tpu.enqueue_indirect_dma source(%dma_start3A_122 : memref<128x128xf32, #tpu.memory_space<vmem>>) target(%dma_start3A_128 : memref<10240x128xf32, #tpu.memory_space<vmem_shared>>) offsets(%dma_start3A_125 : memref<128xi32, #tpu.memory_space<vmem>>) semaphore(%run_scoped3A_118 : memref<!tpu.dma_semaphore, #tpu.memory_space<semaphore_mem>>) {add = true}
        %dma_wait3A_129 = arith.constant 0 : i32
        %dma_wait3A_130 = arith.constant 0 : i32
        %dma_wait3A_131 = tpu.memref_slice %arg9[%cond3A_30, %dma_wait3A_129, %dma_wait3A_130] : memref<2x128x128xf32, #tpu.memory_space<vmem>> -> memref<1x128x128xf32, #tpu.memory_space<vmem>>
        %dma_wait3A_132 = tpu.memref_squeeze %dma_wait3A_131 : memref<1x128x128xf32, #tpu.memory_space<vmem>> -> memref<128x128xf32, #tpu.memory_space<vmem>>
        %dma_wait3A_133 = arith.constant 0 : i32
        %dma_wait3A_134 = tpu.memref_slice %arg7[%run_scoped3A_117, %dma_wait3A_133] : memref<105x128xi32, #tpu.memory_space<vmem>> -> memref<1x128xi32, #tpu.memory_space<vmem>>
        %dma_wait3A_135 = tpu.memref_squeeze %dma_wait3A_134 : memref<1x128xi32, #tpu.memory_space<vmem>> -> memref<128xi32, #tpu.memory_space<vmem>>
        %dma_wait3A_136 = arith.constant 0 : i32
        %dma_wait3A_137 = arith.constant 0 : i32
        %dma_wait3A_138 = tpu.memref_slice %arg14[%dma_wait3A_136, %dma_wait3A_137] : memref<10240x128xf32, #tpu.memory_space<vmem_shared>> -> memref<10240x128xf32, #tpu.memory_space<vmem_shared>>
        tpu.wait_indirect_dma semaphore(%run_scoped3A_118 : memref<!tpu.dma_semaphore, #tpu.memory_space<semaphore_mem>>) src(%dma_wait3A_132 : memref<128x128xf32, #tpu.memory_space<vmem>>) dst(%dma_wait3A_138 : memref<10240x128xf32, #tpu.memory_space<vmem_shared>>)
        tpu.yield
      }) : () -> ()
    } else {
    }
    %eq3A_34 = arith.constant 1 : i32
    %eq3A_35 = arith.cmpi eq, %arg0, %eq3A_34 : i32
    %convert_element_type3A_36 = arith.extui %eq3A_35 : i1 to i32
    %cond3A_37 = arith.constant 0 : i32
    %cond3A_38 = arith.constant 0 : i32
    %cond3A_39 = arith.cmpi ne, %convert_element_type3A_36, %cond3A_38 : i32
    scf.if %cond3A_39 {
      %mul3A_46 = arith.constant 6784 : i32
      %mul3A_47 = arith.muli %arg1, %mul3A_46 : i32
      %add3A_48 = arith.constant 215040 : i32
      %add3A_49 = arith.addi %add3A_48, %mul3A_47 : i32
      %min3A = arith.constant 0 : i32
      %min3A_50 = arith.constant 52 : i32
      %min3A_51 = arith.minsi %min3A, %min3A_50 : i32
      %mul3A_52 = arith.constant 128 : i32
      %mul3A_53 = arith.muli %min3A_51, %mul3A_52 : i32
      %add3A_54 = arith.addi %add3A_49, %mul3A_53 : i32
      %dma_start3A = arith.constant 0 : i32
      %dma_start3A_55 = tpu.memref_slice %arg8[%dma_start3A] : memref<256xi32, #tpu.memory_space<vmem>> -> memref<128xi32, #tpu.memory_space<vmem>>
      %dma_start3A_56 = tpu.memref_slice %arg3[%add3A_54] : memref<323584xi32, #tpu.memory_space<hbm>> -> memref<128xi32, #tpu.memory_space<hbm>>
      %dma_start3A_57 = arith.constant 0 : i32
      %dma_start3A_58 = tpu.memref_slice %arg8[%dma_start3A_57] : memref<256xi32, #tpu.memory_space<vmem>> -> memref<128xi32, #tpu.memory_space<vmem>>
      %dma_start3A_59 = tpu.memref_slice %arg3[%add3A_54] : memref<323584xi32, #tpu.memory_space<hbm>> -> memref<128xi32, #tpu.memory_space<hbm>>
      tpu.enqueue_dma source(%dma_start3A_59 : memref<128xi32, #tpu.memory_space<hbm>>) target(%dma_start3A_58 : memref<128xi32, #tpu.memory_space<vmem>>) target_semaphore(%arg12 : memref<!tpu.dma_semaphore, #tpu.memory_space<semaphore_mem>>)
      %min3A_60 = arith.constant 0 : i32
      %min3A_61 = arith.constant 52 : i32
      %min3A_62 = arith.minsi %min3A_60, %min3A_61 : i32
      %mul3A_63 = arith.constant 128 : i32
      %mul3A_64 = arith.muli %min3A_62, %mul3A_63 : i32
      %add3A_65 = arith.addi %add3A_49, %mul3A_64 : i32
      %dma_wait3A = arith.constant 0 : i32
      %dma_wait3A_66 = tpu.memref_slice %arg8[%dma_wait3A] : memref<256xi32, #tpu.memory_space<vmem>> -> memref<128xi32, #tpu.memory_space<vmem>>
      %dma_wait3A_67 = tpu.memref_slice %arg3[%add3A_65] : memref<323584xi32, #tpu.memory_space<hbm>> -> memref<128xi32, #tpu.memory_space<hbm>>
      %dma_wait3A_68 = arith.constant 0 : i32
      %dma_wait3A_69 = tpu.memref_slice %arg8[%dma_wait3A_68] : memref<256xi32, #tpu.memory_space<vmem>> -> memref<128xi32, #tpu.memory_space<vmem>>
      %dma_wait3A_70 = tpu.memref_slice %arg3[%add3A_65] : memref<323584xi32, #tpu.memory_space<hbm>> -> memref<128xi32, #tpu.memory_space<hbm>>
      tpu.wait_dma2 semaphore(%arg12 : memref<!tpu.dma_semaphore, #tpu.memory_space<semaphore_mem>>) src(%dma_wait3A_70 : memref<128xi32, #tpu.memory_space<hbm>>) dst(%dma_wait3A_69 : memref<128xi32, #tpu.memory_space<vmem>>)
      %scan3A_71 = arith.constant 0 : i32
      %scan3A_72 = arith.constant 0 : i32
      %scan3A_73 = arith.constant 53 : i32
      %scan3A_74 = arith.addi %scan3A_72, %scan3A_73 : i32
      %scan3A_75 = arith.constant 1 : i32
      scf.for %scan3A_77 = %scan3A_72 to %scan3A_74 step %scan3A_75  : i32 {
        %dma_start3A_78 = arith.constant 0 : i32
        %dma_start3A_79 = arith.constant 0 : i32
        %dma_start3A_80 = tpu.memref_slice %arg9[%cond3A_37, %dma_start3A_78, %dma_start3A_79] : memref<2x128x128xf32, #tpu.memory_space<vmem>> -> memref<1x128x128xf32, #tpu.memory_space<vmem>>
        %dma_start3A_81 = tpu.memref_squeeze %dma_start3A_80 : memref<1x128x128xf32, #tpu.memory_space<vmem>> -> memref<128x128xf32, #tpu.memory_space<vmem>>
        %dma_start3A_82 = arith.constant 0 : i32
        %dma_start3A_83 = tpu.memref_slice %arg8[%dma_start3A_82] : memref<256xi32, #tpu.memory_space<vmem>> -> memref<128xi32, #tpu.memory_space<vmem>>
        %dma_start3A_84 = arith.constant 0 : i32
        %dma_start3A_85 = arith.constant 0 : i32
        %dma_start3A_86 = tpu.memref_slice %arg2[%dma_start3A_84, %dma_start3A_85] : memref<10000x128xf32, #tpu.memory_space<hbm>> -> memref<10000x128xf32, #tpu.memory_space<hbm>>
        tpu.enqueue_indirect_dma source(%dma_start3A_86 : memref<10000x128xf32, #tpu.memory_space<hbm>>) target(%dma_start3A_81 : memref<128x128xf32, #tpu.memory_space<vmem>>) offsets(%dma_start3A_83 : memref<128xi32, #tpu.memory_space<vmem>>) semaphore(%arg10 : memref<!tpu.dma_semaphore, #tpu.memory_space<semaphore_mem>>)
        %dma_wait3A_87 = arith.constant 0 : i32
        %dma_wait3A_88 = arith.constant 0 : i32
        %dma_wait3A_89 = tpu.memref_slice %arg9[%cond3A_37, %dma_wait3A_87, %dma_wait3A_88] : memref<2x128x128xf32, #tpu.memory_space<vmem>> -> memref<1x128x128xf32, #tpu.memory_space<vmem>>
        %dma_wait3A_90 = tpu.memref_squeeze %dma_wait3A_89 : memref<1x128x128xf32, #tpu.memory_space<vmem>> -> memref<128x128xf32, #tpu.memory_space<vmem>>
        %dma_wait3A_91 = arith.constant 0 : i32
        %dma_wait3A_92 = tpu.memref_slice %arg8[%dma_wait3A_91] : memref<256xi32, #tpu.memory_space<vmem>> -> memref<128xi32, #tpu.memory_space<vmem>>
        %dma_wait3A_93 = arith.constant 0 : i32
        %dma_wait3A_94 = arith.constant 0 : i32
        %dma_wait3A_95 = tpu.memref_slice %arg2[%dma_wait3A_93, %dma_wait3A_94] : memref<10000x128xf32, #tpu.memory_space<hbm>> -> memref<10000x128xf32, #tpu.memory_space<hbm>>
        tpu.wait_indirect_dma semaphore(%arg10 : memref<!tpu.dma_semaphore, #tpu.memory_space<semaphore_mem>>) src(%dma_wait3A_95 : memref<10000x128xf32, #tpu.memory_space<hbm>>) dst(%dma_wait3A_90 : memref<128x128xf32, #tpu.memory_space<vmem>>)
      }
      %scan3A_76 = arith.constant 53 : i32
    } else {
    }
    %barrier3A_40 = arith.constant 0 : index
    tpu.barrier barrier_id(%barrier3A_40)
    %eq3A_41 = arith.constant 0 : i32
    %eq3A_42 = arith.cmpi eq, %arg0, %eq3A_41 : i32
    %convert_element_type3A_43 = arith.extui %eq3A_42 : i1 to i32
    %cond3A_44 = arith.constant 0 : i32
    %cond3A_45 = arith.cmpi ne, %convert_element_type3A_43, %cond3A_44 : i32
    scf.if %cond3A_45 {
      "tpu.region"() ({
        %run_scoped3A_46 = tpu.sem_alloc : memref<!tpu.dma_semaphore, #tpu.memory_space<semaphore_mem>>
        %dma_start3A = arith.constant 0 : i32
        %dma_start3A_47 = arith.constant 0 : i32
        %dma_start3A_48 = tpu.memref_slice %arg6[%arg0, %dma_start3A, %dma_start3A_47] : memref<2x10240x128xf32, #tpu.memory_space<hbm>> -> memref<1x10240x128xf32, #tpu.memory_space<hbm>>
        %dma_start3A_49 = tpu.memref_squeeze %dma_start3A_48 : memref<1x10240x128xf32, #tpu.memory_space<hbm>> -> memref<10240x128xf32, #tpu.memory_space<hbm>>
        %dma_start3A_50 = arith.constant 0 : i32
        %dma_start3A_51 = tpu.memref_slice %dma_start3A_49[%mul3A_6, %dma_start3A_50] : memref<10240x128xf32, #tpu.memory_space<hbm>> -> memref<640x128xf32, #tpu.memory_space<hbm>>
        %dma_start3A_52 = arith.constant 0 : i32
        %dma_start3A_53 = tpu.memref_slice %arg14[%mul3A_6, %dma_start3A_52] : memref<10240x128xf32, #tpu.memory_space<vmem_shared>> -> memref<640x128xf32, #tpu.memory_space<vmem_shared>>
        tpu.enqueue_dma source(%dma_start3A_53 : memref<640x128xf32, #tpu.memory_space<vmem_shared>>) target(%dma_start3A_51 : memref<640x128xf32, #tpu.memory_space<hbm>>) target_semaphore(%run_scoped3A_46 : memref<!tpu.dma_semaphore, #tpu.memory_space<semaphore_mem>>)
        %dma_wait3A = arith.constant 0 : i32
        %dma_wait3A_54 = arith.constant 0 : i32
        %dma_wait3A_55 = tpu.memref_slice %arg6[%arg0, %dma_wait3A, %dma_wait3A_54] : memref<2x10240x128xf32, #tpu.memory_space<hbm>> -> memref<1x10240x128xf32, #tpu.memory_space<hbm>>
        %dma_wait3A_56 = tpu.memref_squeeze %dma_wait3A_55 : memref<1x10240x128xf32, #tpu.memory_space<hbm>> -> memref<10240x128xf32, #tpu.memory_space<hbm>>
        %dma_wait3A_57 = arith.constant 0 : i32
        %dma_wait3A_58 = tpu.memref_slice %dma_wait3A_56[%mul3A_6, %dma_wait3A_57] : memref<10240x128xf32, #tpu.memory_space<hbm>> -> memref<640x128xf32, #tpu.memory_space<hbm>>
        %dma_wait3A_59 = arith.constant 0 : i32
        %dma_wait3A_60 = tpu.memref_slice %arg14[%mul3A_6, %dma_wait3A_59] : memref<10240x128xf32, #tpu.memory_space<vmem_shared>> -> memref<640x128xf32, #tpu.memory_space<vmem_shared>>
        tpu.wait_dma2 semaphore(%run_scoped3A_46 : memref<!tpu.dma_semaphore, #tpu.memory_space<semaphore_mem>>) src(%dma_wait3A_60 : memref<640x128xf32, #tpu.memory_space<vmem_shared>>) dst(%dma_wait3A_58 : memref<640x128xf32, #tpu.memory_space<hbm>>)
        tpu.yield
      }) : () -> ()
    } else {
    }
    return
  }
}

#map = affine_map<(d0, d1) -> (0, 0, 0)>
module attributes {stable_mosaic.version = 14 : i64} {
  func.func @body(%arg0: i32, %arg1: i32, %arg2: memref<32x79x128xi32, #tpu.memory_space<hbm>>, %arg3: memref<2x1x10240xf32, #tpu.memory_space<hbm>>, %arg4: memref<79x128xi32, #tpu.memory_space<vmem>>, %arg5: memref<16x5120xf32, #tpu.memory_space<vmem>>, %arg6: memref<5120xf32, #tpu.memory_space<vmem>>, %arg7: memref<16x640xf32, #tpu.memory_space<vmem>>, %arg8: memref<!tpu.dma_semaphore, #tpu.memory_space<semaphore_mem>>, %arg9: memref<16x1x10240xf32, #tpu.memory_space<vmem_shared>>) attributes {dimension_semantics = [#tpu.dimension_semantics<core_parallel>, #tpu.dimension_semantics<subcore_parallel>], iteration_bounds = array<i64: 2, 16>, scalar_prefetch = 0 : i64, scratch_operands = 6 : i64, tpu.core_type = #tpu.core_type<sc_vector_subcore>, window_params = [{transform_indices = #map}, {transform_indices = #map}]} {
    %mul3A = arith.constant 2 : i32
    %mul3A_0 = arith.muli %arg1, %mul3A : i32
    %add3A = arith.addi %mul3A_0, %arg0 : i32
    "tpu.region"() ({
      %run_scoped3A_230 = tpu.sem_alloc : memref<!tpu.dma_semaphore, #tpu.memory_space<semaphore_mem>>
      %dma_start3A = arith.constant 0 : i32
      %dma_start3A_231 = arith.constant 0 : i32
      %dma_start3A_232 = tpu.memref_slice %arg2[%add3A, %dma_start3A, %dma_start3A_231] : memref<32x79x128xi32, #tpu.memory_space<hbm>> -> memref<1x79x128xi32, #tpu.memory_space<hbm>>
      %dma_start3A_233 = tpu.memref_squeeze %dma_start3A_232 : memref<1x79x128xi32, #tpu.memory_space<hbm>> -> memref<79x128xi32, #tpu.memory_space<hbm>>
      %dma_start3A_234 = arith.constant 0 : i32
      %dma_start3A_235 = arith.constant 0 : i32
      %dma_start3A_236 = tpu.memref_slice %arg2[%add3A, %dma_start3A_234, %dma_start3A_235] : memref<32x79x128xi32, #tpu.memory_space<hbm>> -> memref<1x79x128xi32, #tpu.memory_space<hbm>>
      %dma_start3A_237 = tpu.memref_squeeze %dma_start3A_236 : memref<1x79x128xi32, #tpu.memory_space<hbm>> -> memref<79x128xi32, #tpu.memory_space<hbm>>
      tpu.enqueue_dma source(%dma_start3A_237 : memref<79x128xi32, #tpu.memory_space<hbm>>) target(%arg4 : memref<79x128xi32, #tpu.memory_space<vmem>>) target_semaphore(%run_scoped3A_230 : memref<!tpu.dma_semaphore, #tpu.memory_space<semaphore_mem>>)
      %dma_wait3A = arith.constant 0 : i32
      %dma_wait3A_238 = arith.constant 0 : i32
      %dma_wait3A_239 = tpu.memref_slice %arg2[%add3A, %dma_wait3A, %dma_wait3A_238] : memref<32x79x128xi32, #tpu.memory_space<hbm>> -> memref<1x79x128xi32, #tpu.memory_space<hbm>>
      %dma_wait3A_240 = tpu.memref_squeeze %dma_wait3A_239 : memref<1x79x128xi32, #tpu.memory_space<hbm>> -> memref<79x128xi32, #tpu.memory_space<hbm>>
      %dma_wait3A_241 = arith.constant 0 : i32
      %dma_wait3A_242 = arith.constant 0 : i32
      %dma_wait3A_243 = tpu.memref_slice %arg2[%add3A, %dma_wait3A_241, %dma_wait3A_242] : memref<32x79x128xi32, #tpu.memory_space<hbm>> -> memref<1x79x128xi32, #tpu.memory_space<hbm>>
      %dma_wait3A_244 = tpu.memref_squeeze %dma_wait3A_243 : memref<1x79x128xi32, #tpu.memory_space<hbm>> -> memref<79x128xi32, #tpu.memory_space<hbm>>
      tpu.wait_dma2 semaphore(%run_scoped3A_230 : memref<!tpu.dma_semaphore, #tpu.memory_space<semaphore_mem>>) src(%dma_wait3A_244 : memref<79x128xi32, #tpu.memory_space<hbm>>) dst(%arg4 : memref<79x128xi32, #tpu.memory_space<vmem>>)
      tpu.yield
    }) : () -> ()
    %iota3A = tpu.iota {dimensions = array<i32: 0>} : vector<16xi32>
    %broadcast_in_dim3A = arith.constant 1.000000e+00 : f32
    %broadcast_in_dim3A_1 = vector.broadcast %broadcast_in_dim3A : f32 to vector<16xf32>
    %broadcast_in_dim3A_2 = arith.constant 0.000000e+00 : f32
    %broadcast_in_dim3A_3 = vector.broadcast %broadcast_in_dim3A_2 : f32 to vector<16xf32>
    %scan3A = arith.constant 0 : i32
    %scan3A_4 = arith.constant 0 : i32
    %scan3A_5 = arith.constant 320 : i32
    %scan3A_6 = arith.addi %scan3A_4, %scan3A_5 : i32
    %scan3A_7 = arith.constant 1 : i32
    scf.for %scan3A_230 = %scan3A_4 to %scan3A_6 step %scan3A_7  : i32 {
      %mul3A_231 = arith.constant 16 : i32
      %mul3A_232 = arith.muli %scan3A_230, %mul3A_231 : i32
      %swap3A = arith.index_cast %scan3A : i32 to index
      %swap3A_233 = arith.index_cast %mul3A_232 : i32 to index
      %swap3A_234 = tpu.vector_load %arg5[%swap3A, %swap3A_233] {strides = array<i32>} : memref<16x5120xf32, #tpu.memory_space<vmem>>, vector<16xf32>,
      tpu.vector_store %arg5[%swap3A, %swap3A_233], %broadcast_in_dim3A_3 {strides = array<i32>} : memref<16x5120xf32, #tpu.memory_space<vmem>>, vector<16xf32>,
    }
    %scan3A_8 = arith.constant 320 : i32
    %scan3A_9 = arith.constant 1 : i32
    %scan3A_10 = arith.constant 0 : i32
    %scan3A_11 = arith.constant 320 : i32
    %scan3A_12 = arith.addi %scan3A_10, %scan3A_11 : i32
    %scan3A_13 = arith.constant 1 : i32
    scf.for %scan3A_230 = %scan3A_10 to %scan3A_12 step %scan3A_13  : i32 {
      %mul3A_231 = arith.constant 16 : i32
      %mul3A_232 = arith.muli %scan3A_230, %mul3A_231 : i32
      %swap3A = arith.index_cast %scan3A_9 : i32 to index
      %swap3A_233 = arith.index_cast %mul3A_232 : i32 to index
      %swap3A_234 = tpu.vector_load %arg5[%swap3A, %swap3A_233] {strides = array<i32>} : memref<16x5120xf32, #tpu.memory_space<vmem>>, vector<16xf32>,
      tpu.vector_store %arg5[%swap3A, %swap3A_233], %broadcast_in_dim3A_3 {strides = array<i32>} : memref<16x5120xf32, #tpu.memory_space<vmem>>, vector<16xf32>,
    }
    %scan3A_14 = arith.constant 320 : i32
    %scan3A_15 = arith.constant 2 : i32
    %scan3A_16 = arith.constant 0 : i32
    %scan3A_17 = arith.constant 320 : i32
    %scan3A_18 = arith.addi %scan3A_16, %scan3A_17 : i32
    %scan3A_19 = arith.constant 1 : i32
    scf.for %scan3A_230 = %scan3A_16 to %scan3A_18 step %scan3A_19  : i32 {
      %mul3A_231 = arith.constant 16 : i32
      %mul3A_232 = arith.muli %scan3A_230, %mul3A_231 : i32
      %swap3A = arith.index_cast %scan3A_15 : i32 to index
      %swap3A_233 = arith.index_cast %mul3A_232 : i32 to index
      %swap3A_234 = tpu.vector_load %arg5[%swap3A, %swap3A_233] {strides = array<i32>} : memref<16x5120xf32, #tpu.memory_space<vmem>>, vector<16xf32>,
      tpu.vector_store %arg5[%swap3A, %swap3A_233], %broadcast_in_dim3A_3 {strides = array<i32>} : memref<16x5120xf32, #tpu.memory_space<vmem>>, vector<16xf32>,
    }
    %scan3A_20 = arith.constant 320 : i32
    %scan3A_21 = arith.constant 3 : i32
    %scan3A_22 = arith.constant 0 : i32
    %scan3A_23 = arith.constant 320 : i32
    %scan3A_24 = arith.addi %scan3A_22, %scan3A_23 : i32
    %scan3A_25 = arith.constant 1 : i32
    scf.for %scan3A_230 = %scan3A_22 to %scan3A_24 step %scan3A_25  : i32 {
      %mul3A_231 = arith.constant 16 : i32
      %mul3A_232 = arith.muli %scan3A_230, %mul3A_231 : i32
      %swap3A = arith.index_cast %scan3A_21 : i32 to index
      %swap3A_233 = arith.index_cast %mul3A_232 : i32 to index
      %swap3A_234 = tpu.vector_load %arg5[%swap3A, %swap3A_233] {strides = array<i32>} : memref<16x5120xf32, #tpu.memory_space<vmem>>, vector<16xf32>,
      tpu.vector_store %arg5[%swap3A, %swap3A_233], %broadcast_in_dim3A_3 {strides = array<i32>} : memref<16x5120xf32, #tpu.memory_space<vmem>>, vector<16xf32>,
    }
    %scan3A_26 = arith.constant 320 : i32
    %scan3A_27 = arith.constant 4 : i32
    %scan3A_28 = arith.constant 0 : i32
    %scan3A_29 = arith.constant 320 : i32
    %scan3A_30 = arith.addi %scan3A_28, %scan3A_29 : i32
    %scan3A_31 = arith.constant 1 : i32
    scf.for %scan3A_230 = %scan3A_28 to %scan3A_30 step %scan3A_31  : i32 {
      %mul3A_231 = arith.constant 16 : i32
      %mul3A_232 = arith.muli %scan3A_230, %mul3A_231 : i32
      %swap3A = arith.index_cast %scan3A_27 : i32 to index
      %swap3A_233 = arith.index_cast %mul3A_232 : i32 to index
      %swap3A_234 = tpu.vector_load %arg5[%swap3A, %swap3A_233] {strides = array<i32>} : memref<16x5120xf32, #tpu.memory_space<vmem>>, vector<16xf32>,
      tpu.vector_store %arg5[%swap3A, %swap3A_233], %broadcast_in_dim3A_3 {strides = array<i32>} : memref<16x5120xf32, #tpu.memory_space<vmem>>, vector<16xf32>,
    }
    %scan3A_32 = arith.constant 320 : i32
    %scan3A_33 = arith.constant 5 : i32
    %scan3A_34 = arith.constant 0 : i32
    %scan3A_35 = arith.constant 320 : i32
    %scan3A_36 = arith.addi %scan3A_34, %scan3A_35 : i32
    %scan3A_37 = arith.constant 1 : i32
    scf.for %scan3A_230 = %scan3A_34 to %scan3A_36 step %scan3A_37  : i32 {
      %mul3A_231 = arith.constant 16 : i32
      %mul3A_232 = arith.muli %scan3A_230, %mul3A_231 : i32
      %swap3A = arith.index_cast %scan3A_33 : i32 to index
      %swap3A_233 = arith.index_cast %mul3A_232 : i32 to index
      %swap3A_234 = tpu.vector_load %arg5[%swap3A, %swap3A_233] {strides = array<i32>} : memref<16x5120xf32, #tpu.memory_space<vmem>>, vector<16xf32>,
      tpu.vector_store %arg5[%swap3A, %swap3A_233], %broadcast_in_dim3A_3 {strides = array<i32>} : memref<16x5120xf32, #tpu.memory_space<vmem>>, vector<16xf32>,
    }
    %scan3A_38 = arith.constant 320 : i32
    %scan3A_39 = arith.constant 6 : i32
    %scan3A_40 = arith.constant 0 : i32
    %scan3A_41 = arith.constant 320 : i32
    %scan3A_42 = arith.addi %scan3A_40, %scan3A_41 : i32
    %scan3A_43 = arith.constant 1 : i32
    scf.for %scan3A_230 = %scan3A_40 to %scan3A_42 step %scan3A_43  : i32 {
      %mul3A_231 = arith.constant 16 : i32
      %mul3A_232 = arith.muli %scan3A_230, %mul3A_231 : i32
      %swap3A = arith.index_cast %scan3A_39 : i32 to index
      %swap3A_233 = arith.index_cast %mul3A_232 : i32 to index
      %swap3A_234 = tpu.vector_load %arg5[%swap3A, %swap3A_233] {strides = array<i32>} : memref<16x5120xf32, #tpu.memory_space<vmem>>, vector<16xf32>,
      tpu.vector_store %arg5[%swap3A, %swap3A_233], %broadcast_in_dim3A_3 {strides = array<i32>} : memref<16x5120xf32, #tpu.memory_space<vmem>>, vector<16xf32>,
    }
    %scan3A_44 = arith.constant 320 : i32
    %scan3A_45 = arith.constant 7 : i32
    %scan3A_46 = arith.constant 0 : i32
    %scan3A_47 = arith.constant 320 : i32
    %scan3A_48 = arith.addi %scan3A_46, %scan3A_47 : i32
    %scan3A_49 = arith.constant 1 : i32
    scf.for %scan3A_230 = %scan3A_46 to %scan3A_48 step %scan3A_49  : i32 {
      %mul3A_231 = arith.constant 16 : i32
      %mul3A_232 = arith.muli %scan3A_230, %mul3A_231 : i32
      %swap3A = arith.index_cast %scan3A_45 : i32 to index
      %swap3A_233 = arith.index_cast %mul3A_232 : i32 to index
      %swap3A_234 = tpu.vector_load %arg5[%swap3A, %swap3A_233] {strides = array<i32>} : memref<16x5120xf32, #tpu.memory_space<vmem>>, vector<16xf32>,
      tpu.vector_store %arg5[%swap3A, %swap3A_233], %broadcast_in_dim3A_3 {strides = array<i32>} : memref<16x5120xf32, #tpu.memory_space<vmem>>, vector<16xf32>,
    }
    %scan3A_50 = arith.constant 320 : i32
    %scan3A_51 = arith.constant 8 : i32
    %scan3A_52 = arith.constant 0 : i32
    %scan3A_53 = arith.constant 320 : i32
    %scan3A_54 = arith.addi %scan3A_52, %scan3A_53 : i32
    %scan3A_55 = arith.constant 1 : i32
    scf.for %scan3A_230 = %scan3A_52 to %scan3A_54 step %scan3A_55  : i32 {
      %mul3A_231 = arith.constant 16 : i32
      %mul3A_232 = arith.muli %scan3A_230, %mul3A_231 : i32
      %swap3A = arith.index_cast %scan3A_51 : i32 to index
      %swap3A_233 = arith.index_cast %mul3A_232 : i32 to index
      %swap3A_234 = tpu.vector_load %arg5[%swap3A, %swap3A_233] {strides = array<i32>} : memref<16x5120xf32, #tpu.memory_space<vmem>>, vector<16xf32>,
      tpu.vector_store %arg5[%swap3A, %swap3A_233], %broadcast_in_dim3A_3 {strides = array<i32>} : memref<16x5120xf32, #tpu.memory_space<vmem>>, vector<16xf32>,
    }
    %scan3A_56 = arith.constant 320 : i32
    %scan3A_57 = arith.constant 9 : i32
    %scan3A_58 = arith.constant 0 : i32
    %scan3A_59 = arith.constant 320 : i32
    %scan3A_60 = arith.addi %scan3A_58, %scan3A_59 : i32
    %scan3A_61 = arith.constant 1 : i32
    scf.for %scan3A_230 = %scan3A_58 to %scan3A_60 step %scan3A_61  : i32 {
      %mul3A_231 = arith.constant 16 : i32
      %mul3A_232 = arith.muli %scan3A_230, %mul3A_231 : i32
      %swap3A = arith.index_cast %scan3A_57 : i32 to index
      %swap3A_233 = arith.index_cast %mul3A_232 : i32 to index
      %swap3A_234 = tpu.vector_load %arg5[%swap3A, %swap3A_233] {strides = array<i32>} : memref<16x5120xf32, #tpu.memory_space<vmem>>, vector<16xf32>,
      tpu.vector_store %arg5[%swap3A, %swap3A_233], %broadcast_in_dim3A_3 {strides = array<i32>} : memref<16x5120xf32, #tpu.memory_space<vmem>>, vector<16xf32>,
    }
    %scan3A_62 = arith.constant 320 : i32
    %scan3A_63 = arith.constant 10 : i32
    %scan3A_64 = arith.constant 0 : i32
    %scan3A_65 = arith.constant 320 : i32
    %scan3A_66 = arith.addi %scan3A_64, %scan3A_65 : i32
    %scan3A_67 = arith.constant 1 : i32
    scf.for %scan3A_230 = %scan3A_64 to %scan3A_66 step %scan3A_67  : i32 {
      %mul3A_231 = arith.constant 16 : i32
      %mul3A_232 = arith.muli %scan3A_230, %mul3A_231 : i32
      %swap3A = arith.index_cast %scan3A_63 : i32 to index
      %swap3A_233 = arith.index_cast %mul3A_232 : i32 to index
      %swap3A_234 = tpu.vector_load %arg5[%swap3A, %swap3A_233] {strides = array<i32>} : memref<16x5120xf32, #tpu.memory_space<vmem>>, vector<16xf32>,
      tpu.vector_store %arg5[%swap3A, %swap3A_233], %broadcast_in_dim3A_3 {strides = array<i32>} : memref<16x5120xf32, #tpu.memory_space<vmem>>, vector<16xf32>,
    }
    %scan3A_68 = arith.constant 320 : i32
    %scan3A_69 = arith.constant 11 : i32
    %scan3A_70 = arith.constant 0 : i32
    %scan3A_71 = arith.constant 320 : i32
    %scan3A_72 = arith.addi %scan3A_70, %scan3A_71 : i32
    %scan3A_73 = arith.constant 1 : i32
    scf.for %scan3A_230 = %scan3A_70 to %scan3A_72 step %scan3A_73  : i32 {
      %mul3A_231 = arith.constant 16 : i32
      %mul3A_232 = arith.muli %scan3A_230, %mul3A_231 : i32
      %swap3A = arith.index_cast %scan3A_69 : i32 to index
      %swap3A_233 = arith.index_cast %mul3A_232 : i32 to index
      %swap3A_234 = tpu.vector_load %arg5[%swap3A, %swap3A_233] {strides = array<i32>} : memref<16x5120xf32, #tpu.memory_space<vmem>>, vector<16xf32>,
      tpu.vector_store %arg5[%swap3A, %swap3A_233], %broadcast_in_dim3A_3 {strides = array<i32>} : memref<16x5120xf32, #tpu.memory_space<vmem>>, vector<16xf32>,
    }
    %scan3A_74 = arith.constant 320 : i32
    %scan3A_75 = arith.constant 12 : i32
    %scan3A_76 = arith.constant 0 : i32
    %scan3A_77 = arith.constant 320 : i32
    %scan3A_78 = arith.addi %scan3A_76, %scan3A_77 : i32
    %scan3A_79 = arith.constant 1 : i32
    scf.for %scan3A_230 = %scan3A_76 to %scan3A_78 step %scan3A_79  : i32 {
      %mul3A_231 = arith.constant 16 : i32
      %mul3A_232 = arith.muli %scan3A_230, %mul3A_231 : i32
      %swap3A = arith.index_cast %scan3A_75 : i32 to index
      %swap3A_233 = arith.index_cast %mul3A_232 : i32 to index
      %swap3A_234 = tpu.vector_load %arg5[%swap3A, %swap3A_233] {strides = array<i32>} : memref<16x5120xf32, #tpu.memory_space<vmem>>, vector<16xf32>,
      tpu.vector_store %arg5[%swap3A, %swap3A_233], %broadcast_in_dim3A_3 {strides = array<i32>} : memref<16x5120xf32, #tpu.memory_space<vmem>>, vector<16xf32>,
    }
    %scan3A_80 = arith.constant 320 : i32
    %scan3A_81 = arith.constant 13 : i32
    %scan3A_82 = arith.constant 0 : i32
    %scan3A_83 = arith.constant 320 : i32
    %scan3A_84 = arith.addi %scan3A_82, %scan3A_83 : i32
    %scan3A_85 = arith.constant 1 : i32
    scf.for %scan3A_230 = %scan3A_82 to %scan3A_84 step %scan3A_85  : i32 {
      %mul3A_231 = arith.constant 16 : i32
      %mul3A_232 = arith.muli %scan3A_230, %mul3A_231 : i32
      %swap3A = arith.index_cast %scan3A_81 : i32 to index
      %swap3A_233 = arith.index_cast %mul3A_232 : i32 to index
      %swap3A_234 = tpu.vector_load %arg5[%swap3A, %swap3A_233] {strides = array<i32>} : memref<16x5120xf32, #tpu.memory_space<vmem>>, vector<16xf32>,
      tpu.vector_store %arg5[%swap3A, %swap3A_233], %broadcast_in_dim3A_3 {strides = array<i32>} : memref<16x5120xf32, #tpu.memory_space<vmem>>, vector<16xf32>,
    }
    %scan3A_86 = arith.constant 320 : i32
    %scan3A_87 = arith.constant 14 : i32
    %scan3A_88 = arith.constant 0 : i32
    %scan3A_89 = arith.constant 320 : i32
    %scan3A_90 = arith.addi %scan3A_88, %scan3A_89 : i32
    %scan3A_91 = arith.constant 1 : i32
    scf.for %scan3A_230 = %scan3A_88 to %scan3A_90 step %scan3A_91  : i32 {
      %mul3A_231 = arith.constant 16 : i32
      %mul3A_232 = arith.muli %scan3A_230, %mul3A_231 : i32
      %swap3A = arith.index_cast %scan3A_87 : i32 to index
      %swap3A_233 = arith.index_cast %mul3A_232 : i32 to index
      %swap3A_234 = tpu.vector_load %arg5[%swap3A, %swap3A_233] {strides = array<i32>} : memref<16x5120xf32, #tpu.memory_space<vmem>>, vector<16xf32>,
      tpu.vector_store %arg5[%swap3A, %swap3A_233], %broadcast_in_dim3A_3 {strides = array<i32>} : memref<16x5120xf32, #tpu.memory_space<vmem>>, vector<16xf32>,
    }
    %scan3A_92 = arith.constant 320 : i32
    %scan3A_93 = arith.constant 15 : i32
    %scan3A_94 = arith.constant 0 : i32
    %scan3A_95 = arith.constant 320 : i32
    %scan3A_96 = arith.addi %scan3A_94, %scan3A_95 : i32
    %scan3A_97 = arith.constant 1 : i32
    scf.for %scan3A_230 = %scan3A_94 to %scan3A_96 step %scan3A_97  : i32 {
      %mul3A_231 = arith.constant 16 : i32
      %mul3A_232 = arith.muli %scan3A_230, %mul3A_231 : i32
      %swap3A = arith.index_cast %scan3A_93 : i32 to index
      %swap3A_233 = arith.index_cast %mul3A_232 : i32 to index
      %swap3A_234 = tpu.vector_load %arg5[%swap3A, %swap3A_233] {strides = array<i32>} : memref<16x5120xf32, #tpu.memory_space<vmem>>, vector<16xf32>,
      tpu.vector_store %arg5[%swap3A, %swap3A_233], %broadcast_in_dim3A_3 {strides = array<i32>} : memref<16x5120xf32, #tpu.memory_space<vmem>>, vector<16xf32>,
    }
    %scan3A_98 = arith.constant 320 : i32
    %scan3A_99 = arith.constant 0 : i32
    %scan3A_100 = arith.constant 0 : i32
    %scan3A_101 = arith.constant 79 : i32
    %scan3A_102 = arith.addi %scan3A_100, %scan3A_101 : i32
    %scan3A_103 = arith.constant 1 : i32
    scf.for %scan3A_230 = %scan3A_100 to %scan3A_102 step %scan3A_103  : i32 {
      %get3A = arith.index_cast %scan3A_230 : i32 to index
      %get3A_231 = arith.constant 0 : index
      %get3A_232 = tpu.vector_load %arg4[%get3A, %get3A_231] {strides = array<i32>} : memref<79x128xi32, #tpu.memory_space<vmem>>, vector<16xi32>,
      %sub3A = arith.constant 0 : i32
      %sub3A_233 = vector.broadcast %sub3A : i32 to vector<16xi32>
      %sub3A_234 = arith.subi %get3A_232, %sub3A_233 : vector<16xi32>
      %ge3A = arith.constant 0 : i32
      %ge3A_235 = vector.broadcast %ge3A : i32 to vector<16xi32>
      %ge3A_236 = arith.cmpi sge, %sub3A_234, %ge3A_235 : vector<16xi32>
      %lt3A = arith.constant 5120 : i32
      %lt3A_237 = vector.broadcast %lt3A : i32 to vector<16xi32>
      %lt3A_238 = arith.cmpi slt, %sub3A_234, %lt3A_237 : vector<16xi32>
      %and3A = arith.andi %ge3A_236, %lt3A_238 : vector<16xi1>
      %max3A = arith.constant 0 : i32
      %max3A_239 = vector.broadcast %max3A : i32 to vector<16xi32>
      %max3A_240 = arith.maxsi %sub3A_234, %max3A_239 : vector<16xi32>
      %min3A = arith.constant 5119 : i32
      %min3A_241 = vector.broadcast %min3A : i32 to vector<16xi32>
      %min3A_242 = arith.minsi %max3A_240, %min3A_241 : vector<16xi32>
      tpu.vector_store_idx %arg5[%iota3A, %min3A_242], %broadcast_in_dim3A_1 masked %and3A {add = true} : memref<16x5120xf32, #tpu.memory_space<vmem>>[vector<16xi32>, vector<16xi32>], vector<16xf32>, vector<16xi1>
      %get3A_243 = arith.index_cast %scan3A_230 : i32 to index
      %get3A_244 = arith.constant 16 : index
      %get3A_245 = tpu.vector_load %arg4[%get3A_243, %get3A_244] {strides = array<i32>} : memref<79x128xi32, #tpu.memory_space<vmem>>, vector<16xi32>,
      %sub3A_246 = arith.constant 0 : i32
      %sub3A_247 = vector.broadcast %sub3A_246 : i32 to vector<16xi32>
      %sub3A_248 = arith.subi %get3A_245, %sub3A_247 : vector<16xi32>
      %ge3A_249 = arith.constant 0 : i32
      %ge3A_250 = vector.broadcast %ge3A_249 : i32 to vector<16xi32>
      %ge3A_251 = arith.cmpi sge, %sub3A_248, %ge3A_250 : vector<16xi32>
      %lt3A_252 = arith.constant 5120 : i32
      %lt3A_253 = vector.broadcast %lt3A_252 : i32 to vector<16xi32>
      %lt3A_254 = arith.cmpi slt, %sub3A_248, %lt3A_253 : vector<16xi32>
      %and3A_255 = arith.andi %ge3A_251, %lt3A_254 : vector<16xi1>
      %max3A_256 = arith.constant 0 : i32
      %max3A_257 = vector.broadcast %max3A_256 : i32 to vector<16xi32>
      %max3A_258 = arith.maxsi %sub3A_248, %max3A_257 : vector<16xi32>
      %min3A_259 = arith.constant 5119 : i32
      %min3A_260 = vector.broadcast %min3A_259 : i32 to vector<16xi32>
      %min3A_261 = arith.minsi %max3A_258, %min3A_260 : vector<16xi32>
      tpu.vector_store_idx %arg5[%iota3A, %min3A_261], %broadcast_in_dim3A_1 masked %and3A_255 {add = true} : memref<16x5120xf32, #tpu.memory_space<vmem>>[vector<16xi32>, vector<16xi32>], vector<16xf32>, vector<16xi1>
      %get3A_262 = arith.index_cast %scan3A_230 : i32 to index
      %get3A_263 = arith.constant 32 : index
      %get3A_264 = tpu.vector_load %arg4[%get3A_262, %get3A_263] {strides = array<i32>} : memref<79x128xi32, #tpu.memory_space<vmem>>, vector<16xi32>,
      %sub3A_265 = arith.constant 0 : i32
      %sub3A_266 = vector.broadcast %sub3A_265 : i32 to vector<16xi32>
      %sub3A_267 = arith.subi %get3A_264, %sub3A_266 : vector<16xi32>
      %ge3A_268 = arith.constant 0 : i32
      %ge3A_269 = vector.broadcast %ge3A_268 : i32 to vector<16xi32>
      %ge3A_270 = arith.cmpi sge, %sub3A_267, %ge3A_269 : vector<16xi32>
      %lt3A_271 = arith.constant 5120 : i32
      %lt3A_272 = vector.broadcast %lt3A_271 : i32 to vector<16xi32>
      %lt3A_273 = arith.cmpi slt, %sub3A_267, %lt3A_272 : vector<16xi32>
      %and3A_274 = arith.andi %ge3A_270, %lt3A_273 : vector<16xi1>
      %max3A_275 = arith.constant 0 : i32
      %max3A_276 = vector.broadcast %max3A_275 : i32 to vector<16xi32>
      %max3A_277 = arith.maxsi %sub3A_267, %max3A_276 : vector<16xi32>
      %min3A_278 = arith.constant 5119 : i32
      %min3A_279 = vector.broadcast %min3A_278 : i32 to vector<16xi32>
      %min3A_280 = arith.minsi %max3A_277, %min3A_279 : vector<16xi32>
      tpu.vector_store_idx %arg5[%iota3A, %min3A_280], %broadcast_in_dim3A_1 masked %and3A_274 {add = true} : memref<16x5120xf32, #tpu.memory_space<vmem>>[vector<16xi32>, vector<16xi32>], vector<16xf32>, vector<16xi1>
      %get3A_281 = arith.index_cast %scan3A_230 : i32 to index
      %get3A_282 = arith.constant 48 : index
      %get3A_283 = tpu.vector_load %arg4[%get3A_281, %get3A_282] {strides = array<i32>} : memref<79x128xi32, #tpu.memory_space<vmem>>, vector<16xi32>,
      %sub3A_284 = arith.constant 0 : i32
      %sub3A_285 = vector.broadcast %sub3A_284 : i32 to vector<16xi32>
      %sub3A_286 = arith.subi %get3A_283, %sub3A_285 : vector<16xi32>
      %ge3A_287 = arith.constant 0 : i32
      %ge3A_288 = vector.broadcast %ge3A_287 : i32 to vector<16xi32>
      %ge3A_289 = arith.cmpi sge, %sub3A_286, %ge3A_288 : vector<16xi32>
      %lt3A_290 = arith.constant 5120 : i32
      %lt3A_291 = vector.broadcast %lt3A_290 : i32 to vector<16xi32>
      %lt3A_292 = arith.cmpi slt, %sub3A_286, %lt3A_291 : vector<16xi32>
      %and3A_293 = arith.andi %ge3A_289, %lt3A_292 : vector<16xi1>
      %max3A_294 = arith.constant 0 : i32
      %max3A_295 = vector.broadcast %max3A_294 : i32 to vector<16xi32>
      %max3A_296 = arith.maxsi %sub3A_286, %max3A_295 : vector<16xi32>
      %min3A_297 = arith.constant 5119 : i32
      %min3A_298 = vector.broadcast %min3A_297 : i32 to vector<16xi32>
      %min3A_299 = arith.minsi %max3A_296, %min3A_298 : vector<16xi32>
      tpu.vector_store_idx %arg5[%iota3A, %min3A_299], %broadcast_in_dim3A_1 masked %and3A_293 {add = true} : memref<16x5120xf32, #tpu.memory_space<vmem>>[vector<16xi32>, vector<16xi32>], vector<16xf32>, vector<16xi1>
      %get3A_300 = arith.index_cast %scan3A_230 : i32 to index
      %get3A_301 = arith.constant 64 : index
      %get3A_302 = tpu.vector_load %arg4[%get3A_300, %get3A_301] {strides = array<i32>} : memref<79x128xi32, #tpu.memory_space<vmem>>, vector<16xi32>,
      %sub3A_303 = arith.constant 0 : i32
      %sub3A_304 = vector.broadcast %sub3A_303 : i32 to vector<16xi32>
      %sub3A_305 = arith.subi %get3A_302, %sub3A_304 : vector<16xi32>
      %ge3A_306 = arith.constant 0 : i32
      %ge3A_307 = vector.broadcast %ge3A_306 : i32 to vector<16xi32>
      %ge3A_308 = arith.cmpi sge, %sub3A_305, %ge3A_307 : vector<16xi32>
      %lt3A_309 = arith.constant 5120 : i32
      %lt3A_310 = vector.broadcast %lt3A_309 : i32 to vector<16xi32>
      %lt3A_311 = arith.cmpi slt, %sub3A_305, %lt3A_310 : vector<16xi32>
      %and3A_312 = arith.andi %ge3A_308, %lt3A_311 : vector<16xi1>
      %max3A_313 = arith.constant 0 : i32
      %max3A_314 = vector.broadcast %max3A_313 : i32 to vector<16xi32>
      %max3A_315 = arith.maxsi %sub3A_305, %max3A_314 : vector<16xi32>
      %min3A_316 = arith.constant 5119 : i32
      %min3A_317 = vector.broadcast %min3A_316 : i32 to vector<16xi32>
      %min3A_318 = arith.minsi %max3A_315, %min3A_317 : vector<16xi32>
      tpu.vector_store_idx %arg5[%iota3A, %min3A_318], %broadcast_in_dim3A_1 masked %and3A_312 {add = true} : memref<16x5120xf32, #tpu.memory_space<vmem>>[vector<16xi32>, vector<16xi32>], vector<16xf32>, vector<16xi1>
      %get3A_319 = arith.index_cast %scan3A_230 : i32 to index
      %get3A_320 = arith.constant 80 : index
      %get3A_321 = tpu.vector_load %arg4[%get3A_319, %get3A_320] {strides = array<i32>} : memref<79x128xi32, #tpu.memory_space<vmem>>, vector<16xi32>,
      %sub3A_322 = arith.constant 0 : i32
      %sub3A_323 = vector.broadcast %sub3A_322 : i32 to vector<16xi32>
      %sub3A_324 = arith.subi %get3A_321, %sub3A_323 : vector<16xi32>
      %ge3A_325 = arith.constant 0 : i32
      %ge3A_326 = vector.broadcast %ge3A_325 : i32 to vector<16xi32>
      %ge3A_327 = arith.cmpi sge, %sub3A_324, %ge3A_326 : vector<16xi32>
      %lt3A_328 = arith.constant 5120 : i32
      %lt3A_329 = vector.broadcast %lt3A_328 : i32 to vector<16xi32>
      %lt3A_330 = arith.cmpi slt, %sub3A_324, %lt3A_329 : vector<16xi32>
      %and3A_331 = arith.andi %ge3A_327, %lt3A_330 : vector<16xi1>
      %max3A_332 = arith.constant 0 : i32
      %max3A_333 = vector.broadcast %max3A_332 : i32 to vector<16xi32>
      %max3A_334 = arith.maxsi %sub3A_324, %max3A_333 : vector<16xi32>
      %min3A_335 = arith.constant 5119 : i32
      %min3A_336 = vector.broadcast %min3A_335 : i32 to vector<16xi32>
      %min3A_337 = arith.minsi %max3A_334, %min3A_336 : vector<16xi32>
      tpu.vector_store_idx %arg5[%iota3A, %min3A_337], %broadcast_in_dim3A_1 masked %and3A_331 {add = true} : memref<16x5120xf32, #tpu.memory_space<vmem>>[vector<16xi32>, vector<16xi32>], vector<16xf32>, vector<16xi1>
      %get3A_338 = arith.index_cast %scan3A_230 : i32 to index
      %get3A_339 = arith.constant 96 : index
      %get3A_340 = tpu.vector_load %arg4[%get3A_338, %get3A_339] {strides = array<i32>} : memref<79x128xi32, #tpu.memory_space<vmem>>, vector<16xi32>,
      %sub3A_341 = arith.constant 0 : i32
      %sub3A_342 = vector.broadcast %sub3A_341 : i32 to vector<16xi32>
      %sub3A_343 = arith.subi %get3A_340, %sub3A_342 : vector<16xi32>
      %ge3A_344 = arith.constant 0 : i32
      %ge3A_345 = vector.broadcast %ge3A_344 : i32 to vector<16xi32>
      %ge3A_346 = arith.cmpi sge, %sub3A_343, %ge3A_345 : vector<16xi32>
      %lt3A_347 = arith.constant 5120 : i32
      %lt3A_348 = vector.broadcast %lt3A_347 : i32 to vector<16xi32>
      %lt3A_349 = arith.cmpi slt, %sub3A_343, %lt3A_348 : vector<16xi32>
      %and3A_350 = arith.andi %ge3A_346, %lt3A_349 : vector<16xi1>
      %max3A_351 = arith.constant 0 : i32
      %max3A_352 = vector.broadcast %max3A_351 : i32 to vector<16xi32>
      %max3A_353 = arith.maxsi %sub3A_343, %max3A_352 : vector<16xi32>
      %min3A_354 = arith.constant 5119 : i32
      %min3A_355 = vector.broadcast %min3A_354 : i32 to vector<16xi32>
      %min3A_356 = arith.minsi %max3A_353, %min3A_355 : vector<16xi32>
      tpu.vector_store_idx %arg5[%iota3A, %min3A_356], %broadcast_in_dim3A_1 masked %and3A_350 {add = true} : memref<16x5120xf32, #tpu.memory_space<vmem>>[vector<16xi32>, vector<16xi32>], vector<16xf32>, vector<16xi1>
      %get3A_357 = arith.index_cast %scan3A_230 : i32 to index
      %get3A_358 = arith.constant 112 : index
      %get3A_359 = tpu.vector_load %arg4[%get3A_357, %get3A_358] {strides = array<i32>} : memref<79x128xi32, #tpu.memory_space<vmem>>, vector<16xi32>,
      %sub3A_360 = arith.constant 0 : i32
      %sub3A_361 = vector.broadcast %sub3A_360 : i32 to vector<16xi32>
      %sub3A_362 = arith.subi %get3A_359, %sub3A_361 : vector<16xi32>
      %ge3A_363 = arith.constant 0 : i32
      %ge3A_364 = vector.broadcast %ge3A_363 : i32 to vector<16xi32>
      %ge3A_365 = arith.cmpi sge, %sub3A_362, %ge3A_364 : vector<16xi32>
      %lt3A_366 = arith.constant 5120 : i32
      %lt3A_367 = vector.broadcast %lt3A_366 : i32 to vector<16xi32>
      %lt3A_368 = arith.cmpi slt, %sub3A_362, %lt3A_367 : vector<16xi32>
      %and3A_369 = arith.andi %ge3A_365, %lt3A_368 : vector<16xi1>
      %max3A_370 = arith.constant 0 : i32
      %max3A_371 = vector.broadcast %max3A_370 : i32 to vector<16xi32>
      %max3A_372 = arith.maxsi %sub3A_362, %max3A_371 : vector<16xi32>
      %min3A_373 = arith.constant 5119 : i32
      %min3A_374 = vector.broadcast %min3A_373 : i32 to vector<16xi32>
      %min3A_375 = arith.minsi %max3A_372, %min3A_374 : vector<16xi32>
      tpu.vector_store_idx %arg5[%iota3A, %min3A_375], %broadcast_in_dim3A_1 masked %and3A_369 {add = true} : memref<16x5120xf32, #tpu.memory_space<vmem>>[vector<16xi32>, vector<16xi32>], vector<16xf32>, vector<16xi1>
    }
    %scan3A_104 = arith.constant 79 : i32
    %scan3A_105 = arith.constant 0 : i32
    %scan3A_106 = arith.constant 0 : i32
    %scan3A_107 = arith.constant 320 : i32
    %scan3A_108 = arith.addi %scan3A_106, %scan3A_107 : i32
    %scan3A_109 = arith.constant 1 : i32
    scf.for %scan3A_230 = %scan3A_106 to %scan3A_108 step %scan3A_109  : i32 {
      %mul3A_231 = arith.constant 16 : i32
      %mul3A_232 = arith.muli %scan3A_230, %mul3A_231 : i32
      %get3A = arith.constant 0 : i32
      %get3A_233 = arith.index_cast %get3A : i32 to index
      %get3A_234 = arith.index_cast %mul3A_232 : i32 to index
      %get3A_235 = tpu.vector_load %arg5[%get3A_233, %get3A_234] {strides = array<i32>} : memref<16x5120xf32, #tpu.memory_space<vmem>>, vector<16xf32>,
      %get3A_236 = arith.constant 1 : i32
      %get3A_237 = arith.index_cast %get3A_236 : i32 to index
      %get3A_238 = arith.index_cast %mul3A_232 : i32 to index
      %get3A_239 = tpu.vector_load %arg5[%get3A_237, %get3A_238] {strides = array<i32>} : memref<16x5120xf32, #tpu.memory_space<vmem>>, vector<16xf32>,
      %add3A_240 = arith.addf %get3A_235, %get3A_239 : vector<16xf32>
      %get3A_241 = arith.constant 2 : i32
      %get3A_242 = arith.index_cast %get3A_241 : i32 to index
      %get3A_243 = arith.index_cast %mul3A_232 : i32 to index
      %get3A_244 = tpu.vector_load %arg5[%get3A_242, %get3A_243] {strides = array<i32>} : memref<16x5120xf32, #tpu.memory_space<vmem>>, vector<16xf32>,
      %add3A_245 = arith.addf %add3A_240, %get3A_244 : vector<16xf32>
      %get3A_246 = arith.constant 3 : i32
      %get3A_247 = arith.index_cast %get3A_246 : i32 to index
      %get3A_248 = arith.index_cast %mul3A_232 : i32 to index
      %get3A_249 = tpu.vector_load %arg5[%get3A_247, %get3A_248] {strides = array<i32>} : memref<16x5120xf32, #tpu.memory_space<vmem>>, vector<16xf32>,
      %add3A_250 = arith.addf %add3A_245, %get3A_249 : vector<16xf32>
      %get3A_251 = arith.constant 4 : i32
      %get3A_252 = arith.index_cast %get3A_251 : i32 to index
      %get3A_253 = arith.index_cast %mul3A_232 : i32 to index
      %get3A_254 = tpu.vector_load %arg5[%get3A_252, %get3A_253] {strides = array<i32>} : memref<16x5120xf32, #tpu.memory_space<vmem>>, vector<16xf32>,
      %add3A_255 = arith.addf %add3A_250, %get3A_254 : vector<16xf32>
      %get3A_256 = arith.constant 5 : i32
      %get3A_257 = arith.index_cast %get3A_256 : i32 to index
      %get3A_258 = arith.index_cast %mul3A_232 : i32 to index
      %get3A_259 = tpu.vector_load %arg5[%get3A_257, %get3A_258] {strides = array<i32>} : memref<16x5120xf32, #tpu.memory_space<vmem>>, vector<16xf32>,
      %add3A_260 = arith.addf %add3A_255, %get3A_259 : vector<16xf32>
      %get3A_261 = arith.constant 6 : i32
      %get3A_262 = arith.index_cast %get3A_261 : i32 to index
      %get3A_263 = arith.index_cast %mul3A_232 : i32 to index
      %get3A_264 = tpu.vector_load %arg5[%get3A_262, %get3A_263] {strides = array<i32>} : memref<16x5120xf32, #tpu.memory_space<vmem>>, vector<16xf32>,
      %add3A_265 = arith.addf %add3A_260, %get3A_264 : vector<16xf32>
      %get3A_266 = arith.constant 7 : i32
      %get3A_267 = arith.index_cast %get3A_266 : i32 to index
      %get3A_268 = arith.index_cast %mul3A_232 : i32 to index
      %get3A_269 = tpu.vector_load %arg5[%get3A_267, %get3A_268] {strides = array<i32>} : memref<16x5120xf32, #tpu.memory_space<vmem>>, vector<16xf32>,
      %add3A_270 = arith.addf %add3A_265, %get3A_269 : vector<16xf32>
      %get3A_271 = arith.constant 8 : i32
      %get3A_272 = arith.index_cast %get3A_271 : i32 to index
      %get3A_273 = arith.index_cast %mul3A_232 : i32 to index
      %get3A_274 = tpu.vector_load %arg5[%get3A_272, %get3A_273] {strides = array<i32>} : memref<16x5120xf32, #tpu.memory_space<vmem>>, vector<16xf32>,
      %add3A_275 = arith.addf %add3A_270, %get3A_274 : vector<16xf32>
      %get3A_276 = arith.constant 9 : i32
      %get3A_277 = arith.index_cast %get3A_276 : i32 to index
      %get3A_278 = arith.index_cast %mul3A_232 : i32 to index
      %get3A_279 = tpu.vector_load %arg5[%get3A_277, %get3A_278] {strides = array<i32>} : memref<16x5120xf32, #tpu.memory_space<vmem>>, vector<16xf32>,
      %add3A_280 = arith.addf %add3A_275, %get3A_279 : vector<16xf32>
      %get3A_281 = arith.constant 10 : i32
      %get3A_282 = arith.index_cast %get3A_281 : i32 to index
      %get3A_283 = arith.index_cast %mul3A_232 : i32 to index
      %get3A_284 = tpu.vector_load %arg5[%get3A_282, %get3A_283] {strides = array<i32>} : memref<16x5120xf32, #tpu.memory_space<vmem>>, vector<16xf32>,
      %add3A_285 = arith.addf %add3A_280, %get3A_284 : vector<16xf32>
      %get3A_286 = arith.constant 11 : i32
      %get3A_287 = arith.index_cast %get3A_286 : i32 to index
      %get3A_288 = arith.index_cast %mul3A_232 : i32 to index
      %get3A_289 = tpu.vector_load %arg5[%get3A_287, %get3A_288] {strides = array<i32>} : memref<16x5120xf32, #tpu.memory_space<vmem>>, vector<16xf32>,
      %add3A_290 = arith.addf %add3A_285, %get3A_289 : vector<16xf32>
      %get3A_291 = arith.constant 12 : i32
      %get3A_292 = arith.index_cast %get3A_291 : i32 to index
      %get3A_293 = arith.index_cast %mul3A_232 : i32 to index
      %get3A_294 = tpu.vector_load %arg5[%get3A_292, %get3A_293] {strides = array<i32>} : memref<16x5120xf32, #tpu.memory_space<vmem>>, vector<16xf32>,
      %add3A_295 = arith.addf %add3A_290, %get3A_294 : vector<16xf32>
      %get3A_296 = arith.constant 13 : i32
      %get3A_297 = arith.index_cast %get3A_296 : i32 to index
      %get3A_298 = arith.index_cast %mul3A_232 : i32 to index
      %get3A_299 = tpu.vector_load %arg5[%get3A_297, %get3A_298] {strides = array<i32>} : memref<16x5120xf32, #tpu.memory_space<vmem>>, vector<16xf32>,
      %add3A_300 = arith.addf %add3A_295, %get3A_299 : vector<16xf32>
      %get3A_301 = arith.constant 14 : i32
      %get3A_302 = arith.index_cast %get3A_301 : i32 to index
      %get3A_303 = arith.index_cast %mul3A_232 : i32 to index
      %get3A_304 = tpu.vector_load %arg5[%get3A_302, %get3A_303] {strides = array<i32>} : memref<16x5120xf32, #tpu.memory_space<vmem>>, vector<16xf32>,
      %add3A_305 = arith.addf %add3A_300, %get3A_304 : vector<16xf32>
      %get3A_306 = arith.constant 15 : i32
      %get3A_307 = arith.index_cast %get3A_306 : i32 to index
      %get3A_308 = arith.index_cast %mul3A_232 : i32 to index
      %get3A_309 = tpu.vector_load %arg5[%get3A_307, %get3A_308] {strides = array<i32>} : memref<16x5120xf32, #tpu.memory_space<vmem>>, vector<16xf32>,
      %add3A_310 = arith.addf %add3A_305, %get3A_309 : vector<16xf32>
      %swap3A = arith.index_cast %mul3A_232 : i32 to index
      %swap3A_311 = tpu.vector_load %arg6[%swap3A] {strides = array<i32>} : memref<5120xf32, #tpu.memory_space<vmem>>, vector<16xf32>,
      tpu.vector_store %arg6[%swap3A], %add3A_310 {strides = array<i32>} : memref<5120xf32, #tpu.memory_space<vmem>>, vector<16xf32>,
    }
    %scan3A_110 = arith.constant 320 : i32
    %run_scoped3A = arith.constant 0 : i32
    "tpu.region"() ({
      %run_scoped3A_230 = tpu.sem_alloc : memref<!tpu.dma_semaphore, #tpu.memory_space<semaphore_mem>>
      %dma_start3A = arith.constant 0 : i32
      %dma_start3A_231 = arith.constant 0 : i32
      %dma_start3A_232 = tpu.memref_slice %arg9[%arg1, %dma_start3A, %dma_start3A_231] : memref<16x1x10240xf32, #tpu.memory_space<vmem_shared>> -> memref<1x1x10240xf32, #tpu.memory_space<vmem_shared>>
      %dma_start3A_233 = tpu.memref_squeeze %dma_start3A_232 : memref<1x1x10240xf32, #tpu.memory_space<vmem_shared>> -> memref<1x10240xf32, #tpu.memory_space<vmem_shared>>
      %dma_start3A_234 = arith.constant 0 : i32
      %dma_start3A_235 = tpu.memref_slice %dma_start3A_233[%run_scoped3A, %dma_start3A_234] : memref<1x10240xf32, #tpu.memory_space<vmem_shared>> -> memref<1x10240xf32, #tpu.memory_space<vmem_shared>>
      %dma_start3A_236 = tpu.memref_squeeze %dma_start3A_235 : memref<1x10240xf32, #tpu.memory_space<vmem_shared>> -> memref<10240xf32, #tpu.memory_space<vmem_shared>>
      %dma_start3A_237 = arith.constant 0 : i32
      %dma_start3A_238 = tpu.memref_slice %dma_start3A_236[%dma_start3A_237] : memref<10240xf32, #tpu.memory_space<vmem_shared>> -> memref<5120xf32, #tpu.memory_space<vmem_shared>>
      %dma_start3A_239 = arith.constant 0 : i32
      %dma_start3A_240 = arith.constant 0 : i32
      %dma_start3A_241 = tpu.memref_slice %arg9[%arg1, %dma_start3A_239, %dma_start3A_240] : memref<16x1x10240xf32, #tpu.memory_space<vmem_shared>> -> memref<1x1x10240xf32, #tpu.memory_space<vmem_shared>>
      %dma_start3A_242 = tpu.memref_squeeze %dma_start3A_241 : memref<1x1x10240xf32, #tpu.memory_space<vmem_shared>> -> memref<1x10240xf32, #tpu.memory_space<vmem_shared>>
      %dma_start3A_243 = arith.constant 0 : i32
      %dma_start3A_244 = tpu.memref_slice %dma_start3A_242[%run_scoped3A, %dma_start3A_243] : memref<1x10240xf32, #tpu.memory_space<vmem_shared>> -> memref<1x10240xf32, #tpu.memory_space<vmem_shared>>
      %dma_start3A_245 = tpu.memref_squeeze %dma_start3A_244 : memref<1x10240xf32, #tpu.memory_space<vmem_shared>> -> memref<10240xf32, #tpu.memory_space<vmem_shared>>
      %dma_start3A_246 = arith.constant 0 : i32
      %dma_start3A_247 = tpu.memref_slice %dma_start3A_245[%dma_start3A_246] : memref<10240xf32, #tpu.memory_space<vmem_shared>> -> memref<5120xf32, #tpu.memory_space<vmem_shared>>
      tpu.enqueue_dma source(%arg6 : memref<5120xf32, #tpu.memory_space<vmem>>) target(%dma_start3A_247 : memref<5120xf32, #tpu.memory_space<vmem_shared>>) target_semaphore(%run_scoped3A_230 : memref<!tpu.dma_semaphore, #tpu.memory_space<semaphore_mem>>)
      %dma_wait3A = arith.constant 0 : i32
      %dma_wait3A_248 = arith.constant 0 : i32
      %dma_wait3A_249 = tpu.memref_slice %arg9[%arg1, %dma_wait3A, %dma_wait3A_248] : memref<16x1x10240xf32, #tpu.memory_space<vmem_shared>> -> memref<1x1x10240xf32, #tpu.memory_space<vmem_shared>>
      %dma_wait3A_250 = tpu.memref_squeeze %dma_wait3A_249 : memref<1x1x10240xf32, #tpu.memory_space<vmem_shared>> -> memref<1x10240xf32, #tpu.memory_space<vmem_shared>>
      %dma_wait3A_251 = arith.constant 0 : i32
      %dma_wait3A_252 = tpu.memref_slice %dma_wait3A_250[%run_scoped3A, %dma_wait3A_251] : memref<1x10240xf32, #tpu.memory_space<vmem_shared>> -> memref<1x10240xf32, #tpu.memory_space<vmem_shared>>
      %dma_wait3A_253 = tpu.memref_squeeze %dma_wait3A_252 : memref<1x10240xf32, #tpu.memory_space<vmem_shared>> -> memref<10240xf32, #tpu.memory_space<vmem_shared>>
      %dma_wait3A_254 = arith.constant 0 : i32
      %dma_wait3A_255 = tpu.memref_slice %dma_wait3A_253[%dma_wait3A_254] : memref<10240xf32, #tpu.memory_space<vmem_shared>> -> memref<5120xf32, #tpu.memory_space<vmem_shared>>
      %dma_wait3A_256 = arith.constant 0 : i32
      %dma_wait3A_257 = arith.constant 0 : i32
      %dma_wait3A_258 = tpu.memref_slice %arg9[%arg1, %dma_wait3A_256, %dma_wait3A_257] : memref<16x1x10240xf32, #tpu.memory_space<vmem_shared>> -> memref<1x1x10240xf32, #tpu.memory_space<vmem_shared>>
      %dma_wait3A_259 = tpu.memref_squeeze %dma_wait3A_258 : memref<1x1x10240xf32, #tpu.memory_space<vmem_shared>> -> memref<1x10240xf32, #tpu.memory_space<vmem_shared>>
      %dma_wait3A_260 = arith.constant 0 : i32
      %dma_wait3A_261 = tpu.memref_slice %dma_wait3A_259[%run_scoped3A, %dma_wait3A_260] : memref<1x10240xf32, #tpu.memory_space<vmem_shared>> -> memref<1x10240xf32, #tpu.memory_space<vmem_shared>>
      %dma_wait3A_262 = tpu.memref_squeeze %dma_wait3A_261 : memref<1x10240xf32, #tpu.memory_space<vmem_shared>> -> memref<10240xf32, #tpu.memory_space<vmem_shared>>
      %dma_wait3A_263 = arith.constant 0 : i32
      %dma_wait3A_264 = tpu.memref_slice %dma_wait3A_262[%dma_wait3A_263] : memref<10240xf32, #tpu.memory_space<vmem_shared>> -> memref<5120xf32, #tpu.memory_space<vmem_shared>>
      tpu.wait_dma2 semaphore(%run_scoped3A_230 : memref<!tpu.dma_semaphore, #tpu.memory_space<semaphore_mem>>) src(%arg6 : memref<5120xf32, #tpu.memory_space<vmem>>) dst(%dma_wait3A_264 : memref<5120xf32, #tpu.memory_space<vmem_shared>>)
      tpu.yield
    }) : () -> ()
    %scan3A_111 = arith.constant 0 : i32
    %scan3A_112 = arith.constant 0 : i32
    %scan3A_113 = arith.constant 320 : i32
    %scan3A_114 = arith.addi %scan3A_112, %scan3A_113 : i32
    %scan3A_115 = arith.constant 1 : i32
    scf.for %scan3A_230 = %scan3A_112 to %scan3A_114 step %scan3A_115  : i32 {
      %mul3A_231 = arith.constant 16 : i32
      %mul3A_232 = arith.muli %scan3A_230, %mul3A_231 : i32
      %swap3A = arith.index_cast %scan3A_111 : i32 to index
      %swap3A_233 = arith.index_cast %mul3A_232 : i32 to index
      %swap3A_234 = tpu.vector_load %arg5[%swap3A, %swap3A_233] {strides = array<i32>} : memref<16x5120xf32, #tpu.memory_space<vmem>>, vector<16xf32>,
      tpu.vector_store %arg5[%swap3A, %swap3A_233], %broadcast_in_dim3A_3 {strides = array<i32>} : memref<16x5120xf32, #tpu.memory_space<vmem>>, vector<16xf32>,
    }
    %scan3A_116 = arith.constant 320 : i32
    %scan3A_117 = arith.constant 1 : i32
    %scan3A_118 = arith.constant 0 : i32
    %scan3A_119 = arith.constant 320 : i32
    %scan3A_120 = arith.addi %scan3A_118, %scan3A_119 : i32
    %scan3A_121 = arith.constant 1 : i32
    scf.for %scan3A_230 = %scan3A_118 to %scan3A_120 step %scan3A_121  : i32 {
      %mul3A_231 = arith.constant 16 : i32
      %mul3A_232 = arith.muli %scan3A_230, %mul3A_231 : i32
      %swap3A = arith.index_cast %scan3A_117 : i32 to index
      %swap3A_233 = arith.index_cast %mul3A_232 : i32 to index
      %swap3A_234 = tpu.vector_load %arg5[%swap3A, %swap3A_233] {strides = array<i32>} : memref<16x5120xf32, #tpu.memory_space<vmem>>, vector<16xf32>,
      tpu.vector_store %arg5[%swap3A, %swap3A_233], %broadcast_in_dim3A_3 {strides = array<i32>} : memref<16x5120xf32, #tpu.memory_space<vmem>>, vector<16xf32>,
    }
    %scan3A_122 = arith.constant 320 : i32
    %scan3A_123 = arith.constant 2 : i32
    %scan3A_124 = arith.constant 0 : i32
    %scan3A_125 = arith.constant 320 : i32
    %scan3A_126 = arith.addi %scan3A_124, %scan3A_125 : i32
    %scan3A_127 = arith.constant 1 : i32
    scf.for %scan3A_230 = %scan3A_124 to %scan3A_126 step %scan3A_127  : i32 {
      %mul3A_231 = arith.constant 16 : i32
      %mul3A_232 = arith.muli %scan3A_230, %mul3A_231 : i32
      %swap3A = arith.index_cast %scan3A_123 : i32 to index
      %swap3A_233 = arith.index_cast %mul3A_232 : i32 to index
      %swap3A_234 = tpu.vector_load %arg5[%swap3A, %swap3A_233] {strides = array<i32>} : memref<16x5120xf32, #tpu.memory_space<vmem>>, vector<16xf32>,
      tpu.vector_store %arg5[%swap3A, %swap3A_233], %broadcast_in_dim3A_3 {strides = array<i32>} : memref<16x5120xf32, #tpu.memory_space<vmem>>, vector<16xf32>,
    }
    %scan3A_128 = arith.constant 320 : i32
    %scan3A_129 = arith.constant 3 : i32
    %scan3A_130 = arith.constant 0 : i32
    %scan3A_131 = arith.constant 320 : i32
    %scan3A_132 = arith.addi %scan3A_130, %scan3A_131 : i32
    %scan3A_133 = arith.constant 1 : i32
    scf.for %scan3A_230 = %scan3A_130 to %scan3A_132 step %scan3A_133  : i32 {
      %mul3A_231 = arith.constant 16 : i32
      %mul3A_232 = arith.muli %scan3A_230, %mul3A_231 : i32
      %swap3A = arith.index_cast %scan3A_129 : i32 to index
      %swap3A_233 = arith.index_cast %mul3A_232 : i32 to index
      %swap3A_234 = tpu.vector_load %arg5[%swap3A, %swap3A_233] {strides = array<i32>} : memref<16x5120xf32, #tpu.memory_space<vmem>>, vector<16xf32>,
      tpu.vector_store %arg5[%swap3A, %swap3A_233], %broadcast_in_dim3A_3 {strides = array<i32>} : memref<16x5120xf32, #tpu.memory_space<vmem>>, vector<16xf32>,
    }
    %scan3A_134 = arith.constant 320 : i32
    %scan3A_135 = arith.constant 4 : i32
    %scan3A_136 = arith.constant 0 : i32
    %scan3A_137 = arith.constant 320 : i32
    %scan3A_138 = arith.addi %scan3A_136, %scan3A_137 : i32
    %scan3A_139 = arith.constant 1 : i32
    scf.for %scan3A_230 = %scan3A_136 to %scan3A_138 step %scan3A_139  : i32 {
      %mul3A_231 = arith.constant 16 : i32
      %mul3A_232 = arith.muli %scan3A_230, %mul3A_231 : i32
      %swap3A = arith.index_cast %scan3A_135 : i32 to index
      %swap3A_233 = arith.index_cast %mul3A_232 : i32 to index
      %swap3A_234 = tpu.vector_load %arg5[%swap3A, %swap3A_233] {strides = array<i32>} : memref<16x5120xf32, #tpu.memory_space<vmem>>, vector<16xf32>,
      tpu.vector_store %arg5[%swap3A, %swap3A_233], %broadcast_in_dim3A_3 {strides = array<i32>} : memref<16x5120xf32, #tpu.memory_space<vmem>>, vector<16xf32>,
    }
    %scan3A_140 = arith.constant 320 : i32
    %scan3A_141 = arith.constant 5 : i32
    %scan3A_142 = arith.constant 0 : i32
    %scan3A_143 = arith.constant 320 : i32
    %scan3A_144 = arith.addi %scan3A_142, %scan3A_143 : i32
    %scan3A_145 = arith.constant 1 : i32
    scf.for %scan3A_230 = %scan3A_142 to %scan3A_144 step %scan3A_145  : i32 {
      %mul3A_231 = arith.constant 16 : i32
      %mul3A_232 = arith.muli %scan3A_230, %mul3A_231 : i32
      %swap3A = arith.index_cast %scan3A_141 : i32 to index
      %swap3A_233 = arith.index_cast %mul3A_232 : i32 to index
      %swap3A_234 = tpu.vector_load %arg5[%swap3A, %swap3A_233] {strides = array<i32>} : memref<16x5120xf32, #tpu.memory_space<vmem>>, vector<16xf32>,
      tpu.vector_store %arg5[%swap3A, %swap3A_233], %broadcast_in_dim3A_3 {strides = array<i32>} : memref<16x5120xf32, #tpu.memory_space<vmem>>, vector<16xf32>,
    }
    %scan3A_146 = arith.constant 320 : i32
    %scan3A_147 = arith.constant 6 : i32
    %scan3A_148 = arith.constant 0 : i32
    %scan3A_149 = arith.constant 320 : i32
    %scan3A_150 = arith.addi %scan3A_148, %scan3A_149 : i32
    %scan3A_151 = arith.constant 1 : i32
    scf.for %scan3A_230 = %scan3A_148 to %scan3A_150 step %scan3A_151  : i32 {
      %mul3A_231 = arith.constant 16 : i32
      %mul3A_232 = arith.muli %scan3A_230, %mul3A_231 : i32
      %swap3A = arith.index_cast %scan3A_147 : i32 to index
      %swap3A_233 = arith.index_cast %mul3A_232 : i32 to index
      %swap3A_234 = tpu.vector_load %arg5[%swap3A, %swap3A_233] {strides = array<i32>} : memref<16x5120xf32, #tpu.memory_space<vmem>>, vector<16xf32>,
      tpu.vector_store %arg5[%swap3A, %swap3A_233], %broadcast_in_dim3A_3 {strides = array<i32>} : memref<16x5120xf32, #tpu.memory_space<vmem>>, vector<16xf32>,
    }
    %scan3A_152 = arith.constant 320 : i32
    %scan3A_153 = arith.constant 7 : i32
    %scan3A_154 = arith.constant 0 : i32
    %scan3A_155 = arith.constant 320 : i32
    %scan3A_156 = arith.addi %scan3A_154, %scan3A_155 : i32
    %scan3A_157 = arith.constant 1 : i32
    scf.for %scan3A_230 = %scan3A_154 to %scan3A_156 step %scan3A_157  : i32 {
      %mul3A_231 = arith.constant 16 : i32
      %mul3A_232 = arith.muli %scan3A_230, %mul3A_231 : i32
      %swap3A = arith.index_cast %scan3A_153 : i32 to index
      %swap3A_233 = arith.index_cast %mul3A_232 : i32 to index
      %swap3A_234 = tpu.vector_load %arg5[%swap3A, %swap3A_233] {strides = array<i32>} : memref<16x5120xf32, #tpu.memory_space<vmem>>, vector<16xf32>,
      tpu.vector_store %arg5[%swap3A, %swap3A_233], %broadcast_in_dim3A_3 {strides = array<i32>} : memref<16x5120xf32, #tpu.memory_space<vmem>>, vector<16xf32>,
    }
    %scan3A_158 = arith.constant 320 : i32
    %scan3A_159 = arith.constant 8 : i32
    %scan3A_160 = arith.constant 0 : i32
    %scan3A_161 = arith.constant 320 : i32
    %scan3A_162 = arith.addi %scan3A_160, %scan3A_161 : i32
    %scan3A_163 = arith.constant 1 : i32
    scf.for %scan3A_230 = %scan3A_160 to %scan3A_162 step %scan3A_163  : i32 {
      %mul3A_231 = arith.constant 16 : i32
      %mul3A_232 = arith.muli %scan3A_230, %mul3A_231 : i32
      %swap3A = arith.index_cast %scan3A_159 : i32 to index
      %swap3A_233 = arith.index_cast %mul3A_232 : i32 to index
      %swap3A_234 = tpu.vector_load %arg5[%swap3A, %swap3A_233] {strides = array<i32>} : memref<16x5120xf32, #tpu.memory_space<vmem>>, vector<16xf32>,
      tpu.vector_store %arg5[%swap3A, %swap3A_233], %broadcast_in_dim3A_3 {strides = array<i32>} : memref<16x5120xf32, #tpu.memory_space<vmem>>, vector<16xf32>,
    }
    %scan3A_164 = arith.constant 320 : i32
    %scan3A_165 = arith.constant 9 : i32
    %scan3A_166 = arith.constant 0 : i32
    %scan3A_167 = arith.constant 320 : i32
    %scan3A_168 = arith.addi %scan3A_166, %scan3A_167 : i32
    %scan3A_169 = arith.constant 1 : i32
    scf.for %scan3A_230 = %scan3A_166 to %scan3A_168 step %scan3A_169  : i32 {
      %mul3A_231 = arith.constant 16 : i32
      %mul3A_232 = arith.muli %scan3A_230, %mul3A_231 : i32
      %swap3A = arith.index_cast %scan3A_165 : i32 to index
      %swap3A_233 = arith.index_cast %mul3A_232 : i32 to index
      %swap3A_234 = tpu.vector_load %arg5[%swap3A, %swap3A_233] {strides = array<i32>} : memref<16x5120xf32, #tpu.memory_space<vmem>>, vector<16xf32>,
      tpu.vector_store %arg5[%swap3A, %swap3A_233], %broadcast_in_dim3A_3 {strides = array<i32>} : memref<16x5120xf32, #tpu.memory_space<vmem>>, vector<16xf32>,
    }
    %scan3A_170 = arith.constant 320 : i32
    %scan3A_171 = arith.constant 10 : i32
    %scan3A_172 = arith.constant 0 : i32
    %scan3A_173 = arith.constant 320 : i32
    %scan3A_174 = arith.addi %scan3A_172, %scan3A_173 : i32
    %scan3A_175 = arith.constant 1 : i32
    scf.for %scan3A_230 = %scan3A_172 to %scan3A_174 step %scan3A_175  : i32 {
      %mul3A_231 = arith.constant 16 : i32
      %mul3A_232 = arith.muli %scan3A_230, %mul3A_231 : i32
      %swap3A = arith.index_cast %scan3A_171 : i32 to index
      %swap3A_233 = arith.index_cast %mul3A_232 : i32 to index
      %swap3A_234 = tpu.vector_load %arg5[%swap3A, %swap3A_233] {strides = array<i32>} : memref<16x5120xf32, #tpu.memory_space<vmem>>, vector<16xf32>,
      tpu.vector_store %arg5[%swap3A, %swap3A_233], %broadcast_in_dim3A_3 {strides = array<i32>} : memref<16x5120xf32, #tpu.memory_space<vmem>>, vector<16xf32>,
    }
    %scan3A_176 = arith.constant 320 : i32
    %scan3A_177 = arith.constant 11 : i32
    %scan3A_178 = arith.constant 0 : i32
    %scan3A_179 = arith.constant 320 : i32
    %scan3A_180 = arith.addi %scan3A_178, %scan3A_179 : i32
    %scan3A_181 = arith.constant 1 : i32
    scf.for %scan3A_230 = %scan3A_178 to %scan3A_180 step %scan3A_181  : i32 {
      %mul3A_231 = arith.constant 16 : i32
      %mul3A_232 = arith.muli %scan3A_230, %mul3A_231 : i32
      %swap3A = arith.index_cast %scan3A_177 : i32 to index
      %swap3A_233 = arith.index_cast %mul3A_232 : i32 to index
      %swap3A_234 = tpu.vector_load %arg5[%swap3A, %swap3A_233] {strides = array<i32>} : memref<16x5120xf32, #tpu.memory_space<vmem>>, vector<16xf32>,
      tpu.vector_store %arg5[%swap3A, %swap3A_233], %broadcast_in_dim3A_3 {strides = array<i32>} : memref<16x5120xf32, #tpu.memory_space<vmem>>, vector<16xf32>,
    }
    %scan3A_182 = arith.constant 320 : i32
    %scan3A_183 = arith.constant 12 : i32
    %scan3A_184 = arith.constant 0 : i32
    %scan3A_185 = arith.constant 320 : i32
    %scan3A_186 = arith.addi %scan3A_184, %scan3A_185 : i32
    %scan3A_187 = arith.constant 1 : i32
    scf.for %scan3A_230 = %scan3A_184 to %scan3A_186 step %scan3A_187  : i32 {
      %mul3A_231 = arith.constant 16 : i32
      %mul3A_232 = arith.muli %scan3A_230, %mul3A_231 : i32
      %swap3A = arith.index_cast %scan3A_183 : i32 to index
      %swap3A_233 = arith.index_cast %mul3A_232 : i32 to index
      %swap3A_234 = tpu.vector_load %arg5[%swap3A, %swap3A_233] {strides = array<i32>} : memref<16x5120xf32, #tpu.memory_space<vmem>>, vector<16xf32>,
      tpu.vector_store %arg5[%swap3A, %swap3A_233], %broadcast_in_dim3A_3 {strides = array<i32>} : memref<16x5120xf32, #tpu.memory_space<vmem>>, vector<16xf32>,
    }
    %scan3A_188 = arith.constant 320 : i32
    %scan3A_189 = arith.constant 13 : i32
    %scan3A_190 = arith.constant 0 : i32
    %scan3A_191 = arith.constant 320 : i32
    %scan3A_192 = arith.addi %scan3A_190, %scan3A_191 : i32
    %scan3A_193 = arith.constant 1 : i32
    scf.for %scan3A_230 = %scan3A_190 to %scan3A_192 step %scan3A_193  : i32 {
      %mul3A_231 = arith.constant 16 : i32
      %mul3A_232 = arith.muli %scan3A_230, %mul3A_231 : i32
      %swap3A = arith.index_cast %scan3A_189 : i32 to index
      %swap3A_233 = arith.index_cast %mul3A_232 : i32 to index
      %swap3A_234 = tpu.vector_load %arg5[%swap3A, %swap3A_233] {strides = array<i32>} : memref<16x5120xf32, #tpu.memory_space<vmem>>, vector<16xf32>,
      tpu.vector_store %arg5[%swap3A, %swap3A_233], %broadcast_in_dim3A_3 {strides = array<i32>} : memref<16x5120xf32, #tpu.memory_space<vmem>>, vector<16xf32>,
    }
    %scan3A_194 = arith.constant 320 : i32
    %scan3A_195 = arith.constant 14 : i32
    %scan3A_196 = arith.constant 0 : i32
    %scan3A_197 = arith.constant 320 : i32
    %scan3A_198 = arith.addi %scan3A_196, %scan3A_197 : i32
    %scan3A_199 = arith.constant 1 : i32
    scf.for %scan3A_230 = %scan3A_196 to %scan3A_198 step %scan3A_199  : i32 {
      %mul3A_231 = arith.constant 16 : i32
      %mul3A_232 = arith.muli %scan3A_230, %mul3A_231 : i32
      %swap3A = arith.index_cast %scan3A_195 : i32 to index
      %swap3A_233 = arith.index_cast %mul3A_232 : i32 to index
      %swap3A_234 = tpu.vector_load %arg5[%swap3A, %swap3A_233] {strides = array<i32>} : memref<16x5120xf32, #tpu.memory_space<vmem>>, vector<16xf32>,
      tpu.vector_store %arg5[%swap3A, %swap3A_233], %broadcast_in_dim3A_3 {strides = array<i32>} : memref<16x5120xf32, #tpu.memory_space<vmem>>, vector<16xf32>,
    }
    %scan3A_200 = arith.constant 320 : i32
    %scan3A_201 = arith.constant 15 : i32
    %scan3A_202 = arith.constant 0 : i32
    %scan3A_203 = arith.constant 320 : i32
    %scan3A_204 = arith.addi %scan3A_202, %scan3A_203 : i32
    %scan3A_205 = arith.constant 1 : i32
    scf.for %scan3A_230 = %scan3A_202 to %scan3A_204 step %scan3A_205  : i32 {
      %mul3A_231 = arith.constant 16 : i32
      %mul3A_232 = arith.muli %scan3A_230, %mul3A_231 : i32
      %swap3A = arith.index_cast %scan3A_201 : i32 to index
      %swap3A_233 = arith.index_cast %mul3A_232 : i32 to index
      %swap3A_234 = tpu.vector_load %arg5[%swap3A, %swap3A_233] {strides = array<i32>} : memref<16x5120xf32, #tpu.memory_space<vmem>>, vector<16xf32>,
      tpu.vector_store %arg5[%swap3A, %swap3A_233], %broadcast_in_dim3A_3 {strides = array<i32>} : memref<16x5120xf32, #tpu.memory_space<vmem>>, vector<16xf32>,
    }
    %scan3A_206 = arith.constant 320 : i32
    %scan3A_207 = arith.constant 0 : i32
    %scan3A_208 = arith.constant 0 : i32
    %scan3A_209 = arith.constant 79 : i32
    %scan3A_210 = arith.addi %scan3A_208, %scan3A_209 : i32
    %scan3A_211 = arith.constant 1 : i32
    scf.for %scan3A_230 = %scan3A_208 to %scan3A_210 step %scan3A_211  : i32 {
      %get3A = arith.index_cast %scan3A_230 : i32 to index
      %get3A_231 = arith.constant 0 : index
      %get3A_232 = tpu.vector_load %arg4[%get3A, %get3A_231] {strides = array<i32>} : memref<79x128xi32, #tpu.memory_space<vmem>>, vector<16xi32>,
      %sub3A = arith.constant 5120 : i32
      %sub3A_233 = vector.broadcast %sub3A : i32 to vector<16xi32>
      %sub3A_234 = arith.subi %get3A_232, %sub3A_233 : vector<16xi32>
      %ge3A = arith.constant 0 : i32
      %ge3A_235 = vector.broadcast %ge3A : i32 to vector<16xi32>
      %ge3A_236 = arith.cmpi sge, %sub3A_234, %ge3A_235 : vector<16xi32>
      %lt3A = arith.constant 5120 : i32
      %lt3A_237 = vector.broadcast %lt3A : i32 to vector<16xi32>
      %lt3A_238 = arith.cmpi slt, %sub3A_234, %lt3A_237 : vector<16xi32>
      %and3A = arith.andi %ge3A_236, %lt3A_238 : vector<16xi1>
      %max3A = arith.constant 0 : i32
      %max3A_239 = vector.broadcast %max3A : i32 to vector<16xi32>
      %max3A_240 = arith.maxsi %sub3A_234, %max3A_239 : vector<16xi32>
      %min3A = arith.constant 5119 : i32
      %min3A_241 = vector.broadcast %min3A : i32 to vector<16xi32>
      %min3A_242 = arith.minsi %max3A_240, %min3A_241 : vector<16xi32>
      tpu.vector_store_idx %arg5[%iota3A, %min3A_242], %broadcast_in_dim3A_1 masked %and3A {add = true} : memref<16x5120xf32, #tpu.memory_space<vmem>>[vector<16xi32>, vector<16xi32>], vector<16xf32>, vector<16xi1>
      %get3A_243 = arith.index_cast %scan3A_230 : i32 to index
      %get3A_244 = arith.constant 16 : index
      %get3A_245 = tpu.vector_load %arg4[%get3A_243, %get3A_244] {strides = array<i32>} : memref<79x128xi32, #tpu.memory_space<vmem>>, vector<16xi32>,
      %sub3A_246 = arith.constant 5120 : i32
      %sub3A_247 = vector.broadcast %sub3A_246 : i32 to vector<16xi32>
      %sub3A_248 = arith.subi %get3A_245, %sub3A_247 : vector<16xi32>
      %ge3A_249 = arith.constant 0 : i32
      %ge3A_250 = vector.broadcast %ge3A_249 : i32 to vector<16xi32>
      %ge3A_251 = arith.cmpi sge, %sub3A_248, %ge3A_250 : vector<16xi32>
      %lt3A_252 = arith.constant 5120 : i32
      %lt3A_253 = vector.broadcast %lt3A_252 : i32 to vector<16xi32>
      %lt3A_254 = arith.cmpi slt, %sub3A_248, %lt3A_253 : vector<16xi32>
      %and3A_255 = arith.andi %ge3A_251, %lt3A_254 : vector<16xi1>
      %max3A_256 = arith.constant 0 : i32
      %max3A_257 = vector.broadcast %max3A_256 : i32 to vector<16xi32>
      %max3A_258 = arith.maxsi %sub3A_248, %max3A_257 : vector<16xi32>
      %min3A_259 = arith.constant 5119 : i32
      %min3A_260 = vector.broadcast %min3A_259 : i32 to vector<16xi32>
      %min3A_261 = arith.minsi %max3A_258, %min3A_260 : vector<16xi32>
      tpu.vector_store_idx %arg5[%iota3A, %min3A_261], %broadcast_in_dim3A_1 masked %and3A_255 {add = true} : memref<16x5120xf32, #tpu.memory_space<vmem>>[vector<16xi32>, vector<16xi32>], vector<16xf32>, vector<16xi1>
      %get3A_262 = arith.index_cast %scan3A_230 : i32 to index
      %get3A_263 = arith.constant 32 : index
      %get3A_264 = tpu.vector_load %arg4[%get3A_262, %get3A_263] {strides = array<i32>} : memref<79x128xi32, #tpu.memory_space<vmem>>, vector<16xi32>,
      %sub3A_265 = arith.constant 5120 : i32
      %sub3A_266 = vector.broadcast %sub3A_265 : i32 to vector<16xi32>
      %sub3A_267 = arith.subi %get3A_264, %sub3A_266 : vector<16xi32>
      %ge3A_268 = arith.constant 0 : i32
      %ge3A_269 = vector.broadcast %ge3A_268 : i32 to vector<16xi32>
      %ge3A_270 = arith.cmpi sge, %sub3A_267, %ge3A_269 : vector<16xi32>
      %lt3A_271 = arith.constant 5120 : i32
      %lt3A_272 = vector.broadcast %lt3A_271 : i32 to vector<16xi32>
      %lt3A_273 = arith.cmpi slt, %sub3A_267, %lt3A_272 : vector<16xi32>
      %and3A_274 = arith.andi %ge3A_270, %lt3A_273 : vector<16xi1>
      %max3A_275 = arith.constant 0 : i32
      %max3A_276 = vector.broadcast %max3A_275 : i32 to vector<16xi32>
      %max3A_277 = arith.maxsi %sub3A_267, %max3A_276 : vector<16xi32>
      %min3A_278 = arith.constant 5119 : i32
      %min3A_279 = vector.broadcast %min3A_278 : i32 to vector<16xi32>
      %min3A_280 = arith.minsi %max3A_277, %min3A_279 : vector<16xi32>
      tpu.vector_store_idx %arg5[%iota3A, %min3A_280], %broadcast_in_dim3A_1 masked %and3A_274 {add = true} : memref<16x5120xf32, #tpu.memory_space<vmem>>[vector<16xi32>, vector<16xi32>], vector<16xf32>, vector<16xi1>
      %get3A_281 = arith.index_cast %scan3A_230 : i32 to index
      %get3A_282 = arith.constant 48 : index
      %get3A_283 = tpu.vector_load %arg4[%get3A_281, %get3A_282] {strides = array<i32>} : memref<79x128xi32, #tpu.memory_space<vmem>>, vector<16xi32>,
      %sub3A_284 = arith.constant 5120 : i32
      %sub3A_285 = vector.broadcast %sub3A_284 : i32 to vector<16xi32>
      %sub3A_286 = arith.subi %get3A_283, %sub3A_285 : vector<16xi32>
      %ge3A_287 = arith.constant 0 : i32
      %ge3A_288 = vector.broadcast %ge3A_287 : i32 to vector<16xi32>
      %ge3A_289 = arith.cmpi sge, %sub3A_286, %ge3A_288 : vector<16xi32>
      %lt3A_290 = arith.constant 5120 : i32
      %lt3A_291 = vector.broadcast %lt3A_290 : i32 to vector<16xi32>
      %lt3A_292 = arith.cmpi slt, %sub3A_286, %lt3A_291 : vector<16xi32>
      %and3A_293 = arith.andi %ge3A_289, %lt3A_292 : vector<16xi1>
      %max3A_294 = arith.constant 0 : i32
      %max3A_295 = vector.broadcast %max3A_294 : i32 to vector<16xi32>
      %max3A_296 = arith.maxsi %sub3A_286, %max3A_295 : vector<16xi32>
      %min3A_297 = arith.constant 5119 : i32
      %min3A_298 = vector.broadcast %min3A_297 : i32 to vector<16xi32>
      %min3A_299 = arith.minsi %max3A_296, %min3A_298 : vector<16xi32>
      tpu.vector_store_idx %arg5[%iota3A, %min3A_299], %broadcast_in_dim3A_1 masked %and3A_293 {add = true} : memref<16x5120xf32, #tpu.memory_space<vmem>>[vector<16xi32>, vector<16xi32>], vector<16xf32>, vector<16xi1>
      %get3A_300 = arith.index_cast %scan3A_230 : i32 to index
      %get3A_301 = arith.constant 64 : index
      %get3A_302 = tpu.vector_load %arg4[%get3A_300, %get3A_301] {strides = array<i32>} : memref<79x128xi32, #tpu.memory_space<vmem>>, vector<16xi32>,
      %sub3A_303 = arith.constant 5120 : i32
      %sub3A_304 = vector.broadcast %sub3A_303 : i32 to vector<16xi32>
      %sub3A_305 = arith.subi %get3A_302, %sub3A_304 : vector<16xi32>
      %ge3A_306 = arith.constant 0 : i32
      %ge3A_307 = vector.broadcast %ge3A_306 : i32 to vector<16xi32>
      %ge3A_308 = arith.cmpi sge, %sub3A_305, %ge3A_307 : vector<16xi32>
      %lt3A_309 = arith.constant 5120 : i32
      %lt3A_310 = vector.broadcast %lt3A_309 : i32 to vector<16xi32>
      %lt3A_311 = arith.cmpi slt, %sub3A_305, %lt3A_310 : vector<16xi32>
      %and3A_312 = arith.andi %ge3A_308, %lt3A_311 : vector<16xi1>
      %max3A_313 = arith.constant 0 : i32
      %max3A_314 = vector.broadcast %max3A_313 : i32 to vector<16xi32>
      %max3A_315 = arith.maxsi %sub3A_305, %max3A_314 : vector<16xi32>
      %min3A_316 = arith.constant 5119 : i32
      %min3A_317 = vector.broadcast %min3A_316 : i32 to vector<16xi32>
      %min3A_318 = arith.minsi %max3A_315, %min3A_317 : vector<16xi32>
      tpu.vector_store_idx %arg5[%iota3A, %min3A_318], %broadcast_in_dim3A_1 masked %and3A_312 {add = true} : memref<16x5120xf32, #tpu.memory_space<vmem>>[vector<16xi32>, vector<16xi32>], vector<16xf32>, vector<16xi1>
      %get3A_319 = arith.index_cast %scan3A_230 : i32 to index
      %get3A_320 = arith.constant 80 : index
      %get3A_321 = tpu.vector_load %arg4[%get3A_319, %get3A_320] {strides = array<i32>} : memref<79x128xi32, #tpu.memory_space<vmem>>, vector<16xi32>,
      %sub3A_322 = arith.constant 5120 : i32
      %sub3A_323 = vector.broadcast %sub3A_322 : i32 to vector<16xi32>
      %sub3A_324 = arith.subi %get3A_321, %sub3A_323 : vector<16xi32>
      %ge3A_325 = arith.constant 0 : i32
      %ge3A_326 = vector.broadcast %ge3A_325 : i32 to vector<16xi32>
      %ge3A_327 = arith.cmpi sge, %sub3A_324, %ge3A_326 : vector<16xi32>
      %lt3A_328 = arith.constant 5120 : i32
      %lt3A_329 = vector.broadcast %lt3A_328 : i32 to vector<16xi32>
      %lt3A_330 = arith.cmpi slt, %sub3A_324, %lt3A_329 : vector<16xi32>
      %and3A_331 = arith.andi %ge3A_327, %lt3A_330 : vector<16xi1>
      %max3A_332 = arith.constant 0 : i32
      %max3A_333 = vector.broadcast %max3A_332 : i32 to vector<16xi32>
      %max3A_334 = arith.maxsi %sub3A_324, %max3A_333 : vector<16xi32>
      %min3A_335 = arith.constant 5119 : i32
      %min3A_336 = vector.broadcast %min3A_335 : i32 to vector<16xi32>
      %min3A_337 = arith.minsi %max3A_334, %min3A_336 : vector<16xi32>
      tpu.vector_store_idx %arg5[%iota3A, %min3A_337], %broadcast_in_dim3A_1 masked %and3A_331 {add = true} : memref<16x5120xf32, #tpu.memory_space<vmem>>[vector<16xi32>, vector<16xi32>], vector<16xf32>, vector<16xi1>
      %get3A_338 = arith.index_cast %scan3A_230 : i32 to index
      %get3A_339 = arith.constant 96 : index
      %get3A_340 = tpu.vector_load %arg4[%get3A_338, %get3A_339] {strides = array<i32>} : memref<79x128xi32, #tpu.memory_space<vmem>>, vector<16xi32>,
      %sub3A_341 = arith.constant 5120 : i32
      %sub3A_342 = vector.broadcast %sub3A_341 : i32 to vector<16xi32>
      %sub3A_343 = arith.subi %get3A_340, %sub3A_342 : vector<16xi32>
      %ge3A_344 = arith.constant 0 : i32
      %ge3A_345 = vector.broadcast %ge3A_344 : i32 to vector<16xi32>
      %ge3A_346 = arith.cmpi sge, %sub3A_343, %ge3A_345 : vector<16xi32>
      %lt3A_347 = arith.constant 5120 : i32
      %lt3A_348 = vector.broadcast %lt3A_347 : i32 to vector<16xi32>
      %lt3A_349 = arith.cmpi slt, %sub3A_343, %lt3A_348 : vector<16xi32>
      %and3A_350 = arith.andi %ge3A_346, %lt3A_349 : vector<16xi1>
      %max3A_351 = arith.constant 0 : i32
      %max3A_352 = vector.broadcast %max3A_351 : i32 to vector<16xi32>
      %max3A_353 = arith.maxsi %sub3A_343, %max3A_352 : vector<16xi32>
      %min3A_354 = arith.constant 5119 : i32
      %min3A_355 = vector.broadcast %min3A_354 : i32 to vector<16xi32>
      %min3A_356 = arith.minsi %max3A_353, %min3A_355 : vector<16xi32>
      tpu.vector_store_idx %arg5[%iota3A, %min3A_356], %broadcast_in_dim3A_1 masked %and3A_350 {add = true} : memref<16x5120xf32, #tpu.memory_space<vmem>>[vector<16xi32>, vector<16xi32>], vector<16xf32>, vector<16xi1>
      %get3A_357 = arith.index_cast %scan3A_230 : i32 to index
      %get3A_358 = arith.constant 112 : index
      %get3A_359 = tpu.vector_load %arg4[%get3A_357, %get3A_358] {strides = array<i32>} : memref<79x128xi32, #tpu.memory_space<vmem>>, vector<16xi32>,
      %sub3A_360 = arith.constant 5120 : i32
      %sub3A_361 = vector.broadcast %sub3A_360 : i32 to vector<16xi32>
      %sub3A_362 = arith.subi %get3A_359, %sub3A_361 : vector<16xi32>
      %ge3A_363 = arith.constant 0 : i32
      %ge3A_364 = vector.broadcast %ge3A_363 : i32 to vector<16xi32>
      %ge3A_365 = arith.cmpi sge, %sub3A_362, %ge3A_364 : vector<16xi32>
      %lt3A_366 = arith.constant 5120 : i32
      %lt3A_367 = vector.broadcast %lt3A_366 : i32 to vector<16xi32>
      %lt3A_368 = arith.cmpi slt, %sub3A_362, %lt3A_367 : vector<16xi32>
      %and3A_369 = arith.andi %ge3A_365, %lt3A_368 : vector<16xi1>
      %max3A_370 = arith.constant 0 : i32
      %max3A_371 = vector.broadcast %max3A_370 : i32 to vector<16xi32>
      %max3A_372 = arith.maxsi %sub3A_362, %max3A_371 : vector<16xi32>
      %min3A_373 = arith.constant 5119 : i32
      %min3A_374 = vector.broadcast %min3A_373 : i32 to vector<16xi32>
      %min3A_375 = arith.minsi %max3A_372, %min3A_374 : vector<16xi32>
      tpu.vector_store_idx %arg5[%iota3A, %min3A_375], %broadcast_in_dim3A_1 masked %and3A_369 {add = true} : memref<16x5120xf32, #tpu.memory_space<vmem>>[vector<16xi32>, vector<16xi32>], vector<16xf32>, vector<16xi1>
    }
    %scan3A_212 = arith.constant 79 : i32
    %scan3A_213 = arith.constant 0 : i32
    %scan3A_214 = arith.constant 0 : i32
    %scan3A_215 = arith.constant 320 : i32
    %scan3A_216 = arith.addi %scan3A_214, %scan3A_215 : i32
    %scan3A_217 = arith.constant 1 : i32
    scf.for %scan3A_230 = %scan3A_214 to %scan3A_216 step %scan3A_217  : i32 {
      %mul3A_231 = arith.constant 16 : i32
      %mul3A_232 = arith.muli %scan3A_230, %mul3A_231 : i32
      %get3A = arith.constant 0 : i32
      %get3A_233 = arith.index_cast %get3A : i32 to index
      %get3A_234 = arith.index_cast %mul3A_232 : i32 to index
      %get3A_235 = tpu.vector_load %arg5[%get3A_233, %get3A_234] {strides = array<i32>} : memref<16x5120xf32, #tpu.memory_space<vmem>>, vector<16xf32>,
      %get3A_236 = arith.constant 1 : i32
      %get3A_237 = arith.index_cast %get3A_236 : i32 to index
      %get3A_238 = arith.index_cast %mul3A_232 : i32 to index
      %get3A_239 = tpu.vector_load %arg5[%get3A_237, %get3A_238] {strides = array<i32>} : memref<16x5120xf32, #tpu.memory_space<vmem>>, vector<16xf32>,
      %add3A_240 = arith.addf %get3A_235, %get3A_239 : vector<16xf32>
      %get3A_241 = arith.constant 2 : i32
      %get3A_242 = arith.index_cast %get3A_241 : i32 to index
      %get3A_243 = arith.index_cast %mul3A_232 : i32 to index
      %get3A_244 = tpu.vector_load %arg5[%get3A_242, %get3A_243] {strides = array<i32>} : memref<16x5120xf32, #tpu.memory_space<vmem>>, vector<16xf32>,
      %add3A_245 = arith.addf %add3A_240, %get3A_244 : vector<16xf32>
      %get3A_246 = arith.constant 3 : i32
      %get3A_247 = arith.index_cast %get3A_246 : i32 to index
      %get3A_248 = arith.index_cast %mul3A_232 : i32 to index
      %get3A_249 = tpu.vector_load %arg5[%get3A_247, %get3A_248] {strides = array<i32>} : memref<16x5120xf32, #tpu.memory_space<vmem>>, vector<16xf32>,
      %add3A_250 = arith.addf %add3A_245, %get3A_249 : vector<16xf32>
      %get3A_251 = arith.constant 4 : i32
      %get3A_252 = arith.index_cast %get3A_251 : i32 to index
      %get3A_253 = arith.index_cast %mul3A_232 : i32 to index
      %get3A_254 = tpu.vector_load %arg5[%get3A_252, %get3A_253] {strides = array<i32>} : memref<16x5120xf32, #tpu.memory_space<vmem>>, vector<16xf32>,
      %add3A_255 = arith.addf %add3A_250, %get3A_254 : vector<16xf32>
      %get3A_256 = arith.constant 5 : i32
      %get3A_257 = arith.index_cast %get3A_256 : i32 to index
      %get3A_258 = arith.index_cast %mul3A_232 : i32 to index
      %get3A_259 = tpu.vector_load %arg5[%get3A_257, %get3A_258] {strides = array<i32>} : memref<16x5120xf32, #tpu.memory_space<vmem>>, vector<16xf32>,
      %add3A_260 = arith.addf %add3A_255, %get3A_259 : vector<16xf32>
      %get3A_261 = arith.constant 6 : i32
      %get3A_262 = arith.index_cast %get3A_261 : i32 to index
      %get3A_263 = arith.index_cast %mul3A_232 : i32 to index
      %get3A_264 = tpu.vector_load %arg5[%get3A_262, %get3A_263] {strides = array<i32>} : memref<16x5120xf32, #tpu.memory_space<vmem>>, vector<16xf32>,
      %add3A_265 = arith.addf %add3A_260, %get3A_264 : vector<16xf32>
      %get3A_266 = arith.constant 7 : i32
      %get3A_267 = arith.index_cast %get3A_266 : i32 to index
      %get3A_268 = arith.index_cast %mul3A_232 : i32 to index
      %get3A_269 = tpu.vector_load %arg5[%get3A_267, %get3A_268] {strides = array<i32>} : memref<16x5120xf32, #tpu.memory_space<vmem>>, vector<16xf32>,
      %add3A_270 = arith.addf %add3A_265, %get3A_269 : vector<16xf32>
      %get3A_271 = arith.constant 8 : i32
      %get3A_272 = arith.index_cast %get3A_271 : i32 to index
      %get3A_273 = arith.index_cast %mul3A_232 : i32 to index
      %get3A_274 = tpu.vector_load %arg5[%get3A_272, %get3A_273] {strides = array<i32>} : memref<16x5120xf32, #tpu.memory_space<vmem>>, vector<16xf32>,
      %add3A_275 = arith.addf %add3A_270, %get3A_274 : vector<16xf32>
      %get3A_276 = arith.constant 9 : i32
      %get3A_277 = arith.index_cast %get3A_276 : i32 to index
      %get3A_278 = arith.index_cast %mul3A_232 : i32 to index
      %get3A_279 = tpu.vector_load %arg5[%get3A_277, %get3A_278] {strides = array<i32>} : memref<16x5120xf32, #tpu.memory_space<vmem>>, vector<16xf32>,
      %add3A_280 = arith.addf %add3A_275, %get3A_279 : vector<16xf32>
      %get3A_281 = arith.constant 10 : i32
      %get3A_282 = arith.index_cast %get3A_281 : i32 to index
      %get3A_283 = arith.index_cast %mul3A_232 : i32 to index
      %get3A_284 = tpu.vector_load %arg5[%get3A_282, %get3A_283] {strides = array<i32>} : memref<16x5120xf32, #tpu.memory_space<vmem>>, vector<16xf32>,
      %add3A_285 = arith.addf %add3A_280, %get3A_284 : vector<16xf32>
      %get3A_286 = arith.constant 11 : i32
      %get3A_287 = arith.index_cast %get3A_286 : i32 to index
      %get3A_288 = arith.index_cast %mul3A_232 : i32 to index
      %get3A_289 = tpu.vector_load %arg5[%get3A_287, %get3A_288] {strides = array<i32>} : memref<16x5120xf32, #tpu.memory_space<vmem>>, vector<16xf32>,
      %add3A_290 = arith.addf %add3A_285, %get3A_289 : vector<16xf32>
      %get3A_291 = arith.constant 12 : i32
      %get3A_292 = arith.index_cast %get3A_291 : i32 to index
      %get3A_293 = arith.index_cast %mul3A_232 : i32 to index
      %get3A_294 = tpu.vector_load %arg5[%get3A_292, %get3A_293] {strides = array<i32>} : memref<16x5120xf32, #tpu.memory_space<vmem>>, vector<16xf32>,
      %add3A_295 = arith.addf %add3A_290, %get3A_294 : vector<16xf32>
      %get3A_296 = arith.constant 13 : i32
      %get3A_297 = arith.index_cast %get3A_296 : i32 to index
      %get3A_298 = arith.index_cast %mul3A_232 : i32 to index
      %get3A_299 = tpu.vector_load %arg5[%get3A_297, %get3A_298] {strides = array<i32>} : memref<16x5120xf32, #tpu.memory_space<vmem>>, vector<16xf32>,
      %add3A_300 = arith.addf %add3A_295, %get3A_299 : vector<16xf32>
      %get3A_301 = arith.constant 14 : i32
      %get3A_302 = arith.index_cast %get3A_301 : i32 to index
      %get3A_303 = arith.index_cast %mul3A_232 : i32 to index
      %get3A_304 = tpu.vector_load %arg5[%get3A_302, %get3A_303] {strides = array<i32>} : memref<16x5120xf32, #tpu.memory_space<vmem>>, vector<16xf32>,
      %add3A_305 = arith.addf %add3A_300, %get3A_304 : vector<16xf32>
      %get3A_306 = arith.constant 15 : i32
      %get3A_307 = arith.index_cast %get3A_306 : i32 to index
      %get3A_308 = arith.index_cast %mul3A_232 : i32 to index
      %get3A_309 = tpu.vector_load %arg5[%get3A_307, %get3A_308] {strides = array<i32>} : memref<16x5120xf32, #tpu.memory_space<vmem>>, vector<16xf32>,
      %add3A_310 = arith.addf %add3A_305, %get3A_309 : vector<16xf32>
      %swap3A = arith.index_cast %mul3A_232 : i32 to index
      %swap3A_311 = tpu.vector_load %arg6[%swap3A] {strides = array<i32>} : memref<5120xf32, #tpu.memory_space<vmem>>, vector<16xf32>,
      tpu.vector_store %arg6[%swap3A], %add3A_310 {strides = array<i32>} : memref<5120xf32, #tpu.memory_space<vmem>>, vector<16xf32>,
    }
    %scan3A_218 = arith.constant 320 : i32
    %run_scoped3A_219 = arith.constant 0 : i32
    "tpu.region"() ({
      %run_scoped3A_230 = tpu.sem_alloc : memref<!tpu.dma_semaphore, #tpu.memory_space<semaphore_mem>>
      %dma_start3A = arith.constant 0 : i32
      %dma_start3A_231 = arith.constant 0 : i32
      %dma_start3A_232 = tpu.memref_slice %arg9[%arg1, %dma_start3A, %dma_start3A_231] : memref<16x1x10240xf32, #tpu.memory_space<vmem_shared>> -> memref<1x1x10240xf32, #tpu.memory_space<vmem_shared>>
      %dma_start3A_233 = tpu.memref_squeeze %dma_start3A_232 : memref<1x1x10240xf32, #tpu.memory_space<vmem_shared>> -> memref<1x10240xf32, #tpu.memory_space<vmem_shared>>
      %dma_start3A_234 = arith.constant 0 : i32
      %dma_start3A_235 = tpu.memref_slice %dma_start3A_233[%run_scoped3A_219, %dma_start3A_234] : memref<1x10240xf32, #tpu.memory_space<vmem_shared>> -> memref<1x10240xf32, #tpu.memory_space<vmem_shared>>
      %dma_start3A_236 = tpu.memref_squeeze %dma_start3A_235 : memref<1x10240xf32, #tpu.memory_space<vmem_shared>> -> memref<10240xf32, #tpu.memory_space<vmem_shared>>
      %dma_start3A_237 = arith.constant 5120 : i32
      %dma_start3A_238 = tpu.memref_slice %dma_start3A_236[%dma_start3A_237] : memref<10240xf32, #tpu.memory_space<vmem_shared>> -> memref<5120xf32, #tpu.memory_space<vmem_shared>>
      %dma_start3A_239 = arith.constant 0 : i32
      %dma_start3A_240 = arith.constant 0 : i32
      %dma_start3A_241 = tpu.memref_slice %arg9[%arg1, %dma_start3A_239, %dma_start3A_240] : memref<16x1x10240xf32, #tpu.memory_space<vmem_shared>> -> memref<1x1x10240xf32, #tpu.memory_space<vmem_shared>>
      %dma_start3A_242 = tpu.memref_squeeze %dma_start3A_241 : memref<1x1x10240xf32, #tpu.memory_space<vmem_shared>> -> memref<1x10240xf32, #tpu.memory_space<vmem_shared>>
      %dma_start3A_243 = arith.constant 0 : i32
      %dma_start3A_244 = tpu.memref_slice %dma_start3A_242[%run_scoped3A_219, %dma_start3A_243] : memref<1x10240xf32, #tpu.memory_space<vmem_shared>> -> memref<1x10240xf32, #tpu.memory_space<vmem_shared>>
      %dma_start3A_245 = tpu.memref_squeeze %dma_start3A_244 : memref<1x10240xf32, #tpu.memory_space<vmem_shared>> -> memref<10240xf32, #tpu.memory_space<vmem_shared>>
      %dma_start3A_246 = arith.constant 5120 : i32
      %dma_start3A_247 = tpu.memref_slice %dma_start3A_245[%dma_start3A_246] : memref<10240xf32, #tpu.memory_space<vmem_shared>> -> memref<5120xf32, #tpu.memory_space<vmem_shared>>
      tpu.enqueue_dma source(%arg6 : memref<5120xf32, #tpu.memory_space<vmem>>) target(%dma_start3A_247 : memref<5120xf32, #tpu.memory_space<vmem_shared>>) target_semaphore(%run_scoped3A_230 : memref<!tpu.dma_semaphore, #tpu.memory_space<semaphore_mem>>)
      %dma_wait3A = arith.constant 0 : i32
      %dma_wait3A_248 = arith.constant 0 : i32
      %dma_wait3A_249 = tpu.memref_slice %arg9[%arg1, %dma_wait3A, %dma_wait3A_248] : memref<16x1x10240xf32, #tpu.memory_space<vmem_shared>> -> memref<1x1x10240xf32, #tpu.memory_space<vmem_shared>>
      %dma_wait3A_250 = tpu.memref_squeeze %dma_wait3A_249 : memref<1x1x10240xf32, #tpu.memory_space<vmem_shared>> -> memref<1x10240xf32, #tpu.memory_space<vmem_shared>>
      %dma_wait3A_251 = arith.constant 0 : i32
      %dma_wait3A_252 = tpu.memref_slice %dma_wait3A_250[%run_scoped3A_219, %dma_wait3A_251] : memref<1x10240xf32, #tpu.memory_space<vmem_shared>> -> memref<1x10240xf32, #tpu.memory_space<vmem_shared>>
      %dma_wait3A_253 = tpu.memref_squeeze %dma_wait3A_252 : memref<1x10240xf32, #tpu.memory_space<vmem_shared>> -> memref<10240xf32, #tpu.memory_space<vmem_shared>>
      %dma_wait3A_254 = arith.constant 5120 : i32
      %dma_wait3A_255 = tpu.memref_slice %dma_wait3A_253[%dma_wait3A_254] : memref<10240xf32, #tpu.memory_space<vmem_shared>> -> memref<5120xf32, #tpu.memory_space<vmem_shared>>
      %dma_wait3A_256 = arith.constant 0 : i32
      %dma_wait3A_257 = arith.constant 0 : i32
      %dma_wait3A_258 = tpu.memref_slice %arg9[%arg1, %dma_wait3A_256, %dma_wait3A_257] : memref<16x1x10240xf32, #tpu.memory_space<vmem_shared>> -> memref<1x1x10240xf32, #tpu.memory_space<vmem_shared>>
      %dma_wait3A_259 = tpu.memref_squeeze %dma_wait3A_258 : memref<1x1x10240xf32, #tpu.memory_space<vmem_shared>> -> memref<1x10240xf32, #tpu.memory_space<vmem_shared>>
      %dma_wait3A_260 = arith.constant 0 : i32
      %dma_wait3A_261 = tpu.memref_slice %dma_wait3A_259[%run_scoped3A_219, %dma_wait3A_260] : memref<1x10240xf32, #tpu.memory_space<vmem_shared>> -> memref<1x10240xf32, #tpu.memory_space<vmem_shared>>
      %dma_wait3A_262 = tpu.memref_squeeze %dma_wait3A_261 : memref<1x10240xf32, #tpu.memory_space<vmem_shared>> -> memref<10240xf32, #tpu.memory_space<vmem_shared>>
      %dma_wait3A_263 = arith.constant 5120 : i32
      %dma_wait3A_264 = tpu.memref_slice %dma_wait3A_262[%dma_wait3A_263] : memref<10240xf32, #tpu.memory_space<vmem_shared>> -> memref<5120xf32, #tpu.memory_space<vmem_shared>>
      tpu.wait_dma2 semaphore(%run_scoped3A_230 : memref<!tpu.dma_semaphore, #tpu.memory_space<semaphore_mem>>) src(%arg6 : memref<5120xf32, #tpu.memory_space<vmem>>) dst(%dma_wait3A_264 : memref<5120xf32, #tpu.memory_space<vmem_shared>>)
      tpu.yield
    }) : () -> ()
    %barrier3A = arith.constant 0 : index
    tpu.barrier barrier_id(%barrier3A)
    %mul3A_220 = arith.constant 640 : i32
    %mul3A_221 = arith.muli %arg1, %mul3A_220 : i32
    %run_scoped3A_222 = arith.constant 0 : i32
    "tpu.region"() ({
      %run_scoped3A_230 = tpu.sem_alloc : memref<!tpu.dma_semaphore, #tpu.memory_space<semaphore_mem>>
      %dma_start3A = arith.constant 0 : i32
      %dma_start3A_231 = tpu.memref_slice %arg9[%dma_start3A, %run_scoped3A_222, %mul3A_221] : memref<16x1x10240xf32, #tpu.memory_space<vmem_shared>> -> memref<16x1x640xf32, #tpu.memory_space<vmem_shared>>
      %dma_start3A_232 = tpu.memref_squeeze %dma_start3A_231 : memref<16x1x640xf32, #tpu.memory_space<vmem_shared>> -> memref<16x640xf32, #tpu.memory_space<vmem_shared>>
      %dma_start3A_233 = arith.constant 0 : i32
      %dma_start3A_234 = tpu.memref_slice %arg9[%dma_start3A_233, %run_scoped3A_222, %mul3A_221] : memref<16x1x10240xf32, #tpu.memory_space<vmem_shared>> -> memref<16x1x640xf32, #tpu.memory_space<vmem_shared>>
      %dma_start3A_235 = tpu.memref_squeeze %dma_start3A_234 : memref<16x1x640xf32, #tpu.memory_space<vmem_shared>> -> memref<16x640xf32, #tpu.memory_space<vmem_shared>>
      tpu.enqueue_dma source(%dma_start3A_235 : memref<16x640xf32, #tpu.memory_space<vmem_shared>>) target(%arg7 : memref<16x640xf32, #tpu.memory_space<vmem>>) target_semaphore(%run_scoped3A_230 : memref<!tpu.dma_semaphore, #tpu.memory_space<semaphore_mem>>)
      %dma_wait3A = arith.constant 0 : i32
      %dma_wait3A_236 = tpu.memref_slice %arg9[%dma_wait3A, %run_scoped3A_222, %mul3A_221] : memref<16x1x10240xf32, #tpu.memory_space<vmem_shared>> -> memref<16x1x640xf32, #tpu.memory_space<vmem_shared>>
      %dma_wait3A_237 = tpu.memref_squeeze %dma_wait3A_236 : memref<16x1x640xf32, #tpu.memory_space<vmem_shared>> -> memref<16x640xf32, #tpu.memory_space<vmem_shared>>
      %dma_wait3A_238 = arith.constant 0 : i32
      %dma_wait3A_239 = tpu.memref_slice %arg9[%dma_wait3A_238, %run_scoped3A_222, %mul3A_221] : memref<16x1x10240xf32, #tpu.memory_space<vmem_shared>> -> memref<16x1x640xf32, #tpu.memory_space<vmem_shared>>
      %dma_wait3A_240 = tpu.memref_squeeze %dma_wait3A_239 : memref<16x1x640xf32, #tpu.memory_space<vmem_shared>> -> memref<16x640xf32, #tpu.memory_space<vmem_shared>>
      tpu.wait_dma2 semaphore(%run_scoped3A_230 : memref<!tpu.dma_semaphore, #tpu.memory_space<semaphore_mem>>) src(%dma_wait3A_240 : memref<16x640xf32, #tpu.memory_space<vmem_shared>>) dst(%arg7 : memref<16x640xf32, #tpu.memory_space<vmem>>)
      tpu.yield
    }) : () -> ()
    %scan3A_223 = arith.constant 0 : i32
    %scan3A_224 = arith.constant 0 : i32
    %scan3A_225 = arith.constant 40 : i32
    %scan3A_226 = arith.addi %scan3A_224, %scan3A_225 : i32
    %scan3A_227 = arith.constant 1 : i32
    scf.for %scan3A_230 = %scan3A_224 to %scan3A_226 step %scan3A_227  : i32 {
      %mul3A_231 = arith.constant 16 : i32
      %mul3A_232 = arith.muli %scan3A_230, %mul3A_231 : i32
      %get3A = arith.constant 0 : i32
      %get3A_233 = arith.index_cast %get3A : i32 to index
      %get3A_234 = arith.index_cast %mul3A_232 : i32 to index
      %get3A_235 = tpu.vector_load %arg7[%get3A_233, %get3A_234] {strides = array<i32>} : memref<16x640xf32, #tpu.memory_space<vmem>>, vector<16xf32>,
      %get3A_236 = arith.constant 1 : i32
      %get3A_237 = arith.index_cast %get3A_236 : i32 to index
      %get3A_238 = arith.index_cast %mul3A_232 : i32 to index
      %get3A_239 = tpu.vector_load %arg7[%get3A_237, %get3A_238] {strides = array<i32>} : memref<16x640xf32, #tpu.memory_space<vmem>>, vector<16xf32>,
      %add3A_240 = arith.addf %get3A_235, %get3A_239 : vector<16xf32>
      %get3A_241 = arith.constant 2 : i32
      %get3A_242 = arith.index_cast %get3A_241 : i32 to index
      %get3A_243 = arith.index_cast %mul3A_232 : i32 to index
      %get3A_244 = tpu.vector_load %arg7[%get3A_242, %get3A_243] {strides = array<i32>} : memref<16x640xf32, #tpu.memory_space<vmem>>, vector<16xf32>,
      %add3A_245 = arith.addf %add3A_240, %get3A_244 : vector<16xf32>
      %get3A_246 = arith.constant 3 : i32
      %get3A_247 = arith.index_cast %get3A_246 : i32 to index
      %get3A_248 = arith.index_cast %mul3A_232 : i32 to index
      %get3A_249 = tpu.vector_load %arg7[%get3A_247, %get3A_248] {strides = array<i32>} : memref<16x640xf32, #tpu.memory_space<vmem>>, vector<16xf32>,
      %add3A_250 = arith.addf %add3A_245, %get3A_249 : vector<16xf32>
      %get3A_251 = arith.constant 4 : i32
      %get3A_252 = arith.index_cast %get3A_251 : i32 to index
      %get3A_253 = arith.index_cast %mul3A_232 : i32 to index
      %get3A_254 = tpu.vector_load %arg7[%get3A_252, %get3A_253] {strides = array<i32>} : memref<16x640xf32, #tpu.memory_space<vmem>>, vector<16xf32>,
      %add3A_255 = arith.addf %add3A_250, %get3A_254 : vector<16xf32>
      %get3A_256 = arith.constant 5 : i32
      %get3A_257 = arith.index_cast %get3A_256 : i32 to index
      %get3A_258 = arith.index_cast %mul3A_232 : i32 to index
      %get3A_259 = tpu.vector_load %arg7[%get3A_257, %get3A_258] {strides = array<i32>} : memref<16x640xf32, #tpu.memory_space<vmem>>, vector<16xf32>,
      %add3A_260 = arith.addf %add3A_255, %get3A_259 : vector<16xf32>
      %get3A_261 = arith.constant 6 : i32
      %get3A_262 = arith.index_cast %get3A_261 : i32 to index
      %get3A_263 = arith.index_cast %mul3A_232 : i32 to index
      %get3A_264 = tpu.vector_load %arg7[%get3A_262, %get3A_263] {strides = array<i32>} : memref<16x640xf32, #tpu.memory_space<vmem>>, vector<16xf32>,
      %add3A_265 = arith.addf %add3A_260, %get3A_264 : vector<16xf32>
      %get3A_266 = arith.constant 7 : i32
      %get3A_267 = arith.index_cast %get3A_266 : i32 to index
      %get3A_268 = arith.index_cast %mul3A_232 : i32 to index
      %get3A_269 = tpu.vector_load %arg7[%get3A_267, %get3A_268] {strides = array<i32>} : memref<16x640xf32, #tpu.memory_space<vmem>>, vector<16xf32>,
      %add3A_270 = arith.addf %add3A_265, %get3A_269 : vector<16xf32>
      %get3A_271 = arith.constant 8 : i32
      %get3A_272 = arith.index_cast %get3A_271 : i32 to index
      %get3A_273 = arith.index_cast %mul3A_232 : i32 to index
      %get3A_274 = tpu.vector_load %arg7[%get3A_272, %get3A_273] {strides = array<i32>} : memref<16x640xf32, #tpu.memory_space<vmem>>, vector<16xf32>,
      %add3A_275 = arith.addf %add3A_270, %get3A_274 : vector<16xf32>
      %get3A_276 = arith.constant 9 : i32
      %get3A_277 = arith.index_cast %get3A_276 : i32 to index
      %get3A_278 = arith.index_cast %mul3A_232 : i32 to index
      %get3A_279 = tpu.vector_load %arg7[%get3A_277, %get3A_278] {strides = array<i32>} : memref<16x640xf32, #tpu.memory_space<vmem>>, vector<16xf32>,
      %add3A_280 = arith.addf %add3A_275, %get3A_279 : vector<16xf32>
      %get3A_281 = arith.constant 10 : i32
      %get3A_282 = arith.index_cast %get3A_281 : i32 to index
      %get3A_283 = arith.index_cast %mul3A_232 : i32 to index
      %get3A_284 = tpu.vector_load %arg7[%get3A_282, %get3A_283] {strides = array<i32>} : memref<16x640xf32, #tpu.memory_space<vmem>>, vector<16xf32>,
      %add3A_285 = arith.addf %add3A_280, %get3A_284 : vector<16xf32>
      %get3A_286 = arith.constant 11 : i32
      %get3A_287 = arith.index_cast %get3A_286 : i32 to index
      %get3A_288 = arith.index_cast %mul3A_232 : i32 to index
      %get3A_289 = tpu.vector_load %arg7[%get3A_287, %get3A_288] {strides = array<i32>} : memref<16x640xf32, #tpu.memory_space<vmem>>, vector<16xf32>,
      %add3A_290 = arith.addf %add3A_285, %get3A_289 : vector<16xf32>
      %get3A_291 = arith.constant 12 : i32
      %get3A_292 = arith.index_cast %get3A_291 : i32 to index
      %get3A_293 = arith.index_cast %mul3A_232 : i32 to index
      %get3A_294 = tpu.vector_load %arg7[%get3A_292, %get3A_293] {strides = array<i32>} : memref<16x640xf32, #tpu.memory_space<vmem>>, vector<16xf32>,
      %add3A_295 = arith.addf %add3A_290, %get3A_294 : vector<16xf32>
      %get3A_296 = arith.constant 13 : i32
      %get3A_297 = arith.index_cast %get3A_296 : i32 to index
      %get3A_298 = arith.index_cast %mul3A_232 : i32 to index
      %get3A_299 = tpu.vector_load %arg7[%get3A_297, %get3A_298] {strides = array<i32>} : memref<16x640xf32, #tpu.memory_space<vmem>>, vector<16xf32>,
      %add3A_300 = arith.addf %add3A_295, %get3A_299 : vector<16xf32>
      %get3A_301 = arith.constant 14 : i32
      %get3A_302 = arith.index_cast %get3A_301 : i32 to index
      %get3A_303 = arith.index_cast %mul3A_232 : i32 to index
      %get3A_304 = tpu.vector_load %arg7[%get3A_302, %get3A_303] {strides = array<i32>} : memref<16x640xf32, #tpu.memory_space<vmem>>, vector<16xf32>,
      %add3A_305 = arith.addf %add3A_300, %get3A_304 : vector<16xf32>
      %get3A_306 = arith.constant 15 : i32
      %get3A_307 = arith.index_cast %get3A_306 : i32 to index
      %get3A_308 = arith.index_cast %mul3A_232 : i32 to index
      %get3A_309 = tpu.vector_load %arg7[%get3A_307, %get3A_308] {strides = array<i32>} : memref<16x640xf32, #tpu.memory_space<vmem>>, vector<16xf32>,
      %add3A_310 = arith.addf %add3A_305, %get3A_309 : vector<16xf32>
      %swap3A = arith.index_cast %mul3A_232 : i32 to index
      %swap3A_311 = tpu.vector_load %arg6[%swap3A] {strides = array<i32>} : memref<5120xf32, #tpu.memory_space<vmem>>, vector<16xf32>,
      tpu.vector_store %arg6[%swap3A], %add3A_310 {strides = array<i32>} : memref<5120xf32, #tpu.memory_space<vmem>>, vector<16xf32>,
    }
    %scan3A_228 = arith.constant 40 : i32
    %run_scoped3A_229 = arith.constant 0 : i32
    "tpu.region"() ({
      %run_scoped3A_230 = tpu.sem_alloc : memref<!tpu.dma_semaphore, #tpu.memory_space<semaphore_mem>>
      %dma_start3A = arith.constant 0 : i32
      %dma_start3A_231 = tpu.memref_slice %arg6[%dma_start3A] : memref<5120xf32, #tpu.memory_space<vmem>> -> memref<640xf32, #tpu.memory_space<vmem>>
      %dma_start3A_232 = arith.constant 0 : i32
      %dma_start3A_233 = arith.constant 0 : i32
      %dma_start3A_234 = tpu.memref_slice %arg3[%arg0, %dma_start3A_232, %dma_start3A_233] : memref<2x1x10240xf32, #tpu.memory_space<hbm>> -> memref<1x1x10240xf32, #tpu.memory_space<hbm>>
      %dma_start3A_235 = tpu.memref_squeeze %dma_start3A_234 : memref<1x1x10240xf32, #tpu.memory_space<hbm>> -> memref<1x10240xf32, #tpu.memory_space<hbm>>
      %dma_start3A_236 = arith.constant 0 : i32
      %dma_start3A_237 = tpu.memref_slice %dma_start3A_235[%run_scoped3A_229, %dma_start3A_236] : memref<1x10240xf32, #tpu.memory_space<hbm>> -> memref<1x10240xf32, #tpu.memory_space<hbm>>
      %dma_start3A_238 = tpu.memref_squeeze %dma_start3A_237 : memref<1x10240xf32, #tpu.memory_space<hbm>> -> memref<10240xf32, #tpu.memory_space<hbm>>
      %dma_start3A_239 = tpu.memref_slice %dma_start3A_238[%mul3A_221] : memref<10240xf32, #tpu.memory_space<hbm>> -> memref<640xf32, #tpu.memory_space<hbm>>
      %dma_start3A_240 = arith.constant 0 : i32
      %dma_start3A_241 = arith.constant 0 : i32
      %dma_start3A_242 = tpu.memref_slice %arg3[%arg0, %dma_start3A_240, %dma_start3A_241] : memref<2x1x10240xf32, #tpu.memory_space<hbm>> -> memref<1x1x10240xf32, #tpu.memory_space<hbm>>
      %dma_start3A_243 = tpu.memref_squeeze %dma_start3A_242 : memref<1x1x10240xf32, #tpu.memory_space<hbm>> -> memref<1x10240xf32, #tpu.memory_space<hbm>>
      %dma_start3A_244 = arith.constant 0 : i32
      %dma_start3A_245 = tpu.memref_slice %dma_start3A_243[%run_scoped3A_229, %dma_start3A_244] : memref<1x10240xf32, #tpu.memory_space<hbm>> -> memref<1x10240xf32, #tpu.memory_space<hbm>>
      %dma_start3A_246 = tpu.memref_squeeze %dma_start3A_245 : memref<1x10240xf32, #tpu.memory_space<hbm>> -> memref<10240xf32, #tpu.memory_space<hbm>>
      %dma_start3A_247 = tpu.memref_slice %dma_start3A_246[%mul3A_221] : memref<10240xf32, #tpu.memory_space<hbm>> -> memref<640xf32, #tpu.memory_space<hbm>>
      %dma_start3A_248 = arith.constant 0 : i32
      %dma_start3A_249 = tpu.memref_slice %arg6[%dma_start3A_248] : memref<5120xf32, #tpu.memory_space<vmem>> -> memref<640xf32, #tpu.memory_space<vmem>>
      tpu.enqueue_dma source(%dma_start3A_249 : memref<640xf32, #tpu.memory_space<vmem>>) target(%dma_start3A_247 : memref<640xf32, #tpu.memory_space<hbm>>) target_semaphore(%run_scoped3A_230 : memref<!tpu.dma_semaphore, #tpu.memory_space<semaphore_mem>>)
      %dma_wait3A = arith.constant 0 : i32
      %dma_wait3A_250 = tpu.memref_slice %arg6[%dma_wait3A] : memref<5120xf32, #tpu.memory_space<vmem>> -> memref<640xf32, #tpu.memory_space<vmem>>
      %dma_wait3A_251 = arith.constant 0 : i32
      %dma_wait3A_252 = arith.constant 0 : i32
      %dma_wait3A_253 = tpu.memref_slice %arg3[%arg0, %dma_wait3A_251, %dma_wait3A_252] : memref<2x1x10240xf32, #tpu.memory_space<hbm>> -> memref<1x1x10240xf32, #tpu.memory_space<hbm>>
      %dma_wait3A_254 = tpu.memref_squeeze %dma_wait3A_253 : memref<1x1x10240xf32, #tpu.memory_space<hbm>> -> memref<1x10240xf32, #tpu.memory_space<hbm>>
      %dma_wait3A_255 = arith.constant 0 : i32
      %dma_wait3A_256 = tpu.memref_slice %dma_wait3A_254[%run_scoped3A_229, %dma_wait3A_255] : memref<1x10240xf32, #tpu.memory_space<hbm>> -> memref<1x10240xf32, #tpu.memory_space<hbm>>
      %dma_wait3A_257 = tpu.memref_squeeze %dma_wait3A_256 : memref<1x10240xf32, #tpu.memory_space<hbm>> -> memref<10240xf32, #tpu.memory_space<hbm>>
      %dma_wait3A_258 = tpu.memref_slice %dma_wait3A_257[%mul3A_221] : memref<10240xf32, #tpu.memory_space<hbm>> -> memref<640xf32, #tpu.memory_space<hbm>>
      %dma_wait3A_259 = arith.constant 0 : i32
      %dma_wait3A_260 = arith.constant 0 : i32
      %dma_wait3A_261 = tpu.memref_slice %arg3[%arg0, %dma_wait3A_259, %dma_wait3A_260] : memref<2x1x10240xf32, #tpu.memory_space<hbm>> -> memref<1x1x10240xf32, #tpu.memory_space<hbm>>
      %dma_wait3A_262 = tpu.memref_squeeze %dma_wait3A_261 : memref<1x1x10240xf32, #tpu.memory_space<hbm>> -> memref<1x10240xf32, #tpu.memory_space<hbm>>
      %dma_wait3A_263 = arith.constant 0 : i32
      %dma_wait3A_264 = tpu.memref_slice %dma_wait3A_262[%run_scoped3A_229, %dma_wait3A_263] : memref<1x10240xf32, #tpu.memory_space<hbm>> -> memref<1x10240xf32, #tpu.memory_space<hbm>>
      %dma_wait3A_265 = tpu.memref_squeeze %dma_wait3A_264 : memref<1x10240xf32, #tpu.memory_space<hbm>> -> memref<10240xf32, #tpu.memory_space<hbm>>
      %dma_wait3A_266 = tpu.memref_slice %dma_wait3A_265[%mul3A_221] : memref<10240xf32, #tpu.memory_space<hbm>> -> memref<640xf32, #tpu.memory_space<hbm>>
      %dma_wait3A_267 = arith.constant 0 : i32
      %dma_wait3A_268 = tpu.memref_slice %arg6[%dma_wait3A_267] : memref<5120xf32, #tpu.memory_space<vmem>> -> memref<640xf32, #tpu.memory_space<vmem>>
      tpu.wait_dma2 semaphore(%run_scoped3A_230 : memref<!tpu.dma_semaphore, #tpu.memory_space<semaphore_mem>>) src(%dma_wait3A_268 : memref<640xf32, #tpu.memory_space<vmem>>) dst(%dma_wait3A_266 : memref<640xf32, #tpu.memory_space<hbm>>)
      tpu.yield
    }) : () -> ()
    return
  }
}

#map = affine_map<(d0, d1) -> (0, 0)>
#map1 = affine_map<(d0, d1) -> (0)>
#map2 = affine_map<(d0, d1) -> (0, 0, 0)>
module attributes {stable_mosaic.version = 14 : i64} {
  func.func @body(%arg0: i32, %arg1: i32, %arg2: memref<10000x128xf32, #tpu.memory_space<hbm>>, %arg3: memref<323584xi32, #tpu.memory_space<hbm>>, %arg4: memref<16x105x128xi32, #tpu.memory_space<hbm>>, %arg5: memref<16x53x128xi32, #tpu.memory_space<hbm>>, %arg6: memref<2x10240x128xf32, #tpu.memory_space<hbm>>, %arg7: memref<105x128xi32, #tpu.memory_space<vmem>>, %arg8: memref<256xi32, #tpu.memory_space<vmem>>, %arg9: memref<2x128x128xf32, #tpu.memory_space<vmem>>, %arg10: memref<!tpu.dma_semaphore, #tpu.memory_space<semaphore_mem>>, %arg11: memref<!tpu.dma_semaphore, #tpu.memory_space<semaphore_mem>>, %arg12: memref<!tpu.dma_semaphore, #tpu.memory_space<semaphore_mem>>, %arg13: memref<!tpu.dma_semaphore, #tpu.memory_space<semaphore_mem>>, %arg14: memref<10240x128xf32, #tpu.memory_space<vmem_shared>>) attributes {dimension_semantics = [#tpu.dimension_semantics<core_parallel>, #tpu.dimension_semantics<subcore_parallel>], iteration_bounds = array<i64: 2, 16>, scalar_prefetch = 0 : i64, scratch_operands = 8 : i64, tpu.core_type = #tpu.core_type<sc_vector_subcore>, window_params = [{transform_indices = #map}, {transform_indices = #map1}, {transform_indices = #map2}, {transform_indices = #map2}, {transform_indices = #map2}]} {
    %broadcast_in_dim3A = arith.constant 0.000000e+00 : f32
    %broadcast_in_dim3A_0 = vector.broadcast %broadcast_in_dim3A : f32 to vector<16xf32>
    %scan3A = arith.constant 0 : i32
    %scan3A_1 = arith.constant 0 : i32
    %scan3A_2 = arith.constant 128 : i32
    %scan3A_3 = arith.addi %scan3A_1, %scan3A_2 : i32
    %scan3A_4 = arith.constant 1 : i32
    scf.for %scan3A_46 = %scan3A_1 to %scan3A_3 step %scan3A_4  : i32 {
      %swap3A = arith.constant 0 : i32
      %swap3A_47 = arith.index_cast %swap3A : i32 to index
      %swap3A_48 = arith.index_cast %scan3A_46 : i32 to index
      %swap3A_49 = arith.constant 0 : index
      %swap3A_50 = tpu.vector_load %arg9[%swap3A_47, %swap3A_48, %swap3A_49] {strides = array<i32>} : memref<2x128x128xf32, #tpu.memory_space<vmem>>, vector<16xf32>,
      tpu.vector_store %arg9[%swap3A_47, %swap3A_48, %swap3A_49], %broadcast_in_dim3A_0 {strides = array<i32>} : memref<2x128x128xf32, #tpu.memory_space<vmem>>, vector<16xf32>,
      %swap3A_51 = arith.constant 0 : i32
      %swap3A_52 = arith.index_cast %swap3A_51 : i32 to index
      %swap3A_53 = arith.index_cast %scan3A_46 : i32 to index
      %swap3A_54 = arith.constant 16 : index
      %swap3A_55 = tpu.vector_load %arg9[%swap3A_52, %swap3A_53, %swap3A_54] {strides = array<i32>} : memref<2x128x128xf32, #tpu.memory_space<vmem>>, vector<16xf32>,
      tpu.vector_store %arg9[%swap3A_52, %swap3A_53, %swap3A_54], %broadcast_in_dim3A_0 {strides = array<i32>} : memref<2x128x128xf32, #tpu.memory_space<vmem>>, vector<16xf32>,
      %swap3A_56 = arith.constant 0 : i32
      %swap3A_57 = arith.index_cast %swap3A_56 : i32 to index
      %swap3A_58 = arith.index_cast %scan3A_46 : i32 to index
      %swap3A_59 = arith.constant 32 : index
      %swap3A_60 = tpu.vector_load %arg9[%swap3A_57, %swap3A_58, %swap3A_59] {strides = array<i32>} : memref<2x128x128xf32, #tpu.memory_space<vmem>>, vector<16xf32>,
      tpu.vector_store %arg9[%swap3A_57, %swap3A_58, %swap3A_59], %broadcast_in_dim3A_0 {strides = array<i32>} : memref<2x128x128xf32, #tpu.memory_space<vmem>>, vector<16xf32>,
      %swap3A_61 = arith.constant 0 : i32
      %swap3A_62 = arith.index_cast %swap3A_61 : i32 to index
      %swap3A_63 = arith.index_cast %scan3A_46 : i32 to index
      %swap3A_64 = arith.constant 48 : index
      %swap3A_65 = tpu.vector_load %arg9[%swap3A_62, %swap3A_63, %swap3A_64] {strides = array<i32>} : memref<2x128x128xf32, #tpu.memory_space<vmem>>, vector<16xf32>,
      tpu.vector_store %arg9[%swap3A_62, %swap3A_63, %swap3A_64], %broadcast_in_dim3A_0 {strides = array<i32>} : memref<2x128x128xf32, #tpu.memory_space<vmem>>, vector<16xf32>,
      %swap3A_66 = arith.constant 0 : i32
      %swap3A_67 = arith.index_cast %swap3A_66 : i32 to index
      %swap3A_68 = arith.index_cast %scan3A_46 : i32 to index
      %swap3A_69 = arith.constant 64 : index
      %swap3A_70 = tpu.vector_load %arg9[%swap3A_67, %swap3A_68, %swap3A_69] {strides = array<i32>} : memref<2x128x128xf32, #tpu.memory_space<vmem>>, vector<16xf32>,
      tpu.vector_store %arg9[%swap3A_67, %swap3A_68, %swap3A_69], %broadcast_in_dim3A_0 {strides = array<i32>} : memref<2x128x128xf32, #tpu.memory_space<vmem>>, vector<16xf32>,
      %swap3A_71 = arith.constant 0 : i32
      %swap3A_72 = arith.index_cast %swap3A_71 : i32 to index
      %swap3A_73 = arith.index_cast %scan3A_46 : i32 to index
      %swap3A_74 = arith.constant 80 : index
      %swap3A_75 = tpu.vector_load %arg9[%swap3A_72, %swap3A_73, %swap3A_74] {strides = array<i32>} : memref<2x128x128xf32, #tpu.memory_space<vmem>>, vector<16xf32>,
      tpu.vector_store %arg9[%swap3A_72, %swap3A_73, %swap3A_74], %broadcast_in_dim3A_0 {strides = array<i32>} : memref<2x128x128xf32, #tpu.memory_space<vmem>>, vector<16xf32>,
      %swap3A_76 = arith.constant 0 : i32
      %swap3A_77 = arith.index_cast %swap3A_76 : i32 to index
      %swap3A_78 = arith.index_cast %scan3A_46 : i32 to index
      %swap3A_79 = arith.constant 96 : index
      %swap3A_80 = tpu.vector_load %arg9[%swap3A_77, %swap3A_78, %swap3A_79] {strides = array<i32>} : memref<2x128x128xf32, #tpu.memory_space<vmem>>, vector<16xf32>,
      tpu.vector_store %arg9[%swap3A_77, %swap3A_78, %swap3A_79], %broadcast_in_dim3A_0 {strides = array<i32>} : memref<2x128x128xf32, #tpu.memory_space<vmem>>, vector<16xf32>,
      %swap3A_81 = arith.constant 0 : i32
      %swap3A_82 = arith.index_cast %swap3A_81 : i32 to index
      %swap3A_83 = arith.index_cast %scan3A_46 : i32 to index
      %swap3A_84 = arith.constant 112 : index
      %swap3A_85 = tpu.vector_load %arg9[%swap3A_82, %swap3A_83, %swap3A_84] {strides = array<i32>} : memref<2x128x128xf32, #tpu.memory_space<vmem>>, vector<16xf32>,
      tpu.vector_store %arg9[%swap3A_82, %swap3A_83, %swap3A_84], %broadcast_in_dim3A_0 {strides = array<i32>} : memref<2x128x128xf32, #tpu.memory_space<vmem>>, vector<16xf32>,
    }
    %scan3A_5 = arith.constant 128 : i32
    %mul3A = arith.constant 640 : i32
    %mul3A_6 = arith.muli %arg1, %mul3A : i32
    %add3A = arith.constant 0 : i32
    %add3A_7 = arith.addi %mul3A_6, %add3A : i32
    %run_scoped3A = arith.constant 0 : i32
    "tpu.region"() ({
      %run_scoped3A_46 = tpu.sem_alloc : memref<!tpu.dma_semaphore, #tpu.memory_space<semaphore_mem>>
      %dma_start3A = arith.constant 0 : i32
      %dma_start3A_47 = arith.constant 0 : i32
      %dma_start3A_48 = tpu.memref_slice %arg9[%run_scoped3A, %dma_start3A, %dma_start3A_47] : memref<2x128x128xf32, #tpu.memory_space<vmem>> -> memref<1x128x128xf32, #tpu.memory_space<vmem>>
      %dma_start3A_49 = tpu.memref_squeeze %dma_start3A_48 : memref<1x128x128xf32, #tpu.memory_space<vmem>> -> memref<128x128xf32, #tpu.memory_space<vmem>>
      %dma_start3A_50 = arith.constant 0 : i32
      %dma_start3A_51 = tpu.memref_slice %arg14[%add3A_7, %dma_start3A_50] : memref<10240x128xf32, #tpu.memory_space<vmem_shared>> -> memref<128x128xf32, #tpu.memory_space<vmem_shared>>
      %dma_start3A_52 = arith.constant 0 : i32
      %dma_start3A_53 = tpu.memref_slice %arg14[%add3A_7, %dma_start3A_52] : memref<10240x128xf32, #tpu.memory_space<vmem_shared>> -> memref<128x128xf32, #tpu.memory_space<vmem_shared>>
      %dma_start3A_54 = arith.constant 0 : i32
      %dma_start3A_55 = arith.constant 0 : i32
      %dma_start3A_56 = tpu.memref_slice %arg9[%run_scoped3A, %dma_start3A_54, %dma_start3A_55] : memref<2x128x128xf32, #tpu.memory_space<vmem>> -> memref<1x128x128xf32, #tpu.memory_space<vmem>>
      %dma_start3A_57 = tpu.memref_squeeze %dma_start3A_56 : memref<1x128x128xf32, #tpu.memory_space<vmem>> -> memref<128x128xf32, #tpu.memory_space<vmem>>
      tpu.enqueue_dma source(%dma_start3A_57 : memref<128x128xf32, #tpu.memory_space<vmem>>) target(%dma_start3A_53 : memref<128x128xf32, #tpu.memory_space<vmem_shared>>) target_semaphore(%run_scoped3A_46 : memref<!tpu.dma_semaphore, #tpu.memory_space<semaphore_mem>>)
      %dma_wait3A = arith.constant 0 : i32
      %dma_wait3A_58 = arith.constant 0 : i32
      %dma_wait3A_59 = tpu.memref_slice %arg9[%run_scoped3A, %dma_wait3A, %dma_wait3A_58] : memref<2x128x128xf32, #tpu.memory_space<vmem>> -> memref<1x128x128xf32, #tpu.memory_space<vmem>>
      %dma_wait3A_60 = tpu.memref_squeeze %dma_wait3A_59 : memref<1x128x128xf32, #tpu.memory_space<vmem>> -> memref<128x128xf32, #tpu.memory_space<vmem>>
      %dma_wait3A_61 = arith.constant 0 : i32
      %dma_wait3A_62 = tpu.memref_slice %arg14[%add3A_7, %dma_wait3A_61] : memref<10240x128xf32, #tpu.memory_space<vmem_shared>> -> memref<128x128xf32, #tpu.memory_space<vmem_shared>>
      %dma_wait3A_63 = arith.constant 0 : i32
      %dma_wait3A_64 = tpu.memref_slice %arg14[%add3A_7, %dma_wait3A_63] : memref<10240x128xf32, #tpu.memory_space<vmem_shared>> -> memref<128x128xf32, #tpu.memory_space<vmem_shared>>
      %dma_wait3A_65 = arith.constant 0 : i32
      %dma_wait3A_66 = arith.constant 0 : i32
      %dma_wait3A_67 = tpu.memref_slice %arg9[%run_scoped3A, %dma_wait3A_65, %dma_wait3A_66] : memref<2x128x128xf32, #tpu.memory_space<vmem>> -> memref<1x128x128xf32, #tpu.memory_space<vmem>>
      %dma_wait3A_68 = tpu.memref_squeeze %dma_wait3A_67 : memref<1x128x128xf32, #tpu.memory_space<vmem>> -> memref<128x128xf32, #tpu.memory_space<vmem>>
      tpu.wait_dma2 semaphore(%run_scoped3A_46 : memref<!tpu.dma_semaphore, #tpu.memory_space<semaphore_mem>>) src(%dma_wait3A_68 : memref<128x128xf32, #tpu.memory_space<vmem>>) dst(%dma_wait3A_64 : memref<128x128xf32, #tpu.memory_space<vmem_shared>>)
      tpu.yield
    }) : () -> ()
    %add3A_8 = arith.constant 128 : i32
    %add3A_9 = arith.addi %mul3A_6, %add3A_8 : i32
    %run_scoped3A_10 = arith.constant 0 : i32
    "tpu.region"() ({
      %run_scoped3A_46 = tpu.sem_alloc : memref<!tpu.dma_semaphore, #tpu.memory_space<semaphore_mem>>
      %dma_start3A = arith.constant 0 : i32
      %dma_start3A_47 = arith.constant 0 : i32
      %dma_start3A_48 = tpu.memref_slice %arg9[%run_scoped3A_10, %dma_start3A, %dma_start3A_47] : memref<2x128x128xf32, #tpu.memory_space<vmem>> -> memref<1x128x128xf32, #tpu.memory_space<vmem>>
      %dma_start3A_49 = tpu.memref_squeeze %dma_start3A_48 : memref<1x128x128xf32, #tpu.memory_space<vmem>> -> memref<128x128xf32, #tpu.memory_space<vmem>>
      %dma_start3A_50 = arith.constant 0 : i32
      %dma_start3A_51 = tpu.memref_slice %arg14[%add3A_9, %dma_start3A_50] : memref<10240x128xf32, #tpu.memory_space<vmem_shared>> -> memref<128x128xf32, #tpu.memory_space<vmem_shared>>
      %dma_start3A_52 = arith.constant 0 : i32
      %dma_start3A_53 = tpu.memref_slice %arg14[%add3A_9, %dma_start3A_52] : memref<10240x128xf32, #tpu.memory_space<vmem_shared>> -> memref<128x128xf32, #tpu.memory_space<vmem_shared>>
      %dma_start3A_54 = arith.constant 0 : i32
      %dma_start3A_55 = arith.constant 0 : i32
      %dma_start3A_56 = tpu.memref_slice %arg9[%run_scoped3A_10, %dma_start3A_54, %dma_start3A_55] : memref<2x128x128xf32, #tpu.memory_space<vmem>> -> memref<1x128x128xf32, #tpu.memory_space<vmem>>
      %dma_start3A_57 = tpu.memref_squeeze %dma_start3A_56 : memref<1x128x128xf32, #tpu.memory_space<vmem>> -> memref<128x128xf32, #tpu.memory_space<vmem>>
      tpu.enqueue_dma source(%dma_start3A_57 : memref<128x128xf32, #tpu.memory_space<vmem>>) target(%dma_start3A_53 : memref<128x128xf32, #tpu.memory_space<vmem_shared>>) target_semaphore(%run_scoped3A_46 : memref<!tpu.dma_semaphore, #tpu.memory_space<semaphore_mem>>)
      %dma_wait3A = arith.constant 0 : i32
      %dma_wait3A_58 = arith.constant 0 : i32
      %dma_wait3A_59 = tpu.memref_slice %arg9[%run_scoped3A_10, %dma_wait3A, %dma_wait3A_58] : memref<2x128x128xf32, #tpu.memory_space<vmem>> -> memref<1x128x128xf32, #tpu.memory_space<vmem>>
      %dma_wait3A_60 = tpu.memref_squeeze %dma_wait3A_59 : memref<1x128x128xf32, #tpu.memory_space<vmem>> -> memref<128x128xf32, #tpu.memory_space<vmem>>
      %dma_wait3A_61 = arith.constant 0 : i32
      %dma_wait3A_62 = tpu.memref_slice %arg14[%add3A_9, %dma_wait3A_61] : memref<10240x128xf32, #tpu.memory_space<vmem_shared>> -> memref<128x128xf32, #tpu.memory_space<vmem_shared>>
      %dma_wait3A_63 = arith.constant 0 : i32
      %dma_wait3A_64 = tpu.memref_slice %arg14[%add3A_9, %dma_wait3A_63] : memref<10240x128xf32, #tpu.memory_space<vmem_shared>> -> memref<128x128xf32, #tpu.memory_space<vmem_shared>>
      %dma_wait3A_65 = arith.constant 0 : i32
      %dma_wait3A_66 = arith.constant 0 : i32
      %dma_wait3A_67 = tpu.memref_slice %arg9[%run_scoped3A_10, %dma_wait3A_65, %dma_wait3A_66] : memref<2x128x128xf32, #tpu.memory_space<vmem>> -> memref<1x128x128xf32, #tpu.memory_space<vmem>>
      %dma_wait3A_68 = tpu.memref_squeeze %dma_wait3A_67 : memref<1x128x128xf32, #tpu.memory_space<vmem>> -> memref<128x128xf32, #tpu.memory_space<vmem>>
      tpu.wait_dma2 semaphore(%run_scoped3A_46 : memref<!tpu.dma_semaphore, #tpu.memory_space<semaphore_mem>>) src(%dma_wait3A_68 : memref<128x128xf32, #tpu.memory_space<vmem>>) dst(%dma_wait3A_64 : memref<128x128xf32, #tpu.memory_space<vmem_shared>>)
      tpu.yield
    }) : () -> ()
    %add3A_11 = arith.constant 256 : i32
    %add3A_12 = arith.addi %mul3A_6, %add3A_11 : i32
    %run_scoped3A_13 = arith.constant 0 : i32
    "tpu.region"() ({
      %run_scoped3A_46 = tpu.sem_alloc : memref<!tpu.dma_semaphore, #tpu.memory_space<semaphore_mem>>
      %dma_start3A = arith.constant 0 : i32
      %dma_start3A_47 = arith.constant 0 : i32
      %dma_start3A_48 = tpu.memref_slice %arg9[%run_scoped3A_13, %dma_start3A, %dma_start3A_47] : memref<2x128x128xf32, #tpu.memory_space<vmem>> -> memref<1x128x128xf32, #tpu.memory_space<vmem>>
      %dma_start3A_49 = tpu.memref_squeeze %dma_start3A_48 : memref<1x128x128xf32, #tpu.memory_space<vmem>> -> memref<128x128xf32, #tpu.memory_space<vmem>>
      %dma_start3A_50 = arith.constant 0 : i32
      %dma_start3A_51 = tpu.memref_slice %arg14[%add3A_12, %dma_start3A_50] : memref<10240x128xf32, #tpu.memory_space<vmem_shared>> -> memref<128x128xf32, #tpu.memory_space<vmem_shared>>
      %dma_start3A_52 = arith.constant 0 : i32
      %dma_start3A_53 = tpu.memref_slice %arg14[%add3A_12, %dma_start3A_52] : memref<10240x128xf32, #tpu.memory_space<vmem_shared>> -> memref<128x128xf32, #tpu.memory_space<vmem_shared>>
      %dma_start3A_54 = arith.constant 0 : i32
      %dma_start3A_55 = arith.constant 0 : i32
      %dma_start3A_56 = tpu.memref_slice %arg9[%run_scoped3A_13, %dma_start3A_54, %dma_start3A_55] : memref<2x128x128xf32, #tpu.memory_space<vmem>> -> memref<1x128x128xf32, #tpu.memory_space<vmem>>
      %dma_start3A_57 = tpu.memref_squeeze %dma_start3A_56 : memref<1x128x128xf32, #tpu.memory_space<vmem>> -> memref<128x128xf32, #tpu.memory_space<vmem>>
      tpu.enqueue_dma source(%dma_start3A_57 : memref<128x128xf32, #tpu.memory_space<vmem>>) target(%dma_start3A_53 : memref<128x128xf32, #tpu.memory_space<vmem_shared>>) target_semaphore(%run_scoped3A_46 : memref<!tpu.dma_semaphore, #tpu.memory_space<semaphore_mem>>)
      %dma_wait3A = arith.constant 0 : i32
      %dma_wait3A_58 = arith.constant 0 : i32
      %dma_wait3A_59 = tpu.memref_slice %arg9[%run_scoped3A_13, %dma_wait3A, %dma_wait3A_58] : memref<2x128x128xf32, #tpu.memory_space<vmem>> -> memref<1x128x128xf32, #tpu.memory_space<vmem>>
      %dma_wait3A_60 = tpu.memref_squeeze %dma_wait3A_59 : memref<1x128x128xf32, #tpu.memory_space<vmem>> -> memref<128x128xf32, #tpu.memory_space<vmem>>
      %dma_wait3A_61 = arith.constant 0 : i32
      %dma_wait3A_62 = tpu.memref_slice %arg14[%add3A_12, %dma_wait3A_61] : memref<10240x128xf32, #tpu.memory_space<vmem_shared>> -> memref<128x128xf32, #tpu.memory_space<vmem_shared>>
      %dma_wait3A_63 = arith.constant 0 : i32
      %dma_wait3A_64 = tpu.memref_slice %arg14[%add3A_12, %dma_wait3A_63] : memref<10240x128xf32, #tpu.memory_space<vmem_shared>> -> memref<128x128xf32, #tpu.memory_space<vmem_shared>>
      %dma_wait3A_65 = arith.constant 0 : i32
      %dma_wait3A_66 = arith.constant 0 : i32
      %dma_wait3A_67 = tpu.memref_slice %arg9[%run_scoped3A_13, %dma_wait3A_65, %dma_wait3A_66] : memref<2x128x128xf32, #tpu.memory_space<vmem>> -> memref<1x128x128xf32, #tpu.memory_space<vmem>>
      %dma_wait3A_68 = tpu.memref_squeeze %dma_wait3A_67 : memref<1x128x128xf32, #tpu.memory_space<vmem>> -> memref<128x128xf32, #tpu.memory_space<vmem>>
      tpu.wait_dma2 semaphore(%run_scoped3A_46 : memref<!tpu.dma_semaphore, #tpu.memory_space<semaphore_mem>>) src(%dma_wait3A_68 : memref<128x128xf32, #tpu.memory_space<vmem>>) dst(%dma_wait3A_64 : memref<128x128xf32, #tpu.memory_space<vmem_shared>>)
      tpu.yield
    }) : () -> ()
    %add3A_14 = arith.constant 384 : i32
    %add3A_15 = arith.addi %mul3A_6, %add3A_14 : i32
    %run_scoped3A_16 = arith.constant 0 : i32
    "tpu.region"() ({
      %run_scoped3A_46 = tpu.sem_alloc : memref<!tpu.dma_semaphore, #tpu.memory_space<semaphore_mem>>
      %dma_start3A = arith.constant 0 : i32
      %dma_start3A_47 = arith.constant 0 : i32
      %dma_start3A_48 = tpu.memref_slice %arg9[%run_scoped3A_16, %dma_start3A, %dma_start3A_47] : memref<2x128x128xf32, #tpu.memory_space<vmem>> -> memref<1x128x128xf32, #tpu.memory_space<vmem>>
      %dma_start3A_49 = tpu.memref_squeeze %dma_start3A_48 : memref<1x128x128xf32, #tpu.memory_space<vmem>> -> memref<128x128xf32, #tpu.memory_space<vmem>>
      %dma_start3A_50 = arith.constant 0 : i32
      %dma_start3A_51 = tpu.memref_slice %arg14[%add3A_15, %dma_start3A_50] : memref<10240x128xf32, #tpu.memory_space<vmem_shared>> -> memref<128x128xf32, #tpu.memory_space<vmem_shared>>
      %dma_start3A_52 = arith.constant 0 : i32
      %dma_start3A_53 = tpu.memref_slice %arg14[%add3A_15, %dma_start3A_52] : memref<10240x128xf32, #tpu.memory_space<vmem_shared>> -> memref<128x128xf32, #tpu.memory_space<vmem_shared>>
      %dma_start3A_54 = arith.constant 0 : i32
      %dma_start3A_55 = arith.constant 0 : i32
      %dma_start3A_56 = tpu.memref_slice %arg9[%run_scoped3A_16, %dma_start3A_54, %dma_start3A_55] : memref<2x128x128xf32, #tpu.memory_space<vmem>> -> memref<1x128x128xf32, #tpu.memory_space<vmem>>
      %dma_start3A_57 = tpu.memref_squeeze %dma_start3A_56 : memref<1x128x128xf32, #tpu.memory_space<vmem>> -> memref<128x128xf32, #tpu.memory_space<vmem>>
      tpu.enqueue_dma source(%dma_start3A_57 : memref<128x128xf32, #tpu.memory_space<vmem>>) target(%dma_start3A_53 : memref<128x128xf32, #tpu.memory_space<vmem_shared>>) target_semaphore(%run_scoped3A_46 : memref<!tpu.dma_semaphore, #tpu.memory_space<semaphore_mem>>)
      %dma_wait3A = arith.constant 0 : i32
      %dma_wait3A_58 = arith.constant 0 : i32
      %dma_wait3A_59 = tpu.memref_slice %arg9[%run_scoped3A_16, %dma_wait3A, %dma_wait3A_58] : memref<2x128x128xf32, #tpu.memory_space<vmem>> -> memref<1x128x128xf32, #tpu.memory_space<vmem>>
      %dma_wait3A_60 = tpu.memref_squeeze %dma_wait3A_59 : memref<1x128x128xf32, #tpu.memory_space<vmem>> -> memref<128x128xf32, #tpu.memory_space<vmem>>
      %dma_wait3A_61 = arith.constant 0 : i32
      %dma_wait3A_62 = tpu.memref_slice %arg14[%add3A_15, %dma_wait3A_61] : memref<10240x128xf32, #tpu.memory_space<vmem_shared>> -> memref<128x128xf32, #tpu.memory_space<vmem_shared>>
      %dma_wait3A_63 = arith.constant 0 : i32
      %dma_wait3A_64 = tpu.memref_slice %arg14[%add3A_15, %dma_wait3A_63] : memref<10240x128xf32, #tpu.memory_space<vmem_shared>> -> memref<128x128xf32, #tpu.memory_space<vmem_shared>>
      %dma_wait3A_65 = arith.constant 0 : i32
      %dma_wait3A_66 = arith.constant 0 : i32
      %dma_wait3A_67 = tpu.memref_slice %arg9[%run_scoped3A_16, %dma_wait3A_65, %dma_wait3A_66] : memref<2x128x128xf32, #tpu.memory_space<vmem>> -> memref<1x128x128xf32, #tpu.memory_space<vmem>>
      %dma_wait3A_68 = tpu.memref_squeeze %dma_wait3A_67 : memref<1x128x128xf32, #tpu.memory_space<vmem>> -> memref<128x128xf32, #tpu.memory_space<vmem>>
      tpu.wait_dma2 semaphore(%run_scoped3A_46 : memref<!tpu.dma_semaphore, #tpu.memory_space<semaphore_mem>>) src(%dma_wait3A_68 : memref<128x128xf32, #tpu.memory_space<vmem>>) dst(%dma_wait3A_64 : memref<128x128xf32, #tpu.memory_space<vmem_shared>>)
      tpu.yield
    }) : () -> ()
    %add3A_17 = arith.constant 512 : i32
    %add3A_18 = arith.addi %mul3A_6, %add3A_17 : i32
    %run_scoped3A_19 = arith.constant 0 : i32
    "tpu.region"() ({
      %run_scoped3A_46 = tpu.sem_alloc : memref<!tpu.dma_semaphore, #tpu.memory_space<semaphore_mem>>
      %dma_start3A = arith.constant 0 : i32
      %dma_start3A_47 = arith.constant 0 : i32
      %dma_start3A_48 = tpu.memref_slice %arg9[%run_scoped3A_19, %dma_start3A, %dma_start3A_47] : memref<2x128x128xf32, #tpu.memory_space<vmem>> -> memref<1x128x128xf32, #tpu.memory_space<vmem>>
      %dma_start3A_49 = tpu.memref_squeeze %dma_start3A_48 : memref<1x128x128xf32, #tpu.memory_space<vmem>> -> memref<128x128xf32, #tpu.memory_space<vmem>>
      %dma_start3A_50 = arith.constant 0 : i32
      %dma_start3A_51 = tpu.memref_slice %arg14[%add3A_18, %dma_start3A_50] : memref<10240x128xf32, #tpu.memory_space<vmem_shared>> -> memref<128x128xf32, #tpu.memory_space<vmem_shared>>
      %dma_start3A_52 = arith.constant 0 : i32
      %dma_start3A_53 = tpu.memref_slice %arg14[%add3A_18, %dma_start3A_52] : memref<10240x128xf32, #tpu.memory_space<vmem_shared>> -> memref<128x128xf32, #tpu.memory_space<vmem_shared>>
      %dma_start3A_54 = arith.constant 0 : i32
      %dma_start3A_55 = arith.constant 0 : i32
      %dma_start3A_56 = tpu.memref_slice %arg9[%run_scoped3A_19, %dma_start3A_54, %dma_start3A_55] : memref<2x128x128xf32, #tpu.memory_space<vmem>> -> memref<1x128x128xf32, #tpu.memory_space<vmem>>
      %dma_start3A_57 = tpu.memref_squeeze %dma_start3A_56 : memref<1x128x128xf32, #tpu.memory_space<vmem>> -> memref<128x128xf32, #tpu.memory_space<vmem>>
      tpu.enqueue_dma source(%dma_start3A_57 : memref<128x128xf32, #tpu.memory_space<vmem>>) target(%dma_start3A_53 : memref<128x128xf32, #tpu.memory_space<vmem_shared>>) target_semaphore(%run_scoped3A_46 : memref<!tpu.dma_semaphore, #tpu.memory_space<semaphore_mem>>)
      %dma_wait3A = arith.constant 0 : i32
      %dma_wait3A_58 = arith.constant 0 : i32
      %dma_wait3A_59 = tpu.memref_slice %arg9[%run_scoped3A_19, %dma_wait3A, %dma_wait3A_58] : memref<2x128x128xf32, #tpu.memory_space<vmem>> -> memref<1x128x128xf32, #tpu.memory_space<vmem>>
      %dma_wait3A_60 = tpu.memref_squeeze %dma_wait3A_59 : memref<1x128x128xf32, #tpu.memory_space<vmem>> -> memref<128x128xf32, #tpu.memory_space<vmem>>
      %dma_wait3A_61 = arith.constant 0 : i32
      %dma_wait3A_62 = tpu.memref_slice %arg14[%add3A_18, %dma_wait3A_61] : memref<10240x128xf32, #tpu.memory_space<vmem_shared>> -> memref<128x128xf32, #tpu.memory_space<vmem_shared>>
      %dma_wait3A_63 = arith.constant 0 : i32
      %dma_wait3A_64 = tpu.memref_slice %arg14[%add3A_18, %dma_wait3A_63] : memref<10240x128xf32, #tpu.memory_space<vmem_shared>> -> memref<128x128xf32, #tpu.memory_space<vmem_shared>>
      %dma_wait3A_65 = arith.constant 0 : i32
      %dma_wait3A_66 = arith.constant 0 : i32
      %dma_wait3A_67 = tpu.memref_slice %arg9[%run_scoped3A_19, %dma_wait3A_65, %dma_wait3A_66] : memref<2x128x128xf32, #tpu.memory_space<vmem>> -> memref<1x128x128xf32, #tpu.memory_space<vmem>>
      %dma_wait3A_68 = tpu.memref_squeeze %dma_wait3A_67 : memref<1x128x128xf32, #tpu.memory_space<vmem>> -> memref<128x128xf32, #tpu.memory_space<vmem>>
      tpu.wait_dma2 semaphore(%run_scoped3A_46 : memref<!tpu.dma_semaphore, #tpu.memory_space<semaphore_mem>>) src(%dma_wait3A_68 : memref<128x128xf32, #tpu.memory_space<vmem>>) dst(%dma_wait3A_64 : memref<128x128xf32, #tpu.memory_space<vmem_shared>>)
      tpu.yield
    }) : () -> ()
    %eq3A = arith.constant 0 : i32
    %eq3A_20 = arith.cmpi eq, %arg0, %eq3A : i32
    %convert_element_type3A = arith.extui %eq3A_20 : i1 to i32
    %cond3A = arith.constant 0 : i32
    %cond3A_21 = arith.cmpi ne, %convert_element_type3A, %cond3A : i32
    scf.if %cond3A_21 {
      "tpu.region"() ({
        %run_scoped3A_46 = tpu.sem_alloc : memref<!tpu.dma_semaphore, #tpu.memory_space<semaphore_mem>>
        %dma_start3A = arith.constant 0 : i32
        %dma_start3A_47 = arith.constant 0 : i32
        %dma_start3A_48 = tpu.memref_slice %arg7[%dma_start3A, %dma_start3A_47] : memref<105x128xi32, #tpu.memory_space<vmem>> -> memref<105x128xi32, #tpu.memory_space<vmem>>
        %dma_start3A_49 = arith.constant 0 : i32
        %dma_start3A_50 = arith.constant 0 : i32
        %dma_start3A_51 = tpu.memref_slice %arg4[%arg1, %dma_start3A_49, %dma_start3A_50] : memref<16x105x128xi32, #tpu.memory_space<hbm>> -> memref<1x105x128xi32, #tpu.memory_space<hbm>>
        %dma_start3A_52 = tpu.memref_squeeze %dma_start3A_51 : memref<1x105x128xi32, #tpu.memory_space<hbm>> -> memref<105x128xi32, #tpu.memory_space<hbm>>
        %dma_start3A_53 = arith.constant 0 : i32
        %dma_start3A_54 = arith.constant 0 : i32
        %dma_start3A_55 = tpu.memref_slice %arg7[%dma_start3A_53, %dma_start3A_54] : memref<105x128xi32, #tpu.memory_space<vmem>> -> memref<105x128xi32, #tpu.memory_space<vmem>>
        %dma_start3A_56 = arith.constant 0 : i32
        %dma_start3A_57 = arith.constant 0 : i32
        %dma_start3A_58 = tpu.memref_slice %arg4[%arg1, %dma_start3A_56, %dma_start3A_57] : memref<16x105x128xi32, #tpu.memory_space<hbm>> -> memref<1x105x128xi32, #tpu.memory_space<hbm>>
        %dma_start3A_59 = tpu.memref_squeeze %dma_start3A_58 : memref<1x105x128xi32, #tpu.memory_space<hbm>> -> memref<105x128xi32, #tpu.memory_space<hbm>>
        tpu.enqueue_dma source(%dma_start3A_59 : memref<105x128xi32, #tpu.memory_space<hbm>>) target(%dma_start3A_55 : memref<105x128xi32, #tpu.memory_space<vmem>>) target_semaphore(%run_scoped3A_46 : memref<!tpu.dma_semaphore, #tpu.memory_space<semaphore_mem>>)
        %dma_wait3A = arith.constant 0 : i32
        %dma_wait3A_60 = arith.constant 0 : i32
        %dma_wait3A_61 = tpu.memref_slice %arg7[%dma_wait3A, %dma_wait3A_60] : memref<105x128xi32, #tpu.memory_space<vmem>> -> memref<105x128xi32, #tpu.memory_space<vmem>>
        %dma_wait3A_62 = arith.constant 0 : i32
        %dma_wait3A_63 = arith.constant 0 : i32
        %dma_wait3A_64 = tpu.memref_slice %arg4[%arg1, %dma_wait3A_62, %dma_wait3A_63] : memref<16x105x128xi32, #tpu.memory_space<hbm>> -> memref<1x105x128xi32, #tpu.memory_space<hbm>>
        %dma_wait3A_65 = tpu.memref_squeeze %dma_wait3A_64 : memref<1x105x128xi32, #tpu.memory_space<hbm>> -> memref<105x128xi32, #tpu.memory_space<hbm>>
        %dma_wait3A_66 = arith.constant 0 : i32
        %dma_wait3A_67 = arith.constant 0 : i32
        %dma_wait3A_68 = tpu.memref_slice %arg7[%dma_wait3A_66, %dma_wait3A_67] : memref<105x128xi32, #tpu.memory_space<vmem>> -> memref<105x128xi32, #tpu.memory_space<vmem>>
        %dma_wait3A_69 = arith.constant 0 : i32
        %dma_wait3A_70 = arith.constant 0 : i32
        %dma_wait3A_71 = tpu.memref_slice %arg4[%arg1, %dma_wait3A_69, %dma_wait3A_70] : memref<16x105x128xi32, #tpu.memory_space<hbm>> -> memref<1x105x128xi32, #tpu.memory_space<hbm>>
        %dma_wait3A_72 = tpu.memref_squeeze %dma_wait3A_71 : memref<1x105x128xi32, #tpu.memory_space<hbm>> -> memref<105x128xi32, #tpu.memory_space<hbm>>
        tpu.wait_dma2 semaphore(%run_scoped3A_46 : memref<!tpu.dma_semaphore, #tpu.memory_space<semaphore_mem>>) src(%dma_wait3A_72 : memref<105x128xi32, #tpu.memory_space<hbm>>) dst(%dma_wait3A_68 : memref<105x128xi32, #tpu.memory_space<vmem>>)
        tpu.yield
      }) : () -> ()
    } else {
    }
    %eq3A_22 = arith.constant 1 : i32
    %eq3A_23 = arith.cmpi eq, %arg0, %eq3A_22 : i32
    %convert_element_type3A_24 = arith.extui %eq3A_23 : i1 to i32
    %cond3A_25 = arith.constant 0 : i32
    %cond3A_26 = arith.cmpi ne, %convert_element_type3A_24, %cond3A_25 : i32
    scf.if %cond3A_26 {
      "tpu.region"() ({
        %run_scoped3A_46 = tpu.sem_alloc : memref<!tpu.dma_semaphore, #tpu.memory_space<semaphore_mem>>
        %dma_start3A = arith.constant 0 : i32
        %dma_start3A_47 = arith.constant 0 : i32
        %dma_start3A_48 = tpu.memref_slice %arg7[%dma_start3A, %dma_start3A_47] : memref<105x128xi32, #tpu.memory_space<vmem>> -> memref<53x128xi32, #tpu.memory_space<vmem>>
        %dma_start3A_49 = arith.constant 0 : i32
        %dma_start3A_50 = arith.constant 0 : i32
        %dma_start3A_51 = tpu.memref_slice %arg5[%arg1, %dma_start3A_49, %dma_start3A_50] : memref<16x53x128xi32, #tpu.memory_space<hbm>> -> memref<1x53x128xi32, #tpu.memory_space<hbm>>
        %dma_start3A_52 = tpu.memref_squeeze %dma_start3A_51 : memref<1x53x128xi32, #tpu.memory_space<hbm>> -> memref<53x128xi32, #tpu.memory_space<hbm>>
        %dma_start3A_53 = arith.constant 0 : i32
        %dma_start3A_54 = arith.constant 0 : i32
        %dma_start3A_55 = tpu.memref_slice %arg7[%dma_start3A_53, %dma_start3A_54] : memref<105x128xi32, #tpu.memory_space<vmem>> -> memref<53x128xi32, #tpu.memory_space<vmem>>
        %dma_start3A_56 = arith.constant 0 : i32
        %dma_start3A_57 = arith.constant 0 : i32
        %dma_start3A_58 = tpu.memref_slice %arg5[%arg1, %dma_start3A_56, %dma_start3A_57] : memref<16x53x128xi32, #tpu.memory_space<hbm>> -> memref<1x53x128xi32, #tpu.memory_space<hbm>>
        %dma_start3A_59 = tpu.memref_squeeze %dma_start3A_58 : memref<1x53x128xi32, #tpu.memory_space<hbm>> -> memref<53x128xi32, #tpu.memory_space<hbm>>
        tpu.enqueue_dma source(%dma_start3A_59 : memref<53x128xi32, #tpu.memory_space<hbm>>) target(%dma_start3A_55 : memref<53x128xi32, #tpu.memory_space<vmem>>) target_semaphore(%run_scoped3A_46 : memref<!tpu.dma_semaphore, #tpu.memory_space<semaphore_mem>>)
        %dma_wait3A = arith.constant 0 : i32
        %dma_wait3A_60 = arith.constant 0 : i32
        %dma_wait3A_61 = tpu.memref_slice %arg7[%dma_wait3A, %dma_wait3A_60] : memref<105x128xi32, #tpu.memory_space<vmem>> -> memref<53x128xi32, #tpu.memory_space<vmem>>
        %dma_wait3A_62 = arith.constant 0 : i32
        %dma_wait3A_63 = arith.constant 0 : i32
        %dma_wait3A_64 = tpu.memref_slice %arg5[%arg1, %dma_wait3A_62, %dma_wait3A_63] : memref<16x53x128xi32, #tpu.memory_space<hbm>> -> memref<1x53x128xi32, #tpu.memory_space<hbm>>
        %dma_wait3A_65 = tpu.memref_squeeze %dma_wait3A_64 : memref<1x53x128xi32, #tpu.memory_space<hbm>> -> memref<53x128xi32, #tpu.memory_space<hbm>>
        %dma_wait3A_66 = arith.constant 0 : i32
        %dma_wait3A_67 = arith.constant 0 : i32
        %dma_wait3A_68 = tpu.memref_slice %arg7[%dma_wait3A_66, %dma_wait3A_67] : memref<105x128xi32, #tpu.memory_space<vmem>> -> memref<53x128xi32, #tpu.memory_space<vmem>>
        %dma_wait3A_69 = arith.constant 0 : i32
        %dma_wait3A_70 = arith.constant 0 : i32
        %dma_wait3A_71 = tpu.memref_slice %arg5[%arg1, %dma_wait3A_69, %dma_wait3A_70] : memref<16x53x128xi32, #tpu.memory_space<hbm>> -> memref<1x53x128xi32, #tpu.memory_space<hbm>>
        %dma_wait3A_72 = tpu.memref_squeeze %dma_wait3A_71 : memref<1x53x128xi32, #tpu.memory_space<hbm>> -> memref<53x128xi32, #tpu.memory_space<hbm>>
        tpu.wait_dma2 semaphore(%run_scoped3A_46 : memref<!tpu.dma_semaphore, #tpu.memory_space<semaphore_mem>>) src(%dma_wait3A_72 : memref<53x128xi32, #tpu.memory_space<hbm>>) dst(%dma_wait3A_68 : memref<53x128xi32, #tpu.memory_space<vmem>>)
        tpu.yield
      }) : () -> ()
    } else {
    }
    %barrier3A = arith.constant 0 : index
    tpu.barrier barrier_id(%barrier3A)
    %eq3A_27 = arith.constant 0 : i32
    %eq3A_28 = arith.cmpi eq, %arg0, %eq3A_27 : i32
    %convert_element_type3A_29 = arith.extui %eq3A_28 : i1 to i32
    %cond3A_30 = arith.constant 0 : i32
    %cond3A_31 = arith.constant 1 : i32
    %cond3A_32 = arith.constant 0 : i32
    %cond3A_33 = arith.cmpi ne, %convert_element_type3A_29, %cond3A_32 : i32
    scf.if %cond3A_33 {
      %mul3A_46 = arith.constant 13440 : i32
      %mul3A_47 = arith.muli %arg1, %mul3A_46 : i32
      %min3A = arith.constant 0 : i32
      %min3A_48 = arith.constant 104 : i32
      %min3A_49 = arith.minsi %min3A, %min3A_48 : i32
      %mul3A_50 = arith.constant 128 : i32
      %mul3A_51 = arith.muli %min3A_49, %mul3A_50 : i32
      %add3A_52 = arith.addi %mul3A_47, %mul3A_51 : i32
      %dma_start3A = arith.constant 0 : i32
      %dma_start3A_53 = tpu.memref_slice %arg8[%dma_start3A] : memref<256xi32, #tpu.memory_space<vmem>> -> memref<128xi32, #tpu.memory_space<vmem>>
      %dma_start3A_54 = tpu.memref_slice %arg3[%add3A_52] : memref<323584xi32, #tpu.memory_space<hbm>> -> memref<128xi32, #tpu.memory_space<hbm>>
      %dma_start3A_55 = arith.constant 0 : i32
      %dma_start3A_56 = tpu.memref_slice %arg8[%dma_start3A_55] : memref<256xi32, #tpu.memory_space<vmem>> -> memref<128xi32, #tpu.memory_space<vmem>>
      %dma_start3A_57 = tpu.memref_slice %arg3[%add3A_52] : memref<323584xi32, #tpu.memory_space<hbm>> -> memref<128xi32, #tpu.memory_space<hbm>>
      tpu.enqueue_dma source(%dma_start3A_57 : memref<128xi32, #tpu.memory_space<hbm>>) target(%dma_start3A_56 : memref<128xi32, #tpu.memory_space<vmem>>) target_semaphore(%arg12 : memref<!tpu.dma_semaphore, #tpu.memory_space<semaphore_mem>>)
      %min3A_58 = arith.constant 0 : i32
      %min3A_59 = arith.constant 104 : i32
      %min3A_60 = arith.minsi %min3A_58, %min3A_59 : i32
      %mul3A_61 = arith.constant 128 : i32
      %mul3A_62 = arith.muli %min3A_60, %mul3A_61 : i32
      %add3A_63 = arith.addi %mul3A_47, %mul3A_62 : i32
      %dma_wait3A = arith.constant 0 : i32
      %dma_wait3A_64 = tpu.memref_slice %arg8[%dma_wait3A] : memref<256xi32, #tpu.memory_space<vmem>> -> memref<128xi32, #tpu.memory_space<vmem>>
      %dma_wait3A_65 = tpu.memref_slice %arg3[%add3A_63] : memref<323584xi32, #tpu.memory_space<hbm>> -> memref<128xi32, #tpu.memory_space<hbm>>
      %dma_wait3A_66 = arith.constant 0 : i32
      %dma_wait3A_67 = tpu.memref_slice %arg8[%dma_wait3A_66] : memref<256xi32, #tpu.memory_space<vmem>> -> memref<128xi32, #tpu.memory_space<vmem>>
      %dma_wait3A_68 = tpu.memref_slice %arg3[%add3A_63] : memref<323584xi32, #tpu.memory_space<hbm>> -> memref<128xi32, #tpu.memory_space<hbm>>
      tpu.wait_dma2 semaphore(%arg12 : memref<!tpu.dma_semaphore, #tpu.memory_space<semaphore_mem>>) src(%dma_wait3A_68 : memref<128xi32, #tpu.memory_space<hbm>>) dst(%dma_wait3A_67 : memref<128xi32, #tpu.memory_space<vmem>>)
      %dma_start3A_69 = arith.constant 0 : i32
      %dma_start3A_70 = arith.constant 0 : i32
      %dma_start3A_71 = tpu.memref_slice %arg9[%cond3A_30, %dma_start3A_69, %dma_start3A_70] : memref<2x128x128xf32, #tpu.memory_space<vmem>> -> memref<1x128x128xf32, #tpu.memory_space<vmem>>
      %dma_start3A_72 = tpu.memref_squeeze %dma_start3A_71 : memref<1x128x128xf32, #tpu.memory_space<vmem>> -> memref<128x128xf32, #tpu.memory_space<vmem>>
      %dma_start3A_73 = arith.constant 0 : i32
      %dma_start3A_74 = tpu.memref_slice %arg8[%dma_start3A_73] : memref<256xi32, #tpu.memory_space<vmem>> -> memref<128xi32, #tpu.memory_space<vmem>>
      %dma_start3A_75 = arith.constant 0 : i32
      %dma_start3A_76 = arith.constant 0 : i32
      %dma_start3A_77 = tpu.memref_slice %arg2[%dma_start3A_75, %dma_start3A_76] : memref<10000x128xf32, #tpu.memory_space<hbm>> -> memref<10000x128xf32, #tpu.memory_space<hbm>>
      tpu.enqueue_indirect_dma source(%dma_start3A_77 : memref<10000x128xf32, #tpu.memory_space<hbm>>) target(%dma_start3A_72 : memref<128x128xf32, #tpu.memory_space<vmem>>) offsets(%dma_start3A_74 : memref<128xi32, #tpu.memory_space<vmem>>) semaphore(%arg10 : memref<!tpu.dma_semaphore, #tpu.memory_space<semaphore_mem>>)
      %min3A_78 = arith.constant 1 : i32
      %min3A_79 = arith.constant 104 : i32
      %min3A_80 = arith.minsi %min3A_78, %min3A_79 : i32
      %mul3A_81 = arith.constant 128 : i32
      %mul3A_82 = arith.muli %min3A_80, %mul3A_81 : i32
      %add3A_83 = arith.addi %mul3A_47, %mul3A_82 : i32
      %dma_start3A_84 = arith.constant 128 : i32
      %dma_start3A_85 = tpu.memref_slice %arg8[%dma_start3A_84] : memref<256xi32, #tpu.memory_space<vmem>> -> memref<128xi32, #tpu.memory_space<vmem>>
      %dma_start3A_86 = tpu.memref_slice %arg3[%add3A_83] : memref<323584xi32, #tpu.memory_space<hbm>> -> memref<128xi32, #tpu.memory_space<hbm>>
      %dma_start3A_87 = arith.constant 128 : i32
      %dma_start3A_88 = tpu.memref_slice %arg8[%dma_start3A_87] : memref<256xi32, #tpu.memory_space<vmem>> -> memref<128xi32, #tpu.memory_space<vmem>>
      %dma_start3A_89 = tpu.memref_slice %arg3[%add3A_83] : memref<323584xi32, #tpu.memory_space<hbm>> -> memref<128xi32, #tpu.memory_space<hbm>>
      tpu.enqueue_dma source(%dma_start3A_89 : memref<128xi32, #tpu.memory_space<hbm>>) target(%dma_start3A_88 : memref<128xi32, #tpu.memory_space<vmem>>) target_semaphore(%arg13 : memref<!tpu.dma_semaphore, #tpu.memory_space<semaphore_mem>>)
      %scan3A_90 = arith.constant 0 : i32
      %scan3A_91 = arith.constant 0 : i32
      %scan3A_92 = arith.constant 52 : i32
      %scan3A_93 = arith.addi %scan3A_91, %scan3A_92 : i32
      %scan3A_94 = arith.constant 1 : i32
      scf.for %scan3A_118 = %scan3A_91 to %scan3A_93 step %scan3A_94  : i32 {
        %mul3A_119 = arith.constant 2 : i32
        %mul3A_120 = arith.muli %mul3A_119, %scan3A_118 : i32
        %add3A_121 = arith.constant 1 : i32
        %add3A_122 = arith.addi %mul3A_120, %add3A_121 : i32
        %min3A_123 = arith.constant 104 : i32
        %min3A_124 = arith.minsi %add3A_122, %min3A_123 : i32
        %mul3A_125 = arith.constant 128 : i32
        %mul3A_126 = arith.muli %min3A_124, %mul3A_125 : i32
        %add3A_127 = arith.addi %mul3A_47, %mul3A_126 : i32
        %dma_wait3A_128 = arith.constant 128 : i32
        %dma_wait3A_129 = tpu.memref_slice %arg8[%dma_wait3A_128] : memref<256xi32, #tpu.memory_space<vmem>> -> memref<128xi32, #tpu.memory_space<vmem>>
        %dma_wait3A_130 = tpu.memref_slice %arg3[%add3A_127] : memref<323584xi32, #tpu.memory_space<hbm>> -> memref<128xi32, #tpu.memory_space<hbm>>
        %dma_wait3A_131 = arith.constant 128 : i32
        %dma_wait3A_132 = tpu.memref_slice %arg8[%dma_wait3A_131] : memref<256xi32, #tpu.memory_space<vmem>> -> memref<128xi32, #tpu.memory_space<vmem>>
        %dma_wait3A_133 = tpu.memref_slice %arg3[%add3A_127] : memref<323584xi32, #tpu.memory_space<hbm>> -> memref<128xi32, #tpu.memory_space<hbm>>
        tpu.wait_dma2 semaphore(%arg13 : memref<!tpu.dma_semaphore, #tpu.memory_space<semaphore_mem>>) src(%dma_wait3A_133 : memref<128xi32, #tpu.memory_space<hbm>>) dst(%dma_wait3A_132 : memref<128xi32, #tpu.memory_space<vmem>>)
        %dma_start3A_134 = arith.constant 0 : i32
        %dma_start3A_135 = arith.constant 0 : i32
        %dma_start3A_136 = tpu.memref_slice %arg9[%cond3A_31, %dma_start3A_134, %dma_start3A_135] : memref<2x128x128xf32, #tpu.memory_space<vmem>> -> memref<1x128x128xf32, #tpu.memory_space<vmem>>
        %dma_start3A_137 = tpu.memref_squeeze %dma_start3A_136 : memref<1x128x128xf32, #tpu.memory_space<vmem>> -> memref<128x128xf32, #tpu.memory_space<vmem>>
        %dma_start3A_138 = arith.constant 128 : i32
        %dma_start3A_139 = tpu.memref_slice %arg8[%dma_start3A_138] : memref<256xi32, #tpu.memory_space<vmem>> -> memref<128xi32, #tpu.memory_space<vmem>>
        %dma_start3A_140 = arith.constant 0 : i32
        %dma_start3A_141 = arith.constant 0 : i32
        %dma_start3A_142 = tpu.memref_slice %arg2[%dma_start3A_140, %dma_start3A_141] : memref<10000x128xf32, #tpu.memory_space<hbm>> -> memref<10000x128xf32, #tpu.memory_space<hbm>>
        tpu.enqueue_indirect_dma source(%dma_start3A_142 : memref<10000x128xf32, #tpu.memory_space<hbm>>) target(%dma_start3A_137 : memref<128x128xf32, #tpu.memory_space<vmem>>) offsets(%dma_start3A_139 : memref<128xi32, #tpu.memory_space<vmem>>) semaphore(%arg11 : memref<!tpu.dma_semaphore, #tpu.memory_space<semaphore_mem>>)
        %dma_wait3A_143 = arith.constant 0 : i32
        %dma_wait3A_144 = arith.constant 0 : i32
        %dma_wait3A_145 = tpu.memref_slice %arg9[%cond3A_30, %dma_wait3A_143, %dma_wait3A_144] : memref<2x128x128xf32, #tpu.memory_space<vmem>> -> memref<1x128x128xf32, #tpu.memory_space<vmem>>
        %dma_wait3A_146 = tpu.memref_squeeze %dma_wait3A_145 : memref<1x128x128xf32, #tpu.memory_space<vmem>> -> memref<128x128xf32, #tpu.memory_space<vmem>>
        %dma_wait3A_147 = arith.constant 0 : i32
        %dma_wait3A_148 = tpu.memref_slice %arg8[%dma_wait3A_147] : memref<256xi32, #tpu.memory_space<vmem>> -> memref<128xi32, #tpu.memory_space<vmem>>
        %dma_wait3A_149 = arith.constant 0 : i32
        %dma_wait3A_150 = arith.constant 0 : i32
        %dma_wait3A_151 = tpu.memref_slice %arg2[%dma_wait3A_149, %dma_wait3A_150] : memref<10000x128xf32, #tpu.memory_space<hbm>> -> memref<10000x128xf32, #tpu.memory_space<hbm>>
        tpu.wait_indirect_dma semaphore(%arg10 : memref<!tpu.dma_semaphore, #tpu.memory_space<semaphore_mem>>) src(%dma_wait3A_151 : memref<10000x128xf32, #tpu.memory_space<hbm>>) dst(%dma_wait3A_146 : memref<128x128xf32, #tpu.memory_space<vmem>>)
        %add3A_152 = arith.constant 2 : i32
        %add3A_153 = arith.addi %mul3A_120, %add3A_152 : i32
        %min3A_154 = arith.constant 104 : i32
        %min3A_155 = arith.minsi %add3A_153, %min3A_154 : i32
        %mul3A_156 = arith.constant 128 : i32
        %mul3A_157 = arith.muli %min3A_155, %mul3A_156 : i32
        %add3A_158 = arith.addi %mul3A_47, %mul3A_157 : i32
        %dma_start3A_159 = arith.constant 0 : i32
        %dma_start3A_160 = tpu.memref_slice %arg8[%dma_start3A_159] : memref<256xi32, #tpu.memory_space<vmem>> -> memref<128xi32, #tpu.memory_space<vmem>>
        %dma_start3A_161 = tpu.memref_slice %arg3[%add3A_158] : memref<323584xi32, #tpu.memory_space<hbm>> -> memref<128xi32, #tpu.memory_space<hbm>>
        %dma_start3A_162 = arith.constant 0 : i32
        %dma_start3A_163 = tpu.memref_slice %arg8[%dma_start3A_162] : memref<256xi32, #tpu.memory_space<vmem>> -> memref<128xi32, #tpu.memory_space<vmem>>
        %dma_start3A_164 = tpu.memref_slice %arg3[%add3A_158] : memref<323584xi32, #tpu.memory_space<hbm>> -> memref<128xi32, #tpu.memory_space<hbm>>
        tpu.enqueue_dma source(%dma_start3A_164 : memref<128xi32, #tpu.memory_space<hbm>>) target(%dma_start3A_163 : memref<128xi32, #tpu.memory_space<vmem>>) target_semaphore(%arg12 : memref<!tpu.dma_semaphore, #tpu.memory_space<semaphore_mem>>)
        "tpu.region"() ({
          %run_scoped3A_211 = tpu.sem_alloc : memref<!tpu.dma_semaphore, #tpu.memory_space<semaphore_mem>>
          %dma_start3A_212 = arith.constant 0 : i32
          %dma_start3A_213 = arith.constant 0 : i32
          %dma_start3A_214 = tpu.memref_slice %arg9[%cond3A_30, %dma_start3A_212, %dma_start3A_213] : memref<2x128x128xf32, #tpu.memory_space<vmem>> -> memref<1x128x128xf32, #tpu.memory_space<vmem>>
          %dma_start3A_215 = tpu.memref_squeeze %dma_start3A_214 : memref<1x128x128xf32, #tpu.memory_space<vmem>> -> memref<128x128xf32, #tpu.memory_space<vmem>>
          %dma_start3A_216 = arith.constant 0 : i32
          %dma_start3A_217 = tpu.memref_slice %arg7[%mul3A_120, %dma_start3A_216] : memref<105x128xi32, #tpu.memory_space<vmem>> -> memref<1x128xi32, #tpu.memory_space<vmem>>
          %dma_start3A_218 = tpu.memref_squeeze %dma_start3A_217 : memref<1x128xi32, #tpu.memory_space<vmem>> -> memref<128xi32, #tpu.memory_space<vmem>>
          %dma_start3A_219 = arith.constant 0 : i32
          %dma_start3A_220 = arith.constant 0 : i32
          %dma_start3A_221 = tpu.memref_slice %arg14[%dma_start3A_219, %dma_start3A_220] : memref<10240x128xf32, #tpu.memory_space<vmem_shared>> -> memref<10240x128xf32, #tpu.memory_space<vmem_shared>>
          tpu.enqueue_indirect_dma source(%dma_start3A_215 : memref<128x128xf32, #tpu.memory_space<vmem>>) target(%dma_start3A_221 : memref<10240x128xf32, #tpu.memory_space<vmem_shared>>) offsets(%dma_start3A_218 : memref<128xi32, #tpu.memory_space<vmem>>) semaphore(%run_scoped3A_211 : memref<!tpu.dma_semaphore, #tpu.memory_space<semaphore_mem>>) {add = true}
          %dma_wait3A_222 = arith.constant 0 : i32
          %dma_wait3A_223 = arith.constant 0 : i32
          %dma_wait3A_224 = tpu.memref_slice %arg9[%cond3A_30, %dma_wait3A_222, %dma_wait3A_223] : memref<2x128x128xf32, #tpu.memory_space<vmem>> -> memref<1x128x128xf32, #tpu.memory_space<vmem>>
          %dma_wait3A_225 = tpu.memref_squeeze %dma_wait3A_224 : memref<1x128x128xf32, #tpu.memory_space<vmem>> -> memref<128x128xf32, #tpu.memory_space<vmem>>
          %dma_wait3A_226 = arith.constant 0 : i32
          %dma_wait3A_227 = tpu.memref_slice %arg7[%mul3A_120, %dma_wait3A_226] : memref<105x128xi32, #tpu.memory_space<vmem>> -> memref<1x128xi32, #tpu.memory_space<vmem>>
          %dma_wait3A_228 = tpu.memref_squeeze %dma_wait3A_227 : memref<1x128xi32, #tpu.memory_space<vmem>> -> memref<128xi32, #tpu.memory_space<vmem>>
          %dma_wait3A_229 = arith.constant 0 : i32
          %dma_wait3A_230 = arith.constant 0 : i32
          %dma_wait3A_231 = tpu.memref_slice %arg14[%dma_wait3A_229, %dma_wait3A_230] : memref<10240x128xf32, #tpu.memory_space<vmem_shared>> -> memref<10240x128xf32, #tpu.memory_space<vmem_shared>>
          tpu.wait_indirect_dma semaphore(%run_scoped3A_211 : memref<!tpu.dma_semaphore, #tpu.memory_space<semaphore_mem>>) src(%dma_wait3A_225 : memref<128x128xf32, #tpu.memory_space<vmem>>) dst(%dma_wait3A_231 : memref<10240x128xf32, #tpu.memory_space<vmem_shared>>)
          tpu.yield
        }) : () -> ()
        %add3A_165 = arith.constant 2 : i32
        %add3A_166 = arith.addi %mul3A_120, %add3A_165 : i32
        %min3A_167 = arith.constant 104 : i32
        %min3A_168 = arith.minsi %add3A_166, %min3A_167 : i32
        %mul3A_169 = arith.constant 128 : i32
        %mul3A_170 = arith.muli %min3A_168, %mul3A_169 : i32
        %add3A_171 = arith.addi %mul3A_47, %mul3A_170 : i32
        %dma_wait3A_172 = arith.constant 0 : i32
        %dma_wait3A_173 = tpu.memref_slice %arg8[%dma_wait3A_172] : memref<256xi32, #tpu.memory_space<vmem>> -> memref<128xi32, #tpu.memory_space<vmem>>
        %dma_wait3A_174 = tpu.memref_slice %arg3[%add3A_171] : memref<323584xi32, #tpu.memory_space<hbm>> -> memref<128xi32, #tpu.memory_space<hbm>>
        %dma_wait3A_175 = arith.constant 0 : i32
        %dma_wait3A_176 = tpu.memref_slice %arg8[%dma_wait3A_175] : memref<256xi32, #tpu.memory_space<vmem>> -> memref<128xi32, #tpu.memory_space<vmem>>
        %dma_wait3A_177 = tpu.memref_slice %arg3[%add3A_171] : memref<323584xi32, #tpu.memory_space<hbm>> -> memref<128xi32, #tpu.memory_space<hbm>>
        tpu.wait_dma2 semaphore(%arg12 : memref<!tpu.dma_semaphore, #tpu.memory_space<semaphore_mem>>) src(%dma_wait3A_177 : memref<128xi32, #tpu.memory_space<hbm>>) dst(%dma_wait3A_176 : memref<128xi32, #tpu.memory_space<vmem>>)
        %dma_start3A_178 = arith.constant 0 : i32
        %dma_start3A_179 = arith.constant 0 : i32
        %dma_start3A_180 = tpu.memref_slice %arg9[%cond3A_30, %dma_start3A_178, %dma_start3A_179] : memref<2x128x128xf32, #tpu.memory_space<vmem>> -> memref<1x128x128xf32, #tpu.memory_space<vmem>>
        %dma_start3A_181 = tpu.memref_squeeze %dma_start3A_180 : memref<1x128x128xf32, #tpu.memory_space<vmem>> -> memref<128x128xf32, #tpu.memory_space<vmem>>
        %dma_start3A_182 = arith.constant 0 : i32
        %dma_start3A_183 = tpu.memref_slice %arg8[%dma_start3A_182] : memref<256xi32, #tpu.memory_space<vmem>> -> memref<128xi32, #tpu.memory_space<vmem>>
        %dma_start3A_184 = arith.constant 0 : i32
        %dma_start3A_185 = arith.constant 0 : i32
        %dma_start3A_186 = tpu.memref_slice %arg2[%dma_start3A_184, %dma_start3A_185] : memref<10000x128xf32, #tpu.memory_space<hbm>> -> memref<10000x128xf32, #tpu.memory_space<hbm>>
        tpu.enqueue_indirect_dma source(%dma_start3A_186 : memref<10000x128xf32, #tpu.memory_space<hbm>>) target(%dma_start3A_181 : memref<128x128xf32, #tpu.memory_space<vmem>>) offsets(%dma_start3A_183 : memref<128xi32, #tpu.memory_space<vmem>>) semaphore(%arg10 : memref<!tpu.dma_semaphore, #tpu.memory_space<semaphore_mem>>)
        %dma_wait3A_187 = arith.constant 0 : i32
        %dma_wait3A_188 = arith.constant 0 : i32
        %dma_wait3A_189 = tpu.memref_slice %arg9[%cond3A_31, %dma_wait3A_187, %dma_wait3A_188] : memref<2x128x128xf32, #tpu.memory_space<vmem>> -> memref<1x128x128xf32, #tpu.memory_space<vmem>>
        %dma_wait3A_190 = tpu.memref_squeeze %dma_wait3A_189 : memref<1x128x128xf32, #tpu.memory_space<vmem>> -> memref<128x128xf32, #tpu.memory_space<vmem>>
        %dma_wait3A_191 = arith.constant 128 : i32
        %dma_wait3A_192 = tpu.memref_slice %arg8[%dma_wait3A_191] : memref<256xi32, #tpu.memory_space<vmem>> -> memref<128xi32, #tpu.memory_space<vmem>>
        %dma_wait3A_193 = arith.constant 0 : i32
        %dma_wait3A_194 = arith.constant 0 : i32
        %dma_wait3A_195 = tpu.memref_slice %arg2[%dma_wait3A_193, %dma_wait3A_194] : memref<10000x128xf32, #tpu.memory_space<hbm>> -> memref<10000x128xf32, #tpu.memory_space<hbm>>
        tpu.wait_indirect_dma semaphore(%arg11 : memref<!tpu.dma_semaphore, #tpu.memory_space<semaphore_mem>>) src(%dma_wait3A_195 : memref<10000x128xf32, #tpu.memory_space<hbm>>) dst(%dma_wait3A_190 : memref<128x128xf32, #tpu.memory_space<vmem>>)
        %add3A_196 = arith.constant 3 : i32
        %add3A_197 = arith.addi %mul3A_120, %add3A_196 : i32
        %min3A_198 = arith.constant 104 : i32
        %min3A_199 = arith.minsi %add3A_197, %min3A_198 : i32
        %mul3A_200 = arith.constant 128 : i32
        %mul3A_201 = arith.muli %min3A_199, %mul3A_200 : i32
        %add3A_202 = arith.addi %mul3A_47, %mul3A_201 : i32
        %dma_start3A_203 = arith.constant 128 : i32
        %dma_start3A_204 = tpu.memref_slice %arg8[%dma_start3A_203] : memref<256xi32, #tpu.memory_space<vmem>> -> memref<128xi32, #tpu.memory_space<vmem>>
        %dma_start3A_205 = tpu.memref_slice %arg3[%add3A_202] : memref<323584xi32, #tpu.memory_space<hbm>> -> memref<128xi32, #tpu.memory_space<hbm>>
        %dma_start3A_206 = arith.constant 128 : i32
        %dma_start3A_207 = tpu.memref_slice %arg8[%dma_start3A_206] : memref<256xi32, #tpu.memory_space<vmem>> -> memref<128xi32, #tpu.memory_space<vmem>>
        %dma_start3A_208 = tpu.memref_slice %arg3[%add3A_202] : memref<323584xi32, #tpu.memory_space<hbm>> -> memref<128xi32, #tpu.memory_space<hbm>>
        tpu.enqueue_dma source(%dma_start3A_208 : memref<128xi32, #tpu.memory_space<hbm>>) target(%dma_start3A_207 : memref<128xi32, #tpu.memory_space<vmem>>) target_semaphore(%arg13 : memref<!tpu.dma_semaphore, #tpu.memory_space<semaphore_mem>>)
        %add3A_209 = arith.constant 1 : i32
        %add3A_210 = arith.addi %mul3A_120, %add3A_209 : i32
        "tpu.region"() ({
          %run_scoped3A_211 = tpu.sem_alloc : memref<!tpu.dma_semaphore, #tpu.memory_space<semaphore_mem>>
          %dma_start3A_212 = arith.constant 0 : i32
          %dma_start3A_213 = arith.constant 0 : i32
          %dma_start3A_214 = tpu.memref_slice %arg9[%cond3A_31, %dma_start3A_212, %dma_start3A_213] : memref<2x128x128xf32, #tpu.memory_space<vmem>> -> memref<1x128x128xf32, #tpu.memory_space<vmem>>
          %dma_start3A_215 = tpu.memref_squeeze %dma_start3A_214 : memref<1x128x128xf32, #tpu.memory_space<vmem>> -> memref<128x128xf32, #tpu.memory_space<vmem>>
          %dma_start3A_216 = arith.constant 0 : i32
          %dma_start3A_217 = tpu.memref_slice %arg7[%add3A_210, %dma_start3A_216] : memref<105x128xi32, #tpu.memory_space<vmem>> -> memref<1x128xi32, #tpu.memory_space<vmem>>
          %dma_start3A_218 = tpu.memref_squeeze %dma_start3A_217 : memref<1x128xi32, #tpu.memory_space<vmem>> -> memref<128xi32, #tpu.memory_space<vmem>>
          %dma_start3A_219 = arith.constant 0 : i32
          %dma_start3A_220 = arith.constant 0 : i32
          %dma_start3A_221 = tpu.memref_slice %arg14[%dma_start3A_219, %dma_start3A_220] : memref<10240x128xf32, #tpu.memory_space<vmem_shared>> -> memref<10240x128xf32, #tpu.memory_space<vmem_shared>>
          tpu.enqueue_indirect_dma source(%dma_start3A_215 : memref<128x128xf32, #tpu.memory_space<vmem>>) target(%dma_start3A_221 : memref<10240x128xf32, #tpu.memory_space<vmem_shared>>) offsets(%dma_start3A_218 : memref<128xi32, #tpu.memory_space<vmem>>) semaphore(%run_scoped3A_211 : memref<!tpu.dma_semaphore, #tpu.memory_space<semaphore_mem>>) {add = true}
          %dma_wait3A_222 = arith.constant 0 : i32
          %dma_wait3A_223 = arith.constant 0 : i32
          %dma_wait3A_224 = tpu.memref_slice %arg9[%cond3A_31, %dma_wait3A_222, %dma_wait3A_223] : memref<2x128x128xf32, #tpu.memory_space<vmem>> -> memref<1x128x128xf32, #tpu.memory_space<vmem>>
          %dma_wait3A_225 = tpu.memref_squeeze %dma_wait3A_224 : memref<1x128x128xf32, #tpu.memory_space<vmem>> -> memref<128x128xf32, #tpu.memory_space<vmem>>
          %dma_wait3A_226 = arith.constant 0 : i32
          %dma_wait3A_227 = tpu.memref_slice %arg7[%add3A_210, %dma_wait3A_226] : memref<105x128xi32, #tpu.memory_space<vmem>> -> memref<1x128xi32, #tpu.memory_space<vmem>>
          %dma_wait3A_228 = tpu.memref_squeeze %dma_wait3A_227 : memref<1x128xi32, #tpu.memory_space<vmem>> -> memref<128xi32, #tpu.memory_space<vmem>>
          %dma_wait3A_229 = arith.constant 0 : i32
          %dma_wait3A_230 = arith.constant 0 : i32
          %dma_wait3A_231 = tpu.memref_slice %arg14[%dma_wait3A_229, %dma_wait3A_230] : memref<10240x128xf32, #tpu.memory_space<vmem_shared>> -> memref<10240x128xf32, #tpu.memory_space<vmem_shared>>
          tpu.wait_indirect_dma semaphore(%run_scoped3A_211 : memref<!tpu.dma_semaphore, #tpu.memory_space<semaphore_mem>>) src(%dma_wait3A_225 : memref<128x128xf32, #tpu.memory_space<vmem>>) dst(%dma_wait3A_231 : memref<10240x128xf32, #tpu.memory_space<vmem_shared>>)
          tpu.yield
        }) : () -> ()
      }
      %scan3A_95 = arith.constant 52 : i32
      %dma_wait3A_96 = arith.constant 0 : i32
      %dma_wait3A_97 = arith.constant 0 : i32
      %dma_wait3A_98 = tpu.memref_slice %arg9[%cond3A_30, %dma_wait3A_96, %dma_wait3A_97] : memref<2x128x128xf32, #tpu.memory_space<vmem>> -> memref<1x128x128xf32, #tpu.memory_space<vmem>>
      %dma_wait3A_99 = tpu.memref_squeeze %dma_wait3A_98 : memref<1x128x128xf32, #tpu.memory_space<vmem>> -> memref<128x128xf32, #tpu.memory_space<vmem>>
      %dma_wait3A_100 = arith.constant 0 : i32
      %dma_wait3A_101 = tpu.memref_slice %arg8[%dma_wait3A_100] : memref<256xi32, #tpu.memory_space<vmem>> -> memref<128xi32, #tpu.memory_space<vmem>>
      %dma_wait3A_102 = arith.constant 0 : i32
      %dma_wait3A_103 = arith.constant 0 : i32
      %dma_wait3A_104 = tpu.memref_slice %arg2[%dma_wait3A_102, %dma_wait3A_103] : memref<10000x128xf32, #tpu.memory_space<hbm>> -> memref<10000x128xf32, #tpu.memory_space<hbm>>
      tpu.wait_indirect_dma semaphore(%arg10 : memref<!tpu.dma_semaphore, #tpu.memory_space<semaphore_mem>>) src(%dma_wait3A_104 : memref<10000x128xf32, #tpu.memory_space<hbm>>) dst(%dma_wait3A_99 : memref<128x128xf32, #tpu.memory_space<vmem>>)
      %min3A_105 = arith.constant 104 : i32
      %min3A_106 = arith.constant 104 : i32
      %min3A_107 = arith.minsi %min3A_105, %min3A_106 : i32
      %mul3A_108 = arith.constant 128 : i32
      %mul3A_109 = arith.muli %min3A_107, %mul3A_108 : i32
      %add3A_110 = arith.addi %mul3A_47, %mul3A_109 : i32
      %dma_wait3A_111 = arith.constant 128 : i32
      %dma_wait3A_112 = tpu.memref_slice %arg8[%dma_wait3A_111] : memref<256xi32, #tpu.memory_space<vmem>> -> memref<128xi32, #tpu.memory_space<vmem>>
      %dma_wait3A_113 = tpu.memref_slice %arg3[%add3A_110] : memref<323584xi32, #tpu.memory_space<hbm>> -> memref<128xi32, #tpu.memory_space<hbm>>
      %dma_wait3A_114 = arith.constant 128 : i32
      %dma_wait3A_115 = tpu.memref_slice %arg8[%dma_wait3A_114] : memref<256xi32, #tpu.memory_space<vmem>> -> memref<128xi32, #tpu.memory_space<vmem>>
      %dma_wait3A_116 = tpu.memref_slice %arg3[%add3A_110] : memref<323584xi32, #tpu.memory_space<hbm>> -> memref<128xi32, #tpu.memory_space<hbm>>
      tpu.wait_dma2 semaphore(%arg13 : memref<!tpu.dma_semaphore, #tpu.memory_space<semaphore_mem>>) src(%dma_wait3A_116 : memref<128xi32, #tpu.memory_space<hbm>>) dst(%dma_wait3A_115 : memref<128xi32, #tpu.memory_space<vmem>>)
      %run_scoped3A_117 = arith.constant 104 : i32
      "tpu.region"() ({
        %run_scoped3A_118 = tpu.sem_alloc : memref<!tpu.dma_semaphore, #tpu.memory_space<semaphore_mem>>
        %dma_start3A_119 = arith.constant 0 : i32
        %dma_start3A_120 = arith.constant 0 : i32
        %dma_start3A_121 = tpu.memref_slice %arg9[%cond3A_30, %dma_start3A_119, %dma_start3A_120] : memref<2x128x128xf32, #tpu.memory_space<vmem>> -> memref<1x128x128xf32, #tpu.memory_space<vmem>>
        %dma_start3A_122 = tpu.memref_squeeze %dma_start3A_121 : memref<1x128x128xf32, #tpu.memory_space<vmem>> -> memref<128x128xf32, #tpu.memory_space<vmem>>
        %dma_start3A_123 = arith.constant 0 : i32
        %dma_start3A_124 = tpu.memref_slice %arg7[%run_scoped3A_117, %dma_start3A_123] : memref<105x128xi32, #tpu.memory_space<vmem>> -> memref<1x128xi32, #tpu.memory_space<vmem>>
        %dma_start3A_125 = tpu.memref_squeeze %dma_start3A_124 : memref<1x128xi32, #tpu.memory_space<vmem>> -> memref<128xi32, #tpu.memory_space<vmem>>
        %dma_start3A_126 = arith.constant 0 : i32
        %dma_start3A_127 = arith.constant 0 : i32
        %dma_start3A_128 = tpu.memref_slice %arg14[%dma_start3A_126, %dma_start3A_127] : memref<10240x128xf32, #tpu.memory_space<vmem_shared>> -> memref<10240x128xf32, #tpu.memory_space<vmem_shared>>
        tpu.enqueue_indirect_dma source(%dma_start3A_122 : memref<128x128xf32, #tpu.memory_space<vmem>>) target(%dma_start3A_128 : memref<10240x128xf32, #tpu.memory_space<vmem_shared>>) offsets(%dma_start3A_125 : memref<128xi32, #tpu.memory_space<vmem>>) semaphore(%run_scoped3A_118 : memref<!tpu.dma_semaphore, #tpu.memory_space<semaphore_mem>>) {add = true}
        %dma_wait3A_129 = arith.constant 0 : i32
        %dma_wait3A_130 = arith.constant 0 : i32
        %dma_wait3A_131 = tpu.memref_slice %arg9[%cond3A_30, %dma_wait3A_129, %dma_wait3A_130] : memref<2x128x128xf32, #tpu.memory_space<vmem>> -> memref<1x128x128xf32, #tpu.memory_space<vmem>>
        %dma_wait3A_132 = tpu.memref_squeeze %dma_wait3A_131 : memref<1x128x128xf32, #tpu.memory_space<vmem>> -> memref<128x128xf32, #tpu.memory_space<vmem>>
        %dma_wait3A_133 = arith.constant 0 : i32
        %dma_wait3A_134 = tpu.memref_slice %arg7[%run_scoped3A_117, %dma_wait3A_133] : memref<105x128xi32, #tpu.memory_space<vmem>> -> memref<1x128xi32, #tpu.memory_space<vmem>>
        %dma_wait3A_135 = tpu.memref_squeeze %dma_wait3A_134 : memref<1x128xi32, #tpu.memory_space<vmem>> -> memref<128xi32, #tpu.memory_space<vmem>>
        %dma_wait3A_136 = arith.constant 0 : i32
        %dma_wait3A_137 = arith.constant 0 : i32
        %dma_wait3A_138 = tpu.memref_slice %arg14[%dma_wait3A_136, %dma_wait3A_137] : memref<10240x128xf32, #tpu.memory_space<vmem_shared>> -> memref<10240x128xf32, #tpu.memory_space<vmem_shared>>
        tpu.wait_indirect_dma semaphore(%run_scoped3A_118 : memref<!tpu.dma_semaphore, #tpu.memory_space<semaphore_mem>>) src(%dma_wait3A_132 : memref<128x128xf32, #tpu.memory_space<vmem>>) dst(%dma_wait3A_138 : memref<10240x128xf32, #tpu.memory_space<vmem_shared>>)
        tpu.yield
      }) : () -> ()
    } else {
    }
    %eq3A_34 = arith.constant 1 : i32
    %eq3A_35 = arith.cmpi eq, %arg0, %eq3A_34 : i32
    %convert_element_type3A_36 = arith.extui %eq3A_35 : i1 to i32
    %cond3A_37 = arith.constant 0 : i32
    %cond3A_38 = arith.constant 0 : i32
    %cond3A_39 = arith.cmpi ne, %convert_element_type3A_36, %cond3A_38 : i32
    scf.if %cond3A_39 {
      %mul3A_46 = arith.constant 6784 : i32
      %mul3A_47 = arith.muli %arg1, %mul3A_46 : i32
      %add3A_48 = arith.constant 215040 : i32
      %add3A_49 = arith.addi %add3A_48, %mul3A_47 : i32
      %min3A = arith.constant 0 : i32
      %min3A_50 = arith.constant 52 : i32
      %min3A_51 = arith.minsi %min3A, %min3A_50 : i32
      %mul3A_52 = arith.constant 128 : i32
      %mul3A_53 = arith.muli %min3A_51, %mul3A_52 : i32
      %add3A_54 = arith.addi %add3A_49, %mul3A_53 : i32
      %dma_start3A = arith.constant 0 : i32
      %dma_start3A_55 = tpu.memref_slice %arg8[%dma_start3A] : memref<256xi32, #tpu.memory_space<vmem>> -> memref<128xi32, #tpu.memory_space<vmem>>
      %dma_start3A_56 = tpu.memref_slice %arg3[%add3A_54] : memref<323584xi32, #tpu.memory_space<hbm>> -> memref<128xi32, #tpu.memory_space<hbm>>
      %dma_start3A_57 = arith.constant 0 : i32
      %dma_start3A_58 = tpu.memref_slice %arg8[%dma_start3A_57] : memref<256xi32, #tpu.memory_space<vmem>> -> memref<128xi32, #tpu.memory_space<vmem>>
      %dma_start3A_59 = tpu.memref_slice %arg3[%add3A_54] : memref<323584xi32, #tpu.memory_space<hbm>> -> memref<128xi32, #tpu.memory_space<hbm>>
      tpu.enqueue_dma source(%dma_start3A_59 : memref<128xi32, #tpu.memory_space<hbm>>) target(%dma_start3A_58 : memref<128xi32, #tpu.memory_space<vmem>>) target_semaphore(%arg12 : memref<!tpu.dma_semaphore, #tpu.memory_space<semaphore_mem>>)
      %min3A_60 = arith.constant 0 : i32
      %min3A_61 = arith.constant 52 : i32
      %min3A_62 = arith.minsi %min3A_60, %min3A_61 : i32
      %mul3A_63 = arith.constant 128 : i32
      %mul3A_64 = arith.muli %min3A_62, %mul3A_63 : i32
      %add3A_65 = arith.addi %add3A_49, %mul3A_64 : i32
      %dma_wait3A = arith.constant 0 : i32
      %dma_wait3A_66 = tpu.memref_slice %arg8[%dma_wait3A] : memref<256xi32, #tpu.memory_space<vmem>> -> memref<128xi32, #tpu.memory_space<vmem>>
      %dma_wait3A_67 = tpu.memref_slice %arg3[%add3A_65] : memref<323584xi32, #tpu.memory_space<hbm>> -> memref<128xi32, #tpu.memory_space<hbm>>
      %dma_wait3A_68 = arith.constant 0 : i32
      %dma_wait3A_69 = tpu.memref_slice %arg8[%dma_wait3A_68] : memref<256xi32, #tpu.memory_space<vmem>> -> memref<128xi32, #tpu.memory_space<vmem>>
      %dma_wait3A_70 = tpu.memref_slice %arg3[%add3A_65] : memref<323584xi32, #tpu.memory_space<hbm>> -> memref<128xi32, #tpu.memory_space<hbm>>
      tpu.wait_dma2 semaphore(%arg12 : memref<!tpu.dma_semaphore, #tpu.memory_space<semaphore_mem>>) src(%dma_wait3A_70 : memref<128xi32, #tpu.memory_space<hbm>>) dst(%dma_wait3A_69 : memref<128xi32, #tpu.memory_space<vmem>>)
      %scan3A_71 = arith.constant 0 : i32
      %scan3A_72 = arith.constant 0 : i32
      %scan3A_73 = arith.constant 53 : i32
      %scan3A_74 = arith.addi %scan3A_72, %scan3A_73 : i32
      %scan3A_75 = arith.constant 1 : i32
      scf.for %scan3A_77 = %scan3A_72 to %scan3A_74 step %scan3A_75  : i32 {
        %dma_start3A_78 = arith.constant 0 : i32
        %dma_start3A_79 = arith.constant 0 : i32
        %dma_start3A_80 = tpu.memref_slice %arg9[%cond3A_37, %dma_start3A_78, %dma_start3A_79] : memref<2x128x128xf32, #tpu.memory_space<vmem>> -> memref<1x128x128xf32, #tpu.memory_space<vmem>>
        %dma_start3A_81 = tpu.memref_squeeze %dma_start3A_80 : memref<1x128x128xf32, #tpu.memory_space<vmem>> -> memref<128x128xf32, #tpu.memory_space<vmem>>
        %dma_start3A_82 = arith.constant 0 : i32
        %dma_start3A_83 = tpu.memref_slice %arg8[%dma_start3A_82] : memref<256xi32, #tpu.memory_space<vmem>> -> memref<128xi32, #tpu.memory_space<vmem>>
        %dma_start3A_84 = arith.constant 0 : i32
        %dma_start3A_85 = arith.constant 0 : i32
        %dma_start3A_86 = tpu.memref_slice %arg2[%dma_start3A_84, %dma_start3A_85] : memref<10000x128xf32, #tpu.memory_space<hbm>> -> memref<10000x128xf32, #tpu.memory_space<hbm>>
        tpu.enqueue_indirect_dma source(%dma_start3A_86 : memref<10000x128xf32, #tpu.memory_space<hbm>>) target(%dma_start3A_81 : memref<128x128xf32, #tpu.memory_space<vmem>>) offsets(%dma_start3A_83 : memref<128xi32, #tpu.memory_space<vmem>>) semaphore(%arg10 : memref<!tpu.dma_semaphore, #tpu.memory_space<semaphore_mem>>)
        %dma_wait3A_87 = arith.constant 0 : i32
        %dma_wait3A_88 = arith.constant 0 : i32
        %dma_wait3A_89 = tpu.memref_slice %arg9[%cond3A_37, %dma_wait3A_87, %dma_wait3A_88] : memref<2x128x128xf32, #tpu.memory_space<vmem>> -> memref<1x128x128xf32, #tpu.memory_space<vmem>>
        %dma_wait3A_90 = tpu.memref_squeeze %dma_wait3A_89 : memref<1x128x128xf32, #tpu.memory_space<vmem>> -> memref<128x128xf32, #tpu.memory_space<vmem>>
        %dma_wait3A_91 = arith.constant 0 : i32
        %dma_wait3A_92 = tpu.memref_slice %arg8[%dma_wait3A_91] : memref<256xi32, #tpu.memory_space<vmem>> -> memref<128xi32, #tpu.memory_space<vmem>>
        %dma_wait3A_93 = arith.constant 0 : i32
        %dma_wait3A_94 = arith.constant 0 : i32
        %dma_wait3A_95 = tpu.memref_slice %arg2[%dma_wait3A_93, %dma_wait3A_94] : memref<10000x128xf32, #tpu.memory_space<hbm>> -> memref<10000x128xf32, #tpu.memory_space<hbm>>
        tpu.wait_indirect_dma semaphore(%arg10 : memref<!tpu.dma_semaphore, #tpu.memory_space<semaphore_mem>>) src(%dma_wait3A_95 : memref<10000x128xf32, #tpu.memory_space<hbm>>) dst(%dma_wait3A_90 : memref<128x128xf32, #tpu.memory_space<vmem>>)
      }
      %scan3A_76 = arith.constant 53 : i32
    } else {
    }
    %barrier3A_40 = arith.constant 0 : index
    tpu.barrier barrier_id(%barrier3A_40)
    %eq3A_41 = arith.constant 0 : i32
    %eq3A_42 = arith.cmpi eq, %arg0, %eq3A_41 : i32
    %convert_element_type3A_43 = arith.extui %eq3A_42 : i1 to i32
    %cond3A_44 = arith.constant 0 : i32
    %cond3A_45 = arith.cmpi ne, %convert_element_type3A_43, %cond3A_44 : i32
    scf.if %cond3A_45 {
      "tpu.region"() ({
        %run_scoped3A_46 = tpu.sem_alloc : memref<!tpu.dma_semaphore, #tpu.memory_space<semaphore_mem>>
        %dma_start3A = arith.constant 0 : i32
        %dma_start3A_47 = arith.constant 0 : i32
        %dma_start3A_48 = tpu.memref_slice %arg6[%arg0, %dma_start3A, %dma_start3A_47] : memref<2x10240x128xf32, #tpu.memory_space<hbm>> -> memref<1x10240x128xf32, #tpu.memory_space<hbm>>
        %dma_start3A_49 = tpu.memref_squeeze %dma_start3A_48 : memref<1x10240x128xf32, #tpu.memory_space<hbm>> -> memref<10240x128xf32, #tpu.memory_space<hbm>>
        %dma_start3A_50 = arith.constant 0 : i32
        %dma_start3A_51 = tpu.memref_slice %dma_start3A_49[%mul3A_6, %dma_start3A_50] : memref<10240x128xf32, #tpu.memory_space<hbm>> -> memref<640x128xf32, #tpu.memory_space<hbm>>
        %dma_start3A_52 = arith.constant 0 : i32
        %dma_start3A_53 = tpu.memref_slice %arg14[%mul3A_6, %dma_start3A_52] : memref<10240x128xf32, #tpu.memory_space<vmem_shared>> -> memref<640x128xf32, #tpu.memory_space<vmem_shared>>
        tpu.enqueue_dma source(%dma_start3A_53 : memref<640x128xf32, #tpu.memory_space<vmem_shared>>) target(%dma_start3A_51 : memref<640x128xf32, #tpu.memory_space<hbm>>) target_semaphore(%run_scoped3A_46 : memref<!tpu.dma_semaphore, #tpu.memory_space<semaphore_mem>>)
        %dma_wait3A = arith.constant 0 : i32
        %dma_wait3A_54 = arith.constant 0 : i32
        %dma_wait3A_55 = tpu.memref_slice %arg6[%arg0, %dma_wait3A, %dma_wait3A_54] : memref<2x10240x128xf32, #tpu.memory_space<hbm>> -> memref<1x10240x128xf32, #tpu.memory_space<hbm>>
        %dma_wait3A_56 = tpu.memref_squeeze %dma_wait3A_55 : memref<1x10240x128xf32, #tpu.memory_space<hbm>> -> memref<10240x128xf32, #tpu.memory_space<hbm>>
        %dma_wait3A_57 = arith.constant 0 : i32
        %dma_wait3A_58 = tpu.memref_slice %dma_wait3A_56[%mul3A_6, %dma_wait3A_57] : memref<10240x128xf32, #tpu.memory_space<hbm>> -> memref<640x128xf32, #tpu.memory_space<hbm>>
        %dma_wait3A_59 = arith.constant 0 : i32
        %dma_wait3A_60 = tpu.memref_slice %arg14[%mul3A_6, %dma_wait3A_59] : memref<10240x128xf32, #tpu.memory_space<vmem_shared>> -> memref<640x128xf32, #tpu.memory_space<vmem_shared>>
        tpu.wait_dma2 semaphore(%run_scoped3A_46 : memref<!tpu.dma_semaphore, #tpu.memory_space<semaphore_mem>>) src(%dma_wait3A_60 : memref<640x128xf32, #tpu.memory_space<vmem_shared>>) dst(%dma_wait3A_58 : memref<640x128xf32, #tpu.memory_space<hbm>>)
        tpu.yield
      }) : () -> ()
    } else {
    }
    return
  }
}

module attributes {stable_mosaic.version = 14 : i64} {
  func.func @_dense0_body(%arg0: memref<2x10240x128xf32, #tpu.memory_space<vmem>>, %arg1: memref<2x10240x1xf32, #tpu.memory_space<vmem>>, %arg2: memref<10000x128xf32, #tpu.memory_space<vmem>>, %arg3: memref<128x128xf32, #tpu.memory_space<vmem>>, %arg4: memref<1x128xf32, #tpu.memory_space<vmem>>, %arg5: memref<128x128xf32, #tpu.memory_space<vmem>>, %arg6: memref<1x128xf32, #tpu.memory_space<vmem>>, %arg7: memref<1x128xf32, #tpu.memory_space<vmem>>, %arg8: memref<10000x128xf32, #tpu.memory_space<vmem>>, %arg9: memref<10000x1xf32, #tpu.memory_space<vmem>>) attributes {dimension_semantics = [], scalar_prefetch = 0 : i64, scratch_operands = 0 : i64, tpu.core_type = #tpu.core_type<tc>} {
    %get3A = arith.constant 0 : index
    %get3A_0 = arith.constant 0 : index
    %get3A_1 = arith.constant 0 : index
    %get3A_2 = vector.load %arg0[%get3A, %get3A_0, %get3A_1] : memref<2x10240x128xf32, #tpu.memory_space<vmem>>, vector<1x10000x128xf32>
    %get3A_3 = vector.shape_cast %get3A_2 : vector<1x10000x128xf32> to vector<10000x128xf32>
    %get3A_4 = arith.constant 1 : index
    %get3A_5 = arith.constant 0 : index
    %get3A_6 = arith.constant 0 : index
    %get3A_7 = vector.load %arg0[%get3A_4, %get3A_5, %get3A_6] : memref<2x10240x128xf32, #tpu.memory_space<vmem>>, vector<1x10000x128xf32>
    %get3A_8 = vector.shape_cast %get3A_7 : vector<1x10000x128xf32> to vector<10000x128xf32>
    %add3A = arith.addf %get3A_3, %get3A_8 : vector<10000x128xf32>
    %get3A_9 = arith.constant 0 : index
    %get3A_10 = arith.constant 0 : index
    %get3A_11 = arith.constant 0 : index
    %get3A_12 = vector.load %arg1[%get3A_9, %get3A_10, %get3A_11] : memref<2x10240x1xf32, #tpu.memory_space<vmem>>, vector<1x10000x1xf32>
    %get3A_13 = vector.shape_cast %get3A_12 : vector<1x10000x1xf32> to vector<10000x1xf32>
    %get3A_14 = arith.constant 1 : index
    %get3A_15 = arith.constant 0 : index
    %get3A_16 = arith.constant 0 : index
    %get3A_17 = vector.load %arg1[%get3A_14, %get3A_15, %get3A_16] : memref<2x10240x1xf32, #tpu.memory_space<vmem>>, vector<1x10000x1xf32>
    %get3A_18 = vector.shape_cast %get3A_17 : vector<1x10000x1xf32> to vector<10000x1xf32>
    %add3A_19 = arith.addf %get3A_13, %get3A_18 : vector<10000x1xf32>
    %swap3A = arith.constant 0 : index
    %swap3A_20 = arith.constant 0 : index
    %swap3A_21 = vector.load %arg9[%swap3A, %swap3A_20] : memref<10000x1xf32, #tpu.memory_space<vmem>>, vector<10000x1xf32>
    tpu.vector_store %arg9[%swap3A, %swap3A_20], %add3A_19 {strides = array<i32>} : memref<10000x1xf32, #tpu.memory_space<vmem>>, vector<10000x1xf32>,
    %max3A = arith.constant 1.000000e+00 : f32
    %max3A_22 = vector.broadcast %max3A : f32 to vector<10000x1xf32>
    %max3A_23 = arith.maximumf %add3A_19, %max3A_22 : vector<10000x1xf32>
    %div3A = arith.constant 1.000000e+00 : f32
    %div3A_24 = vector.broadcast %div3A : f32 to vector<10000x1xf32>
    %div3A_25 = arith.divf %div3A_24, %max3A_23 : vector<10000x1xf32>
    %mul3A = vector.broadcast %div3A_25 : vector<10000x1xf32> to vector<10000x128xf32>
    %mul3A_26 = arith.mulf %add3A, %mul3A : vector<10000x128xf32>
    %get3A_27 = arith.constant 0 : index
    %get3A_28 = arith.constant 0 : index
    %get3A_29 = vector.load %arg3[%get3A_27, %get3A_28] : memref<128x128xf32, #tpu.memory_space<vmem>>, vector<128x128xf32>
    %dot_general3A = arith.constant dense<0.000000e+00> : vector<10000x128xf32>
    %dot_general3A_30 = tpu.matmul %mul3A_26, %get3A_29, %dot_general3A {dimension_numbers = #tpu.dot_dimension_numbers<[1], [0], [0], [1], [0, 0, 1, 1], [], []>, transpose_lhs_hint = false} : vector<10000x128xf32>, vector<128x128xf32>, vector<10000x128xf32> -> vector<10000x128xf32>
    %get3A_31 = arith.constant 0 : index
    %get3A_32 = arith.constant 0 : index
    %get3A_33 = vector.load %arg4[%get3A_31, %get3A_32] : memref<1x128xf32, #tpu.memory_space<vmem>>, vector<1x128xf32>
    %add3A_34 = vector.broadcast %get3A_33 : vector<1x128xf32> to vector<10000x128xf32>
    %add3A_35 = arith.addf %dot_general3A_30, %add3A_34 : vector<10000x128xf32>
    %get3A_36 = arith.constant 0 : index
    %get3A_37 = arith.constant 0 : index
    %get3A_38 = vector.load %arg2[%get3A_36, %get3A_37] : memref<10000x128xf32, #tpu.memory_space<vmem>>, vector<10000x128xf32>
    %get3A_39 = arith.constant 0 : index
    %get3A_40 = arith.constant 0 : index
    %get3A_41 = vector.load %arg5[%get3A_39, %get3A_40] : memref<128x128xf32, #tpu.memory_space<vmem>>, vector<128x128xf32>
    %dot_general3A_42 = arith.constant dense<0.000000e+00> : vector<10000x128xf32>
    %dot_general3A_43 = tpu.matmul %get3A_38, %get3A_41, %dot_general3A_42 {dimension_numbers = #tpu.dot_dimension_numbers<[1], [0], [0], [1], [0, 0, 1, 1], [], []>, transpose_lhs_hint = false} : vector<10000x128xf32>, vector<128x128xf32>, vector<10000x128xf32> -> vector<10000x128xf32>
    %add3A_44 = arith.addf %add3A_35, %dot_general3A_43 : vector<10000x128xf32>
    %mul3A_45 = arith.mulf %add3A_44, %add3A_44 : vector<10000x128xf32>
    %reduce_sum3A = arith.constant dense<0.000000e+00> : vector<10000xf32>
    %reduce_sum3A_46 = vector.multi_reduction <add>, %mul3A_45, %reduce_sum3A [1] : vector<10000x128xf32> to vector<10000xf32>
    %broadcast_in_dim3A = vector.shape_cast %reduce_sum3A_46 : vector<10000xf32> to vector<10000x1xf32>
    %sqrt3A = math.sqrt %broadcast_in_dim3A : vector<10000x1xf32>
    %max3A_47 = arith.constant 9.99999996E-13 : f32
    %max3A_48 = vector.broadcast %max3A_47 : f32 to vector<10000x1xf32>
    %max3A_49 = arith.maximumf %sqrt3A, %max3A_48 : vector<10000x1xf32>
    %div3A_50 = vector.broadcast %max3A_49 : vector<10000x1xf32> to vector<10000x128xf32>
    %div3A_51 = arith.divf %add3A_44, %div3A_50 : vector<10000x128xf32>
    %reduce_sum3A_52 = arith.constant dense<0.000000e+00> : vector<128xf32>
    %reduce_sum3A_53 = vector.multi_reduction <add>, %div3A_51, %reduce_sum3A_52 [0] : vector<10000x128xf32> to vector<128xf32>
    %broadcast_in_dim3A_54 = vector.shape_cast %reduce_sum3A_53 : vector<128xf32> to vector<1x128xf32>
    %div3A_55 = arith.constant 1.000000e+04 : f32
    %div3A_56 = vector.broadcast %div3A_55 : f32 to vector<1x128xf32>
    %div3A_57 = arith.divf %broadcast_in_dim3A_54, %div3A_56 : vector<1x128xf32>
    %sub3A = vector.broadcast %div3A_57 : vector<1x128xf32> to vector<10000x128xf32>
    %sub3A_58 = arith.subf %div3A_51, %sub3A : vector<10000x128xf32>
    %sub3A_59 = vector.broadcast %div3A_57 : vector<1x128xf32> to vector<10000x128xf32>
    %sub3A_60 = arith.subf %div3A_51, %sub3A_59 : vector<10000x128xf32>
    %mul3A_61 = arith.mulf %sub3A_58, %sub3A_60 : vector<10000x128xf32>
    %reduce_sum3A_62 = arith.constant dense<0.000000e+00> : vector<128xf32>
    %reduce_sum3A_63 = vector.multi_reduction <add>, %mul3A_61, %reduce_sum3A_62 [0] : vector<10000x128xf32> to vector<128xf32>
    %broadcast_in_dim3A_64 = vector.shape_cast %reduce_sum3A_63 : vector<128xf32> to vector<1x128xf32>
    %div3A_65 = arith.constant 1.000000e+04 : f32
    %div3A_66 = vector.broadcast %div3A_65 : f32 to vector<1x128xf32>
    %div3A_67 = arith.divf %broadcast_in_dim3A_64, %div3A_66 : vector<1x128xf32>
    %get3A_68 = arith.constant 0 : index
    %get3A_69 = arith.constant 0 : index
    %get3A_70 = vector.load %arg6[%get3A_68, %get3A_69] : memref<1x128xf32, #tpu.memory_space<vmem>>, vector<1x128xf32>
    %sub3A_71 = vector.broadcast %div3A_57 : vector<1x128xf32> to vector<10000x128xf32>
    %sub3A_72 = arith.subf %div3A_51, %sub3A_71 : vector<10000x128xf32>
    %mul3A_73 = vector.broadcast %get3A_70 : vector<1x128xf32> to vector<10000x128xf32>
    %mul3A_74 = arith.mulf %mul3A_73, %sub3A_72 : vector<10000x128xf32>
    %add3A_75 = arith.constant 9.99999974E-6 : f32
    %add3A_76 = vector.broadcast %add3A_75 : f32 to vector<1x128xf32>
    %add3A_77 = arith.addf %div3A_67, %add3A_76 : vector<1x128xf32>
    %sqrt3A_78 = math.sqrt %add3A_77 : vector<1x128xf32>
    %div3A_79 = vector.broadcast %sqrt3A_78 : vector<1x128xf32> to vector<10000x128xf32>
    %div3A_80 = arith.divf %mul3A_74, %div3A_79 : vector<10000x128xf32>
    %get3A_81 = arith.constant 0 : index
    %get3A_82 = arith.constant 0 : index
    %get3A_83 = vector.load %arg7[%get3A_81, %get3A_82] : memref<1x128xf32, #tpu.memory_space<vmem>>, vector<1x128xf32>
    %add3A_84 = vector.broadcast %get3A_83 : vector<1x128xf32> to vector<10000x128xf32>
    %add3A_85 = arith.addf %div3A_80, %add3A_84 : vector<10000x128xf32>
    %max3A_86 = arith.constant 0.000000e+00 : f32
    %max3A_87 = vector.broadcast %max3A_86 : f32 to vector<10000x128xf32>
    %max3A_88 = arith.maximumf %add3A_85, %max3A_87 : vector<10000x128xf32>
    %swap3A_89 = arith.constant 0 : index
    %swap3A_90 = arith.constant 0 : index
    %swap3A_91 = vector.load %arg8[%swap3A_89, %swap3A_90] : memref<10000x128xf32, #tpu.memory_space<vmem>>, vector<10000x128xf32>
    tpu.vector_store %arg8[%swap3A_89, %swap3A_90], %max3A_88 {strides = array<i32>} : memref<10000x128xf32, #tpu.memory_space<vmem>>, vector<10000x128xf32>,
    return
  }
}

module attributes {stable_mosaic.version = 14 : i64} {
  func.func @_dense1_body(%arg0: memref<2x10240x128xf32, #tpu.memory_space<vmem>>, %arg1: memref<10000x1xf32, #tpu.memory_space<vmem>>, %arg2: memref<10000x128xf32, #tpu.memory_space<vmem>>, %arg3: memref<128x128xf32, #tpu.memory_space<vmem>>, %arg4: memref<1x128xf32, #tpu.memory_space<vmem>>, %arg5: memref<128x128xf32, #tpu.memory_space<vmem>>, %arg6: memref<1x128xf32, #tpu.memory_space<vmem>>, %arg7: memref<1x128xf32, #tpu.memory_space<vmem>>, %arg8: memref<128x128xf32, #tpu.memory_space<vmem>>, %arg9: memref<1x128xf32, #tpu.memory_space<vmem>>, %arg10: memref<10000x128xf32, #tpu.memory_space<vmem>>) attributes {dimension_semantics = [], scalar_prefetch = 0 : i64, scratch_operands = 0 : i64, tpu.core_type = #tpu.core_type<tc>} {
    %get3A = arith.constant 0 : index
    %get3A_0 = arith.constant 0 : index
    %get3A_1 = arith.constant 0 : index
    %get3A_2 = vector.load %arg0[%get3A, %get3A_0, %get3A_1] : memref<2x10240x128xf32, #tpu.memory_space<vmem>>, vector<1x10000x128xf32>
    %get3A_3 = vector.shape_cast %get3A_2 : vector<1x10000x128xf32> to vector<10000x128xf32>
    %get3A_4 = arith.constant 1 : index
    %get3A_5 = arith.constant 0 : index
    %get3A_6 = arith.constant 0 : index
    %get3A_7 = vector.load %arg0[%get3A_4, %get3A_5, %get3A_6] : memref<2x10240x128xf32, #tpu.memory_space<vmem>>, vector<1x10000x128xf32>
    %get3A_8 = vector.shape_cast %get3A_7 : vector<1x10000x128xf32> to vector<10000x128xf32>
    %add3A = arith.addf %get3A_3, %get3A_8 : vector<10000x128xf32>
    %get3A_9 = arith.constant 0 : index
    %get3A_10 = arith.constant 0 : index
    %get3A_11 = vector.load %arg1[%get3A_9, %get3A_10] : memref<10000x1xf32, #tpu.memory_space<vmem>>, vector<10000x1xf32>
    %max3A = arith.constant 1.000000e+00 : f32
    %max3A_12 = vector.broadcast %max3A : f32 to vector<10000x1xf32>
    %max3A_13 = arith.maximumf %get3A_11, %max3A_12 : vector<10000x1xf32>
    %div3A = arith.constant 1.000000e+00 : f32
    %div3A_14 = vector.broadcast %div3A : f32 to vector<10000x1xf32>
    %div3A_15 = arith.divf %div3A_14, %max3A_13 : vector<10000x1xf32>
    %mul3A = vector.broadcast %div3A_15 : vector<10000x1xf32> to vector<10000x128xf32>
    %mul3A_16 = arith.mulf %add3A, %mul3A : vector<10000x128xf32>
    %get3A_17 = arith.constant 0 : index
    %get3A_18 = arith.constant 0 : index
    %get3A_19 = vector.load %arg3[%get3A_17, %get3A_18] : memref<128x128xf32, #tpu.memory_space<vmem>>, vector<128x128xf32>
    %dot_general3A = arith.constant dense<0.000000e+00> : vector<10000x128xf32>
    %dot_general3A_20 = tpu.matmul %mul3A_16, %get3A_19, %dot_general3A {dimension_numbers = #tpu.dot_dimension_numbers<[1], [0], [0], [1], [0, 0, 1, 1], [], []>, transpose_lhs_hint = false} : vector<10000x128xf32>, vector<128x128xf32>, vector<10000x128xf32> -> vector<10000x128xf32>
    %get3A_21 = arith.constant 0 : index
    %get3A_22 = arith.constant 0 : index
    %get3A_23 = vector.load %arg4[%get3A_21, %get3A_22] : memref<1x128xf32, #tpu.memory_space<vmem>>, vector<1x128xf32>
    %add3A_24 = vector.broadcast %get3A_23 : vector<1x128xf32> to vector<10000x128xf32>
    %add3A_25 = arith.addf %dot_general3A_20, %add3A_24 : vector<10000x128xf32>
    %get3A_26 = arith.constant 0 : index
    %get3A_27 = arith.constant 0 : index
    %get3A_28 = vector.load %arg2[%get3A_26, %get3A_27] : memref<10000x128xf32, #tpu.memory_space<vmem>>, vector<10000x128xf32>
    %get3A_29 = arith.constant 0 : index
    %get3A_30 = arith.constant 0 : index
    %get3A_31 = vector.load %arg5[%get3A_29, %get3A_30] : memref<128x128xf32, #tpu.memory_space<vmem>>, vector<128x128xf32>
    %dot_general3A_32 = arith.constant dense<0.000000e+00> : vector<10000x128xf32>
    %dot_general3A_33 = tpu.matmul %get3A_28, %get3A_31, %dot_general3A_32 {dimension_numbers = #tpu.dot_dimension_numbers<[1], [0], [0], [1], [0, 0, 1, 1], [], []>, transpose_lhs_hint = false} : vector<10000x128xf32>, vector<128x128xf32>, vector<10000x128xf32> -> vector<10000x128xf32>
    %add3A_34 = arith.addf %add3A_25, %dot_general3A_33 : vector<10000x128xf32>
    %mul3A_35 = arith.mulf %add3A_34, %add3A_34 : vector<10000x128xf32>
    %reduce_sum3A = arith.constant dense<0.000000e+00> : vector<10000xf32>
    %reduce_sum3A_36 = vector.multi_reduction <add>, %mul3A_35, %reduce_sum3A [1] : vector<10000x128xf32> to vector<10000xf32>
    %broadcast_in_dim3A = vector.shape_cast %reduce_sum3A_36 : vector<10000xf32> to vector<10000x1xf32>
    %sqrt3A = math.sqrt %broadcast_in_dim3A : vector<10000x1xf32>
    %max3A_37 = arith.constant 9.99999996E-13 : f32
    %max3A_38 = vector.broadcast %max3A_37 : f32 to vector<10000x1xf32>
    %max3A_39 = arith.maximumf %sqrt3A, %max3A_38 : vector<10000x1xf32>
    %div3A_40 = vector.broadcast %max3A_39 : vector<10000x1xf32> to vector<10000x128xf32>
    %div3A_41 = arith.divf %add3A_34, %div3A_40 : vector<10000x128xf32>
    %reduce_sum3A_42 = arith.constant dense<0.000000e+00> : vector<128xf32>
    %reduce_sum3A_43 = vector.multi_reduction <add>, %div3A_41, %reduce_sum3A_42 [0] : vector<10000x128xf32> to vector<128xf32>
    %broadcast_in_dim3A_44 = vector.shape_cast %reduce_sum3A_43 : vector<128xf32> to vector<1x128xf32>
    %div3A_45 = arith.constant 1.000000e+04 : f32
    %div3A_46 = vector.broadcast %div3A_45 : f32 to vector<1x128xf32>
    %div3A_47 = arith.divf %broadcast_in_dim3A_44, %div3A_46 : vector<1x128xf32>
    %sub3A = vector.broadcast %div3A_47 : vector<1x128xf32> to vector<10000x128xf32>
    %sub3A_48 = arith.subf %div3A_41, %sub3A : vector<10000x128xf32>
    %sub3A_49 = vector.broadcast %div3A_47 : vector<1x128xf32> to vector<10000x128xf32>
    %sub3A_50 = arith.subf %div3A_41, %sub3A_49 : vector<10000x128xf32>
    %mul3A_51 = arith.mulf %sub3A_48, %sub3A_50 : vector<10000x128xf32>
    %reduce_sum3A_52 = arith.constant dense<0.000000e+00> : vector<128xf32>
    %reduce_sum3A_53 = vector.multi_reduction <add>, %mul3A_51, %reduce_sum3A_52 [0] : vector<10000x128xf32> to vector<128xf32>
    %broadcast_in_dim3A_54 = vector.shape_cast %reduce_sum3A_53 : vector<128xf32> to vector<1x128xf32>
    %div3A_55 = arith.constant 1.000000e+04 : f32
    %div3A_56 = vector.broadcast %div3A_55 : f32 to vector<1x128xf32>
    %div3A_57 = arith.divf %broadcast_in_dim3A_54, %div3A_56 : vector<1x128xf32>
    %get3A_58 = arith.constant 0 : index
    %get3A_59 = arith.constant 0 : index
    %get3A_60 = vector.load %arg6[%get3A_58, %get3A_59] : memref<1x128xf32, #tpu.memory_space<vmem>>, vector<1x128xf32>
    %sub3A_61 = vector.broadcast %div3A_47 : vector<1x128xf32> to vector<10000x128xf32>
    %sub3A_62 = arith.subf %div3A_41, %sub3A_61 : vector<10000x128xf32>
    %mul3A_63 = vector.broadcast %get3A_60 : vector<1x128xf32> to vector<10000x128xf32>
    %mul3A_64 = arith.mulf %mul3A_63, %sub3A_62 : vector<10000x128xf32>
    %add3A_65 = arith.constant 9.99999974E-6 : f32
    %add3A_66 = vector.broadcast %add3A_65 : f32 to vector<1x128xf32>
    %add3A_67 = arith.addf %div3A_57, %add3A_66 : vector<1x128xf32>
    %sqrt3A_68 = math.sqrt %add3A_67 : vector<1x128xf32>
    %div3A_69 = vector.broadcast %sqrt3A_68 : vector<1x128xf32> to vector<10000x128xf32>
    %div3A_70 = arith.divf %mul3A_64, %div3A_69 : vector<10000x128xf32>
    %get3A_71 = arith.constant 0 : index
    %get3A_72 = arith.constant 0 : index
    %get3A_73 = vector.load %arg7[%get3A_71, %get3A_72] : memref<1x128xf32, #tpu.memory_space<vmem>>, vector<1x128xf32>
    %add3A_74 = vector.broadcast %get3A_73 : vector<1x128xf32> to vector<10000x128xf32>
    %add3A_75 = arith.addf %div3A_70, %add3A_74 : vector<10000x128xf32>
    %max3A_76 = arith.constant 0.000000e+00 : f32
    %max3A_77 = vector.broadcast %max3A_76 : f32 to vector<10000x128xf32>
    %max3A_78 = arith.maximumf %add3A_75, %max3A_77 : vector<10000x128xf32>
    %get3A_79 = arith.constant 0 : index
    %get3A_80 = arith.constant 0 : index
    %get3A_81 = vector.load %arg8[%get3A_79, %get3A_80] : memref<128x128xf32, #tpu.memory_space<vmem>>, vector<128x128xf32>
    %dot_general3A_82 = arith.constant dense<0.000000e+00> : vector<10000x128xf32>
    %dot_general3A_83 = tpu.matmul %max3A_78, %get3A_81, %dot_general3A_82 {dimension_numbers = #tpu.dot_dimension_numbers<[1], [0], [0], [1], [0, 0, 1, 1], [], []>, transpose_lhs_hint = false} : vector<10000x128xf32>, vector<128x128xf32>, vector<10000x128xf32> -> vector<10000x128xf32>
    %get3A_84 = arith.constant 0 : index
    %get3A_85 = arith.constant 0 : index
    %get3A_86 = vector.load %arg9[%get3A_84, %get3A_85] : memref<1x128xf32, #tpu.memory_space<vmem>>, vector<1x128xf32>
    %add3A_87 = vector.broadcast %get3A_86 : vector<1x128xf32> to vector<10000x128xf32>
    %add3A_88 = arith.addf %dot_general3A_83, %add3A_87 : vector<10000x128xf32>
    %swap3A = arith.constant 0 : index
    %swap3A_89 = arith.constant 0 : index
    %swap3A_90 = vector.load %arg10[%swap3A, %swap3A_89] : memref<10000x128xf32, #tpu.memory_space<vmem>>, vector<10000x128xf32>
    tpu.vector_store %arg10[%swap3A, %swap3A_89], %add3A_88 {strides = array<i32>} : memref<10000x128xf32, #tpu.memory_space<vmem>>, vector<10000x128xf32>,
    return
  }
}

</mosaic_0001>

<sc_bundles>
// kernel: kernel.10.cloned.1.call-start
scs
__scs_entry_jumppad:
0x0: {  	(pc) =	sbr.rel $0x88, $3  }
0x1: {  	(tag) =	ssettag $0x0;
	lr =	simm.s32 $0x1  }
0x2: {  	[smem:$0x3F93] =	sst lr;
	_ =	strace $0xD0000000  }
0x3: {  	_ = 	snop  }
0x4: {  	_ = 	snop  }
0x5: {  	_ = 	snop  }
0x6: {  	_ = 	snop  }
0x7: {  	_ = 	snop  }
__scs_overlays_trampoline_lowered:
0x8: {  	[smem:$0x3FA2] =	sst s0  }
0x9: {  	[smem:$0x3FA3] =	sst s1  }
0xa: {  	[smem:$0x3FA4] =	sst s2  }
0xb: {  	[smem:$0x3FA5] =	sst s3  }
0xc: {  	[smem:$0x3FA6] =	sst s4  }
0xd: {  	[smem:$0x3FA7] =	sst s5  }
0xe: {  	[smem:$0x3FA8] =	sst s6  }
0xf: {  	[smem:$0x3FA9] =	sst s7  }
0x10: {  	[smem:$0x3FAA] =	sst s8  }
0x11: {  	[smem:$0x3FAB] =	sst s9;
	s0 =	simm.s32 @!p0 $0x0  }
0x12: {  	s1 =	sld [smem:$0x3F91];
	s0 =	simm.s32 @p0 $0x1  }
0x13: {  	[smem:$0x3FAC] =	sst s0;
	s0 =	simm.s32 @!p1 $0x0  }
0x14: {  	s2 =	sld [smem:$0x3F90];
	s0 =	simm.s32 @p1 $0x1  }
0x15: {  	[smem:$0x3FAD] =	sst s0;
	s0 =	simm.s32 @!p2 $0x0  }
0x16: {  	s3 =	sld [smem:$0x3FDB];
	s0 =	simm.s32 @p2 $0x1  }
0x17: {  	s4 =	simm.s32 $0x1BF5;
	[smem:$0x3FAF] =	sst s0  }
0x18: {  	s0 =	sld [smem:$0x3F92];
	_ =	swait.ge [sflag:s4], $0x0  }
0x19: {  	s7 =	sld [smem:$0x3F93]  }
0x1a: {  	s8 =	sadd.s32 $0xFFFFE003, lr  }
0x1b: {  	s9 =	sadd.s32 $0xFFFFFEF7, lr;
	s5 =	simm.s32 $0xFFFFFFFF;
	p2 =	slt.u32 s8, $0xFFFFF086  }
0x1c: {  	p1 =	slt.u32 s9, $0xF7A;
	s5 =	simm.s32 @!p2 $0x0  }
0x1d: {  	s5 =	simm.s32 @p1 $0x1;
	p0 =	seq.s32 s7, s2  }
0x1e: {  	s7 =	smul.u32 @!p0 $0xF7A, s2;
	p2 =	seq.s32 @!p0 s5, $0x0  }
0x1f: {  	s9 =	smul.u32 $0xF7A, s1;
	s8 =	simm.s32 @!p0 $0x1BF5;
	p2 =	por !p2, p0  }
0x20: {  	[sflag:s8] =	ssyncset.s32 @!p0 $0xFFFFF086;
	s6 =	sadd.s32 @!p0 s3, s7;
	s7 =	simm.s32 @!p0 $0x108  }
0x21: {  	s3 =	sadd.s32 s3, s9;
	s6 =	sadd.s32 @!p0 $0x88, s6;
	s7 =	simm.s32 @p2 $0x1082  }
0x22: {  	[simem:s7], [sflag:s8] =	dma.local @!p0 [hbm:s6], $0xF7A  }
0x23: {  	s9 =	sor.u32 $0xD0000000, s2;
	s6 =	simm.s32 $0x108;
	_ =	swait.ge @!p0 [sflag:s8], $0x0  }
0x24: {  	s3 =	sadd.s32 $0x88, s3;
	s6 =	simm.s32 @!p1 $0x1082;
	[sflag:s4] =	ssyncset.s32 $0xFFFFF086  }
0x25: {  	[simem:s6], [sflag:s4] =	dma.local [hbm:s3], $0xF7A  }
0x26: {  	[smem:$0x3F93] =	sst s1;
	(tag) =	ssettag s2;
	_ =	strace s9  }
0x27: {  	s1 =	sld [smem:$0x3FA3]  }
0x28: {  	s2 =	sld [smem:$0x3FA4]  }
0x29: {  	s4 =	sld [smem:$0x3FA6]  }
0x2a: {  	p0 =	seq.s32 s5, $0x0;
	s5 =	sld [smem:$0x3FA7]  }
0x2b: {  	s6 =	sld [smem:$0x3FA8]  }
0x2c: {  	s7 =	sld [smem:$0x3FA9]  }
0x2d: {  	s3 =	simm.s32 $0x108;
	s8 =	sld [smem:$0x3FAA]  }
0x2e: {  	s3 =	simm.s32 @!p0 $0x1082;
	s9 =	sld [smem:$0x3FAB]  }
0x2f: {  	lr =	sadd.s32 s0, s3;
	s0 =	sld [smem:$0x3FA2]  }
0x30: {  	s3 =	sld [smem:$0x3FA5]  }
0x31: {  	[smem:$0x3FAE] =	sst s10  }
0x32: {  	s10 =	sld [smem:$0x3FAC];
	_ =	sdelay $0x3  }
0x33: {  	p0 =	seq.s32 s10, $0x1;
	s10 =	sld [smem:$0x3FAE];
	_ =	sdelay $0x3  }
0x34: {  	[smem:$0x3FAE] =	sst s10  }
0x35: {  	s10 =	sld [smem:$0x3FAD];
	_ =	sdelay $0x3  }
0x36: {  	p1 =	seq.s32 s10, $0x1;
	s10 =	sld [smem:$0x3FAE];
	_ =	sdelay $0x3  }
0x37: {  	[smem:$0x3FAE] =	sst s10  }
0x38: {  	s10 =	sld [smem:$0x3FAF]  }
0x39: {  	_ = 	snop;
	(pc) =	sbr.ind lr, $3  }
0x3a: {  	_ = 	snop  }
0x3b: {  	_ = 	snop  }
0x3c: {  	p2 =	seq.s32 s10, $0x1;
	s10 =	sld [smem:$0x3FAE]  }
0x3d: {  	_ =	shalt  }
0x3e: {  	_ =	shalt  }
0x3f: {  	_ =	shalt  }
0x40: {  	_ =	shalt  }
0x41: {  	_ =	shalt  }
0x42: {  	_ =	shalt  }
0x43: {  	_ =	shalt  }
0x44: {  	_ =	shalt  }
0x45: {  	_ =	shalt  }
0x46: {  	_ =	shalt  }
0x47: {  	_ =	shalt  }
0x48: {  	_ =	shalt  }
0x49: {  	_ =	shalt  }
0x4a: {  	_ =	shalt  }
0x4b: {  	_ =	shalt  }
0x4c: {  	_ =	shalt  }
0x4d: {  	_ =	shalt  }
0x4e: {  	_ =	shalt  }
0x4f: {  	_ =	shalt  }
0x50: {  	_ =	shalt  }
0x51: {  	_ =	shalt  }
0x52: {  	_ =	shalt  }
0x53: {  	_ =	shalt  }
0x54: {  	_ =	shalt  }
0x55: {  	_ =	shalt  }
0x56: {  	_ =	shalt  }
0x57: {  	_ =	shalt  }
0x58: {  	_ =	shalt  }
0x59: {  	_ =	shalt  }
0x5a: {  	_ =	shalt  }
0x5b: {  	_ =	shalt  }
0x5c: {  	_ =	shalt  }
0x5d: {  	_ =	shalt  }
0x5e: {  	_ =	shalt  }
0x5f: {  	_ =	shalt  }
0x60: {  	_ =	shalt  }
0x61: {  	_ =	shalt  }
0x62: {  	_ =	shalt  }
0x63: {  	_ =	shalt  }
0x64: {  	_ =	shalt  }
0x65: {  	_ =	shalt  }
0x66: {  	_ =	shalt  }
0x67: {  	_ =	shalt  }
0x68: {  	_ =	shalt  }
0x69: {  	_ =	shalt  }
0x6a: {  	_ =	shalt  }
0x6b: {  	_ =	shalt  }
0x6c: {  	_ =	shalt  }
0x6d: {  	_ =	shalt  }
0x6e: {  	_ =	shalt  }
0x6f: {  	_ =	shalt  }
0x70: {  	_ =	shalt  }
0x71: {  	_ =	shalt  }
0x72: {  	_ =	shalt  }
0x73: {  	_ =	shalt  }
0x74: {  	_ =	shalt  }
0x75: {  	_ =	shalt  }
0x76: {  	_ =	shalt  }
0x77: {  	_ =	shalt  }
0x78: {  	_ =	shalt  }
0x79: {  	_ =	shalt  }
0x7a: {  	_ =	shalt  }
0x7b: {  	_ =	shalt  }
0x7c: {  	_ =	shalt  }
0x7d: {  	_ =	shalt  }
0x7e: {  	_ =	shalt  }
0x7f: {  	_ =	shalt  }
0x80: {  	_ =	shalt  }
0x81: {  	_ =	shalt  }
0x82: {  	_ =	shalt  }
0x83: {  	_ =	shalt  }
0x84: {  	_ =	shalt  }
0x85: {  	_ =	shalt  }
0x86: {  	_ =	shalt  }
0x87: {  	_ =	shalt  }
.Lfunc_end0:
.L_simem_size_0:
called_computation.1_lowered:
.L_overlay_start_0:
0x88: {  	s2 =	sld [smem:$0x3FD9]  }
0x89: {  	s3 =	sld [smem:$0x3FFE];
	_ =	sdelay $0x1  }
0x8a: {  	s1 =	srdreg.scid  }
0x8b: {  	s0 =	sand.u32 $0x1, s1  }
0x8c: {  	s17 =	sshll.u32 s0, $0xA;
	s2 =	sadd.s32 s3, s2  }
0x8d: {  	s2 =	sadd.s32 s2, s17  }
0x8e: {  	[smem:$0x3FBA] =	sst s2  }
0x8f: {  	_ = 	snop  }
0x90: {  	s2 =	sld [smem:$0x3FD0];
	(tm) =	ssettm $0x1  }
0x91: {  	s18 =	sld [smem:$0x3FFB];
	_ =	sdelay $0x3  }
0x92: {  	_ =	strace s18  }
0x93: {  	s3 =	sld [smem:$0x3FFC];
	_ =	sdelay $0x3  }
0x94: {  	_ =	strace s3  }
0x95: {  	s3 =	sld [smem:$0x3FFD];
	_ =	sdelay $0x3  }
0x96: {  	_ =	strace s3  }
0x97: {  	_ =	strace $0x8FFFFFFF  }
0x98: {  	s19 =	sld [smem:$0x3FDB];
	_ =	sdelay $0x1  }
0x99: {  	s4 =	simm.s32 $_scs_section_size  }
0x9a: {  	s5 =	simm.s32 $_size__tile_overlayer_lowered;
	s6 =	simm.s32 $_tile_overlayer_lowered  }
0x9b: {  	s22 =	simm.s32 $0x1BFF;
	s21 =	sshll.u32 s6, $0x1;
	s3 =	sadd.s32 s4, s19  }
0x9c: {  	s7 =	simm.s32 $0x0;
	s20 =	sshll.u32 s5, $0x1;
	s5 =	sadd.s32 s21, s3  }
0x9d: {  	[timem:s7], [sflag:s22] =	dma.local [hbm:s5], s20  }
0x9e: {  	_ =	swait.ge [sflag:s22], s20  }
0x9f: {  	s4 =	ssub.s32 $0x0, s20;
	[sflag:s22] =	ssyncset.done $0x0  }
0xa0: {  	[sflag:s22] =	ssyncadd.s32 s4;
	_ =	sdelay $0x1  }
0xa1: {  	s23 =	simm.s32 $0x1B8B  }
0xa2: {  	_ =	swait.ge [sflag:s23], $0x1  }
0xa3: {  	[sflag:s23] =	ssyncset.done $0x0  }
0xa4: {  	s25 =	simm.s32 $0x1B8E;
	s24 =	sld [smem:$0x3FFE];
	[sflag:s23] =	ssyncadd.s32 $0xFFFFFFFF  }
0xa5: {  	s26 =	simm.s32 $execute0_lowered;
	[smem:$0x3FD2] =	sst s25  }
0xa6: {  	s5 =	sshll.u32 s26, $0x1;
	_ =	strace $0x80000046;
	[dreg:$0x1] =	wrdreg $0xFFFFFFFF  }
0xa7: {  	s28 =	simm.s32 $_size_execute0_lowered;
	s3 =	sadd.s32 s3, s5;
	[dreg:$0x0] =	wrdreg $0x0  }
0xa8: {  	s5 =	sshll.u32 s28, $0x1;
	[dreg:$0x2] =	wrdreg s3  }
0xa9: {  	[dreg:$0x3] =	wrdreg s5  }
0xaa: {  	[dreg:$0x4] =	wrdreg $0xC0  }
0xab: {  	_ =	task [dreg:s7], $0x5FFFF  }
0xac: {  	[dreg:$0x1] =	wrdreg $0xFFFFFFFF  }
0xad: {  	[dreg:$0x0] =	wrdreg $0x60  }
0xae: {  	[dreg:$0x2] =	wrdreg s2  }
0xaf: {  	[dreg:$0x3] =	wrdreg s24  }
0xb0: {  	[dreg:$0x4] =	wrdreg $0x1A4000  }
0xb1: {  	[dreg:$0x5] =	wrdreg $0xA  }
0xb2: {  	_ =	task.clear_ibuf [dreg:s7], $0x6FFFF;
	_ =	strace $0x90000046  }
0xb3: {  	s29 =	simm.s32 $0xA;
	_ =	strace $0x80000048  }
0xb4: {  	_ =	swait.ge [sflag:s29], $0x1  }
0xb5: {  	[sflag:s29] =	ssyncadd.s32 $0xFFFFFFFF  }
0xb6: {  	_ =	strace $0x90000048  }
0xb7: {  	_ =	sfence  }
0xb8: {  	s30 =	sld [smem:$0x0];
	_ =	sdelay $0x2  }
0xb9: {  	s31 =	sshll.u32 s1, $0xD;
	s1 =	sshrl.u32 s1, $0x2  }
0xba: {  	s3 =	sand.u32 $0x4000, s31;
	s1 =	sadd.s32 s1, s30  }
0xbb: {  	s0 =	sor.u32 s3, s0;
	s1 =	sshll.u32 s1, $0x11  }
0xbc: {  	s0 =	sor.u32 s1, s0  }
0xbd: {  	s0 =	sadd.s32 $0x8F2B, s0  }
0xbe: {  	[sflag:s0] =	ssyncadd.remote.s32 $0x1  }
0xbf: {  	_ =	sfence.sel $0xFFFF  }
0xc0: {  	[dreg:$0x0] =	wrdreg $0xFFFFFFFF;
	(pc) =	sbr.abs _section_cstart, $3  }
0xc1: {  	[dreg:$0x1] =	wrdreg $0xFFFFFFFF  }
0xc2: {  	_ =	task.clear_ibuf [dreg:s7], $0x2FFFF;
	_ =	strace $0x9FFFFFFF  }
0xc3: {  	(tm) =	ssettm $0x7FFFFFFF  }
tec
execute0_lowered:
.L_overlay_start_1:
0x0: {  	(tag) =	ssettag $0x1  }
0x1: {  	s0 =	rddreg [dreg:$0x0]  }
0x2: {  	s1 =	rddreg [dreg:$0x1];
	v0 =	vimm.s32 $0xA380;
	vm0 =	vcmask $0x300  }
0x3: {  	s6 =	rddreg [dreg:$0x2];
	s3 =	srdreg.scid;
	vm14 =	vcmask $0x704;
	v0 =	vsel vm0, $0x0, v0  }
0x4: {  	s2 =	simm.s32 $0x0;
	s8 =	stileid.u32;
	vm15 =	vcmask $0xB08;
	s17 =	simm.s32 $0x1;
	v0 =	vsel vm14, $0x80, v0  }
0x5: {  	vm4 =	vcmask $0xF0C;
	s18 =	simm.s32 $0x2800;
	s19 =	simm.s32 $0x16800;
	s20 =	simm.s32 $0x80;
	v0 =	vsel vm15, $0x100, v0  }
0x6: {  	vm5 =	vcmask $0x1310;
	s29 =	simm.s32 $0x19400;
	s30 =	simm.s32 $0x19800;
	s7 =	smul.u32 $0xA000, s8;
	v0 =	vsel vm4, $0x180, v0  }
0x7: {  	vm6 =	vcmask $0x1714;
	s3 =	sand.u32 $0x1, s3;
	s5 =	sshll.u32 s8, $0x1;
	s8 =	smul.u32 $0x280, s8;
	v0 =	vsel vm5, $0x200, v0  }
0x8: {  	vm7 =	vcmask $0x1B18;
	s31 =	simm.s32 $0x19C00;
	[smem:$0x7FF] =	sst s2;
	s4 =	smul.u32 $0x500, s3;
	v0 =	vsel vm6, $0x280, v0  }
0x9: {  	vm8 =	vcmask $0x1F1C;
	_ =	strace $0x80000047;
	s5 =	sor.u32 s3, s5;
	s3 =	ssub.s32 $0x2, s3;
	v0 =	vsel vm7, $0x300, v0  }
0xa: {  	vm9 =	vcmask $0x2320;
	s24 =	smul.u32 $0x500, s5;
	s25 =	sshrl.u32 s3, $0x1;
	s7 =	sshrl.u32 s7, $0x2;
	v0 =	vsel vm8, $0x380, v0  }
0xb: {  	vm10 =	vcmask $0x2724;
	s28 =	sshrl.u32 s8, $0x3;
	s1 =	sadd.s32 s4, s1;
	s9 =	ssub.s32 s3, s25;
	v0 =	vsel vm9, $0xA000, v0  }
0xc: {  	vm11 =	vcmask $0x2B28;
	s4 =	sadd.s32 s7, s6;
	s6 =	sadd.s32 s8, s6;
	s3 =	sadd.s32 s0, s24;
	v0 =	vsel vm10, $0xA080, v0  }
0xd: {  	vm12 =	vcmask $0x2F2C;
	s5 =	sadd.s32 $0x1400, s4;
	s26 =	sadd.s32 $0x2400, s1;
	s7 =	smax.u32 s9, $0x1;
	v0 =	vsel vm11, $0xA100, v0  }
0xe: {  	vm13 =	vcmask $0x3330;
	s8 =	sadd.s32 $0x80, s6;
	s9 =	sadd.s32 $0x100, s6;
	s10 =	sadd.s32 $0x180, s6;
	v0 =	vsel vm12, $0xA180, v0  }
0xf: {  	vm14 =	vcmask $0x3734;
	s11 =	sadd.s32 $0x200, s6;
	s12 =	sadd.s32 $0x14000, s6;
	s13 =	sadd.s32 $0x14080, s6;
	v0 =	vsel vm13, $0xA200, v0  }
0x10: {  	vm15 =	vcmask $0x3B38;
	s14 =	sadd.s32 $0x14100, s6;
	s15 =	sadd.s32 $0x14180, s6;
	s16 =	sadd.s32 $0x14200, s6;
	v1 =	vsel vm14, $0xA280, v0  }
0x11: {  	v2 =	vimm.f32 $1.000000000e+00;
	s0 =	simm.s32 $0x1A000;
	s1 =	simm.s32 $0x0;
	s24 =	sadd.s32 s28, s26;
	v0 =	vimm.f32 $0.0e+00;
	v1 =	vsel vm15, $0xA300, v1  }
.LBB2_1:
0x12: {  	[tilespmem:s2], [sflag:$0x1] =	stream.linear.gather [hbm4b:s3+s2], $0x2780, $0x38;
	[tilespmem:$0x1CC00] =	vst v63  }
0x13: {  	_ =	swait.ge [sflag:s17], $0x2780  }
0x14: {  	s21 =	sand.u32 $0x70, s2;
	s22 =	sand.u32 $0xFC00, s2;
	[sflag:s17] =	ssyncset.done $0x0  }
0x15: {  	s21 =	sor.u32 s21, s22;
	[sflag:s17] =	ssyncadd.s32 $0xFFFFD880  }
0x16: {  	s23 =	simm.s32 $0x0;
	s22 =	simm.s32 $0x10;
	[tilespmem:s21+$0x2800] =	vst v0  }
.LBB2_2:
0x17: {  	p0 =	sne.s32 s22, $0x13F0  }
.Ltmp0:
0x18: {  	_ = 	snop;
	(pc) =	sbr.rel @p0 .LBB2_2-.Ltmp0, $4  }
0x19: {  	s23 =	sadd.s32 $0x80, s23  }
0x1a: {  	s21 =	sand.u32 $0x70, s22;
	s25 =	sand.u32 $0xFC00, s23  }
0x1b: {  	s21 =	sor.u32 s21, s25  }
0x1c: {  	s22 =	sadd.s32 $0x10, s22;
	[tilespmem:s21+$0x2800] =	vst v0;
	s21 =	simm.s32 $0x0  }
0x1d: {  	s22 =	sand.u32 $0x70, s21;
	s23 =	sand.u32 $0xFC00, s21  }
0x1e: {  	s22 =	sor.u32 s22, s23  }
0x1f: {  	s25 =	simm.s32 $0x0;
	s23 =	simm.s32 $0x10;
	[tilespmem:s22+$0x2880] =	vst v0  }
.LBB2_4:
0x20: {  	p0 =	sne.s32 s23, $0x13F0  }
.Ltmp1:
0x21: {  	_ = 	snop;
	(pc) =	sbr.rel @p0 .LBB2_4-.Ltmp1, $4  }
0x22: {  	s25 =	sadd.s32 $0x80, s25  }
0x23: {  	s26 =	sand.u32 $0x70, s23;
	s28 =	sand.u32 $0xFC00, s25  }
0x24: {  	s26 =	sor.u32 s26, s28  }
0x25: {  	s23 =	sadd.s32 $0x10, s23;
	[tilespmem:s26+$0x2880] =	vst v0  }
0x26: {  	s23 =	simm.s32 $0x10;
	[tilespmem:s22+$0x2900] =	vst v0  }
.LBB2_6:
0x27: {  	p0 =	sne.s32 s23, $0x13F0  }
.Ltmp2:
0x28: {  	_ = 	snop;
	(pc) =	sbr.rel @p0 .LBB2_6-.Ltmp2, $4  }
0x29: {  	s21 =	sadd.s32 $0x80, s21  }
0x2a: {  	s22 =	sand.u32 $0x70, s23;
	s25 =	sand.u32 $0xFC00, s21  }
0x2b: {  	s22 =	sor.u32 s22, s25  }
0x2c: {  	s23 =	sadd.s32 $0x10, s23;
	[tilespmem:s22+$0x2900] =	vst v0;
	s22 =	simm.s32 $0x0  }
0x2d: {  	s21 =	sand.u32 $0x70, s22;
	s23 =	sand.u32 $0xFC00, s22  }
0x2e: {  	s21 =	sor.u32 s21, s23  }
0x2f: {  	s25 =	simm.s32 $0x0;
	s23 =	simm.s32 $0x10;
	[tilespmem:s21+$0x2980] =	vst v0  }
.LBB2_8:
0x30: {  	p0 =	sne.s32 s23, $0x13F0  }
.Ltmp3:
0x31: {  	_ = 	snop;
	(pc) =	sbr.rel @p0 .LBB2_8-.Ltmp3, $4  }
0x32: {  	s25 =	sadd.s32 $0x80, s25  }
0x33: {  	s26 =	sand.u32 $0x70, s23;
	s28 =	sand.u32 $0xFC00, s25  }
0x34: {  	s26 =	sor.u32 s26, s28  }
0x35: {  	s23 =	sadd.s32 $0x10, s23;
	[tilespmem:s26+$0x2980] =	vst v0  }
0x36: {  	s25 =	simm.s32 $0x10;
	[tilespmem:s21+$0x2A00] =	vst v0  }
.LBB2_10:
0x37: {  	p0 =	sne.s32 s25, $0x13F0  }
.Ltmp4:
0x38: {  	_ = 	snop;
	(pc) =	sbr.rel @p0 .LBB2_10-.Ltmp4, $4  }
0x39: {  	s22 =	sadd.s32 $0x80, s22  }
0x3a: {  	s21 =	sand.u32 $0x70, s25;
	s23 =	sand.u32 $0xFC00, s22  }
0x3b: {  	s21 =	sor.u32 s21, s23  }
0x3c: {  	s25 =	sadd.s32 $0x10, s25;
	s23 =	simm.s32 $0x0;
	[tilespmem:s21+$0x2A00] =	vst v0  }
0x3d: {  	s21 =	sand.u32 $0x70, s23;
	s22 =	sand.u32 $0xFC00, s23  }
0x3e: {  	s21 =	sor.u32 s21, s22  }
0x3f: {  	s25 =	simm.s32 $0x0;
	s22 =	simm.s32 $0x10;
	[tilespmem:s21+$0x2A80] =	vst v0  }
.LBB2_12:
0x40: {  	p0 =	sne.s32 s22, $0x13F0  }
.Ltmp5:
0x41: {  	_ = 	snop;
	(pc) =	sbr.rel @p0 .LBB2_12-.Ltmp5, $4  }
0x42: {  	s25 =	sadd.s32 $0x80, s25  }
0x43: {  	s26 =	sand.u32 $0x70, s22;
	s28 =	sand.u32 $0xFC00, s25  }
0x44: {  	s26 =	sor.u32 s26, s28  }
0x45: {  	s22 =	sadd.s32 $0x10, s22;
	[tilespmem:s26+$0x2A80] =	vst v0  }
0x46: {  	s22 =	simm.s32 $0x10;
	[tilespmem:s21+$0x2B00] =	vst v0  }
.LBB2_14:
0x47: {  	p0 =	sne.s32 s22, $0x13F0  }
.Ltmp6:
0x48: {  	_ = 	snop;
	(pc) =	sbr.rel @p0 .LBB2_14-.Ltmp6, $4  }
0x49: {  	s23 =	sadd.s32 $0x80, s23  }
0x4a: {  	s21 =	sand.u32 $0x70, s22;
	s25 =	sand.u32 $0xFC00, s23  }
0x4b: {  	s21 =	sor.u32 s21, s25  }
0x4c: {  	s22 =	sadd.s32 $0x10, s22;
	[tilespmem:s21+$0x2B00] =	vst v0;
	s21 =	simm.s32 $0x0  }
0x4d: {  	s22 =	sand.u32 $0x7, s21  }
0x4e: {  	s22 =	sshll.u32 s22, $0x4  }
0x4f: {  	s22 =	sadd.s32 $0x0, s22  }
0x50: {  	s23 =	sor.u32 $0x380, s22  }
0x51: {  	s25 =	simm.s32 $0x0;
	s22 =	simm.s32 $0x10;
	[tilespmem:s23+$0x2800] =	vst v0;
	s23 =	simm.s32 $0x1  }
.LBB2_16:
0x52: {  	s26 =	sand.u32 $0x7, s23;
	p0 =	sne.s32 s22, $0x13F0;
	s22 =	sadd.s32 $0x10, s22  }
.Ltmp7:
0x53: {  	s25 =	sadd.s32 $0x80, s25;
	s26 =	sshll.u32 s26, $0x4;
	(pc) =	sbr.rel @p0 .LBB2_16-.Ltmp7, $4  }
0x54: {  	s26 =	sadd.s32 s26, s25  }
0x55: {  	s26 =	sor.u32 $0x380, s26  }
0x56: {  	[tilespmem:s26+$0x2800] =	vst v0  }
0x57: {  	s23 =	sadd.s32 $0x1, s23  }
0x58: {  	s22 =	sand.u32 $0x70, s21;
	s23 =	sand.u32 $0xFC00, s21  }
0x59: {  	s22 =	sor.u32 s22, s23  }
0x5a: {  	s23 =	simm.s32 $0x10;
	[tilespmem:s22+$0xC800] =	vst v0  }
.LBB2_18:
0x5b: {  	p0 =	sne.s32 s23, $0x13F0  }
.Ltmp8:
0x5c: {  	_ = 	snop;
	(pc) =	sbr.rel @p0 .LBB2_18-.Ltmp8, $4  }
0x5d: {  	s21 =	sadd.s32 $0x80, s21  }
0x5e: {  	s22 =	sand.u32 $0x70, s23;
	s25 =	sand.u32 $0xFC00, s21  }
0x5f: {  	s22 =	sor.u32 s22, s25  }
0x60: {  	s23 =	sadd.s32 $0x10, s23;
	[tilespmem:s22+$0xC800] =	vst v0;
	s22 =	simm.s32 $0x0  }
0x61: {  	s21 =	sand.u32 $0x70, s22;
	s23 =	sand.u32 $0xFC00, s22  }
0x62: {  	s21 =	sor.u32 s21, s23  }
0x63: {  	s25 =	simm.s32 $0x0;
	s23 =	simm.s32 $0x10;
	[tilespmem:s21+$0xC880] =	vst v0  }
.LBB2_20:
0x64: {  	p0 =	sne.s32 s23, $0x13F0  }
.Ltmp9:
0x65: {  	_ = 	snop;
	(pc) =	sbr.rel @p0 .LBB2_20-.Ltmp9, $4  }
0x66: {  	s25 =	sadd.s32 $0x80, s25  }
0x67: {  	s26 =	sand.u32 $0x70, s23;
	s28 =	sand.u32 $0xFC00, s25  }
0x68: {  	s26 =	sor.u32 s26, s28  }
0x69: {  	s23 =	sadd.s32 $0x10, s23;
	[tilespmem:s26+$0xC880] =	vst v0  }
0x6a: {  	s23 =	simm.s32 $0x10;
	[tilespmem:s21+$0xC900] =	vst v0  }
.LBB2_22:
0x6b: {  	p0 =	sne.s32 s23, $0x13F0  }
.Ltmp10:
0x6c: {  	_ = 	snop;
	(pc) =	sbr.rel @p0 .LBB2_22-.Ltmp10, $4  }
0x6d: {  	s22 =	sadd.s32 $0x80, s22  }
0x6e: {  	s21 =	sand.u32 $0x70, s23;
	s25 =	sand.u32 $0xFC00, s22  }
0x6f: {  	s21 =	sor.u32 s21, s25  }
0x70: {  	s23 =	sadd.s32 $0x10, s23;
	[tilespmem:s21+$0xC900] =	vst v0;
	s21 =	simm.s32 $0x0  }
0x71: {  	s22 =	sand.u32 $0x70, s21;
	s23 =	sand.u32 $0xFC00, s21  }
0x72: {  	s22 =	sor.u32 s22, s23  }
0x73: {  	s25 =	simm.s32 $0x0;
	s23 =	simm.s32 $0x10;
	[tilespmem:s22+$0xC980] =	vst v0  }
.LBB2_24:
0x74: {  	p0 =	sne.s32 s23, $0x13F0  }
.Ltmp11:
0x75: {  	_ = 	snop;
	(pc) =	sbr.rel @p0 .LBB2_24-.Ltmp11, $4  }
0x76: {  	s25 =	sadd.s32 $0x80, s25  }
0x77: {  	s26 =	sand.u32 $0x70, s23;
	s28 =	sand.u32 $0xFC00, s25  }
0x78: {  	s26 =	sor.u32 s26, s28  }
0x79: {  	s23 =	sadd.s32 $0x10, s23;
	[tilespmem:s26+$0xC980] =	vst v0  }
0x7a: {  	s23 =	simm.s32 $0x10;
	[tilespmem:s22+$0xCA00] =	vst v0  }
.LBB2_26:
0x7b: {  	p0 =	sne.s32 s23, $0x13F0  }
.Ltmp12:
0x7c: {  	_ = 	snop;
	(pc) =	sbr.rel @p0 .LBB2_26-.Ltmp12, $4  }
0x7d: {  	s21 =	sadd.s32 $0x80, s21  }
0x7e: {  	s22 =	sand.u32 $0x70, s23;
	s25 =	sand.u32 $0xFC00, s21  }
0x7f: {  	s22 =	sor.u32 s22, s25  }
0x80: {  	s23 =	sadd.s32 $0x10, s23;
	[tilespmem:s22+$0xCA00] =	vst v0;
	s22 =	simm.s32 $0x0  }
0x81: {  	s21 =	sand.u32 $0x70, s22;
	s23 =	sand.u32 $0xFC00, s22  }
0x82: {  	s21 =	sor.u32 s21, s23  }
0x83: {  	s25 =	simm.s32 $0x0;
	s23 =	simm.s32 $0x10;
	[tilespmem:s21+$0xCA80] =	vst v0  }
.LBB2_28:
0x84: {  	p0 =	sne.s32 s23, $0x13F0  }
.Ltmp13:
0x85: {  	_ = 	snop;
	(pc) =	sbr.rel @p0 .LBB2_28-.Ltmp13, $4  }
0x86: {  	s25 =	sadd.s32 $0x80, s25  }
0x87: {  	s26 =	sand.u32 $0x70, s23;
	s28 =	sand.u32 $0xFC00, s25  }
0x88: {  	s26 =	sor.u32 s26, s28  }
0x89: {  	s23 =	sadd.s32 $0x10, s23;
	[tilespmem:s26+$0xCA80] =	vst v0  }
0x8a: {  	s23 =	simm.s32 $0x10;
	[tilespmem:s21+$0xCB00] =	vst v0  }
.LBB2_30:
0x8b: {  	p0 =	sne.s32 s23, $0x13F0  }
.Ltmp14:
0x8c: {  	_ = 	snop;
	(pc) =	sbr.rel @p0 .LBB2_30-.Ltmp14, $4  }
0x8d: {  	s22 =	sadd.s32 $0x80, s22  }
0x8e: {  	s21 =	sand.u32 $0x70, s23;
	s25 =	sand.u32 $0xFC00, s22  }
0x8f: {  	s21 =	sor.u32 s21, s25  }
0x90: {  	s23 =	sadd.s32 $0x10, s23;
	[tilespmem:s21+$0xCB00] =	vst v0;
	s21 =	simm.s32 $0x0  }
0x91: {  	s22 =	sand.u32 $0x70, s21;
	s23 =	sand.u32 $0xFC00, s21  }
0x92: {  	s23 =	sor.u32 s22, s23  }
0x93: {  	s22 =	simm.s32 $0x10;
	[tilespmem:s23+$0xCB80] =	vst v0;
	s23 =	simm.s32 $0x0  }
.LBB2_32:
0x94: {  	p0 =	sne.s32 s22, $0x13F0  }
.Ltmp15:
0x95: {  	_ = 	snop;
	(pc) =	sbr.rel @p0 .LBB2_32-.Ltmp15, $4  }
0x96: {  	s23 =	sadd.s32 $0x80, s23  }
0x97: {  	s25 =	sand.u32 $0x70, s22;
	s26 =	sand.u32 $0xFC00, s23  }
0x98: {  	s25 =	sor.u32 s25, s26  }
0x99: {  	s22 =	sadd.s32 $0x10, s22;
	[tilespmem:s25+$0xCB80] =	vst v0  }
.LBB2_33:
0x9a: {  	s22 =	sshra.s32 s21, $0x2  }
0x9b: {  	v3 =	vld [tilespmem:s22+$0x0];
	_ =	sdelay $0x4  }
0x9c: {  	vm0 =	vgt.s32 v3, $0x0  }
0x9d: {  	v4 =	vnsel vm0, $0x0, v3  }
0x9e: {  	v4 =	vmin.u32 v4, $0x13FF  }
0x9f: {  	v5 =	vshll.u32 v4, $0x3  }
0xa0: {  	v4 =	vand.u32 $0x7F, v4;
	v5 =	vand.u32 $0xFC00, v5  }
0xa1: {  	vm13 =	vlt.u32 v3, $0x1400;
	v3 =	vor.u32 v4, v5  }
0xa2: {  	v3 =	vadd.s32 v1, v3;
	_ =	sdelay $0x4  }
0xa3: {  	[tilespmem:v3+s18+$0x0] =	vst.idx.add.f32.msk vm13, v2  }
0xa4: {  	v3 =	vld [tilespmem:s22+$0x10];
	_ =	sdelay $0x4  }
0xa5: {  	vm14 =	vgt.s32 v3, $0x0  }
0xa6: {  	v50 =	vnsel vm14, $0x0, v3  }
0xa7: {  	v4 =	vmin.u32 v50, $0x13FF  }
0xa8: {  	v51 =	vshll.u32 v4, $0x3  }
0xa9: {  	v4 =	vand.u32 $0x7F, v4;
	v5 =	vand.u32 $0xFC00, v51  }
0xaa: {  	vm15 =	vlt.u32 v3, $0x1400;
	v3 =	vor.u32 v4, v5  }
0xab: {  	v3 =	vadd.s32 v1, v3;
	_ =	sdelay $0x4  }
0xac: {  	[tilespmem:v3+s18+$0x0] =	vst.idx.add.f32.msk vm15, v2  }
0xad: {  	v3 =	vld [tilespmem:s22+$0x20];
	_ =	sdelay $0x4  }
0xae: {  	vm4 =	vgt.s32 v3, $0x0  }
0xaf: {  	v52 =	vnsel vm4, $0x0, v3  }
0xb0: {  	v4 =	vmin.u32 v52, $0x13FF  }
0xb1: {  	v53 =	vshll.u32 v4, $0x3  }
0xb2: {  	v4 =	vand.u32 $0x7F, v4;
	v5 =	vand.u32 $0xFC00, v53  }
0xb3: {  	vm5 =	vlt.u32 v3, $0x1400;
	v3 =	vor.u32 v4, v5  }
0xb4: {  	v3 =	vadd.s32 v1, v3;
	_ =	sdelay $0x4  }
0xb5: {  	[tilespmem:v3+s18+$0x0] =	vst.idx.add.f32.msk vm5, v2  }
0xb6: {  	v3 =	vld [tilespmem:s22+$0x30];
	_ =	sdelay $0x4  }
0xb7: {  	vm6 =	vgt.s32 v3, $0x0  }
0xb8: {  	v54 =	vnsel vm6, $0x0, v3  }
0xb9: {  	v4 =	vmin.u32 v54, $0x13FF  }
0xba: {  	v55 =	vshll.u32 v4, $0x3  }
0xbb: {  	v4 =	vand.u32 $0x7F, v4;
	v5 =	vand.u32 $0xFC00, v55  }
0xbc: {  	vm7 =	vlt.u32 v3, $0x1400;
	v3 =	vor.u32 v4, v5  }
0xbd: {  	v3 =	vadd.s32 v1, v3;
	_ =	sdelay $0x4  }
0xbe: {  	[tilespmem:v3+s18+$0x0] =	vst.idx.add.f32.msk vm7, v2  }
0xbf: {  	v3 =	vld [tilespmem:s22+$0x40];
	_ =	sdelay $0x4  }
0xc0: {  	vm8 =	vgt.s32 v3, $0x0  }
0xc1: {  	v56 =	vnsel vm8, $0x0, v3  }
0xc2: {  	v4 =	vmin.u32 v56, $0x13FF  }
0xc3: {  	v57 =	vshll.u32 v4, $0x3  }
0xc4: {  	v4 =	vand.u32 $0x7F, v4;
	v5 =	vand.u32 $0xFC00, v57  }
0xc5: {  	vm9 =	vlt.u32 v3, $0x1400;
	v3 =	vor.u32 v4, v5  }
0xc6: {  	v3 =	vadd.s32 v1, v3;
	_ =	sdelay $0x4  }
0xc7: {  	[tilespmem:v3+s18+$0x0] =	vst.idx.add.f32.msk vm9, v2  }
0xc8: {  	v3 =	vld [tilespmem:s22+$0x50];
	_ =	sdelay $0x4  }
0xc9: {  	vm10 =	vgt.s32 v3, $0x0  }
0xca: {  	v58 =	vnsel vm10, $0x0, v3  }
0xcb: {  	v4 =	vmin.u32 v58, $0x13FF  }
0xcc: {  	v59 =	vshll.u32 v4, $0x3  }
0xcd: {  	v4 =	vand.u32 $0x7F, v4;
	v5 =	vand.u32 $0xFC00, v59  }
0xce: {  	vm11 =	vlt.u32 v3, $0x1400;
	v3 =	vor.u32 v4, v5  }
0xcf: {  	v3 =	vadd.s32 v1, v3;
	_ =	sdelay $0x4  }
0xd0: {  	[tilespmem:v3+s18+$0x0] =	vst.idx.add.f32.msk vm11, v2  }
0xd1: {  	v3 =	vld [tilespmem:s22+$0x60];
	_ =	sdelay $0x4  }
0xd2: {  	vm12 =	vgt.s32 v3, $0x0  }
0xd3: {  	v60 =	vnsel vm12, $0x0, v3  }
0xd4: {  	v4 =	vmin.u32 v60, $0x13FF  }
0xd5: {  	v61 =	vshll.u32 v4, $0x3  }
0xd6: {  	v4 =	vand.u32 $0x7F, v4;
	v5 =	vand.u32 $0xFC00, v61  }
0xd7: {  	vm13 =	vlt.u32 v3, $0x1400;
	v3 =	vor.u32 v4, v5  }
0xd8: {  	v3 =	vadd.s32 v1, v3;
	_ =	sdelay $0x4  }
0xd9: {  	[tilespmem:v3+s18+$0x0] =	vst.idx.add.f32.msk vm13, v2  }
0xda: {  	v3 =	vld [tilespmem:s22+$0x70];
	_ =	sdelay $0x4  }
0xdb: {  	vm14 =	vgt.s32 v3, $0x0  }
0xdc: {  	v62 =	vnsel vm14, $0x0, v3  }
0xdd: {  	v4 =	vmin.u32 v62, $0x13FF  }
0xde: {  	v63 =	vshll.u32 v4, $0x3  }
0xdf: {  	v4 =	vand.u32 $0x7F, v4;
	v5 =	vand.u32 $0xFC00, v63  }
0xe0: {  	vm15 =	vlt.u32 v3, $0x1400;
	v3 =	vor.u32 v4, v5  }
0xe1: {  	p0 =	sne.s32 s21, $0x9C00;
	v3 =	vadd.s32 v1, v3  }
.Ltmp16:
0xe2: {  	_ = 	snop;
	(pc) =	sbr.rel @p0 .LBB2_33-.Ltmp16, $2  }
0xe3: {  	_ =	sdelay $0x2  }
0xe4: {  	s21 =	sadd.s32 $0x200, s21;
	[tilespmem:v3+s18+$0x0] =	vst.idx.add.f32.msk vm15, v2  }
0xe5: {  	s21 =	simm.s32 $0x0  }
0xe6: {  	s22 =	sand.u32 $0x70, s21;
	s21 =	sand.u32 $0xFC00, s21  }
0xe7: {  	s21 =	sor.u32 s22, s21  }
0xe8: {  	v3 =	vld [tilespmem:s21+$0x2880]  }
0xe9: {  	v4 =	vld [tilespmem:s21+$0x2800];
	_ =	sdelay $0x1  }
0xea: {  	v5 =	vld [tilespmem:s21+$0x2900];
	_ =	sdelay $0x1  }
0xeb: {  	v6 =	vld [tilespmem:s21+$0x2980]  }
0xec: {  	v3 =	vadd.f32 v3, v4  }
0xed: {  	v52 =	vld [tilespmem:s21+$0x2A00]  }
0xee: {  	v3 =	vadd.f32 v5, v3  }
0xef: {  	v53 =	vld [tilespmem:s21+$0x2A80]  }
0xf0: {  	v3 =	vadd.f32 v6, v3  }
0xf1: {  	v54 =	vld [tilespmem:s21+$0x2B00]  }
0xf2: {  	v3 =	vadd.f32 v52, v3  }
0xf3: {  	v55 =	vld [tilespmem:s21+$0x2B80]  }
0xf4: {  	v3 =	vadd.f32 v53, v3  }
0xf5: {  	v56 =	vld [tilespmem:s21+$0xC800]  }
0xf6: {  	v3 =	vadd.f32 v54, v3  }
0xf7: {  	v57 =	vld [tilespmem:s21+$0xC880]  }
0xf8: {  	v3 =	vadd.f32 v55, v3  }
0xf9: {  	v58 =	vld [tilespmem:s21+$0xC900]  }
0xfa: {  	v3 =	vadd.f32 v56, v3  }
0xfb: {  	v59 =	vld [tilespmem:s21+$0xC980]  }
0xfc: {  	v3 =	vadd.f32 v57, v3  }
0xfd: {  	v60 =	vld [tilespmem:s21+$0xCA00]  }
0xfe: {  	v3 =	vadd.f32 v58, v3  }
0xff: {  	v61 =	vld [tilespmem:s21+$0xCA80]  }
0x100: {  	v3 =	vadd.f32 v59, v3  }
0x101: {  	v62 =	vld [tilespmem:s21+$0xCB00]  }
0x102: {  	v3 =	vadd.f32 v60, v3  }
0x103: {  	v63 =	vld [tilespmem:s21+$0xCB80]  }
0x104: {  	v3 =	vadd.f32 v61, v3;
	_ =	sdelay $0x1  }
0x105: {  	v3 =	vadd.f32 v62, v3;
	_ =	sdelay $0x1  }
0x106: {  	s28 =	simm.s32 $0x10;
	s23 =	simm.s32 $0x80;
	v3 =	vadd.f32 v63, v3  }
0x107: {  	s25 =	sand.u32 $0xFC00, s23;
	s22 =	sand.u32 $0x70, s28;
	s21 =	simm.s32 $0x16800  }
0x108: {  	s22 =	sor.u32 s22, s25;
	s25 =	simm.s32 $0x20;
	[tilespmem:s21+$0x0] =	vst v3  }
.LBB2_35:
0x109: {  	p0 =	sne.s32 s25, $0x13F0;
	v3 =	vld [tilespmem:s22+$0x2880]  }
0x10a: {  	v4 =	vld [tilespmem:s22+$0x2800];
	_ =	sdelay $0x1  }
0x10b: {  	v5 =	vld [tilespmem:s22+$0x2900];
	_ =	sdelay $0x1  }
0x10c: {  	v6 =	vld [tilespmem:s22+$0x2980]  }
0x10d: {  	v3 =	vadd.f32 v3, v4  }
0x10e: {  	v4 =	vld [tilespmem:s22+$0x2A00]  }
0x10f: {  	v3 =	vadd.f32 v5, v3  }
0x110: {  	v5 =	vld [tilespmem:s22+$0x2A80]  }
0x111: {  	v3 =	vadd.f32 v6, v3  }
0x112: {  	v6 =	vld [tilespmem:s22+$0x2B00]  }
0x113: {  	v3 =	vadd.f32 v4, v3  }
0x114: {  	v4 =	vld [tilespmem:s22+$0x2B80]  }
0x115: {  	v3 =	vadd.f32 v5, v3  }
0x116: {  	v5 =	vld [tilespmem:s22+$0xC800]  }
0x117: {  	v3 =	vadd.f32 v6, v3  }
0x118: {  	v6 =	vld [tilespmem:s22+$0xC880]  }
0x119: {  	v3 =	vadd.f32 v4, v3  }
0x11a: {  	v4 =	vld [tilespmem:s22+$0xC900]  }
0x11b: {  	v3 =	vadd.f32 v5, v3  }
0x11c: {  	v5 =	vld [tilespmem:s22+$0xC980]  }
0x11d: {  	v3 =	vadd.f32 v6, v3  }
0x11e: {  	v6 =	vld [tilespmem:s22+$0xCA00]  }
0x11f: {  	v3 =	vadd.f32 v4, v3  }
0x120: {  	v4 =	vld [tilespmem:s22+$0xCA80]  }
0x121: {  	v3 =	vadd.f32 v5, v3  }
0x122: {  	v5 =	vld [tilespmem:s22+$0xCB00]  }
0x123: {  	v3 =	vadd.f32 v6, v3  }
0x124: {  	v6 =	vld [tilespmem:s22+$0xCB80]  }
0x125: {  	v3 =	vadd.f32 v4, v3;
	_ =	sdelay $0x1  }
.Ltmp17:
0x126: {  	v3 =	vadd.f32 v5, v3;
	(pc) =	sbr.rel @p0 .LBB2_35-.Ltmp17, $4  }
0x127: {  	_ = 	snop  }
0x128: {  	s23 =	sadd.s32 $0x80, s23;
	v3 =	vadd.f32 v6, v3  }
0x129: {  	s21 =	sadd.s32 $0x10, s21;
	s26 =	sand.u32 $0xFC00, s23;
	s22 =	sand.u32 $0x70, s25  }
0x12a: {  	s25 =	sadd.s32 $0x10, s25;
	s22 =	sor.u32 s22, s26;
	[tilespmem:s21+$0x0] =	vst v3  }
0x12b: {  	v3 =	vld [tilespmem:s22+$0x2880]  }
0x12c: {  	v4 =	vld [tilespmem:s22+$0x2800];
	_ =	sdelay $0x1  }
0x12d: {  	v5 =	vld [tilespmem:s22+$0x2900];
	_ =	sdelay $0x1  }
0x12e: {  	v6 =	vld [tilespmem:s22+$0x2980]  }
0x12f: {  	v3 =	vadd.f32 v3, v4  }
0x130: {  	v52 =	vld [tilespmem:s22+$0x2A00]  }
0x131: {  	v3 =	vadd.f32 v5, v3  }
0x132: {  	v53 =	vld [tilespmem:s22+$0x2A80]  }
0x133: {  	v3 =	vadd.f32 v6, v3  }
0x134: {  	v54 =	vld [tilespmem:s22+$0x2B00]  }
0x135: {  	v3 =	vadd.f32 v52, v3  }
0x136: {  	v55 =	vld [tilespmem:s22+$0x2B80]  }
0x137: {  	v3 =	vadd.f32 v53, v3  }
0x138: {  	v56 =	vld [tilespmem:s22+$0xC800]  }
0x139: {  	v3 =	vadd.f32 v54, v3  }
0x13a: {  	v57 =	vld [tilespmem:s22+$0xC880]  }
0x13b: {  	v3 =	vadd.f32 v55, v3  }
0x13c: {  	v58 =	vld [tilespmem:s22+$0xC900]  }
0x13d: {  	v3 =	vadd.f32 v56, v3  }
0x13e: {  	v59 =	vld [tilespmem:s22+$0xC980]  }
0x13f: {  	v3 =	vadd.f32 v57, v3  }
0x140: {  	v60 =	vld [tilespmem:s22+$0xCA00]  }
0x141: {  	v3 =	vadd.f32 v58, v3  }
0x142: {  	v61 =	vld [tilespmem:s22+$0xCA80]  }
0x143: {  	v3 =	vadd.f32 v59, v3  }
0x144: {  	v62 =	vld [tilespmem:s22+$0xCB00]  }
0x145: {  	v3 =	vadd.f32 v60, v3  }
0x146: {  	v63 =	vld [tilespmem:s22+$0xCB80]  }
0x147: {  	v3 =	vadd.f32 v61, v3;
	_ =	sdelay $0x1  }
0x148: {  	v3 =	vadd.f32 v62, v3;
	_ =	sdelay $0x1  }
0x149: {  	v3 =	vadd.f32 v63, v3  }
0x14a: {  	s21 =	sadd.s32 $0x10, s21  }
0x14b: {  	[tilespmem:s21+$0x0] =	vst v3  }
0x14c: {  	[spmem:s4] =	stream.linear.scatter [tilespmem:s19], [sflag:$0x1], $0x1400, $0x38;
	[tilespmem:$0x1CC00] =	vst v63  }
0x14d: {  	s22 =	simm.s32 $0x0;
	_ =	swait.ge [sflag:s17], $0x1400  }
0x14e: {  	s28 =	sand.u32 $0x70, s22;
	s23 =	sand.u32 $0xFC00, s22;
	[sflag:s17] =	ssyncset.done $0x0  }
0x14f: {  	s21 =	sor.u32 s28, s23;
	[sflag:s17] =	ssyncadd.s32 $0xFFFFEC00  }
0x150: {  	s25 =	simm.s32 $0x0;
	s23 =	simm.s32 $0x10;
	[tilespmem:s21+$0x2800] =	vst v0  }
.LBB2_37:
0x151: {  	p0 =	sne.s32 s23, $0x13F0  }
.Ltmp18:
0x152: {  	_ = 	snop;
	(pc) =	sbr.rel @p0 .LBB2_37-.Ltmp18, $4  }
0x153: {  	s25 =	sadd.s32 $0x80, s25  }
0x154: {  	s26 =	sand.u32 $0x70, s23;
	s28 =	sand.u32 $0xFC00, s25  }
0x155: {  	s26 =	sor.u32 s26, s28  }
0x156: {  	s23 =	sadd.s32 $0x10, s23;
	[tilespmem:s26+$0x2800] =	vst v0  }
0x157: {  	s23 =	simm.s32 $0x10;
	[tilespmem:s21+$0x2880] =	vst v0  }
.LBB2_39:
0x158: {  	p0 =	sne.s32 s23, $0x13F0  }
.Ltmp19:
0x159: {  	_ = 	snop;
	(pc) =	sbr.rel @p0 .LBB2_39-.Ltmp19, $4  }
0x15a: {  	s22 =	sadd.s32 $0x80, s22  }
0x15b: {  	s21 =	sand.u32 $0x70, s23;
	s25 =	sand.u32 $0xFC00, s22  }
0x15c: {  	s21 =	sor.u32 s21, s25  }
0x15d: {  	s23 =	sadd.s32 $0x10, s23;
	[tilespmem:s21+$0x2880] =	vst v0;
	s21 =	simm.s32 $0x0  }
0x15e: {  	s22 =	sand.u32 $0x70, s21;
	s23 =	sand.u32 $0xFC00, s21  }
0x15f: {  	s22 =	sor.u32 s22, s23  }
0x160: {  	s25 =	simm.s32 $0x0;
	s23 =	simm.s32 $0x10;
	[tilespmem:s22+$0x2900] =	vst v0  }
.LBB2_41:
0x161: {  	p0 =	sne.s32 s23, $0x13F0  }
.Ltmp20:
0x162: {  	_ = 	snop;
	(pc) =	sbr.rel @p0 .LBB2_41-.Ltmp20, $4  }
0x163: {  	s25 =	sadd.s32 $0x80, s25  }
0x164: {  	s26 =	sand.u32 $0x70, s23;
	s28 =	sand.u32 $0xFC00, s25  }
0x165: {  	s26 =	sor.u32 s26, s28  }
0x166: {  	s23 =	sadd.s32 $0x10, s23;
	[tilespmem:s26+$0x2900] =	vst v0  }
0x167: {  	s23 =	simm.s32 $0x10;
	[tilespmem:s22+$0x2980] =	vst v0  }
.LBB2_43:
0x168: {  	p0 =	sne.s32 s23, $0x13F0  }
.Ltmp21:
0x169: {  	_ = 	snop;
	(pc) =	sbr.rel @p0 .LBB2_43-.Ltmp21, $4  }
0x16a: {  	s21 =	sadd.s32 $0x80, s21  }
0x16b: {  	s22 =	sand.u32 $0x70, s23;
	s25 =	sand.u32 $0xFC00, s21  }
0x16c: {  	s22 =	sor.u32 s22, s25  }
0x16d: {  	s23 =	sadd.s32 $0x10, s23;
	[tilespmem:s22+$0x2980] =	vst v0;
	s22 =	simm.s32 $0x0  }
0x16e: {  	s21 =	sand.u32 $0x70, s22;
	s23 =	sand.u32 $0xFC00, s22  }
0x16f: {  	s21 =	sor.u32 s21, s23  }
0x170: {  	s25 =	simm.s32 $0x0;
	s23 =	simm.s32 $0x10;
	[tilespmem:s21+$0x2A00] =	vst v0  }
.LBB2_45:
0x171: {  	p0 =	sne.s32 s23, $0x13F0  }
.Ltmp22:
0x172: {  	_ = 	snop;
	(pc) =	sbr.rel @p0 .LBB2_45-.Ltmp22, $4  }
0x173: {  	s25 =	sadd.s32 $0x80, s25  }
0x174: {  	s26 =	sand.u32 $0x70, s23;
	s28 =	sand.u32 $0xFC00, s25  }
0x175: {  	s26 =	sor.u32 s26, s28  }
0x176: {  	s23 =	sadd.s32 $0x10, s23;
	[tilespmem:s26+$0x2A00] =	vst v0  }
0x177: {  	s23 =	simm.s32 $0x10;
	[tilespmem:s21+$0x2A80] =	vst v0  }
.LBB2_47:
0x178: {  	p0 =	sne.s32 s23, $0x13F0  }
.Ltmp23:
0x179: {  	_ = 	snop;
	(pc) =	sbr.rel @p0 .LBB2_47-.Ltmp23, $4  }
0x17a: {  	s22 =	sadd.s32 $0x80, s22  }
0x17b: {  	s21 =	sand.u32 $0x70, s23;
	s25 =	sand.u32 $0xFC00, s22  }
0x17c: {  	s21 =	sor.u32 s21, s25  }
0x17d: {  	s23 =	sadd.s32 $0x10, s23;
	[tilespmem:s21+$0x2A80] =	vst v0;
	s21 =	simm.s32 $0x0  }
0x17e: {  	s22 =	sand.u32 $0x70, s21;
	s23 =	sand.u32 $0xFC00, s21  }
0x17f: {  	s23 =	sor.u32 s22, s23  }
0x180: {  	s22 =	simm.s32 $0x10;
	[tilespmem:s23+$0x2B00] =	vst v0;
	s23 =	simm.s32 $0x0  }
.LBB2_49:
0x181: {  	p0 =	sne.s32 s22, $0x13F0  }
.Ltmp24:
0x182: {  	_ = 	snop;
	(pc) =	sbr.rel @p0 .LBB2_49-.Ltmp24, $4  }
0x183: {  	s23 =	sadd.s32 $0x80, s23  }
0x184: {  	s25 =	sand.u32 $0x70, s22;
	s26 =	sand.u32 $0xFC00, s23  }
0x185: {  	s25 =	sor.u32 s25, s26  }
0x186: {  	s22 =	sadd.s32 $0x10, s22;
	[tilespmem:s25+$0x2B00] =	vst v0  }
0x187: {  	s22 =	sand.u32 $0x7, s21  }
0x188: {  	s22 =	sshll.u32 s22, $0x4  }
0x189: {  	s22 =	sadd.s32 $0x0, s22  }
0x18a: {  	s22 =	sor.u32 $0x380, s22  }
0x18b: {  	s23 =	simm.s32 $0x10;
	s25 =	simm.s32 $0x1;
	[tilespmem:s22+$0x2800] =	vst v0  }
.LBB2_51:
0x18c: {  	s22 =	sand.u32 $0x7, s25;
	p0 =	sne.s32 s23, $0x13F0;
	s23 =	sadd.s32 $0x10, s23  }
.Ltmp25:
0x18d: {  	s21 =	sadd.s32 $0x80, s21;
	s22 =	sshll.u32 s22, $0x4;
	(pc) =	sbr.rel @p0 .LBB2_51-.Ltmp25, $4  }
0x18e: {  	s22 =	sadd.s32 s22, s21  }
0x18f: {  	s22 =	sor.u32 $0x380, s22  }
0x190: {  	[tilespmem:s22+$0x2800] =	vst v0;
	s22 =	simm.s32 $0x0  }
0x191: {  	s25 =	sadd.s32 $0x1, s25  }
0x192: {  	s21 =	sand.u32 $0x70, s22;
	s23 =	sand.u32 $0xFC00, s22  }
0x193: {  	s21 =	sor.u32 s21, s23  }
0x194: {  	s25 =	simm.s32 $0x0;
	s23 =	simm.s32 $0x10;
	[tilespmem:s21+$0xC800] =	vst v0  }
.LBB2_53:
0x195: {  	p0 =	sne.s32 s23, $0x13F0  }
.Ltmp26:
0x196: {  	_ = 	snop;
	(pc) =	sbr.rel @p0 .LBB2_53-.Ltmp26, $4  }
0x197: {  	s25 =	sadd.s32 $0x80, s25  }
0x198: {  	s26 =	sand.u32 $0x70, s23;
	s28 =	sand.u32 $0xFC00, s25  }
0x199: {  	s26 =	sor.u32 s26, s28  }
0x19a: {  	s23 =	sadd.s32 $0x10, s23;
	[tilespmem:s26+$0xC800] =	vst v0  }
0x19b: {  	s23 =	simm.s32 $0x10;
	[tilespmem:s21+$0xC880] =	vst v0  }
.LBB2_55:
0x19c: {  	p0 =	sne.s32 s23, $0x13F0  }
.Ltmp27:
0x19d: {  	_ = 	snop;
	(pc) =	sbr.rel @p0 .LBB2_55-.Ltmp27, $4  }
0x19e: {  	s22 =	sadd.s32 $0x80, s22  }
0x19f: {  	s21 =	sand.u32 $0x70, s23;
	s25 =	sand.u32 $0xFC00, s22  }
0x1a0: {  	s21 =	sor.u32 s21, s25  }
0x1a1: {  	s23 =	sadd.s32 $0x10, s23;
	[tilespmem:s21+$0xC880] =	vst v0;
	s21 =	simm.s32 $0x0  }
0x1a2: {  	s22 =	sand.u32 $0x70, s21;
	s23 =	sand.u32 $0xFC00, s21  }
0x1a3: {  	s22 =	sor.u32 s22, s23  }
0x1a4: {  	s25 =	simm.s32 $0x0;
	s23 =	simm.s32 $0x10;
	[tilespmem:s22+$0xC900] =	vst v0  }
.LBB2_57:
0x1a5: {  	p0 =	sne.s32 s23, $0x13F0  }
.Ltmp28:
0x1a6: {  	_ = 	snop;
	(pc) =	sbr.rel @p0 .LBB2_57-.Ltmp28, $4  }
0x1a7: {  	s25 =	sadd.s32 $0x80, s25  }
0x1a8: {  	s26 =	sand.u32 $0x70, s23;
	s28 =	sand.u32 $0xFC00, s25  }
0x1a9: {  	s26 =	sor.u32 s26, s28  }
0x1aa: {  	s23 =	sadd.s32 $0x10, s23;
	[tilespmem:s26+$0xC900] =	vst v0  }
0x1ab: {  	s23 =	simm.s32 $0x10;
	[tilespmem:s22+$0xC980] =	vst v0  }
.LBB2_59:
0x1ac: {  	p0 =	sne.s32 s23, $0x13F0  }
.Ltmp29:
0x1ad: {  	_ = 	snop;
	(pc) =	sbr.rel @p0 .LBB2_59-.Ltmp29, $4  }
0x1ae: {  	s21 =	sadd.s32 $0x80, s21  }
0x1af: {  	s22 =	sand.u32 $0x70, s23;
	s25 =	sand.u32 $0xFC00, s21  }
0x1b0: {  	s22 =	sor.u32 s22, s25  }
0x1b1: {  	s23 =	sadd.s32 $0x10, s23;
	[tilespmem:s22+$0xC980] =	vst v0;
	s22 =	simm.s32 $0x0  }
0x1b2: {  	s21 =	sand.u32 $0x70, s22;
	s23 =	sand.u32 $0xFC00, s22  }
0x1b3: {  	s21 =	sor.u32 s21, s23  }
0x1b4: {  	s25 =	simm.s32 $0x0;
	s23 =	simm.s32 $0x10;
	[tilespmem:s21+$0xCA00] =	vst v0  }
.LBB2_61:
0x1b5: {  	p0 =	sne.s32 s23, $0x13F0  }
.Ltmp30:
0x1b6: {  	_ = 	snop;
	(pc) =	sbr.rel @p0 .LBB2_61-.Ltmp30, $4  }
0x1b7: {  	s25 =	sadd.s32 $0x80, s25  }
0x1b8: {  	s26 =	sand.u32 $0x70, s23;
	s28 =	sand.u32 $0xFC00, s25  }
0x1b9: {  	s26 =	sor.u32 s26, s28  }
0x1ba: {  	s23 =	sadd.s32 $0x10, s23;
	[tilespmem:s26+$0xCA00] =	vst v0  }
0x1bb: {  	s25 =	simm.s32 $0x10;
	[tilespmem:s21+$0xCA80] =	vst v0  }
.LBB2_63:
0x1bc: {  	p0 =	sne.s32 s25, $0x13F0  }
.Ltmp31:
0x1bd: {  	_ = 	snop;
	(pc) =	sbr.rel @p0 .LBB2_63-.Ltmp31, $4  }
0x1be: {  	s22 =	sadd.s32 $0x80, s22  }
0x1bf: {  	s21 =	sand.u32 $0x70, s25;
	s23 =	sand.u32 $0xFC00, s22  }
0x1c0: {  	s21 =	sor.u32 s21, s23  }
0x1c1: {  	s25 =	sadd.s32 $0x10, s25;
	s23 =	simm.s32 $0x0;
	[tilespmem:s21+$0xCA80] =	vst v0  }
0x1c2: {  	s21 =	sand.u32 $0x70, s23;
	s22 =	sand.u32 $0xFC00, s23  }
0x1c3: {  	s21 =	sor.u32 s21, s22  }
0x1c4: {  	s25 =	simm.s32 $0x0;
	s22 =	simm.s32 $0x10;
	[tilespmem:s21+$0xCB00] =	vst v0  }
.LBB2_65:
0x1c5: {  	p0 =	sne.s32 s22, $0x13F0  }
.Ltmp32:
0x1c6: {  	_ = 	snop;
	(pc) =	sbr.rel @p0 .LBB2_65-.Ltmp32, $4  }
0x1c7: {  	s25 =	sadd.s32 $0x80, s25  }
0x1c8: {  	s26 =	sand.u32 $0x70, s22;
	s28 =	sand.u32 $0xFC00, s25  }
0x1c9: {  	s26 =	sor.u32 s26, s28  }
0x1ca: {  	s22 =	sadd.s32 $0x10, s22;
	[tilespmem:s26+$0xCB00] =	vst v0  }
0x1cb: {  	s22 =	simm.s32 $0x10;
	[tilespmem:s21+$0xCB80] =	vst v0  }
.LBB2_67:
0x1cc: {  	p0 =	sne.s32 s22, $0x13F0  }
.Ltmp33:
0x1cd: {  	_ = 	snop;
	(pc) =	sbr.rel @p0 .LBB2_67-.Ltmp33, $4  }
0x1ce: {  	s23 =	sadd.s32 $0x80, s23  }
0x1cf: {  	s21 =	sand.u32 $0x70, s22;
	s25 =	sand.u32 $0xFC00, s23  }
0x1d0: {  	s21 =	sor.u32 s21, s25  }
0x1d1: {  	s22 =	sadd.s32 $0x10, s22;
	[tilespmem:s21+$0xCB80] =	vst v0;
	s21 =	simm.s32 $0x0  }
0x1d2: {  	s22 =	simm.s32 $0x0  }
.LBB2_69:
0x1d3: {  	s23 =	sshra.s32 s22, $0x2  }
0x1d4: {  	v3 =	vld [tilespmem:s23+$0x0];
	_ =	sdelay $0x4  }
0x1d5: {  	v3 =	vadd.s32 $0xFFFFEC00, v3  }
0x1d6: {  	vm0 =	vgt.s32 v3, $0x0  }
0x1d7: {  	v4 =	vnsel vm0, $0x0, v3  }
0x1d8: {  	v4 =	vmin.u32 v4, $0x13FF  }
0x1d9: {  	v5 =	vshll.u32 v4, $0x3  }
0x1da: {  	v4 =	vand.u32 $0x7F, v4;
	v5 =	vand.u32 $0xFC00, v5  }
0x1db: {  	vm13 =	vlt.u32 v3, $0x1400;
	v3 =	vor.u32 v4, v5  }
0x1dc: {  	v3 =	vadd.s32 v1, v3;
	_ =	sdelay $0x4  }
0x1dd: {  	[tilespmem:v3+s18+$0x0] =	vst.idx.add.f32.msk vm13, v2  }
0x1de: {  	v3 =	vld [tilespmem:s23+$0x10];
	_ =	sdelay $0x4  }
0x1df: {  	v3 =	vadd.s32 $0xFFFFEC00, v3  }
0x1e0: {  	vm14 =	vgt.s32 v3, $0x0  }
0x1e1: {  	v50 =	vnsel vm14, $0x0, v3  }
0x1e2: {  	v4 =	vmin.u32 v50, $0x13FF  }
0x1e3: {  	v51 =	vshll.u32 v4, $0x3  }
0x1e4: {  	v4 =	vand.u32 $0x7F, v4;
	v5 =	vand.u32 $0xFC00, v51  }
0x1e5: {  	vm15 =	vlt.u32 v3, $0x1400;
	v3 =	vor.u32 v4, v5  }
0x1e6: {  	v3 =	vadd.s32 v1, v3;
	_ =	sdelay $0x4  }
0x1e7: {  	[tilespmem:v3+s18+$0x0] =	vst.idx.add.f32.msk vm15, v2  }
0x1e8: {  	v3 =	vld [tilespmem:s23+$0x20];
	_ =	sdelay $0x4  }
0x1e9: {  	v3 =	vadd.s32 $0xFFFFEC00, v3  }
0x1ea: {  	vm4 =	vgt.s32 v3, $0x0  }
0x1eb: {  	v52 =	vnsel vm4, $0x0, v3  }
0x1ec: {  	v4 =	vmin.u32 v52, $0x13FF  }
0x1ed: {  	v53 =	vshll.u32 v4, $0x3  }
0x1ee: {  	v4 =	vand.u32 $0x7F, v4;
	v5 =	vand.u32 $0xFC00, v53  }
0x1ef: {  	vm5 =	vlt.u32 v3, $0x1400;
	v3 =	vor.u32 v4, v5  }
0x1f0: {  	v3 =	vadd.s32 v1, v3;
	_ =	sdelay $0x4  }
0x1f1: {  	[tilespmem:v3+s18+$0x0] =	vst.idx.add.f32.msk vm5, v2  }
0x1f2: {  	v3 =	vld [tilespmem:s23+$0x30];
	_ =	sdelay $0x4  }
0x1f3: {  	v3 =	vadd.s32 $0xFFFFEC00, v3  }
0x1f4: {  	vm6 =	vgt.s32 v3, $0x0  }
0x1f5: {  	v54 =	vnsel vm6, $0x0, v3  }
0x1f6: {  	v4 =	vmin.u32 v54, $0x13FF  }
0x1f7: {  	v55 =	vshll.u32 v4, $0x3  }
0x1f8: {  	v4 =	vand.u32 $0x7F, v4;
	v5 =	vand.u32 $0xFC00, v55  }
0x1f9: {  	vm7 =	vlt.u32 v3, $0x1400;
	v3 =	vor.u32 v4, v5  }
0x1fa: {  	v3 =	vadd.s32 v1, v3;
	_ =	sdelay $0x4  }
0x1fb: {  	[tilespmem:v3+s18+$0x0] =	vst.idx.add.f32.msk vm7, v2  }
0x1fc: {  	v3 =	vld [tilespmem:s23+$0x40];
	_ =	sdelay $0x4  }
0x1fd: {  	v3 =	vadd.s32 $0xFFFFEC00, v3  }
0x1fe: {  	vm8 =	vgt.s32 v3, $0x0  }
0x1ff: {  	v56 =	vnsel vm8, $0x0, v3  }
0x200: {  	v4 =	vmin.u32 v56, $0x13FF  }
0x201: {  	v57 =	vshll.u32 v4, $0x3  }
0x202: {  	v4 =	vand.u32 $0x7F, v4;
	v5 =	vand.u32 $0xFC00, v57  }
0x203: {  	vm9 =	vlt.u32 v3, $0x1400;
	v3 =	vor.u32 v4, v5  }
0x204: {  	v3 =	vadd.s32 v1, v3;
	_ =	sdelay $0x4  }
0x205: {  	[tilespmem:v3+s18+$0x0] =	vst.idx.add.f32.msk vm9, v2  }
0x206: {  	v3 =	vld [tilespmem:s23+$0x50];
	_ =	sdelay $0x4  }
0x207: {  	v3 =	vadd.s32 $0xFFFFEC00, v3  }
0x208: {  	vm10 =	vgt.s32 v3, $0x0  }
0x209: {  	v58 =	vnsel vm10, $0x0, v3  }
0x20a: {  	v4 =	vmin.u32 v58, $0x13FF  }
0x20b: {  	v59 =	vshll.u32 v4, $0x3  }
0x20c: {  	v4 =	vand.u32 $0x7F, v4;
	v5 =	vand.u32 $0xFC00, v59  }
0x20d: {  	vm11 =	vlt.u32 v3, $0x1400;
	v3 =	vor.u32 v4, v5  }
0x20e: {  	v3 =	vadd.s32 v1, v3;
	_ =	sdelay $0x4  }
0x20f: {  	[tilespmem:v3+s18+$0x0] =	vst.idx.add.f32.msk vm11, v2  }
0x210: {  	v3 =	vld [tilespmem:s23+$0x60];
	_ =	sdelay $0x4  }
0x211: {  	v3 =	vadd.s32 $0xFFFFEC00, v3  }
0x212: {  	vm12 =	vgt.s32 v3, $0x0  }
0x213: {  	v60 =	vnsel vm12, $0x0, v3  }
0x214: {  	v4 =	vmin.u32 v60, $0x13FF  }
0x215: {  	v61 =	vshll.u32 v4, $0x3  }
0x216: {  	v4 =	vand.u32 $0x7F, v4;
	v5 =	vand.u32 $0xFC00, v61  }
0x217: {  	vm13 =	vlt.u32 v3, $0x1400;
	v3 =	vor.u32 v4, v5  }
0x218: {  	v3 =	vadd.s32 v1, v3;
	_ =	sdelay $0x4  }
0x219: {  	[tilespmem:v3+s18+$0x0] =	vst.idx.add.f32.msk vm13, v2  }
0x21a: {  	v3 =	vld [tilespmem:s23+$0x70];
	_ =	sdelay $0x4  }
0x21b: {  	v3 =	vadd.s32 $0xFFFFEC00, v3  }
0x21c: {  	vm14 =	vgt.s32 v3, $0x0  }
0x21d: {  	v62 =	vnsel vm14, $0x0, v3  }
0x21e: {  	v4 =	vmin.u32 v62, $0x13FF  }
0x21f: {  	v63 =	vshll.u32 v4, $0x3  }
0x220: {  	v4 =	vand.u32 $0x7F, v4;
	v5 =	vand.u32 $0xFC00, v63  }
0x221: {  	vm15 =	vlt.u32 v3, $0x1400;
	v3 =	vor.u32 v4, v5  }
0x222: {  	p0 =	sne.s32 s22, $0x9C00;
	v3 =	vadd.s32 v1, v3  }
.Ltmp34:
0x223: {  	_ = 	snop;
	(pc) =	sbr.rel @p0 .LBB2_69-.Ltmp34, $2  }
0x224: {  	_ =	sdelay $0x2  }
0x225: {  	s22 =	sadd.s32 $0x200, s22;
	[tilespmem:v3+s18+$0x0] =	vst.idx.add.f32.msk vm15, v2  }
0x226: {  	s22 =	sand.u32 $0x70, s21;
	s26 =	sand.u32 $0xFC00, s21  }
0x227: {  	s21 =	sor.u32 s22, s26  }
0x228: {  	v3 =	vld [tilespmem:s21+$0x2880]  }
0x229: {  	v4 =	vld [tilespmem:s21+$0x2800];
	_ =	sdelay $0x1  }
0x22a: {  	v5 =	vld [tilespmem:s21+$0x2900];
	_ =	sdelay $0x1  }
0x22b: {  	v6 =	vld [tilespmem:s21+$0x2980]  }
0x22c: {  	v3 =	vadd.f32 v3, v4  }
0x22d: {  	v52 =	vld [tilespmem:s21+$0x2A00]  }
0x22e: {  	v3 =	vadd.f32 v5, v3  }
0x22f: {  	v53 =	vld [tilespmem:s21+$0x2A80]  }
0x230: {  	v3 =	vadd.f32 v6, v3  }
0x231: {  	v54 =	vld [tilespmem:s21+$0x2B00]  }
0x232: {  	v3 =	vadd.f32 v52, v3  }
0x233: {  	v55 =	vld [tilespmem:s21+$0x2B80]  }
0x234: {  	v3 =	vadd.f32 v53, v3  }
0x235: {  	v56 =	vld [tilespmem:s21+$0xC800]  }
0x236: {  	v3 =	vadd.f32 v54, v3  }
0x237: {  	v57 =	vld [tilespmem:s21+$0xC880]  }
0x238: {  	v3 =	vadd.f32 v55, v3  }
0x239: {  	v58 =	vld [tilespmem:s21+$0xC900]  }
0x23a: {  	v3 =	vadd.f32 v56, v3  }
0x23b: {  	v59 =	vld [tilespmem:s21+$0xC980]  }
0x23c: {  	v3 =	vadd.f32 v57, v3  }
0x23d: {  	v60 =	vld [tilespmem:s21+$0xCA00]  }
0x23e: {  	v3 =	vadd.f32 v58, v3  }
0x23f: {  	v61 =	vld [tilespmem:s21+$0xCA80]  }
0x240: {  	v3 =	vadd.f32 v59, v3  }
0x241: {  	v62 =	vld [tilespmem:s21+$0xCB00]  }
0x242: {  	v3 =	vadd.f32 v60, v3  }
0x243: {  	v63 =	vld [tilespmem:s21+$0xCB80]  }
0x244: {  	v3 =	vadd.f32 v61, v3;
	_ =	sdelay $0x1  }
0x245: {  	v3 =	vadd.f32 v62, v3;
	_ =	sdelay $0x1  }
0x246: {  	s28 =	simm.s32 $0x10;
	s23 =	simm.s32 $0x80;
	v3 =	vadd.f32 v63, v3  }
0x247: {  	s22 =	sand.u32 $0x70, s28;
	s25 =	sand.u32 $0xFC00, s23;
	s21 =	simm.s32 $0x16800  }
0x248: {  	s22 =	sor.u32 s22, s25;
	s25 =	simm.s32 $0x20;
	[tilespmem:s21+$0x0] =	vst v3  }
.LBB2_71:
0x249: {  	p0 =	sne.s32 s25, $0x13F0;
	v3 =	vld [tilespmem:s22+$0x2880]  }
0x24a: {  	v4 =	vld [tilespmem:s22+$0x2800];
	_ =	sdelay $0x1  }
0x24b: {  	v5 =	vld [tilespmem:s22+$0x2900];
	_ =	sdelay $0x1  }
0x24c: {  	v6 =	vld [tilespmem:s22+$0x2980]  }
0x24d: {  	v3 =	vadd.f32 v3, v4  }
0x24e: {  	v4 =	vld [tilespmem:s22+$0x2A00]  }
0x24f: {  	v3 =	vadd.f32 v5, v3  }
0x250: {  	v5 =	vld [tilespmem:s22+$0x2A80]  }
0x251: {  	v3 =	vadd.f32 v6, v3  }
0x252: {  	v6 =	vld [tilespmem:s22+$0x2B00]  }
0x253: {  	v3 =	vadd.f32 v4, v3  }
0x254: {  	v4 =	vld [tilespmem:s22+$0x2B80]  }
0x255: {  	v3 =	vadd.f32 v5, v3  }
0x256: {  	v5 =	vld [tilespmem:s22+$0xC800]  }
0x257: {  	v3 =	vadd.f32 v6, v3  }
0x258: {  	v6 =	vld [tilespmem:s22+$0xC880]  }
0x259: {  	v3 =	vadd.f32 v4, v3  }
0x25a: {  	v4 =	vld [tilespmem:s22+$0xC900]  }
0x25b: {  	v3 =	vadd.f32 v5, v3  }
0x25c: {  	v5 =	vld [tilespmem:s22+$0xC980]  }
0x25d: {  	v3 =	vadd.f32 v6, v3  }
0x25e: {  	v6 =	vld [tilespmem:s22+$0xCA00]  }
0x25f: {  	v3 =	vadd.f32 v4, v3  }
0x260: {  	v4 =	vld [tilespmem:s22+$0xCA80]  }
0x261: {  	v3 =	vadd.f32 v5, v3  }
0x262: {  	v5 =	vld [tilespmem:s22+$0xCB00]  }
0x263: {  	v3 =	vadd.f32 v6, v3  }
0x264: {  	v6 =	vld [tilespmem:s22+$0xCB80]  }
0x265: {  	v3 =	vadd.f32 v4, v3;
	_ =	sdelay $0x1  }
.Ltmp35:
0x266: {  	v3 =	vadd.f32 v5, v3;
	(pc) =	sbr.rel @p0 .LBB2_71-.Ltmp35, $4  }
0x267: {  	_ = 	snop  }
0x268: {  	s23 =	sadd.s32 $0x80, s23;
	v3 =	vadd.f32 v6, v3  }
0x269: {  	s21 =	sadd.s32 $0x10, s21;
	s26 =	sand.u32 $0xFC00, s23;
	s22 =	sand.u32 $0x70, s25  }
0x26a: {  	s25 =	sadd.s32 $0x10, s25;
	s22 =	sor.u32 s22, s26;
	[tilespmem:s21+$0x0] =	vst v3  }
0x26b: {  	v3 =	vld [tilespmem:s22+$0x2880]  }
0x26c: {  	v4 =	vld [tilespmem:s22+$0x2800];
	_ =	sdelay $0x1  }
0x26d: {  	v5 =	vld [tilespmem:s22+$0x2900];
	_ =	sdelay $0x1  }
0x26e: {  	v6 =	vld [tilespmem:s22+$0x2980]  }
0x26f: {  	v3 =	vadd.f32 v3, v4  }
0x270: {  	v4 =	vld [tilespmem:s22+$0x2A00]  }
0x271: {  	v3 =	vadd.f32 v5, v3  }
0x272: {  	v5 =	vld [tilespmem:s22+$0x2A80]  }
0x273: {  	v3 =	vadd.f32 v6, v3  }
0x274: {  	v55 =	vld [tilespmem:s22+$0x2B00]  }
0x275: {  	v3 =	vadd.f32 v4, v3  }
0x276: {  	v4 =	vld [tilespmem:s22+$0x2B80]  }
0x277: {  	v3 =	vadd.f32 v5, v3  }
0x278: {  	v5 =	vld [tilespmem:s22+$0xC800]  }
0x279: {  	v3 =	vadd.f32 v55, v3  }
0x27a: {  	v56 =	vld [tilespmem:s22+$0xC880]  }
0x27b: {  	v3 =	vadd.f32 v4, v3  }
0x27c: {  	v4 =	vld [tilespmem:s22+$0xC900]  }
0x27d: {  	v3 =	vadd.f32 v5, v3  }
0x27e: {  	v5 =	vld [tilespmem:s22+$0xC980]  }
0x27f: {  	v3 =	vadd.f32 v56, v3  }
0x280: {  	v57 =	vld [tilespmem:s22+$0xCA00]  }
0x281: {  	v3 =	vadd.f32 v4, v3  }
0x282: {  	v4 =	vld [tilespmem:s22+$0xCA80]  }
0x283: {  	v3 =	vadd.f32 v5, v3  }
0x284: {  	v5 =	vld [tilespmem:s22+$0xCB00]  }
0x285: {  	v3 =	vadd.f32 v57, v3  }
0x286: {  	v58 =	vld [tilespmem:s22+$0xCB80]  }
0x287: {  	v3 =	vadd.f32 v4, v3;
	_ =	sdelay $0x1  }
0x288: {  	v3 =	vadd.f32 v5, v3;
	_ =	sdelay $0x1  }
0x289: {  	v3 =	vadd.f32 v58, v3  }
0x28a: {  	s21 =	sadd.s32 $0x10, s21  }
0x28b: {  	[tilespmem:s21+$0x0] =	vst v3;
	s21 =	simm.s32 $0x16800  }
0x28c: {  	[spmem:s5] =	stream.linear.scatter [tilespmem:s21], [sflag:$0x1], $0x1400, $0x38;
	[tilespmem:$0x1CC00] =	vst v63  }
0x28d: {  	_ =	swait.ge [sflag:s17], $0x1400  }
0x28e: {  	[sflag:s17] =	ssyncset.done $0x0  }
0x28f: {  	[sflag:s17] =	ssyncadd.s32 $0xFFFFEC00  }
0x290: {  	s23 =	simm.s32 $0x17C00;
	[bflag:$0x0] =	sbarrier.arrive $0xFFFF  }
0x291: {  	[tilespmem:s23], [sflag:$0x1] =	stream.strided.gather [spmem:s6], $0x400, s18, s20, $0x38;
	[tilespmem:$0x1CC00] =	vst v63  }
0x292: {  	s25 =	simm.s32 $0x18000  }
0x293: {  	[tilespmem:s25], [sflag:$0x1] =	stream.strided.gather [spmem:s8], $0x400, s18, s20, $0x38;
	[tilespmem:$0x1CC00] =	vst v63  }
0x294: {  	s26 =	simm.s32 $0x18400  }
0x295: {  	[tilespmem:s26], [sflag:$0x1] =	stream.strided.gather [spmem:s9], $0x400, s18, s20, $0x38;
	[tilespmem:$0x1CC00] =	vst v63  }
0x296: {  	s28 =	simm.s32 $0x18800  }
0x297: {  	[tilespmem:s28], [sflag:$0x1] =	stream.strided.gather [spmem:s10], $0x400, s18, s20, $0x38;
	[tilespmem:$0x1CC00] =	vst v63  }
0x298: {  	s23 =	simm.s32 $0x18C00  }
0x299: {  	[tilespmem:s23], [sflag:$0x1] =	stream.strided.gather [spmem:s11], $0x400, s18, s20, $0x38;
	[tilespmem:$0x1CC00] =	vst v63  }
0x29a: {  	s25 =	simm.s32 $0x19000  }
0x29b: {  	[tilespmem:s25], [sflag:$0x1] =	stream.strided.gather [spmem:s12], $0x400, s18, s20, $0x38;
	[tilespmem:$0x1CC00] =	vst v63  }
0x29c: {  	_ = 	snop  }
0x29d: {  	[tilespmem:s29], [sflag:$0x1] =	stream.strided.gather [spmem:s13], $0x400, s18, s20, $0x38;
	[tilespmem:$0x1CC00] =	vst v63  }
0x29e: {  	_ = 	snop  }
0x29f: {  	[tilespmem:s30], [sflag:$0x1] =	stream.strided.gather [spmem:s14], $0x400, s18, s20, $0x38;
	[tilespmem:$0x1CC00] =	vst v63  }
0x2a0: {  	_ = 	snop  }
0x2a1: {  	[tilespmem:s31], [sflag:$0x1] =	stream.strided.gather [spmem:s15], $0x400, s18, s20, $0x38;
	[tilespmem:$0x1CC00] =	vst v63  }
0x2a2: {  	s26 =	simm.s32 $0x0  }
0x2a3: {  	[tilespmem:s0], [sflag:$0x1] =	stream.strided.gather [spmem:s16], $0x400, s18, s20, $0x38;
	[tilespmem:$0x1CC00] =	vst v63  }
0x2a4: {  	s22 =	sand.u32 $0x1C00, s26;
	s23 =	sand.u32 $0x70, s26;
	_ =	swait.ge [sflag:s17], $0x2800  }
0x2a5: {  	s22 =	sor.u32 s23, s22;
	[sflag:s17] =	ssyncset.done $0x0  }
0x2a6: {  	s23 =	sadd.s32 $0x17C00, s22;
	[sflag:s17] =	ssyncadd.s32 $0xFFFFD800  }
0x2a7: {  	v3 =	vld [tilespmem:s23+$0x80]  }
0x2a8: {  	v4 =	vld [tilespmem:s22+$0x17C00];
	_ =	sdelay $0x1  }
0x2a9: {  	v5 =	vld [tilespmem:s23+$0x100];
	_ =	sdelay $0x1  }
0x2aa: {  	v59 =	vld [tilespmem:s23+$0x180]  }
0x2ab: {  	v3 =	vadd.f32 v3, v4  }
0x2ac: {  	v4 =	vld [tilespmem:s23+$0x200]  }
0x2ad: {  	v3 =	vadd.f32 v5, v3  }
0x2ae: {  	v5 =	vld [tilespmem:s23+$0x280]  }
0x2af: {  	v3 =	vadd.f32 v59, v3  }
0x2b0: {  	v60 =	vld [tilespmem:s23+$0x300]  }
0x2b1: {  	v3 =	vadd.f32 v4, v3  }
0x2b2: {  	v4 =	vld [tilespmem:s23+$0x380]  }
0x2b3: {  	v3 =	vadd.f32 v5, v3  }
0x2b4: {  	v5 =	vld [tilespmem:s22+$0x19000]  }
0x2b5: {  	v3 =	vadd.f32 v60, v3  }
0x2b6: {  	v61 =	vld [tilespmem:s22+$0x19080]  }
0x2b7: {  	v3 =	vadd.f32 v4, v3  }
0x2b8: {  	v4 =	vld [tilespmem:s22+$0x19100]  }
0x2b9: {  	v3 =	vadd.f32 v5, v3  }
0x2ba: {  	v5 =	vld [tilespmem:s22+$0x19180]  }
0x2bb: {  	v3 =	vadd.f32 v61, v3  }
0x2bc: {  	v62 =	vld [tilespmem:s22+$0x19200]  }
0x2bd: {  	v3 =	vadd.f32 v4, v3  }
0x2be: {  	v4 =	vld [tilespmem:s22+$0x19280]  }
0x2bf: {  	v3 =	vadd.f32 v5, v3  }
0x2c0: {  	v5 =	vld [tilespmem:s22+$0x19300]  }
0x2c1: {  	v3 =	vadd.f32 v62, v3  }
0x2c2: {  	v63 =	vld [tilespmem:s22+$0x19380]  }
0x2c3: {  	v3 =	vadd.f32 v4, v3;
	_ =	sdelay $0x1  }
0x2c4: {  	v3 =	vadd.f32 v5, v3  }
0x2c5: {  	s28 =	simm.s32 $0x10;
	s23 =	simm.s32 $0x80  }
0x2c6: {  	s25 =	sand.u32 $0x1C00, s23;
	s22 =	sand.u32 $0x70, s28;
	v3 =	vadd.f32 v63, v3  }
0x2c7: {  	s22 =	sor.u32 s22, s25;
	s25 =	simm.s32 $0x20  }
.LBB2_73:
0x2c8: {  	p0 =	sne.s32 s25, $0x270;
	s26 =	sadd.s32 $0x17C00, s22;
	[tilespmem:s21+$0x0] =	vst v3  }
0x2c9: {  	v3 =	vld [tilespmem:s26+$0x80]  }
0x2ca: {  	v4 =	vld [tilespmem:s22+$0x17C00];
	_ =	sdelay $0x1  }
0x2cb: {  	v5 =	vld [tilespmem:s26+$0x100];
	_ =	sdelay $0x1  }
0x2cc: {  	v6 =	vld [tilespmem:s26+$0x180]  }
0x2cd: {  	v3 =	vadd.f32 v3, v4  }
0x2ce: {  	v4 =	vld [tilespmem:s26+$0x200]  }
0x2cf: {  	v3 =	vadd.f32 v5, v3  }
0x2d0: {  	v5 =	vld [tilespmem:s26+$0x280]  }
0x2d1: {  	v3 =	vadd.f32 v6, v3  }
0x2d2: {  	v6 =	vld [tilespmem:s26+$0x300]  }
0x2d3: {  	v3 =	vadd.f32 v4, v3  }
0x2d4: {  	v4 =	vld [tilespmem:s26+$0x380]  }
0x2d5: {  	v3 =	vadd.f32 v5, v3  }
0x2d6: {  	v5 =	vld [tilespmem:s22+$0x19000]  }
0x2d7: {  	v3 =	vadd.f32 v6, v3  }
0x2d8: {  	v6 =	vld [tilespmem:s22+$0x19080]  }
0x2d9: {  	v3 =	vadd.f32 v4, v3  }
0x2da: {  	v4 =	vld [tilespmem:s22+$0x19100]  }
0x2db: {  	v3 =	vadd.f32 v5, v3  }
0x2dc: {  	v5 =	vld [tilespmem:s22+$0x19180]  }
0x2dd: {  	v3 =	vadd.f32 v6, v3  }
0x2de: {  	v6 =	vld [tilespmem:s22+$0x19200]  }
0x2df: {  	v3 =	vadd.f32 v4, v3  }
0x2e0: {  	v4 =	vld [tilespmem:s22+$0x19280]  }
0x2e1: {  	v3 =	vadd.f32 v5, v3  }
0x2e2: {  	v5 =	vld [tilespmem:s22+$0x19300]  }
0x2e3: {  	v3 =	vadd.f32 v6, v3  }
0x2e4: {  	v6 =	vld [tilespmem:s22+$0x19380]  }
0x2e5: {  	v3 =	vadd.f32 v4, v3  }
.Ltmp36:
0x2e6: {  	(pc) =	sbr.rel @p0 .LBB2_73-.Ltmp36, $4  }
0x2e7: {  	v3 =	vadd.f32 v5, v3  }
0x2e8: {  	s23 =	sadd.s32 $0x80, s23  }
0x2e9: {  	s26 =	sand.u32 $0x1C00, s23;
	s22 =	sand.u32 $0x70, s25;
	v3 =	vadd.f32 v6, v3  }
0x2ea: {  	s21 =	sadd.s32 $0x10, s21;
	s25 =	sadd.s32 $0x10, s25;
	s22 =	sor.u32 s22, s26  }
0x2eb: {  	s23 =	sadd.s32 $0x17C00, s22;
	[tilespmem:s21+$0x0] =	vst v3  }
0x2ec: {  	v3 =	vld [tilespmem:s23+$0x80]  }
0x2ed: {  	v4 =	vld [tilespmem:s22+$0x17C00];
	_ =	sdelay $0x1  }
0x2ee: {  	v5 =	vld [tilespmem:s23+$0x100];
	_ =	sdelay $0x1  }
0x2ef: {  	v6 =	vld [tilespmem:s23+$0x180]  }
0x2f0: {  	v3 =	vadd.f32 v3, v4  }
0x2f1: {  	v52 =	vld [tilespmem:s23+$0x200]  }
0x2f2: {  	v3 =	vadd.f32 v5, v3  }
0x2f3: {  	v53 =	vld [tilespmem:s23+$0x280]  }
0x2f4: {  	v3 =	vadd.f32 v6, v3  }
0x2f5: {  	v54 =	vld [tilespmem:s23+$0x300]  }
0x2f6: {  	v3 =	vadd.f32 v52, v3  }
0x2f7: {  	v55 =	vld [tilespmem:s23+$0x380]  }
0x2f8: {  	v3 =	vadd.f32 v53, v3  }
0x2f9: {  	v56 =	vld [tilespmem:s22+$0x19000]  }
0x2fa: {  	v3 =	vadd.f32 v54, v3  }
0x2fb: {  	v57 =	vld [tilespmem:s22+$0x19080]  }
0x2fc: {  	v3 =	vadd.f32 v55, v3  }
0x2fd: {  	v58 =	vld [tilespmem:s22+$0x19100]  }
0x2fe: {  	v3 =	vadd.f32 v56, v3  }
0x2ff: {  	v59 =	vld [tilespmem:s22+$0x19180]  }
0x300: {  	v3 =	vadd.f32 v57, v3  }
0x301: {  	v60 =	vld [tilespmem:s22+$0x19200]  }
0x302: {  	v3 =	vadd.f32 v58, v3  }
0x303: {  	v61 =	vld [tilespmem:s22+$0x19280]  }
0x304: {  	v3 =	vadd.f32 v59, v3  }
0x305: {  	v62 =	vld [tilespmem:s22+$0x19300]  }
0x306: {  	v3 =	vadd.f32 v60, v3  }
0x307: {  	v63 =	vld [tilespmem:s22+$0x19380]  }
0x308: {  	v3 =	vadd.f32 v61, v3;
	_ =	sdelay $0x1  }
0x309: {  	v3 =	vadd.f32 v62, v3;
	_ =	sdelay $0x1  }
0x30a: {  	s1 =	sadd.s32 $0x1, s1;
	v3 =	vadd.f32 v63, v3  }
0x30b: {  	s28 =	sadd.s32 $0x10, s21;
	p0 =	sne.s32 s1, s7  }
.Ltmp37:
0x30c: {  	[tilespmem:s28+$0x0] =	vst v3;
	(pc) =	sbr.rel @p0 .LBB2_1-.Ltmp37, $4  }
0x30d: {  	[hbm4b:s24+s2] =	stream.linear.scatter [tilespmem:s19], [sflag:$0x1], $0x280, $0x38;
	[tilespmem:$0x1CC00] =	vst v63  }
0x30e: {  	_ =	swait.ge [sflag:s17], $0x280  }
0x30f: {  	[sflag:s17] =	ssyncset.done $0x0  }
0x310: {  	[sflag:s17] =	ssyncadd.s32 $0xFFFFFD80  }
0x311: {  	_ =	sfence.sel $0x180000  }
0x312: {  	[bflag:$0x0] =	sbarrier.arrive $0xFFFF  }
0x313: {  	_ =	strace $0x90000047  }
0x314: {  	s0 =	stileid.u32;
	[bflag:$0x2] =	sbarrier.arrive $0xFFFF  }
0x315: {  	p0 =	sne.s32 s0, $0x0;
	s0 =	rddreg [dreg:$0x3]  }
0x316: {  	s0 =	sadd.s32 @!p0 $0x100000, s0  }
0x317: {  	[sflag:s0] =	ssyncadd.tile.s32 @!p0 $0x1;
	_ =	shalt  }
.Lfunc_end2:
_tile_overlayer_lowered:
.L_overlay_start_2:
0x318: {  	(tag) =	ssettag $0x2  }
0x319: {  	s0 =	rddreg [dreg:$0x0];
	s2 =	stileid.u32  }
0x31a: {  	s1 =	rddreg [dreg:$0x1];
	p0 =	sne.s32 s2, $0x0  }
0x31b: {  	s3 =	rddreg [dreg:$0x2];
	[bflag:$0x3] =	sbarrier.arrive $0xFFFF;
	s2 =	simm.s32 @!p0 $0x1C01  }
0x31c: {  	[timem:s3], [sflag:s2] =	dma.local @!p0 [hbm:s0], s1  }
0x31d: {  	s0 =	simm.s32 @!p0 $0x1  }
0x31e: {  	_ =	swait.ge @!p0 [sflag:s0], s1  }
0x31f: {  	s1 =	ssub.s32 @!p0 $0x0, s1;
	[sflag:s0] =	ssyncset.done @!p0 $0x0  }
0x320: {  	[sflag:s0] =	ssyncadd.s32 @!p0 s1  }
0x321: {  	[bflag:$0x3] =	sbarrier.arrive $0xFFFF  }
0x322: {  	_ =	shalt  }

// kernel: kernel.13.cloned.1.call-start
scs
__scs_entry_jumppad:
0x0: {  	(pc) =	sbr.rel $0x88, $3  }
0x1: {  	(tag) =	ssettag $0x0;
	lr =	simm.s32 $0x1  }
0x2: {  	[smem:$0x3F93] =	sst lr;
	_ =	strace $0xD0000000  }
0x3: {  	_ = 	snop  }
0x4: {  	_ = 	snop  }
0x5: {  	_ = 	snop  }
0x6: {  	_ = 	snop  }
0x7: {  	_ = 	snop  }
__scs_overlays_trampoline_lowered:
0x8: {  	[smem:$0x3FA2] =	sst s0  }
0x9: {  	[smem:$0x3FA3] =	sst s1  }
0xa: {  	[smem:$0x3FA4] =	sst s2  }
0xb: {  	[smem:$0x3FA5] =	sst s3  }
0xc: {  	[smem:$0x3FA6] =	sst s4  }
0xd: {  	[smem:$0x3FA7] =	sst s5  }
0xe: {  	[smem:$0x3FA8] =	sst s6  }
0xf: {  	[smem:$0x3FA9] =	sst s7  }
0x10: {  	[smem:$0x3FAA] =	sst s8  }
0x11: {  	[smem:$0x3FAB] =	sst s9;
	s0 =	simm.s32 @!p0 $0x0  }
0x12: {  	s1 =	sld [smem:$0x3F91];
	s0 =	simm.s32 @p0 $0x1  }
0x13: {  	[smem:$0x3FAC] =	sst s0;
	s0 =	simm.s32 @!p1 $0x0  }
0x14: {  	s2 =	sld [smem:$0x3F90];
	s0 =	simm.s32 @p1 $0x1  }
0x15: {  	[smem:$0x3FAD] =	sst s0;
	s0 =	simm.s32 @!p2 $0x0  }
0x16: {  	s3 =	sld [smem:$0x3FDB];
	s0 =	simm.s32 @p2 $0x1  }
0x17: {  	s4 =	simm.s32 $0x1BF5;
	[smem:$0x3FAF] =	sst s0  }
0x18: {  	s0 =	sld [smem:$0x3F92];
	_ =	swait.ge [sflag:s4], $0x0  }
0x19: {  	s7 =	sld [smem:$0x3F93]  }
0x1a: {  	s8 =	sadd.s32 $0xFFFFE003, lr  }
0x1b: {  	s9 =	sadd.s32 $0xFFFFFEF7, lr;
	s5 =	simm.s32 $0xFFFFFFFF;
	p2 =	slt.u32 s8, $0xFFFFF086  }
0x1c: {  	p1 =	slt.u32 s9, $0xF7A;
	s5 =	simm.s32 @!p2 $0x0  }
0x1d: {  	s5 =	simm.s32 @p1 $0x1;
	p0 =	seq.s32 s7, s2  }
0x1e: {  	s7 =	smul.u32 @!p0 $0xF7A, s2;
	p2 =	seq.s32 @!p0 s5, $0x0  }
0x1f: {  	s9 =	smul.u32 $0xF7A, s1;
	s8 =	simm.s32 @!p0 $0x1BF5;
	p2 =	por !p2, p0  }
0x20: {  	[sflag:s8] =	ssyncset.s32 @!p0 $0xFFFFF086;
	s6 =	sadd.s32 @!p0 s3, s7;
	s7 =	simm.s32 @!p0 $0x108  }
0x21: {  	s3 =	sadd.s32 s3, s9;
	s6 =	sadd.s32 @!p0 $0x88, s6;
	s7 =	simm.s32 @p2 $0x1082  }
0x22: {  	[simem:s7], [sflag:s8] =	dma.local @!p0 [hbm:s6], $0xF7A  }
0x23: {  	s9 =	sor.u32 $0xD0000000, s2;
	s6 =	simm.s32 $0x108;
	_ =	swait.ge @!p0 [sflag:s8], $0x0  }
0x24: {  	s3 =	sadd.s32 $0x88, s3;
	s6 =	simm.s32 @!p1 $0x1082;
	[sflag:s4] =	ssyncset.s32 $0xFFFFF086  }
0x25: {  	[simem:s6], [sflag:s4] =	dma.local [hbm:s3], $0xF7A  }
0x26: {  	[smem:$0x3F93] =	sst s1;
	(tag) =	ssettag s2;
	_ =	strace s9  }
0x27: {  	s1 =	sld [smem:$0x3FA3]  }
0x28: {  	s2 =	sld [smem:$0x3FA4]  }
0x29: {  	s4 =	sld [smem:$0x3FA6]  }
0x2a: {  	p0 =	seq.s32 s5, $0x0;
	s5 =	sld [smem:$0x3FA7]  }
0x2b: {  	s6 =	sld [smem:$0x3FA8]  }
0x2c: {  	s7 =	sld [smem:$0x3FA9]  }
0x2d: {  	s3 =	simm.s32 $0x108;
	s8 =	sld [smem:$0x3FAA]  }
0x2e: {  	s3 =	simm.s32 @!p0 $0x1082;
	s9 =	sld [smem:$0x3FAB]  }
0x2f: {  	lr =	sadd.s32 s0, s3;
	s0 =	sld [smem:$0x3FA2]  }
0x30: {  	s3 =	sld [smem:$0x3FA5]  }
0x31: {  	[smem:$0x3FAE] =	sst s10  }
0x32: {  	s10 =	sld [smem:$0x3FAC];
	_ =	sdelay $0x3  }
0x33: {  	p0 =	seq.s32 s10, $0x1;
	s10 =	sld [smem:$0x3FAE];
	_ =	sdelay $0x3  }
0x34: {  	[smem:$0x3FAE] =	sst s10  }
0x35: {  	s10 =	sld [smem:$0x3FAD];
	_ =	sdelay $0x3  }
0x36: {  	p1 =	seq.s32 s10, $0x1;
	s10 =	sld [smem:$0x3FAE];
	_ =	sdelay $0x3  }
0x37: {  	[smem:$0x3FAE] =	sst s10  }
0x38: {  	s10 =	sld [smem:$0x3FAF]  }
0x39: {  	_ = 	snop;
	(pc) =	sbr.ind lr, $3  }
0x3a: {  	_ = 	snop  }
0x3b: {  	_ = 	snop  }
0x3c: {  	p2 =	seq.s32 s10, $0x1;
	s10 =	sld [smem:$0x3FAE]  }
0x3d: {  	_ =	shalt  }
0x3e: {  	_ =	shalt  }
0x3f: {  	_ =	shalt  }
0x40: {  	_ =	shalt  }
0x41: {  	_ =	shalt  }
0x42: {  	_ =	shalt  }
0x43: {  	_ =	shalt  }
0x44: {  	_ =	shalt  }
0x45: {  	_ =	shalt  }
0x46: {  	_ =	shalt  }
0x47: {  	_ =	shalt  }
0x48: {  	_ =	shalt  }
0x49: {  	_ =	shalt  }
0x4a: {  	_ =	shalt  }
0x4b: {  	_ =	shalt  }
0x4c: {  	_ =	shalt  }
0x4d: {  	_ =	shalt  }
0x4e: {  	_ =	shalt  }
0x4f: {  	_ =	shalt  }
0x50: {  	_ =	shalt  }
0x51: {  	_ =	shalt  }
0x52: {  	_ =	shalt  }
0x53: {  	_ =	shalt  }
0x54: {  	_ =	shalt  }
0x55: {  	_ =	shalt  }
0x56: {  	_ =	shalt  }
0x57: {  	_ =	shalt  }
0x58: {  	_ =	shalt  }
0x59: {  	_ =	shalt  }
0x5a: {  	_ =	shalt  }
0x5b: {  	_ =	shalt  }
0x5c: {  	_ =	shalt  }
0x5d: {  	_ =	shalt  }
0x5e: {  	_ =	shalt  }
0x5f: {  	_ =	shalt  }
0x60: {  	_ =	shalt  }
0x61: {  	_ =	shalt  }
0x62: {  	_ =	shalt  }
0x63: {  	_ =	shalt  }
0x64: {  	_ =	shalt  }
0x65: {  	_ =	shalt  }
0x66: {  	_ =	shalt  }
0x67: {  	_ =	shalt  }
0x68: {  	_ =	shalt  }
0x69: {  	_ =	shalt  }
0x6a: {  	_ =	shalt  }
0x6b: {  	_ =	shalt  }
0x6c: {  	_ =	shalt  }
0x6d: {  	_ =	shalt  }
0x6e: {  	_ =	shalt  }
0x6f: {  	_ =	shalt  }
0x70: {  	_ =	shalt  }
0x71: {  	_ =	shalt  }
0x72: {  	_ =	shalt  }
0x73: {  	_ =	shalt  }
0x74: {  	_ =	shalt  }
0x75: {  	_ =	shalt  }
0x76: {  	_ =	shalt  }
0x77: {  	_ =	shalt  }
0x78: {  	_ =	shalt  }
0x79: {  	_ =	shalt  }
0x7a: {  	_ =	shalt  }
0x7b: {  	_ =	shalt  }
0x7c: {  	_ =	shalt  }
0x7d: {  	_ =	shalt  }
0x7e: {  	_ =	shalt  }
0x7f: {  	_ =	shalt  }
0x80: {  	_ =	shalt  }
0x81: {  	_ =	shalt  }
0x82: {  	_ =	shalt  }
0x83: {  	_ =	shalt  }
0x84: {  	_ =	shalt  }
0x85: {  	_ =	shalt  }
0x86: {  	_ =	shalt  }
0x87: {  	_ =	shalt  }
.Lfunc_end0:
.L_simem_size_0:
called_computation.2_lowered:
.L_overlay_start_0:
0x88: {  	s2 =	sld [smem:$0x3FD9]  }
0x89: {  	s3 =	sld [smem:$0x3FFE];
	_ =	sdelay $0x1  }
0x8a: {  	s1 =	srdreg.scid  }
0x8b: {  	s0 =	sand.u32 $0x1, s1  }
0x8c: {  	s16 =	sshll.u32 s0, $0xA;
	s2 =	sadd.s32 s3, s2  }
0x8d: {  	s2 =	sadd.s32 s2, s16  }
0x8e: {  	[smem:$0x3FBA] =	sst s2  }
0x8f: {  	_ = 	snop  }
0x90: {  	(tm) =	ssettm $0x1  }
0x91: {  	s17 =	sld [smem:$0x3FFB];
	_ =	sdelay $0x3  }
0x92: {  	_ =	strace s17  }
0x93: {  	s2 =	sld [smem:$0x3FFC];
	_ =	sdelay $0x3  }
0x94: {  	_ =	strace s2  }
0x95: {  	s2 =	sld [smem:$0x3FFD];
	_ =	sdelay $0x3  }
0x96: {  	_ =	strace s2  }
0x97: {  	_ =	strace $0x8FFFFFFF  }
0x98: {  	s18 =	sld [smem:$0x3FDB];
	_ =	sdelay $0x1  }
0x99: {  	s19 =	simm.s32 $_scs_section_size  }
0x9a: {  	s4 =	simm.s32 $_size__tile_overlayer_lowered;
	s5 =	simm.s32 $_tile_overlayer_lowered  }
0x9b: {  	s22 =	simm.s32 $0x1BFF;
	s21 =	sshll.u32 s5, $0x1;
	s2 =	sadd.s32 s19, s18  }
0x9c: {  	s6 =	simm.s32 $0x0;
	s20 =	sshll.u32 s4, $0x1;
	s4 =	sadd.s32 s21, s2  }
0x9d: {  	[timem:s6], [sflag:s22] =	dma.local [hbm:s4], s20  }
0x9e: {  	_ =	swait.ge [sflag:s22], s20  }
0x9f: {  	s3 =	ssub.s32 $0x0, s20;
	[sflag:s22] =	ssyncset.done $0x0  }
0xa0: {  	[sflag:s22] =	ssyncadd.s32 s3;
	_ =	sdelay $0x1  }
0xa1: {  	s23 =	simm.s32 $0x1B8B  }
0xa2: {  	_ =	swait.ge [sflag:s23], $0x1  }
0xa3: {  	[sflag:s23] =	ssyncset.done $0x0  }
0xa4: {  	s25 =	simm.s32 $0x1B8E;
	s24 =	sld [smem:$0x3FFE];
	[sflag:s23] =	ssyncadd.s32 $0xFFFFFFFF  }
0xa5: {  	s26 =	simm.s32 $execute0_lowered;
	[smem:$0x3FD2] =	sst s25  }
0xa6: {  	s4 =	sshll.u32 s26, $0x1;
	_ =	strace $0x8000004C;
	[dreg:$0x1] =	wrdreg $0xFFFFFFFF  }
0xa7: {  	s28 =	simm.s32 $_size_execute0_lowered;
	s2 =	sadd.s32 s2, s4;
	[dreg:$0x0] =	wrdreg $0x0  }
0xa8: {  	s4 =	sshll.u32 s28, $0x1;
	[dreg:$0x2] =	wrdreg s2  }
0xa9: {  	[dreg:$0x3] =	wrdreg s4  }
0xaa: {  	[dreg:$0x4] =	wrdreg $0xC0  }
0xab: {  	_ =	task [dreg:s6], $0x5FFFF  }
0xac: {  	[dreg:$0x1] =	wrdreg $0xFFFFFFFF  }
0xad: {  	[dreg:$0x0] =	wrdreg $0x60  }
0xae: {  	[dreg:$0x2] =	wrdreg s24  }
0xaf: {  	[dreg:$0x3] =	wrdreg $0xB9000  }
0xb0: {  	[dreg:$0x4] =	wrdreg $0x9  }
0xb1: {  	_ =	task.clear_ibuf [dreg:s6], $0x5FFFF;
	_ =	strace $0x9000004C  }
0xb2: {  	s29 =	simm.s32 $0x9;
	_ =	strace $0x8000004E  }
0xb3: {  	_ =	swait.ge [sflag:s29], $0x1  }
0xb4: {  	[sflag:s29] =	ssyncadd.s32 $0xFFFFFFFF  }
0xb5: {  	_ =	strace $0x9000004E  }
0xb6: {  	_ =	sfence  }
0xb7: {  	s30 =	sld [smem:$0x0];
	_ =	sdelay $0x2  }
0xb8: {  	s31 =	sshll.u32 s1, $0xD;
	s1 =	sshrl.u32 s1, $0x2  }
0xb9: {  	s3 =	sand.u32 $0x4000, s31;
	s1 =	sadd.s32 s1, s30  }
0xba: {  	s0 =	sor.u32 s3, s0;
	s1 =	sshll.u32 s1, $0x11  }
0xbb: {  	s0 =	sor.u32 s1, s0  }
0xbc: {  	s0 =	sadd.s32 $0x8F2B, s0  }
0xbd: {  	[sflag:s0] =	ssyncadd.remote.s32 $0x1  }
0xbe: {  	_ =	sfence.sel $0xFFFF  }
0xbf: {  	[dreg:$0x0] =	wrdreg $0xFFFFFFFF;
	(pc) =	sbr.abs _section_cstart, $3  }
0xc0: {  	[dreg:$0x1] =	wrdreg $0xFFFFFFFF  }
0xc1: {  	_ =	task.clear_ibuf [dreg:s6], $0x2FFFF;
	_ =	strace $0x9FFFFFFF  }
0xc2: {  	(tm) =	ssettm $0x7FFFFFFF  }
0xc3: {  	_ =	shalt  }
tec
execute0_lowered:
.L_overlay_start_1:
0x0: {  	(tag) =	ssettag $0x1  }
0x1: {  	s0 =	rddreg [dreg:$0x0];
	s1 =	stileid.u32  }
0x2: {  	s2 =	rddreg [dreg:$0x1];
	s3 =	simm.s32 $0x0;
	s5 =	smul.u32 $0x700, s1  }
0x3: {  	s7 =	srdreg.scid;
	s20 =	simm.s32 $0x5;
	s6 =	smul.u32 $0x380, s1  }
0x4: {  	s21 =	simm.s32 $0x3800;
	s22 =	simm.s32 $0x3;
	s8 =	smul.u32 $0x50000, s1  }
0x5: {  	s28 =	simm.s32 $0x1;
	s29 =	simm.s32 $0x2;
	s23 =	smul.u32 $0x2800, s1  }
0x6: {  	s30 =	simm.s32 $0x0;
	[smem:$0x7FF] =	sst s3;
	s11 =	smul.u32 $0x1A80, s1  }
0x7: {  	s4 =	sadd.s32 $0x17400, s0;
	s16 =	sadd.s32 $0xD600, s0;
	s13 =	smul.u32 $0x3480, s1  }
0x8: {  	s18 =	sand.u32 $0x1, s7;
	s19 =	smul.u32 $0x690, s1;
	_ =	strace $0x8000004D  }
0x9: {  	s24 =	ssub.s32 $0x2, s18;
	p0 =	seq.s32 s18, $0x0;
	s12 =	sadd.s32 s5, s0  }
0xa: {  	s10 =	sadd.s32 s6, s0;
	s25 =	sshrl.u32 s8, $0x2;
	s0 =	sadd.s32 s23, s0  }
0xb: {  	s26 =	sshrl.u32 s24, $0x1;
	s11 =	sshrl.u32 s11, $0x3;
	s13 =	sshrl.u32 s13, $0x3  }
0xc: {  	s31 =	sadd.s32 s19, s16;
	s19 =	simm.s32 $0x3900;
	s23 =	simm.s32 $0x80  }
0xd: {  	s5 =	sadd.s32 s25, s2;
	s17 =	ssub.s32 s24, s26;
	s10 =	sadd.s32 $0x2E00, s10  }
0xe: {  	s11 =	sadd.s32 s16, s11;
	s12 =	sadd.s32 $0x6600, s12;
	s13 =	sadd.s32 s16, s13  }
.Ltmp0:
0xf: {  	s15 =	sadd.s32 $0x3E600, s0;
	s0 =	sadd.s32 $0x20, s31;
	(pc) =	sbr.rel .LBB2_1-.Ltmp0, $4  }
0x10: {  	s24 =	simm.s32 $0x3880;
	s25 =	simm.s32 $0x4;
	s26 =	simm.s32 $0x7900  }
0x11: {  	s6 =	sadd.s32 $0x4000, s5;
	s7 =	sadd.s32 $0x8000, s5;
	s8 =	sadd.s32 $0xC000, s5  }
0x12: {  	s9 =	sadd.s32 $0x10000, s5;
	[dreg:$0x3] =	wrdreg s10;
	s11 =	sadd.s32 $0x6900, s11  }
0x13: {  	v0 =	vimm.f32 $0.0e+00;
	s14 =	sadd.s32 $0x10, s13;
	s16 =	smax.u32 s17, $0x1;
	s17 =	sadd.s32 $0x680, s13  }
.LBB2_6:
0x14: {  	[sflag:s28] =	ssyncadd.s32 $0xFFFFC000  }
0x15: {  	[bflag:$0x0] =	sbarrier.arrive $0xFFFF  }
.LBB2_10:
0x16: {  	s30 =	sadd.s32 $0x1, s30  }
0x17: {  	p1 =	sne.s32 s30, s16  }
.Ltmp1:
0x18: {  	_ = 	snop;
	(pc) =	sbr.rel @!p1 .LBB2_11-.Ltmp1, $1  }
0x19: {  	_ =	sdelay $0x3  }
.LBB2_1:
0x1a: {  	s18 =	simm.s32 $0x0;
	s31 =	simm.s32 $0x200  }
.LBB2_2:
0x1b: {  	p1 =	sne.s32 s31, $0xFE00;
	[tilespmem:s18+$0x3970] =	vst v0  }
0x1c: {  	[tilespmem:s18+$0x3900] =	vst v0  }
0x1d: {  	[tilespmem:s18+$0x3910] =	vst v0  }
.Ltmp2:
0x1e: {  	[tilespmem:s18+$0x3920] =	vst v0;
	(pc) =	sbr.rel @p1 .LBB2_2-.Ltmp2, $4  }
0x1f: {  	[tilespmem:s18+$0x3930] =	vst v0  }
0x20: {  	[tilespmem:s18+$0x3940] =	vst v0  }
0x21: {  	[tilespmem:s18+$0x3950] =	vst v0  }
0x22: {  	[tilespmem:s18+$0x3960] =	vst v0;
	s18 =	sshra.s32 s31, $0x2;
	s31 =	sadd.s32 $0x200, s31  }
0x23: {  	[tilespmem:s18+$0x3970] =	vst v0  }
0x24: {  	[tilespmem:s18+$0x3900] =	vst v0  }
0x25: {  	[tilespmem:s18+$0x3910] =	vst v0  }
0x26: {  	[tilespmem:s18+$0x3920] =	vst v0  }
0x27: {  	[tilespmem:s18+$0x3930] =	vst v0  }
0x28: {  	[tilespmem:s18+$0x3940] =	vst v0  }
0x29: {  	[tilespmem:s18+$0x3950] =	vst v0  }
0x2a: {  	[tilespmem:s18+$0x3960] =	vst v0  }
0x2b: {  	[spmem:s5] =	stream.linear.scatter [tilespmem:s19], [sflag:$0x5], $0x4000, $0x38;
	[tilespmem:$0x1F900] =	vst v63  }
0x2c: {  	_ =	swait.ge [sflag:s20], $0x4000  }
0x2d: {  	[sflag:s20] =	ssyncset.done $0x0  }
0x2e: {  	[sflag:s20] =	ssyncadd.s32 $0xFFFFC000  }
0x2f: {  	[spmem:s6] =	stream.linear.scatter [tilespmem:s19], [sflag:$0x5], $0x4000, $0x38;
	[tilespmem:$0x1F900] =	vst v63  }
0x30: {  	_ =	swait.ge [sflag:s20], $0x4000  }
0x31: {  	[sflag:s20] =	ssyncset.done $0x0  }
0x32: {  	[sflag:s20] =	ssyncadd.s32 $0xFFFFC000  }
0x33: {  	[spmem:s7] =	stream.linear.scatter [tilespmem:s19], [sflag:$0x5], $0x4000, $0x38;
	[tilespmem:$0x1F900] =	vst v63  }
0x34: {  	_ =	swait.ge [sflag:s20], $0x4000  }
0x35: {  	[sflag:s20] =	ssyncset.done $0x0  }
0x36: {  	[sflag:s20] =	ssyncadd.s32 $0xFFFFC000  }
0x37: {  	[spmem:s8] =	stream.linear.scatter [tilespmem:s19], [sflag:$0x5], $0x4000, $0x38;
	[tilespmem:$0x1F900] =	vst v63  }
0x38: {  	_ =	swait.ge [sflag:s20], $0x4000  }
0x39: {  	[sflag:s20] =	ssyncset.done $0x0  }
.Ltmp3:
0x3a: {  	[sflag:s20] =	ssyncadd.s32 $0xFFFFC000;
	(pc) =	sbr.rel @!p0 .LBB2_4-.Ltmp3, $4  }
0x3b: {  	[spmem:s9] =	stream.linear.scatter [tilespmem:s19], [sflag:$0x5], $0x4000, $0x38;
	[tilespmem:$0x1F900] =	vst v63  }
0x3c: {  	_ =	swait.ge [sflag:s20], $0x4000  }
0x3d: {  	[sflag:s20] =	ssyncset.done $0x0  }
0x3e: {  	[sflag:s20] =	ssyncadd.s32 $0xFFFFC000  }
0x3f: {  	s18 =	simm.s32 $0x0  }
0x40: {  	[tilespmem:s18], [sflag:$0x5] =	stream.linear.gather [hbm4b:s12+s18], $0x3480, $0x38;
	[tilespmem:$0x1F900] =	vst v63  }
0x41: {  	_ =	swait.ge [sflag:s20], $0x3480  }
0x42: {  	[sflag:s20] =	ssyncset.done $0x0  }
0x43: {  	[sflag:s20] =	ssyncadd.s32 $0xFFFFCB80  }
0x44: {  	[bflag:$0x0] =	sbarrier.arrive $0xFFFF  }
0x45: {  	[tilespmem:s21], [sflag:$0x3] =	stream.linear.gather [hbm4b:s13+s18], $0x80, $0x38;
	[tilespmem:$0x1F900] =	vst v63  }
0x46: {  	_ =	swait.ge [sflag:s22], $0x80  }
0x47: {  	[sflag:s22] =	ssyncset.done $0x0  }
0x48: {  	[sflag:s22] =	ssyncadd.s32 $0xFFFFFF80  }
0x49: {  	[tilespmem:s19], [sflag:$0x1] =	stream.indirect.gather [hbm4b:s4+s23], $0x80, s21, s23, $0xb8;
	[tilespmem:$0x1F900] =	vst v63  }
0x4a: {  	_ = 	snop  }
0x4b: {  	[tilespmem:s24], [sflag:$0x4] =	stream.linear.gather [hbm4b:s14+s18], $0x80, $0x38;
	[tilespmem:$0x1F900] =	vst v63  }
0x4c: {  	_ =	swait.ge [sflag:s25], $0x80  }
0x4d: {  	[sflag:s25] =	ssyncset.done $0x0  }
0x4e: {  	[sflag:s25] =	ssyncadd.s32 $0xFFFFFF80  }
0x4f: {  	[tilespmem:s26], [sflag:$0x2] =	stream.indirect.gather [hbm4b:s4+s23], $0x80, s24, s23, $0xb8;
	[tilespmem:$0x1F900] =	vst v63  }
0x50: {  	_ =	swait.ge [sflag:s28], $0x4000  }
0x51: {  	[sflag:s28] =	ssyncset.done $0x0  }
0x52: {  	[sflag:s28] =	ssyncadd.s32 $0xFFFFC000  }
0x53: {  	[tilespmem:s21], [sflag:$0x3] =	stream.linear.gather [hbm4b:s0+s3], $0x80, $0x38;
	[tilespmem:$0x1F900] =	vst v63  }
0x54: {  	s10 =	simm.s32 $0x0  }
0x55: {  	[spmem:s2] =	stream.indirect.scatter.add.f32 [tilespmem:s19], [sflag:$0x5], $0x80, s10, s23, $0xb8;
	[tilespmem:$0x1F900] =	vst v63  }
0x56: {  	_ =	swait.ge [sflag:s20], $0x4000  }
0x57: {  	[sflag:s20] =	ssyncset.done $0x0  }
0x58: {  	[sflag:s20] =	ssyncadd.s32 $0xFFFFC000  }
0x59: {  	_ =	swait.ge [sflag:s22], $0x80  }
0x5a: {  	[sflag:s22] =	ssyncset.done $0x0  }
0x5b: {  	[sflag:s22] =	ssyncadd.s32 $0xFFFFFF80  }
0x5c: {  	[tilespmem:s19], [sflag:$0x1] =	stream.indirect.gather [hbm4b:s4+s23], $0x80, s21, s23, $0xb8;
	[tilespmem:$0x1F900] =	vst v63  }
0x5d: {  	_ =	swait.ge [sflag:s29], $0x4000  }
0x5e: {  	[sflag:s29] =	ssyncset.done $0x0  }
0x5f: {  	s1 =	sadd.s32 $0x10, s0;
	[sflag:s29] =	ssyncadd.s32 $0xFFFFC000  }
0x60: {  	[tilespmem:s24], [sflag:$0x4] =	stream.linear.gather [hbm4b:s1+s3], $0x80, $0x38;
	[tilespmem:$0x1F900] =	vst v63  }
0x61: {  	s10 =	simm.s32 $0x80  }
0x62: {  	[spmem:s2] =	stream.indirect.scatter.add.f32 [tilespmem:s26], [sflag:$0x5], $0x80, s10, s23, $0xb8;
	[tilespmem:$0x1F900] =	vst v63  }
0x63: {  	_ =	swait.ge [sflag:s20], $0x4000  }
0x64: {  	s31 =	simm.s32 $0x400;
	s18 =	smov.u32 s0;
	[sflag:s20] =	ssyncset.done $0x0  }
.LBB2_8:
0x65: {  	p1 =	sne.s32 s31, $0xC800;
	[sflag:s20] =	ssyncadd.s32 $0xFFFFC000;
	s18 =	sadd.s32 $0x20, s18  }
0x66: {  	s1 =	smov.u32 s31;
	s31 =	sadd.s32 $0x400, s31  }
0x67: {  	_ =	swait.ge [sflag:s25], $0x80  }
0x68: {  	[sflag:s25] =	ssyncset.done $0x0  }
0x69: {  	[sflag:s25] =	ssyncadd.s32 $0xFFFFFF80  }
0x6a: {  	[tilespmem:s26], [sflag:$0x2] =	stream.indirect.gather [hbm4b:s4+s23], $0x80, s24, s23, $0xb8;
	[tilespmem:$0x1F900] =	vst v63  }
0x6b: {  	_ =	swait.ge [sflag:s28], $0x4000  }
0x6c: {  	[sflag:s28] =	ssyncset.done $0x0  }
0x6d: {  	[sflag:s28] =	ssyncadd.s32 $0xFFFFC000  }
0x6e: {  	[tilespmem:s21], [sflag:$0x3] =	stream.linear.gather [hbm4b:s18+s3], $0x80, $0x38;
	[tilespmem:$0x1F900] =	vst v63  }
0x6f: {  	s1 =	sshra.s32 s1, $0x2  }
0x70: {  	[spmem:s2] =	stream.indirect.scatter.add.f32 [tilespmem:s19], [sflag:$0x5], $0x80, s1, s23, $0xb8;
	[tilespmem:$0x1F900] =	vst v63  }
0x71: {  	_ =	swait.ge [sflag:s20], $0x4000  }
0x72: {  	[sflag:s20] =	ssyncset.done $0x0  }
0x73: {  	[sflag:s20] =	ssyncadd.s32 $0xFFFFC000  }
0x74: {  	_ =	swait.ge [sflag:s22], $0x80  }
0x75: {  	[sflag:s22] =	ssyncset.done $0x0  }
0x76: {  	[sflag:s22] =	ssyncadd.s32 $0xFFFFFF80  }
0x77: {  	[tilespmem:s19], [sflag:$0x1] =	stream.indirect.gather [hbm4b:s4+s23], $0x80, s21, s23, $0xb8;
	[tilespmem:$0x1F900] =	vst v63  }
0x78: {  	_ =	swait.ge [sflag:s29], $0x4000  }
0x79: {  	[sflag:s29] =	ssyncset.done $0x0  }
0x7a: {  	s10 =	sadd.s32 $0x10, s18;
	[sflag:s29] =	ssyncadd.s32 $0xFFFFC000  }
0x7b: {  	[tilespmem:s24], [sflag:$0x4] =	stream.linear.gather [hbm4b:s10+s3], $0x80, $0x38;
	[tilespmem:$0x1F900] =	vst v63  }
.Ltmp4:
0x7c: {  	_ = 	snop;
	(pc) =	sbr.rel @p1 .LBB2_8-.Ltmp4, $4  }
0x7d: {  	s1 =	sadd.s32 $0x80, s1  }
0x7e: {  	[spmem:s2] =	stream.indirect.scatter.add.f32 [tilespmem:s26], [sflag:$0x5], $0x80, s1, s23, $0xb8;
	[tilespmem:$0x1F900] =	vst v63  }
0x7f: {  	_ =	swait.ge [sflag:s20], $0x4000  }
0x80: {  	[sflag:s20] =	ssyncset.done $0x0  }
0x81: {  	[sflag:s20] =	ssyncadd.s32 $0xFFFFC000  }
0x82: {  	_ =	swait.ge [sflag:s25], $0x80  }
0x83: {  	[sflag:s25] =	ssyncset.done $0x0  }
0x84: {  	[sflag:s25] =	ssyncadd.s32 $0xFFFFFF80  }
0x85: {  	[tilespmem:s26], [sflag:$0x2] =	stream.indirect.gather [hbm4b:s4+s23], $0x80, s24, s23, $0xb8;
	[tilespmem:$0x1F900] =	vst v63  }
0x86: {  	_ =	swait.ge [sflag:s28], $0x4000  }
0x87: {  	[sflag:s28] =	ssyncset.done $0x0  }
0x88: {  	[sflag:s28] =	ssyncadd.s32 $0xFFFFC000  }
0x89: {  	[tilespmem:s21], [sflag:$0x3] =	stream.linear.gather [hbm4b:s17+s3], $0x80, $0x38;
	[tilespmem:$0x1F900] =	vst v63  }
0x8a: {  	s1 =	simm.s32 $0x3300  }
0x8b: {  	[spmem:s2] =	stream.indirect.scatter.add.f32 [tilespmem:s19], [sflag:$0x5], $0x80, s1, s23, $0xb8;
	[tilespmem:$0x1F900] =	vst v63  }
0x8c: {  	_ =	swait.ge [sflag:s20], $0x4000  }
0x8d: {  	[sflag:s20] =	ssyncset.done $0x0  }
0x8e: {  	[sflag:s20] =	ssyncadd.s32 $0xFFFFC000  }
0x8f: {  	_ =	swait.ge [sflag:s22], $0x80  }
0x90: {  	[sflag:s22] =	ssyncset.done $0x0  }
0x91: {  	[sflag:s22] =	ssyncadd.s32 $0xFFFFFF80  }
0x92: {  	[tilespmem:s19], [sflag:$0x1] =	stream.indirect.gather [hbm4b:s4+s23], $0x80, s21, s23, $0xb8;
	[tilespmem:$0x1F900] =	vst v63  }
0x93: {  	_ =	swait.ge [sflag:s29], $0x4000  }
0x94: {  	[sflag:s29] =	ssyncset.done $0x0  }
0x95: {  	[sflag:s29] =	ssyncadd.s32 $0xFFFFC000  }
0x96: {  	[tilespmem:s24], [sflag:$0x4] =	stream.linear.gather [hbm4b:s17+s3], $0x80, $0x38;
	[tilespmem:$0x1F900] =	vst v63  }
0x97: {  	s10 =	simm.s32 $0x3380  }
0x98: {  	[spmem:s2] =	stream.indirect.scatter.add.f32 [tilespmem:s26], [sflag:$0x5], $0x80, s10, s23, $0xb8;
	[tilespmem:$0x1F900] =	vst v63  }
0x99: {  	_ =	swait.ge [sflag:s20], $0x4000  }
0x9a: {  	[sflag:s20] =	ssyncset.done $0x0  }
0x9b: {  	[sflag:s20] =	ssyncadd.s32 $0xFFFFC000  }
0x9c: {  	_ =	swait.ge [sflag:s28], $0x4000  }
0x9d: {  	[sflag:s28] =	ssyncset.done $0x0  }
0x9e: {  	[sflag:s28] =	ssyncadd.s32 $0xFFFFC000  }
0x9f: {  	_ =	swait.ge [sflag:s25], $0x80  }
0xa0: {  	[sflag:s25] =	ssyncset.done $0x0  }
0xa1: {  	s18 =	simm.s32 $0x3400;
	[sflag:s25] =	ssyncadd.s32 $0xFFFFFF80  }
0xa2: {  	[spmem:s2] =	stream.indirect.scatter.add.f32 [tilespmem:s19], [sflag:$0x5], $0x80, s18, s23, $0xb8;
	[tilespmem:$0x1F900] =	vst v63  }
0xa3: {  	s31 =	stileid.u32;
	_ =	swait.ge [sflag:s20], $0x4000  }
0xa4: {  	s1 =	sshll.u32 s31, $0x6;
	[sflag:s20] =	ssyncset.done $0x0  }
0xa5: {  	s1 =	sor.u32 $0x1C05, s1;
	[sflag:s20] =	ssyncadd.s32 $0xFFFFC000  }
.Ltmp5:
0xa6: {  	s10 =	sshrl.u32 s5, $0x3;
	[bflag:$0x0] =	sbarrier.arrive $0xFFFF;
	(pc) =	sbr.rel .LBB2_10-.Ltmp5, $4  }
0xa7: {  	[hbm:s15], [sflag:s1] =	dma.local [spmem:s10], $0x2800  }
0xa8: {  	_ =	swait.ge [sflag:s20], $0x2800  }
0xa9: {  	[sflag:s20] =	ssyncset.done $0x0  }
0xaa: {  	[sflag:s20] =	ssyncadd.s32 $0xFFFFD800  }
.LBB2_4:
0xab: {  	s1 =	rddreg [dreg:$0x3]  }
0xac: {  	[tilespmem:s3], [sflag:$0x5] =	stream.linear.gather [hbm4b:s1+s3], $0x1A80, $0x38;
	[tilespmem:$0x1F900] =	vst v63  }
0xad: {  	_ =	swait.ge [sflag:s20], $0x1A80  }
0xae: {  	[sflag:s20] =	ssyncset.done $0x0  }
0xaf: {  	[sflag:s20] =	ssyncadd.s32 $0xFFFFE580  }
0xb0: {  	[bflag:$0x0] =	sbarrier.arrive $0xFFFF  }
0xb1: {  	[tilespmem:s21], [sflag:$0x3] =	stream.linear.gather [hbm4b:s11+s3], $0x80, $0x38;
	[tilespmem:$0x1F900] =	vst v63  }
0xb2: {  	_ =	swait.ge [sflag:s22], $0x80  }
0xb3: {  	[sflag:s22] =	ssyncset.done $0x0  }
0xb4: {  	[sflag:s22] =	ssyncadd.s32 $0xFFFFFF80  }
0xb5: {  	[tilespmem:s19], [sflag:$0x1] =	stream.indirect.gather [hbm4b:s4+s23], $0x80, s21, s23, $0xb8;
	[tilespmem:$0x1F900] =	vst v63  }
0xb6: {  	_ =	swait.ge [sflag:s28], $0x4000  }
0xb7: {  	s18 =	simm.s32 $0x34;
	[sflag:s28] =	ssyncset.done $0x0  }
.LBB2_5:
0xb8: {  	p1 =	sne.s32 s18, $0x1;
	s18 =	sadd.s32 $0xFFFFFFFF, s18;
	[sflag:s28] =	ssyncadd.s32 $0xFFFFC000  }
.Ltmp6:
0xb9: {  	(pc) =	sbr.rel @p1 .LBB2_5-.Ltmp6, $4  }
0xba: {  	_ = 	snop  }
0xbb: {  	[tilespmem:s19], [sflag:$0x1] =	stream.indirect.gather [hbm4b:s4+s23], $0x80, s21, s23, $0xb8;
	[tilespmem:$0x1F900] =	vst v63  }
0xbc: {  	_ =	swait.ge [sflag:s28], $0x4000  }
0xbd: {  	[sflag:s28] =	ssyncset.done $0x0  }
.Ltmp7:
0xbe: {  	_ = 	snop;
	(pc) =	sbr.rel .LBB2_6-.Ltmp7, $1  }
0xbf: {  	_ =	sdelay $0x3  }
.LBB2_11:
0xc0: {  	_ =	sfence.sel $0x180000  }
0xc1: {  	[bflag:$0x0] =	sbarrier.arrive $0xFFFF  }
0xc2: {  	_ =	strace $0x9000004D  }
0xc3: {  	s0 =	stileid.u32;
	[bflag:$0x2] =	sbarrier.arrive $0xFFFF  }
0xc4: {  	p0 =	sne.s32 s0, $0x0;
	s0 =	rddreg [dreg:$0x2]  }
0xc5: {  	s0 =	sadd.s32 @!p0 $0x100000, s0  }
0xc6: {  	[sflag:s0] =	ssyncadd.tile.s32 @!p0 $0x1;
	_ =	shalt  }
.Lfunc_end2:
_tile_overlayer_lowered:
.L_overlay_start_2:
0xc7: {  	(tag) =	ssettag $0x2  }
0xc8: {  	s0 =	rddreg [dreg:$0x0];
	s2 =	stileid.u32  }
0xc9: {  	s1 =	rddreg [dreg:$0x1];
	p0 =	sne.s32 s2, $0x0  }
0xca: {  	s3 =	rddreg [dreg:$0x2];
	[bflag:$0x3] =	sbarrier.arrive $0xFFFF;
	s2 =	simm.s32 @!p0 $0x1C05  }
0xcb: {  	[timem:s3], [sflag:s2] =	dma.local @!p0 [hbm:s0], s1  }
0xcc: {  	s0 =	simm.s32 @!p0 $0x5  }
0xcd: {  	_ =	swait.ge @!p0 [sflag:s0], s1  }
0xce: {  	s1 =	ssub.s32 @!p0 $0x0, s1;
	[sflag:s0] =	ssyncset.done @!p0 $0x0  }
0xcf: {  	[sflag:s0] =	ssyncadd.s32 @!p0 s1  }
0xd0: {  	[bflag:$0x3] =	sbarrier.arrive $0xFFFF  }
0xd1: {  	_ =	shalt  }

// kernel: kernel.7.cloned.1.call-start
scs
__scs_entry_jumppad:
0x0: {  	(pc) =	sbr.rel $0x88, $3  }
0x1: {  	(tag) =	ssettag $0x0;
	lr =	simm.s32 $0x1  }
0x2: {  	[smem:$0x3F93] =	sst lr;
	_ =	strace $0xD0000000  }
0x3: {  	_ = 	snop  }
0x4: {  	_ = 	snop  }
0x5: {  	_ = 	snop  }
0x6: {  	_ = 	snop  }
0x7: {  	_ = 	snop  }
__scs_overlays_trampoline_lowered:
0x8: {  	[smem:$0x3FA2] =	sst s0  }
0x9: {  	[smem:$0x3FA3] =	sst s1  }
0xa: {  	[smem:$0x3FA4] =	sst s2  }
0xb: {  	[smem:$0x3FA5] =	sst s3  }
0xc: {  	[smem:$0x3FA6] =	sst s4  }
0xd: {  	[smem:$0x3FA7] =	sst s5  }
0xe: {  	[smem:$0x3FA8] =	sst s6  }
0xf: {  	[smem:$0x3FA9] =	sst s7  }
0x10: {  	[smem:$0x3FAA] =	sst s8  }
0x11: {  	[smem:$0x3FAB] =	sst s9;
	s0 =	simm.s32 @!p0 $0x0  }
0x12: {  	s1 =	sld [smem:$0x3F91];
	s0 =	simm.s32 @p0 $0x1  }
0x13: {  	[smem:$0x3FAC] =	sst s0;
	s0 =	simm.s32 @!p1 $0x0  }
0x14: {  	s2 =	sld [smem:$0x3F90];
	s0 =	simm.s32 @p1 $0x1  }
0x15: {  	[smem:$0x3FAD] =	sst s0;
	s0 =	simm.s32 @!p2 $0x0  }
0x16: {  	s3 =	sld [smem:$0x3FDB];
	s0 =	simm.s32 @p2 $0x1  }
0x17: {  	s4 =	simm.s32 $0x1BF5;
	[smem:$0x3FAF] =	sst s0  }
0x18: {  	s0 =	sld [smem:$0x3F92];
	_ =	swait.ge [sflag:s4], $0x0  }
0x19: {  	s7 =	sld [smem:$0x3F93]  }
0x1a: {  	s8 =	sadd.s32 $0xFFFFE003, lr  }
0x1b: {  	s9 =	sadd.s32 $0xFFFFFEF7, lr;
	s5 =	simm.s32 $0xFFFFFFFF;
	p2 =	slt.u32 s8, $0xFFFFF086  }
0x1c: {  	p1 =	slt.u32 s9, $0xF7A;
	s5 =	simm.s32 @!p2 $0x0  }
0x1d: {  	s5 =	simm.s32 @p1 $0x1;
	p0 =	seq.s32 s7, s2  }
0x1e: {  	s7 =	smul.u32 @!p0 $0xF7A, s2;
	p2 =	seq.s32 @!p0 s5, $0x0  }
0x1f: {  	s9 =	smul.u32 $0xF7A, s1;
	s8 =	simm.s32 @!p0 $0x1BF5;
	p2 =	por !p2, p0  }
0x20: {  	[sflag:s8] =	ssyncset.s32 @!p0 $0xFFFFF086;
	s6 =	sadd.s32 @!p0 s3, s7;
	s7 =	simm.s32 @!p0 $0x108  }
0x21: {  	s3 =	sadd.s32 s3, s9;
	s6 =	sadd.s32 @!p0 $0x88, s6;
	s7 =	simm.s32 @p2 $0x1082  }
0x22: {  	[simem:s7], [sflag:s8] =	dma.local @!p0 [hbm:s6], $0xF7A  }
0x23: {  	s9 =	sor.u32 $0xD0000000, s2;
	s6 =	simm.s32 $0x108;
	_ =	swait.ge @!p0 [sflag:s8], $0x0  }
0x24: {  	s3 =	sadd.s32 $0x88, s3;
	s6 =	simm.s32 @!p1 $0x1082;
	[sflag:s4] =	ssyncset.s32 $0xFFFFF086  }
0x25: {  	[simem:s6], [sflag:s4] =	dma.local [hbm:s3], $0xF7A  }
0x26: {  	[smem:$0x3F93] =	sst s1;
	(tag) =	ssettag s2;
	_ =	strace s9  }
0x27: {  	s1 =	sld [smem:$0x3FA3]  }
0x28: {  	s2 =	sld [smem:$0x3FA4]  }
0x29: {  	s4 =	sld [smem:$0x3FA6]  }
0x2a: {  	p0 =	seq.s32 s5, $0x0;
	s5 =	sld [smem:$0x3FA7]  }
0x2b: {  	s6 =	sld [smem:$0x3FA8]  }
0x2c: {  	s7 =	sld [smem:$0x3FA9]  }
0x2d: {  	s3 =	simm.s32 $0x108;
	s8 =	sld [smem:$0x3FAA]  }
0x2e: {  	s3 =	simm.s32 @!p0 $0x1082;
	s9 =	sld [smem:$0x3FAB]  }
0x2f: {  	lr =	sadd.s32 s0, s3;
	s0 =	sld [smem:$0x3FA2]  }
0x30: {  	s3 =	sld [smem:$0x3FA5]  }
0x31: {  	[smem:$0x3FAE] =	sst s10  }
0x32: {  	s10 =	sld [smem:$0x3FAC];
	_ =	sdelay $0x3  }
0x33: {  	p0 =	seq.s32 s10, $0x1;
	s10 =	sld [smem:$0x3FAE];
	_ =	sdelay $0x3  }
0x34: {  	[smem:$0x3FAE] =	sst s10  }
0x35: {  	s10 =	sld [smem:$0x3FAD];
	_ =	sdelay $0x3  }
0x36: {  	p1 =	seq.s32 s10, $0x1;
	s10 =	sld [smem:$0x3FAE];
	_ =	sdelay $0x3  }
0x37: {  	[smem:$0x3FAE] =	sst s10  }
0x38: {  	s10 =	sld [smem:$0x3FAF]  }
0x39: {  	_ = 	snop;
	(pc) =	sbr.ind lr, $3  }
0x3a: {  	_ = 	snop  }
0x3b: {  	_ = 	snop  }
0x3c: {  	p2 =	seq.s32 s10, $0x1;
	s10 =	sld [smem:$0x3FAE]  }
0x3d: {  	_ =	shalt  }
0x3e: {  	_ =	shalt  }
0x3f: {  	_ =	shalt  }
0x40: {  	_ =	shalt  }
0x41: {  	_ =	shalt  }
0x42: {  	_ =	shalt  }
0x43: {  	_ =	shalt  }
0x44: {  	_ =	shalt  }
0x45: {  	_ =	shalt  }
0x46: {  	_ =	shalt  }
0x47: {  	_ =	shalt  }
0x48: {  	_ =	shalt  }
0x49: {  	_ =	shalt  }
0x4a: {  	_ =	shalt  }
0x4b: {  	_ =	shalt  }
0x4c: {  	_ =	shalt  }
0x4d: {  	_ =	shalt  }
0x4e: {  	_ =	shalt  }
0x4f: {  	_ =	shalt  }
0x50: {  	_ =	shalt  }
0x51: {  	_ =	shalt  }
0x52: {  	_ =	shalt  }
0x53: {  	_ =	shalt  }
0x54: {  	_ =	shalt  }
0x55: {  	_ =	shalt  }
0x56: {  	_ =	shalt  }
0x57: {  	_ =	shalt  }
0x58: {  	_ =	shalt  }
0x59: {  	_ =	shalt  }
0x5a: {  	_ =	shalt  }
0x5b: {  	_ =	shalt  }
0x5c: {  	_ =	shalt  }
0x5d: {  	_ =	shalt  }
0x5e: {  	_ =	shalt  }
0x5f: {  	_ =	shalt  }
0x60: {  	_ =	shalt  }
0x61: {  	_ =	shalt  }
0x62: {  	_ =	shalt  }
0x63: {  	_ =	shalt  }
0x64: {  	_ =	shalt  }
0x65: {  	_ =	shalt  }
0x66: {  	_ =	shalt  }
0x67: {  	_ =	shalt  }
0x68: {  	_ =	shalt  }
0x69: {  	_ =	shalt  }
0x6a: {  	_ =	shalt  }
0x6b: {  	_ =	shalt  }
0x6c: {  	_ =	shalt  }
0x6d: {  	_ =	shalt  }
0x6e: {  	_ =	shalt  }
0x6f: {  	_ =	shalt  }
0x70: {  	_ =	shalt  }
0x71: {  	_ =	shalt  }
0x72: {  	_ =	shalt  }
0x73: {  	_ =	shalt  }
0x74: {  	_ =	shalt  }
0x75: {  	_ =	shalt  }
0x76: {  	_ =	shalt  }
0x77: {  	_ =	shalt  }
0x78: {  	_ =	shalt  }
0x79: {  	_ =	shalt  }
0x7a: {  	_ =	shalt  }
0x7b: {  	_ =	shalt  }
0x7c: {  	_ =	shalt  }
0x7d: {  	_ =	shalt  }
0x7e: {  	_ =	shalt  }
0x7f: {  	_ =	shalt  }
0x80: {  	_ =	shalt  }
0x81: {  	_ =	shalt  }
0x82: {  	_ =	shalt  }
0x83: {  	_ =	shalt  }
0x84: {  	_ =	shalt  }
0x85: {  	_ =	shalt  }
0x86: {  	_ =	shalt  }
0x87: {  	_ =	shalt  }
.Lfunc_end0:
.L_simem_size_0:
called_computation_lowered:
.L_overlay_start_0:
0x88: {  	s2 =	sld [smem:$0x3FD9]  }
0x89: {  	s3 =	sld [smem:$0x3FFE];
	_ =	sdelay $0x1  }
0x8a: {  	s1 =	srdreg.scid  }
0x8b: {  	s0 =	sand.u32 $0x1, s1  }
0x8c: {  	s17 =	sshll.u32 s0, $0xA;
	s2 =	sadd.s32 s3, s2  }
0x8d: {  	s2 =	sadd.s32 s2, s17  }
0x8e: {  	[smem:$0x3FBA] =	sst s2  }
0x8f: {  	_ = 	snop  }
0x90: {  	s18 =	sld [smem:$0x3FC9];
	(tm) =	ssettm $0x1  }
0x91: {  	s19 =	sld [smem:$0x3FFB];
	_ =	sdelay $0x3  }
0x92: {  	_ =	strace s19  }
0x93: {  	s2 =	sld [smem:$0x3FFC];
	_ =	sdelay $0x3  }
0x94: {  	_ =	strace s2  }
0x95: {  	s2 =	sld [smem:$0x3FFD];
	_ =	sdelay $0x3  }
0x96: {  	_ =	strace s2  }
0x97: {  	_ =	strace $0x8FFFFFFF  }
0x98: {  	s20 =	sld [smem:$0x3FDB];
	_ =	sdelay $0x1  }
0x99: {  	s4 =	simm.s32 $_scs_section_size  }
0x9a: {  	s5 =	simm.s32 $_size__tile_overlayer_lowered;
	s6 =	simm.s32 $_tile_overlayer_lowered  }
0x9b: {  	s7 =	simm.s32 $0x1BFF;
	s21 =	sshll.u32 s6, $0x1;
	s4 =	sadd.s32 s4, s20  }
0x9c: {  	s22 =	simm.s32 $0x0;
	s5 =	sshll.u32 s5, $0x1;
	s6 =	sadd.s32 s21, s4  }
0x9d: {  	[timem:s22], [sflag:s7] =	dma.local [hbm:s6], s5  }
0x9e: {  	_ =	swait.ge [sflag:s7], s5  }
0x9f: {  	s5 =	ssub.s32 $0x0, s5;
	[sflag:s7] =	ssyncset.done $0x0  }
0xa0: {  	[sflag:s7] =	ssyncadd.s32 s5;
	_ =	sdelay $0x1  }
0xa1: {  	s23 =	simm.s32 $0x1B8B  }
0xa2: {  	_ =	swait.ge [sflag:s23], $0x1  }
0xa3: {  	[sflag:s23] =	ssyncset.done $0x0  }
0xa4: {  	[sflag:s23] =	ssyncadd.s32 $0xFFFFFFFF  }
0xa5: {  	s5 =	sld [smem:$0x0]  }
0xa6: {  	s6 =	sand.u32 $0xFFFFFFFE, s1  }
0xa7: {  	p0 =	sne.s32 s1, s6  }
0xa8: {  	s6 =	sshll.u32 @p0 s6, $0xE  }
0xa9: {  	s6 =	sadd.s32 @p0 $0x11B8D, s6;
	s7 =	sshll.u32 @p0 s5, $0x11  }
0xaa: {  	s6 =	sor.u32 @p0 s7, s6  }
0xab: {  	[sflag:s6] =	ssyncadd.remote.s32 @p0 $0x1;
	_ =	sdelay $0x1  }
0xac: {  	s6 =	simm.s32 @p0 $0x1B8D  }
0xad: {  	_ =	swait.eq @p0 [sflag:s6], $0x1  }
0xae: {  	[sflag:s6] =	ssyncadd.s32 @p0 $0xFFFFFFFF  }
0xaf: {  	s7 =	sshll.u32 @!p0 s1, $0xE  }
0xb0: {  	s7 =	sor.u32 @!p0 $0x4000, s7;
	s6 =	simm.s32 @!p0 $0x1B8D  }
0xb1: {  	s5 =	sshll.u32 @!p0 s5, $0x11;
	s7 =	sadd.s32 @!p0 $0x11B8D, s7;
	_ =	swait.eq @!p0 [sflag:s6], $0x1  }
0xb2: {  	s5 =	sor.u32 @!p0 s5, s7;
	[sflag:s6] =	ssyncadd.s32 @!p0 $0xFFFFFFFF  }
0xb3: {  	s25 =	simm.s32 $0x1B8E;
	s24 =	sld [smem:$0x3FFE];
	[sflag:s5] =	ssyncadd.remote.s32 @!p0 $0x1  }
0xb4: {  	s26 =	simm.s32 $execute0_lowered;
	[smem:$0x3FD2] =	sst s25  }
0xb5: {  	s6 =	sshll.u32 s26, $0x1;
	_ =	strace $0x80000049;
	[dreg:$0x1] =	wrdreg $0xFFFFFFFF  }
0xb6: {  	s28 =	simm.s32 $_size_execute0_lowered;
	s4 =	sadd.s32 s4, s6;
	[dreg:$0x0] =	wrdreg $0x0  }
0xb7: {  	s6 =	sshll.u32 s28, $0x1;
	[dreg:$0x2] =	wrdreg s4  }
0xb8: {  	[dreg:$0x3] =	wrdreg s6  }
0xb9: {  	[dreg:$0x4] =	wrdreg $0xC0  }
0xba: {  	_ =	task [dreg:s22], $0x5FFFF  }
0xbb: {  	[dreg:$0x1] =	wrdreg $0xFFFFFFFF  }
0xbc: {  	[dreg:$0x0] =	wrdreg $0x60  }
0xbd: {  	[dreg:$0x2] =	wrdreg s18  }
0xbe: {  	[dreg:$0x3] =	wrdreg s24  }
0xbf: {  	[dreg:$0x4] =	wrdreg $0xB9000  }
0xc0: {  	[dreg:$0x5] =	wrdreg $0x9  }
0xc1: {  	_ =	task.clear_ibuf [dreg:s22], $0x6FFFF;
	_ =	strace $0x90000049  }
0xc2: {  	s29 =	simm.s32 $0x9;
	_ =	strace $0x8000004B  }
0xc3: {  	_ =	swait.ge [sflag:s29], $0x1  }
0xc4: {  	[sflag:s29] =	ssyncadd.s32 $0xFFFFFFFF  }
0xc5: {  	_ =	strace $0x9000004B  }
0xc6: {  	_ =	sfence  }
0xc7: {  	s30 =	sld [smem:$0x0];
	_ =	sdelay $0x2  }
0xc8: {  	s31 =	sshll.u32 s1, $0xD;
	s1 =	sshrl.u32 s1, $0x2  }
0xc9: {  	s4 =	sand.u32 $0x4000, s31;
	s1 =	sadd.s32 s1, s30  }
0xca: {  	s0 =	sor.u32 s4, s0;
	s1 =	sshll.u32 s1, $0x11  }
0xcb: {  	s0 =	sor.u32 s1, s0  }
0xcc: {  	s0 =	sadd.s32 $0x8F2B, s0  }
0xcd: {  	[sflag:s0] =	ssyncadd.remote.s32 $0x1  }
0xce: {  	_ =	sfence.sel $0xFFFF  }
0xcf: {  	[dreg:$0x0] =	wrdreg $0xFFFFFFFF;
	(pc) =	sbr.abs _section_cstart, $3  }
0xd0: {  	[dreg:$0x1] =	wrdreg $0xFFFFFFFF  }
0xd1: {  	_ =	task.clear_ibuf [dreg:s22], $0x2FFFF;
	_ =	strace $0x9FFFFFFF  }
0xd2: {  	(tm) =	ssettm $0x7FFFFFFF  }
0xd3: {  	_ =	shalt  }
tec
execute0_lowered:
.L_overlay_start_1:
0x0: {  	(tag) =	ssettag $0x1  }
0x1: {  	s1 =	rddreg [dreg:$0x0]  }
0x2: {  	s0 =	rddreg [dreg:$0x1];
	s2 =	stileid.u32  }
0x3: {  	s3 =	rddreg [dreg:$0x2];
	s5 =	smul.u32 $0x700, s2  }
0x4: {  	s4 =	simm.s32 $0x0;
	s7 =	srdreg.scid;
	s6 =	smul.u32 $0x380, s2  }
0x5: {  	s20 =	simm.s32 $0x5;
	s21 =	simm.s32 $0x3800;
	s8 =	smul.u32 $0x50000, s2  }
0x6: {  	s22 =	simm.s32 $0x3;
	s28 =	simm.s32 $0x1;
	s23 =	smul.u32 $0x2800, s2  }
0x7: {  	s29 =	simm.s32 $0x2;
	s30 =	simm.s32 $0x0;
	s11 =	smul.u32 $0x1A80, s2  }
0x8: {  	[smem:$0x7FF] =	sst s4;
	s16 =	sadd.s32 $0xD600, s0;
	s13 =	smul.u32 $0x3480, s2  }
0x9: {  	s18 =	sand.u32 $0x1, s7;
	s19 =	smul.u32 $0x690, s2;
	_ =	strace $0x8000004A  }
0xa: {  	s24 =	ssub.s32 $0x2, s18;
	p0 =	seq.s32 s18, $0x0;
	s12 =	sadd.s32 s5, s0  }
0xb: {  	s10 =	sadd.s32 s6, s0;
	s25 =	sshrl.u32 s8, $0x2;
	s0 =	sadd.s32 s23, s0  }
0xc: {  	s26 =	sshrl.u32 s24, $0x1;
	s11 =	sshrl.u32 s11, $0x3;
	s13 =	sshrl.u32 s13, $0x3  }
0xd: {  	s31 =	sadd.s32 s19, s16;
	s19 =	simm.s32 $0x3900;
	s23 =	simm.s32 $0x80  }
0xe: {  	s5 =	sadd.s32 s25, s3;
	s17 =	ssub.s32 s24, s26;
	s10 =	sadd.s32 $0x2E00, s10  }
0xf: {  	s11 =	sadd.s32 s16, s11;
	s12 =	sadd.s32 $0x6600, s12;
	s13 =	sadd.s32 s16, s13  }
.Ltmp0:
0x10: {  	s15 =	sadd.s32 $0x17400, s0;
	s0 =	sadd.s32 $0x20, s31;
	(pc) =	sbr.rel .LBB2_1-.Ltmp0, $4  }
0x11: {  	s24 =	simm.s32 $0x3880;
	s25 =	simm.s32 $0x4;
	s26 =	simm.s32 $0x7900  }
0x12: {  	s6 =	sadd.s32 $0x4000, s5;
	s7 =	sadd.s32 $0x8000, s5;
	s8 =	sadd.s32 $0xC000, s5  }
0x13: {  	s9 =	sadd.s32 $0x10000, s5;
	[dreg:$0x4] =	wrdreg s10;
	s11 =	sadd.s32 $0x6900, s11  }
0x14: {  	v0 =	vimm.f32 $0.0e+00;
	s14 =	sadd.s32 $0x10, s13;
	s16 =	smax.u32 s17, $0x1;
	s17 =	sadd.s32 $0x680, s13  }
.LBB2_6:
0x15: {  	[sflag:s28] =	ssyncadd.s32 $0xFFFFC000  }
0x16: {  	[bflag:$0x0] =	sbarrier.arrive $0xFFFF  }
.LBB2_10:
0x17: {  	s30 =	sadd.s32 $0x1, s30  }
0x18: {  	p1 =	sne.s32 s30, s16  }
.Ltmp1:
0x19: {  	_ = 	snop;
	(pc) =	sbr.rel @!p1 .LBB2_11-.Ltmp1, $1  }
0x1a: {  	_ =	sdelay $0x3  }
.LBB2_1:
0x1b: {  	s18 =	simm.s32 $0x0;
	s31 =	simm.s32 $0x200  }
.LBB2_2:
0x1c: {  	p1 =	sne.s32 s31, $0xFE00;
	[tilespmem:s18+$0x3970] =	vst v0  }
0x1d: {  	[tilespmem:s18+$0x3900] =	vst v0  }
0x1e: {  	[tilespmem:s18+$0x3910] =	vst v0  }
.Ltmp2:
0x1f: {  	[tilespmem:s18+$0x3920] =	vst v0;
	(pc) =	sbr.rel @p1 .LBB2_2-.Ltmp2, $4  }
0x20: {  	[tilespmem:s18+$0x3930] =	vst v0  }
0x21: {  	[tilespmem:s18+$0x3940] =	vst v0  }
0x22: {  	[tilespmem:s18+$0x3950] =	vst v0  }
0x23: {  	[tilespmem:s18+$0x3960] =	vst v0;
	s18 =	sshra.s32 s31, $0x2;
	s31 =	sadd.s32 $0x200, s31  }
0x24: {  	[tilespmem:s18+$0x3970] =	vst v0  }
0x25: {  	[tilespmem:s18+$0x3900] =	vst v0  }
0x26: {  	[tilespmem:s18+$0x3910] =	vst v0  }
0x27: {  	[tilespmem:s18+$0x3920] =	vst v0  }
0x28: {  	[tilespmem:s18+$0x3930] =	vst v0  }
0x29: {  	[tilespmem:s18+$0x3940] =	vst v0  }
0x2a: {  	[tilespmem:s18+$0x3950] =	vst v0  }
0x2b: {  	[tilespmem:s18+$0x3960] =	vst v0  }
0x2c: {  	[spmem:s5] =	stream.linear.scatter [tilespmem:s19], [sflag:$0x5], $0x4000, $0x38;
	[tilespmem:$0x1F900] =	vst v63  }
0x2d: {  	_ =	swait.ge [sflag:s20], $0x4000  }
0x2e: {  	[sflag:s20] =	ssyncset.done $0x0  }
0x2f: {  	[sflag:s20] =	ssyncadd.s32 $0xFFFFC000  }
0x30: {  	[spmem:s6] =	stream.linear.scatter [tilespmem:s19], [sflag:$0x5], $0x4000, $0x38;
	[tilespmem:$0x1F900] =	vst v63  }
0x31: {  	_ =	swait.ge [sflag:s20], $0x4000  }
0x32: {  	[sflag:s20] =	ssyncset.done $0x0  }
0x33: {  	[sflag:s20] =	ssyncadd.s32 $0xFFFFC000  }
0x34: {  	[spmem:s7] =	stream.linear.scatter [tilespmem:s19], [sflag:$0x5], $0x4000, $0x38;
	[tilespmem:$0x1F900] =	vst v63  }
0x35: {  	_ =	swait.ge [sflag:s20], $0x4000  }
0x36: {  	[sflag:s20] =	ssyncset.done $0x0  }
0x37: {  	[sflag:s20] =	ssyncadd.s32 $0xFFFFC000  }
0x38: {  	[spmem:s8] =	stream.linear.scatter [tilespmem:s19], [sflag:$0x5], $0x4000, $0x38;
	[tilespmem:$0x1F900] =	vst v63  }
0x39: {  	_ =	swait.ge [sflag:s20], $0x4000  }
0x3a: {  	[sflag:s20] =	ssyncset.done $0x0  }
.Ltmp3:
0x3b: {  	[sflag:s20] =	ssyncadd.s32 $0xFFFFC000;
	(pc) =	sbr.rel @!p0 .LBB2_4-.Ltmp3, $4  }
0x3c: {  	[spmem:s9] =	stream.linear.scatter [tilespmem:s19], [sflag:$0x5], $0x4000, $0x38;
	[tilespmem:$0x1F900] =	vst v63  }
0x3d: {  	_ =	swait.ge [sflag:s20], $0x4000  }
0x3e: {  	[sflag:s20] =	ssyncset.done $0x0  }
0x3f: {  	[sflag:s20] =	ssyncadd.s32 $0xFFFFC000  }
0x40: {  	s18 =	simm.s32 $0x0  }
0x41: {  	[tilespmem:s18], [sflag:$0x5] =	stream.linear.gather [hbm4b:s12+s18], $0x3480, $0x38;
	[tilespmem:$0x1F900] =	vst v63  }
0x42: {  	_ =	swait.ge [sflag:s20], $0x3480  }
0x43: {  	[sflag:s20] =	ssyncset.done $0x0  }
0x44: {  	[sflag:s20] =	ssyncadd.s32 $0xFFFFCB80  }
0x45: {  	[bflag:$0x0] =	sbarrier.arrive $0xFFFF  }
0x46: {  	[tilespmem:s21], [sflag:$0x3] =	stream.linear.gather [hbm4b:s13+s18], $0x80, $0x38;
	[tilespmem:$0x1F900] =	vst v63  }
0x47: {  	_ =	swait.ge [sflag:s22], $0x80  }
0x48: {  	[sflag:s22] =	ssyncset.done $0x0  }
0x49: {  	[sflag:s22] =	ssyncadd.s32 $0xFFFFFF80  }
0x4a: {  	[tilespmem:s19], [sflag:$0x1] =	stream.indirect.gather [hbm4b:s1+s23], $0x80, s21, s23, $0xb8;
	[tilespmem:$0x1F900] =	vst v63  }
0x4b: {  	_ = 	snop  }
0x4c: {  	[tilespmem:s24], [sflag:$0x4] =	stream.linear.gather [hbm4b:s14+s18], $0x80, $0x38;
	[tilespmem:$0x1F900] =	vst v63  }
0x4d: {  	_ =	swait.ge [sflag:s25], $0x80  }
0x4e: {  	[sflag:s25] =	ssyncset.done $0x0  }
0x4f: {  	[sflag:s25] =	ssyncadd.s32 $0xFFFFFF80  }
0x50: {  	[tilespmem:s26], [sflag:$0x2] =	stream.indirect.gather [hbm4b:s1+s23], $0x80, s24, s23, $0xb8;
	[tilespmem:$0x1F900] =	vst v63  }
0x51: {  	_ =	swait.ge [sflag:s28], $0x4000  }
0x52: {  	[sflag:s28] =	ssyncset.done $0x0  }
0x53: {  	[sflag:s28] =	ssyncadd.s32 $0xFFFFC000  }
0x54: {  	[tilespmem:s21], [sflag:$0x3] =	stream.linear.gather [hbm4b:s0+s4], $0x80, $0x38;
	[tilespmem:$0x1F900] =	vst v63  }
0x55: {  	s10 =	simm.s32 $0x0  }
0x56: {  	[spmem:s3] =	stream.indirect.scatter.add.f32 [tilespmem:s19], [sflag:$0x5], $0x80, s10, s23, $0xb8;
	[tilespmem:$0x1F900] =	vst v63  }
0x57: {  	_ =	swait.ge [sflag:s20], $0x4000  }
0x58: {  	[sflag:s20] =	ssyncset.done $0x0  }
0x59: {  	[sflag:s20] =	ssyncadd.s32 $0xFFFFC000  }
0x5a: {  	_ =	swait.ge [sflag:s22], $0x80  }
0x5b: {  	[sflag:s22] =	ssyncset.done $0x0  }
0x5c: {  	[sflag:s22] =	ssyncadd.s32 $0xFFFFFF80  }
0x5d: {  	[tilespmem:s19], [sflag:$0x1] =	stream.indirect.gather [hbm4b:s1+s23], $0x80, s21, s23, $0xb8;
	[tilespmem:$0x1F900] =	vst v63  }
0x5e: {  	_ =	swait.ge [sflag:s29], $0x4000  }
0x5f: {  	[sflag:s29] =	ssyncset.done $0x0  }
0x60: {  	s2 =	sadd.s32 $0x10, s0;
	[sflag:s29] =	ssyncadd.s32 $0xFFFFC000  }
0x61: {  	[tilespmem:s24], [sflag:$0x4] =	stream.linear.gather [hbm4b:s2+s4], $0x80, $0x38;
	[tilespmem:$0x1F900] =	vst v63  }
0x62: {  	s10 =	simm.s32 $0x80  }
0x63: {  	[spmem:s3] =	stream.indirect.scatter.add.f32 [tilespmem:s26], [sflag:$0x5], $0x80, s10, s23, $0xb8;
	[tilespmem:$0x1F900] =	vst v63  }
0x64: {  	_ =	swait.ge [sflag:s20], $0x4000  }
0x65: {  	s31 =	simm.s32 $0x400;
	s18 =	smov.u32 s0;
	[sflag:s20] =	ssyncset.done $0x0  }
.LBB2_8:
0x66: {  	p1 =	sne.s32 s31, $0xC800;
	[sflag:s20] =	ssyncadd.s32 $0xFFFFC000;
	s18 =	sadd.s32 $0x20, s18  }
0x67: {  	s2 =	smov.u32 s31;
	s31 =	sadd.s32 $0x400, s31  }
0x68: {  	_ =	swait.ge [sflag:s25], $0x80  }
0x69: {  	[sflag:s25] =	ssyncset.done $0x0  }
0x6a: {  	[sflag:s25] =	ssyncadd.s32 $0xFFFFFF80  }
0x6b: {  	[tilespmem:s26], [sflag:$0x2] =	stream.indirect.gather [hbm4b:s1+s23], $0x80, s24, s23, $0xb8;
	[tilespmem:$0x1F900] =	vst v63  }
0x6c: {  	_ =	swait.ge [sflag:s28], $0x4000  }
0x6d: {  	[sflag:s28] =	ssyncset.done $0x0  }
0x6e: {  	[sflag:s28] =	ssyncadd.s32 $0xFFFFC000  }
0x6f: {  	[tilespmem:s21], [sflag:$0x3] =	stream.linear.gather [hbm4b:s18+s4], $0x80, $0x38;
	[tilespmem:$0x1F900] =	vst v63  }
0x70: {  	s2 =	sshra.s32 s2, $0x2  }
0x71: {  	[spmem:s3] =	stream.indirect.scatter.add.f32 [tilespmem:s19], [sflag:$0x5], $0x80, s2, s23, $0xb8;
	[tilespmem:$0x1F900] =	vst v63  }
0x72: {  	_ =	swait.ge [sflag:s20], $0x4000  }
0x73: {  	[sflag:s20] =	ssyncset.done $0x0  }
0x74: {  	[sflag:s20] =	ssyncadd.s32 $0xFFFFC000  }
0x75: {  	_ =	swait.ge [sflag:s22], $0x80  }
0x76: {  	[sflag:s22] =	ssyncset.done $0x0  }
0x77: {  	[sflag:s22] =	ssyncadd.s32 $0xFFFFFF80  }
0x78: {  	[tilespmem:s19], [sflag:$0x1] =	stream.indirect.gather [hbm4b:s1+s23], $0x80, s21, s23, $0xb8;
	[tilespmem:$0x1F900] =	vst v63  }
0x79: {  	_ =	swait.ge [sflag:s29], $0x4000  }
0x7a: {  	[sflag:s29] =	ssyncset.done $0x0  }
0x7b: {  	s10 =	sadd.s32 $0x10, s18;
	[sflag:s29] =	ssyncadd.s32 $0xFFFFC000  }
0x7c: {  	[tilespmem:s24], [sflag:$0x4] =	stream.linear.gather [hbm4b:s10+s4], $0x80, $0x38;
	[tilespmem:$0x1F900] =	vst v63  }
.Ltmp4:
0x7d: {  	_ = 	snop;
	(pc) =	sbr.rel @p1 .LBB2_8-.Ltmp4, $4  }
0x7e: {  	s2 =	sadd.s32 $0x80, s2  }
0x7f: {  	[spmem:s3] =	stream.indirect.scatter.add.f32 [tilespmem:s26], [sflag:$0x5], $0x80, s2, s23, $0xb8;
	[tilespmem:$0x1F900] =	vst v63  }
0x80: {  	_ =	swait.ge [sflag:s20], $0x4000  }
0x81: {  	[sflag:s20] =	ssyncset.done $0x0  }
0x82: {  	[sflag:s20] =	ssyncadd.s32 $0xFFFFC000  }
0x83: {  	_ =	swait.ge [sflag:s25], $0x80  }
0x84: {  	[sflag:s25] =	ssyncset.done $0x0  }
0x85: {  	[sflag:s25] =	ssyncadd.s32 $0xFFFFFF80  }
0x86: {  	[tilespmem:s26], [sflag:$0x2] =	stream.indirect.gather [hbm4b:s1+s23], $0x80, s24, s23, $0xb8;
	[tilespmem:$0x1F900] =	vst v63  }
0x87: {  	_ =	swait.ge [sflag:s28], $0x4000  }
0x88: {  	[sflag:s28] =	ssyncset.done $0x0  }
0x89: {  	[sflag:s28] =	ssyncadd.s32 $0xFFFFC000  }
0x8a: {  	[tilespmem:s21], [sflag:$0x3] =	stream.linear.gather [hbm4b:s17+s4], $0x80, $0x38;
	[tilespmem:$0x1F900] =	vst v63  }
0x8b: {  	s2 =	simm.s32 $0x3300  }
0x8c: {  	[spmem:s3] =	stream.indirect.scatter.add.f32 [tilespmem:s19], [sflag:$0x5], $0x80, s2, s23, $0xb8;
	[tilespmem:$0x1F900] =	vst v63  }
0x8d: {  	_ =	swait.ge [sflag:s20], $0x4000  }
0x8e: {  	[sflag:s20] =	ssyncset.done $0x0  }
0x8f: {  	[sflag:s20] =	ssyncadd.s32 $0xFFFFC000  }
0x90: {  	_ =	swait.ge [sflag:s22], $0x80  }
0x91: {  	[sflag:s22] =	ssyncset.done $0x0  }
0x92: {  	[sflag:s22] =	ssyncadd.s32 $0xFFFFFF80  }
0x93: {  	[tilespmem:s19], [sflag:$0x1] =	stream.indirect.gather [hbm4b:s1+s23], $0x80, s21, s23, $0xb8;
	[tilespmem:$0x1F900] =	vst v63  }
0x94: {  	_ =	swait.ge [sflag:s29], $0x4000  }
0x95: {  	[sflag:s29] =	ssyncset.done $0x0  }
0x96: {  	[sflag:s29] =	ssyncadd.s32 $0xFFFFC000  }
0x97: {  	[tilespmem:s24], [sflag:$0x4] =	stream.linear.gather [hbm4b:s17+s4], $0x80, $0x38;
	[tilespmem:$0x1F900] =	vst v63  }
0x98: {  	s10 =	simm.s32 $0x3380  }
0x99: {  	[spmem:s3] =	stream.indirect.scatter.add.f32 [tilespmem:s26], [sflag:$0x5], $0x80, s10, s23, $0xb8;
	[tilespmem:$0x1F900] =	vst v63  }
0x9a: {  	_ =	swait.ge [sflag:s20], $0x4000  }
0x9b: {  	[sflag:s20] =	ssyncset.done $0x0  }
0x9c: {  	[sflag:s20] =	ssyncadd.s32 $0xFFFFC000  }
0x9d: {  	_ =	swait.ge [sflag:s28], $0x4000  }
0x9e: {  	[sflag:s28] =	ssyncset.done $0x0  }
0x9f: {  	[sflag:s28] =	ssyncadd.s32 $0xFFFFC000  }
0xa0: {  	_ =	swait.ge [sflag:s25], $0x80  }
0xa1: {  	[sflag:s25] =	ssyncset.done $0x0  }
0xa2: {  	s18 =	simm.s32 $0x3400;
	[sflag:s25] =	ssyncadd.s32 $0xFFFFFF80  }
0xa3: {  	[spmem:s3] =	stream.indirect.scatter.add.f32 [tilespmem:s19], [sflag:$0x5], $0x80, s18, s23, $0xb8;
	[tilespmem:$0x1F900] =	vst v63  }
0xa4: {  	s31 =	stileid.u32;
	_ =	swait.ge [sflag:s20], $0x4000  }
0xa5: {  	s2 =	sshll.u32 s31, $0x6;
	[sflag:s20] =	ssyncset.done $0x0  }
0xa6: {  	s2 =	sor.u32 $0x1C05, s2;
	[sflag:s20] =	ssyncadd.s32 $0xFFFFC000  }
.Ltmp5:
0xa7: {  	s10 =	sshrl.u32 s5, $0x3;
	[bflag:$0x0] =	sbarrier.arrive $0xFFFF;
	(pc) =	sbr.rel .LBB2_10-.Ltmp5, $4  }
0xa8: {  	[hbm:s15], [sflag:s2] =	dma.local [spmem:s10], $0x2800  }
0xa9: {  	_ =	swait.ge [sflag:s20], $0x2800  }
0xaa: {  	[sflag:s20] =	ssyncset.done $0x0  }
0xab: {  	[sflag:s20] =	ssyncadd.s32 $0xFFFFD800  }
.LBB2_4:
0xac: {  	s2 =	rddreg [dreg:$0x4]  }
0xad: {  	[tilespmem:s4], [sflag:$0x5] =	stream.linear.gather [hbm4b:s2+s4], $0x1A80, $0x38;
	[tilespmem:$0x1F900] =	vst v63  }
0xae: {  	_ =	swait.ge [sflag:s20], $0x1A80  }
0xaf: {  	[sflag:s20] =	ssyncset.done $0x0  }
0xb0: {  	[sflag:s20] =	ssyncadd.s32 $0xFFFFE580  }
0xb1: {  	[bflag:$0x0] =	sbarrier.arrive $0xFFFF  }
0xb2: {  	[tilespmem:s21], [sflag:$0x3] =	stream.linear.gather [hbm4b:s11+s4], $0x80, $0x38;
	[tilespmem:$0x1F900] =	vst v63  }
0xb3: {  	_ =	swait.ge [sflag:s22], $0x80  }
0xb4: {  	[sflag:s22] =	ssyncset.done $0x0  }
0xb5: {  	[sflag:s22] =	ssyncadd.s32 $0xFFFFFF80  }
0xb6: {  	[tilespmem:s19], [sflag:$0x1] =	stream.indirect.gather [hbm4b:s1+s23], $0x80, s21, s23, $0xb8;
	[tilespmem:$0x1F900] =	vst v63  }
0xb7: {  	_ =	swait.ge [sflag:s28], $0x4000  }
0xb8: {  	s18 =	simm.s32 $0x34;
	[sflag:s28] =	ssyncset.done $0x0  }
.LBB2_5:
0xb9: {  	p1 =	sne.s32 s18, $0x1;
	s18 =	sadd.s32 $0xFFFFFFFF, s18;
	[sflag:s28] =	ssyncadd.s32 $0xFFFFC000  }
.Ltmp6:
0xba: {  	(pc) =	sbr.rel @p1 .LBB2_5-.Ltmp6, $4  }
0xbb: {  	_ = 	snop  }
0xbc: {  	[tilespmem:s19], [sflag:$0x1] =	stream.indirect.gather [hbm4b:s1+s23], $0x80, s21, s23, $0xb8;
	[tilespmem:$0x1F900] =	vst v63  }
0xbd: {  	_ =	swait.ge [sflag:s28], $0x4000  }
0xbe: {  	[sflag:s28] =	ssyncset.done $0x0  }
.Ltmp7:
0xbf: {  	_ = 	snop;
	(pc) =	sbr.rel .LBB2_6-.Ltmp7, $1  }
0xc0: {  	_ =	sdelay $0x3  }
.LBB2_11:
0xc1: {  	_ =	sfence.sel $0x180000  }
0xc2: {  	[bflag:$0x0] =	sbarrier.arrive $0xFFFF  }
0xc3: {  	_ =	strace $0x9000004A  }
0xc4: {  	s0 =	stileid.u32;
	[bflag:$0x2] =	sbarrier.arrive $0xFFFF  }
0xc5: {  	p0 =	sne.s32 s0, $0x0;
	s0 =	rddreg [dreg:$0x3]  }
0xc6: {  	s0 =	sadd.s32 @!p0 $0x100000, s0  }
0xc7: {  	[sflag:s0] =	ssyncadd.tile.s32 @!p0 $0x1;
	_ =	shalt  }
.Lfunc_end2:
_tile_overlayer_lowered:
.L_overlay_start_2:
0xc8: {  	(tag) =	ssettag $0x2  }
0xc9: {  	s0 =	rddreg [dreg:$0x0];
	s2 =	stileid.u32  }
0xca: {  	s1 =	rddreg [dreg:$0x1];
	p0 =	sne.s32 s2, $0x0  }
0xcb: {  	s3 =	rddreg [dreg:$0x2];
	[bflag:$0x3] =	sbarrier.arrive $0xFFFF;
	s2 =	simm.s32 @!p0 $0x1C05  }
0xcc: {  	[timem:s3], [sflag:s2] =	dma.local @!p0 [hbm:s0], s1  }
0xcd: {  	s0 =	simm.s32 @!p0 $0x5  }
0xce: {  	_ =	swait.ge @!p0 [sflag:s0], s1  }
0xcf: {  	s1 =	ssub.s32 @!p0 $0x0, s1;
	[sflag:s0] =	ssyncset.done @!p0 $0x0  }
0xd0: {  	[sflag:s0] =	ssyncadd.s32 @!p0 s1  }
0xd1: {  	[bflag:$0x3] =	sbarrier.arrive $0xFFFF  }
0xd2: {  	_ =	shalt  }

</sc_bundles>
